<compile_context>
chip_gen: v7x
topology: tpu7x:2x2x1
jax: 0.10.2.dev20260603
libtpu: 0.0.44.dev20260713+nightly
codegen_flags: <defaults>
</compile_context>

<pallas_src>
import functools

import jax
import jax.numpy as jnp
from jax import lax
from jax.experimental import pallas as pl
from jax.experimental.pallas import tpu as pltpu
from jax.experimental.pallas import tpu_sc as plsc

N = 10000
E = 320000
D = 128
DE = 16
H = 128
DEPTH = 3

NC = 2
NS = 16
NW = NC * NS
CHUNK = 128
ACC = 10112
RPT = ACC // NS
TRASH = N + 8

NCH_H = 80
GC_H = 16
EP = CHUNK * NCH_H * NW

EH = E // 2
NCH_E = 40
GC_E = 8
EPH = CHUNK * NCH_E * NW


def _gs_body(nch, gc, table, src_i, dst_i, init, out, src_v, dst_v, rows_v,
             acc, sem0, sem1):
    c = lax.axis_index("c")
    s = lax.axis_index("s")
    wid = c * NS + s
    pltpu.sync_copy(init.at[c, pl.ds(s * RPT, RPT)], acc.at[pl.ds(s * RPT, RPT)])
    plsc.subcore_barrier()

    sems = (sem0, sem1)

    def stage(g):
        o = pl.multiple_of(g * gc, 8)
        pltpu.sync_copy(src_i.at[wid, pl.ds(o, gc)], src_v.at[g % 2])
        pltpu.sync_copy(dst_i.at[wid, pl.ds(o, gc)], dst_v.at[g % 2])

    def gather(k, b):
        g = k // gc
        pltpu.async_copy(table.at[src_v.at[g % 2, k % gc]], rows_v.at[b],
                         sems[b])

    stage(0)
    gather(0, 0)
    gather(1, 1)
    if nch > gc:
        stage(1)

    def body(j, carry):
        for b in range(2):
            k = 2 * j + b
            g = k // gc
            pltpu.make_async_copy(table.at[src_v.at[g % 2, k % gc]],
                                  rows_v.at[b], sems[b]).wait()
            pltpu.sync_copy(rows_v.at[b], acc.at[dst_v.at[g % 2, k % gc]],
                            add=True)

            kn = k + 2
            @pl.when(kn < nch)
            def _():
                gn = kn // gc
                pltpu.async_copy(table.at[src_v.at[gn % 2, kn % gc]],
                                 rows_v.at[b], sems[b])

            @pl.when((k % gc == 2) & (g >= 1) & (g + 1 < nch // gc))
            def _():
                stage(g + 1)
        return carry

    lax.fori_loop(0, nch // 2, body, 0)
    plsc.subcore_barrier()
    pltpu.sync_copy(acc.at[pl.ds(s * RPT, RPT)],
                    out.at[c, pl.ds(s * RPT, RPT)])


def _make_gs(nch, gc):
    mesh = plsc.VectorSubcoreMesh(core_axis_name="c", subcore_axis_name="s")
    return pl.kernel(
        functools.partial(_gs_body, nch, gc),
        out_type=jax.ShapeDtypeStruct((NC, ACC, H), jnp.float32),
        mesh=mesh,
        scratch_types=[
            pltpu.VMEM((2, gc, CHUNK), jnp.int32),
            pltpu.VMEM((2, gc, CHUNK), jnp.int32),
            pltpu.VMEM((2, CHUNK, H), jnp.float32),
            pltpu.VMEM_SHARED((ACC, H), jnp.float32),
            pltpu.SemaphoreType.DMA,
            pltpu.SemaphoreType.DMA,
        ],
    )


def _mm_relu_body(x_ref, w_ref, o_ref):
    o_ref[...] = jax.nn.relu(
        jnp.dot(x_ref[...], w_ref[...], preferred_element_type=jnp.float32))


def _mm_relu(x, w, blk, out_rows=None):
    m, k = x.shape
    _, n = w.shape
    return pl.pallas_call(
        _mm_relu_body,
        grid=(m // blk,),
        in_specs=[
            pl.BlockSpec((blk, k), lambda i: (i, 0)),
            pl.BlockSpec((k, n), lambda i: (0, 0)),
        ],
        out_specs=pl.BlockSpec((blk, n), lambda i: (i, 0)),
        out_shape=jax.ShapeDtypeStruct((out_rows or m, n), jnp.float32),
    )(x, w)


def _upd_body(h_ref, ph_ref, pe_ref, w_ref, h_out):
    m = ph_ref[0] + ph_ref[1] + pe_ref[0] + pe_ref[1]
    h_out[...] = jax.nn.relu(
        jnp.dot(h_ref[...], w_ref[...], preferred_element_type=jnp.float32) + m)


def _update(h, parts_h, parts_e, w, blk=2000):
    return pl.pallas_call(
        _upd_body,
        grid=(N // blk,),
        in_specs=[
            pl.BlockSpec((blk, H), lambda i: (i, 0)),
            pl.BlockSpec((NC, blk, H), lambda i: (0, i, 0)),
            pl.BlockSpec((NC, blk, H), lambda i: (0, i, 0)),
            pl.BlockSpec((H, H), lambda i: (0, 0)),
        ],
        out_specs=pl.BlockSpec((blk, H), lambda i: (i, 0)),
        out_shape=jax.ShapeDtypeStruct((N, H), jnp.float32),
    )(h, parts_h, parts_e, w)


def _updf_body(h_ref, ph_ref, pe_ref, w_ref, w1_ref, b1_ref, w2_ref, b2_ref,
               h_out, m_out, r_out):
    m = ph_ref[0] + ph_ref[1] + pe_ref[0] + pe_ref[1]
    m_out[...] = m
    hn = jax.nn.relu(
        jnp.dot(h_ref[...], w_ref[...], preferred_element_type=jnp.float32) + m)
    h_out[...] = hn
    a = jax.nn.relu(
        jnp.dot(hn, w1_ref[...], preferred_element_type=jnp.float32)
        + b1_ref[...])
    r_out[...] = (jnp.dot(a, w2_ref[...], preferred_element_type=jnp.float32)
                  + b2_ref[...])


def _update_final(h, parts_h, parts_e, w, w1, b1, w2, b2, blk=2000):
    ffn_h = w1.shape[1]
    out = w2.shape[1]
    return pl.pallas_call(
        _updf_body,
        grid=(N // blk,),
        in_specs=[
            pl.BlockSpec((blk, H), lambda i: (i, 0)),
            pl.BlockSpec((NC, blk, H), lambda i: (0, i, 0)),
            pl.BlockSpec((NC, blk, H), lambda i: (0, i, 0)),
            pl.BlockSpec((H, H), lambda i: (0, 0)),
            pl.BlockSpec((H, ffn_h), lambda i: (0, 0)),
            pl.BlockSpec((1, ffn_h), lambda i: (0, 0)),
            pl.BlockSpec((ffn_h, out), lambda i: (0, 0)),
            pl.BlockSpec((1, out), lambda i: (0, 0)),
        ],
        out_specs=[
            pl.BlockSpec((blk, H), lambda i: (i, 0)),
            pl.BlockSpec((blk, H), lambda i: (i, 0)),
            pl.BlockSpec((blk, out), lambda i: (i, 0)),
        ],
        out_shape=[
            jax.ShapeDtypeStruct((N, H), jnp.float32),
            jax.ShapeDtypeStruct((N, H), jnp.float32),
            jax.ShapeDtypeStruct((N, out), jnp.float32),
        ],
    )(h, parts_h, parts_e, w, w1, b1.reshape(1, ffn_h), w2,
      b2.reshape(1, out))


def kernel(x, edge_attr, W_in, W_h, W_e, ffn_W1, ffn_b1, ffn_W2, ffn_b2,
           edge_index):
    src = edge_index[0]
    dst = edge_index[1]
    pad_h = EP - E
    pad_e = EPH - EH
    src_p = jnp.concatenate(
        [src, jnp.arange(pad_h, dtype=jnp.int32) % N]).reshape(NW, NCH_H, CHUNK)
    dst_p = jnp.concatenate(
        [dst, jnp.full((pad_h,), TRASH, jnp.int32)]).reshape(NW, NCH_H, CHUNK)
    iota_p = jnp.concatenate(
        [jnp.arange(E, dtype=jnp.int32),
         jnp.arange(pad_h, dtype=jnp.int32)]).reshape(NW, NCH_H, CHUNK)

    h = _mm_relu(x, W_in, blk=2000)
    e_p = _mm_relu(edge_attr.astype(jnp.bfloat16),
                   W_e.astype(jnp.bfloat16), blk=3200, out_rows=EP)

    zero_init = jnp.zeros((NC, ACC, H), jnp.float32)
    gs_e = _make_gs(NCH_H, GC_H)
    gs_h = _make_gs(NCH_H, GC_H)
    parts_e = gs_e(e_p, iota_p, dst_p, zero_init)

    for _ in range(DEPTH - 1):
        parts_h = gs_h(h, src_p, dst_p, zero_init)
        h = _update(h, parts_h, parts_e, W_h)
    parts_h = gs_h(h, src_p, dst_p, zero_init)
    h, m, r = _update_final(h, parts_h, parts_e, W_h, ffn_W1, ffn_b1,
                            ffn_W2, ffn_b2)
    return (r, m, h)

# --- scband reference (transcript-rebuilt; emitter-appended) ---
"""Pipeline reference for scband-molecule-model-90366111908262 (READ-ONLY COPY).

The authoritative reference and input builder live on the scoring server;
editing this copy changes nothing except your own understanding.
"""

import jax, jax.numpy as jnp
import numpy as np

N = 10000
E = 320000
D = 128
DE = 16
H = 128
DEPTH = 3
FFN_H = 128
OUT = 1


def setup_inputs(seed: int = 0) -> dict:
    key = jax.random.key(seed)
    ks = jax.random.split(key, 12)
    x = jax.random.normal(ks[0], (N, D), dtype=jnp.float32)
    edge_index = jax.random.randint(ks[1], (2, E), 0, N, dtype=jnp.int32)
    edge_attr = jax.random.normal(ks[2], (E, DE), dtype=jnp.float32)
    W_in = jax.random.normal(ks[3], (D, H), dtype=jnp.float32) * 0.05
    W_h = jax.random.normal(ks[4], (H, H), dtype=jnp.float32) * 0.05
    W_e = jax.random.normal(ks[5], (DE, H), dtype=jnp.float32) * 0.05
    ffn_W1 = jax.random.normal(ks[6], (H, FFN_H), dtype=jnp.float32) * 0.05
    ffn_b1 = jnp.zeros((FFN_H,), dtype=jnp.float32)
    ffn_W2 = jax.random.normal(ks[7], (FFN_H, OUT), dtype=jnp.float32) * 0.05
    ffn_b2 = jnp.zeros((OUT,), dtype=jnp.float32)
    return {
        "x": x,
        "edge_attr": edge_attr,
        "W_in": W_in,
        "W_h": W_h,
        "W_e": W_e,
        "ffn_W1": ffn_W1,
        "ffn_b1": ffn_b1,
        "ffn_W2": ffn_W2,
        "ffn_b2": ffn_b2,
        "edge_index": edge_index,
    }


def reference(x, edge_attr, W_in, W_h, W_e, ffn_W1, ffn_b1, ffn_W2, ffn_b2, edge_index):
    # MPN encoder: atom-centered message passing (chemprop-style).
    src = edge_index[0]
    dst = edge_index[1]
    h = jax.nn.relu(x @ W_in)                      # [N, H] initial atom hidden
    e = jax.nn.relu(edge_attr @ W_e)               # [E, H] bond feature embedding
    m = jnp.zeros_like(h)
    for _ in range(DEPTH):
        msg = h[src] + e                           # gather over edges (memory-bound)
        m = jax.ops.segment_sum(msg, dst, num_segments=N)  # scatter-add to dst atoms
        h = jax.nn.relu(h @ W_h + m)
    atoms_v = h                                    # encoder atom representation
    t_atoms = m                                    # aggregated messages (encoder aux output)
    # ffn_bonds head applied to atom vectors (type == 'atoms' branch)
    r_atoms = jax.nn.relu(atoms_v @ ffn_W1 + ffn_b1) @ ffn_W2 + ffn_b2
    return (r_atoms, t_atoms, atoms_v)

if __name__ == "__main__":
    import jax
    _d = setup_inputs()
    print(jax.jit(kernel)(*tuple(_d.values())))

</pallas_src>

<mosaic_0001>
#map = affine_map<(d0, d1) -> (0, 0)>
#map1 = affine_map<(d0, d1) -> (0, 0, 0)>
module attributes {stable_mosaic.version = 14 : i64} {
  func.func @_gs_body(%arg0: i32, %arg1: i32, %arg2: memref<10000x128xf32, #tpu.memory_space<hbm>>, %arg3: memref<32x80x128xi32, #tpu.memory_space<hbm>>, %arg4: memref<32x80x128xi32, #tpu.memory_space<hbm>>, %arg5: memref<2x10112x128xf32, #tpu.memory_space<hbm>>, %arg6: memref<2x10112x128xf32, #tpu.memory_space<hbm>>, %arg7: memref<2x16x128xi32, #tpu.memory_space<vmem>>, %arg8: memref<2x16x128xi32, #tpu.memory_space<vmem>>, %arg9: memref<2x128x128xf32, #tpu.memory_space<vmem>>, %arg10: memref<10112x128xf32, #tpu.memory_space<vmem_shared>>, %arg11: memref<!tpu.dma_semaphore, #tpu.memory_space<semaphore_mem>>, %arg12: memref<!tpu.dma_semaphore, #tpu.memory_space<semaphore_mem>>) attributes {dimension_semantics = [#tpu.dimension_semantics<core_parallel>, #tpu.dimension_semantics<subcore_parallel>], iteration_bounds = array<i64: 2, 16>, scalar_prefetch = 0 : i64, scratch_operands = 6 : i64, tpu.core_type = #tpu.core_type<sc_vector_subcore>, window_params = [{transform_indices = #map}, {transform_indices = #map1}, {transform_indices = #map1}, {transform_indices = #map1}, {transform_indices = #map1}]} {
    %mul3A = arith.constant 16 : i32
    %mul3A_0 = arith.muli %arg0, %mul3A : i32
    %add3A = arith.addi %mul3A_0, %arg1 : i32
    %mul3A_1 = arith.constant 632 : i32
    %mul3A_2 = arith.muli %arg1, %mul3A_1 : i32
    %mul3A_3 = arith.constant 632 : i32
    %mul3A_4 = arith.muli %arg1, %mul3A_3 : i32
    "tpu.region"() ({
      %run_scoped3A_46 = tpu.sem_alloc : memref<!tpu.dma_semaphore, #tpu.memory_space<semaphore_mem>>
      %dma_start3A_47 = arith.constant 0 : i32
      %dma_start3A_48 = tpu.memref_slice %arg10[%mul3A_4, %dma_start3A_47] : memref<10112x128xf32, #tpu.memory_space<vmem_shared>> -> memref<632x128xf32, #tpu.memory_space<vmem_shared>>
      %dma_start3A_49 = arith.constant 0 : i32
      %dma_start3A_50 = tpu.memref_slice %arg5[%arg0, %mul3A_2, %dma_start3A_49] : memref<2x10112x128xf32, #tpu.memory_space<hbm>> -> memref<1x632x128xf32, #tpu.memory_space<hbm>>
      %dma_start3A_51 = tpu.memref_squeeze %dma_start3A_50 : memref<1x632x128xf32, #tpu.memory_space<hbm>> -> memref<632x128xf32, #tpu.memory_space<hbm>>
      tpu.enqueue_dma source(%dma_start3A_51 : memref<632x128xf32, #tpu.memory_space<hbm>>) target(%dma_start3A_48 : memref<632x128xf32, #tpu.memory_space<vmem_shared>>) target_semaphore(%run_scoped3A_46 : memref<!tpu.dma_semaphore, #tpu.memory_space<semaphore_mem>>)
      %dma_wait3A = arith.constant 0 : i32
      %dma_wait3A_52 = tpu.memref_slice %arg10[%mul3A_4, %dma_wait3A] : memref<10112x128xf32, #tpu.memory_space<vmem_shared>> -> memref<632x128xf32, #tpu.memory_space<vmem_shared>>
      %dma_wait3A_53 = arith.constant 0 : i32
      %dma_wait3A_54 = tpu.memref_slice %arg5[%arg0, %mul3A_2, %dma_wait3A_53] : memref<2x10112x128xf32, #tpu.memory_space<hbm>> -> memref<1x632x128xf32, #tpu.memory_space<hbm>>
      %dma_wait3A_55 = tpu.memref_squeeze %dma_wait3A_54 : memref<1x632x128xf32, #tpu.memory_space<hbm>> -> memref<632x128xf32, #tpu.memory_space<hbm>>
      tpu.wait_dma2 semaphore(%run_scoped3A_46 : memref<!tpu.dma_semaphore, #tpu.memory_space<semaphore_mem>>) src(%dma_wait3A_55 : memref<632x128xf32, #tpu.memory_space<hbm>>) dst(%dma_wait3A_52 : memref<632x128xf32, #tpu.memory_space<vmem_shared>>)
      tpu.yield
    }) : () -> ()
    %barrier3A = arith.constant 0 : index
    tpu.barrier barrier_id(%barrier3A)
    %multiple_of3A = arith.constant 0 : i32
    %multiple_of3A_5 = tpu.assume_multiple %multiple_of3A, 8 : i32
    %run_scoped3A = arith.constant 0 : i32
    "tpu.region"() ({
      %run_scoped3A_46 = tpu.sem_alloc : memref<!tpu.dma_semaphore, #tpu.memory_space<semaphore_mem>>
      %dma_start3A_47 = arith.constant 0 : i32
      %dma_start3A_48 = arith.constant 0 : i32
      %dma_start3A_49 = tpu.memref_slice %arg7[%run_scoped3A, %dma_start3A_47, %dma_start3A_48] : memref<2x16x128xi32, #tpu.memory_space<vmem>> -> memref<1x16x128xi32, #tpu.memory_space<vmem>>
      %dma_start3A_50 = tpu.memref_squeeze %dma_start3A_49 : memref<1x16x128xi32, #tpu.memory_space<vmem>> -> memref<16x128xi32, #tpu.memory_space<vmem>>
      %dma_start3A_51 = arith.constant 0 : i32
      %dma_start3A_52 = tpu.memref_slice %arg3[%add3A, %multiple_of3A_5, %dma_start3A_51] : memref<32x80x128xi32, #tpu.memory_space<hbm>> -> memref<1x16x128xi32, #tpu.memory_space<hbm>>
      %dma_start3A_53 = tpu.memref_squeeze %dma_start3A_52 : memref<1x16x128xi32, #tpu.memory_space<hbm>> -> memref<16x128xi32, #tpu.memory_space<hbm>>
      %dma_start3A_54 = arith.constant 0 : i32
      %dma_start3A_55 = arith.constant 0 : i32
      %dma_start3A_56 = tpu.memref_slice %arg7[%run_scoped3A, %dma_start3A_54, %dma_start3A_55] : memref<2x16x128xi32, #tpu.memory_space<vmem>> -> memref<1x16x128xi32, #tpu.memory_space<vmem>>
      %dma_start3A_57 = tpu.memref_squeeze %dma_start3A_56 : memref<1x16x128xi32, #tpu.memory_space<vmem>> -> memref<16x128xi32, #tpu.memory_space<vmem>>
      %dma_start3A_58 = arith.constant 0 : i32
      %dma_start3A_59 = tpu.memref_slice %arg3[%add3A, %multiple_of3A_5, %dma_start3A_58] : memref<32x80x128xi32, #tpu.memory_space<hbm>> -> memref<1x16x128xi32, #tpu.memory_space<hbm>>
      %dma_start3A_60 = tpu.memref_squeeze %dma_start3A_59 : memref<1x16x128xi32, #tpu.memory_space<hbm>> -> memref<16x128xi32, #tpu.memory_space<hbm>>
      tpu.enqueue_dma source(%dma_start3A_60 : memref<16x128xi32, #tpu.memory_space<hbm>>) target(%dma_start3A_57 : memref<16x128xi32, #tpu.memory_space<vmem>>) target_semaphore(%run_scoped3A_46 : memref<!tpu.dma_semaphore, #tpu.memory_space<semaphore_mem>>)
      %dma_wait3A = arith.constant 0 : i32
      %dma_wait3A_61 = arith.constant 0 : i32
      %dma_wait3A_62 = tpu.memref_slice %arg7[%run_scoped3A, %dma_wait3A, %dma_wait3A_61] : memref<2x16x128xi32, #tpu.memory_space<vmem>> -> memref<1x16x128xi32, #tpu.memory_space<vmem>>
      %dma_wait3A_63 = tpu.memref_squeeze %dma_wait3A_62 : memref<1x16x128xi32, #tpu.memory_space<vmem>> -> memref<16x128xi32, #tpu.memory_space<vmem>>
      %dma_wait3A_64 = arith.constant 0 : i32
      %dma_wait3A_65 = tpu.memref_slice %arg3[%add3A, %multiple_of3A_5, %dma_wait3A_64] : memref<32x80x128xi32, #tpu.memory_space<hbm>> -> memref<1x16x128xi32, #tpu.memory_space<hbm>>
      %dma_wait3A_66 = tpu.memref_squeeze %dma_wait3A_65 : memref<1x16x128xi32, #tpu.memory_space<hbm>> -> memref<16x128xi32, #tpu.memory_space<hbm>>
      %dma_wait3A_67 = arith.constant 0 : i32
      %dma_wait3A_68 = arith.constant 0 : i32
      %dma_wait3A_69 = tpu.memref_slice %arg7[%run_scoped3A, %dma_wait3A_67, %dma_wait3A_68] : memref<2x16x128xi32, #tpu.memory_space<vmem>> -> memref<1x16x128xi32, #tpu.memory_space<vmem>>
      %dma_wait3A_70 = tpu.memref_squeeze %dma_wait3A_69 : memref<1x16x128xi32, #tpu.memory_space<vmem>> -> memref<16x128xi32, #tpu.memory_space<vmem>>
      %dma_wait3A_71 = arith.constant 0 : i32
      %dma_wait3A_72 = tpu.memref_slice %arg3[%add3A, %multiple_of3A_5, %dma_wait3A_71] : memref<32x80x128xi32, #tpu.memory_space<hbm>> -> memref<1x16x128xi32, #tpu.memory_space<hbm>>
      %dma_wait3A_73 = tpu.memref_squeeze %dma_wait3A_72 : memref<1x16x128xi32, #tpu.memory_space<hbm>> -> memref<16x128xi32, #tpu.memory_space<hbm>>
      tpu.wait_dma2 semaphore(%run_scoped3A_46 : memref<!tpu.dma_semaphore, #tpu.memory_space<semaphore_mem>>) src(%dma_wait3A_73 : memref<16x128xi32, #tpu.memory_space<hbm>>) dst(%dma_wait3A_70 : memref<16x128xi32, #tpu.memory_space<vmem>>)
      tpu.yield
    }) : () -> ()
    %run_scoped3A_6 = arith.constant 0 : i32
    "tpu.region"() ({
      %run_scoped3A_46 = tpu.sem_alloc : memref<!tpu.dma_semaphore, #tpu.memory_space<semaphore_mem>>
      %dma_start3A_47 = arith.constant 0 : i32
      %dma_start3A_48 = arith.constant 0 : i32
      %dma_start3A_49 = tpu.memref_slice %arg8[%run_scoped3A_6, %dma_start3A_47, %dma_start3A_48] : memref<2x16x128xi32, #tpu.memory_space<vmem>> -> memref<1x16x128xi32, #tpu.memory_space<vmem>>
      %dma_start3A_50 = tpu.memref_squeeze %dma_start3A_49 : memref<1x16x128xi32, #tpu.memory_space<vmem>> -> memref<16x128xi32, #tpu.memory_space<vmem>>
      %dma_start3A_51 = arith.constant 0 : i32
      %dma_start3A_52 = tpu.memref_slice %arg4[%add3A, %multiple_of3A_5, %dma_start3A_51] : memref<32x80x128xi32, #tpu.memory_space<hbm>> -> memref<1x16x128xi32, #tpu.memory_space<hbm>>
      %dma_start3A_53 = tpu.memref_squeeze %dma_start3A_52 : memref<1x16x128xi32, #tpu.memory_space<hbm>> -> memref<16x128xi32, #tpu.memory_space<hbm>>
      %dma_start3A_54 = arith.constant 0 : i32
      %dma_start3A_55 = arith.constant 0 : i32
      %dma_start3A_56 = tpu.memref_slice %arg8[%run_scoped3A_6, %dma_start3A_54, %dma_start3A_55] : memref<2x16x128xi32, #tpu.memory_space<vmem>> -> memref<1x16x128xi32, #tpu.memory_space<vmem>>
      %dma_start3A_57 = tpu.memref_squeeze %dma_start3A_56 : memref<1x16x128xi32, #tpu.memory_space<vmem>> -> memref<16x128xi32, #tpu.memory_space<vmem>>
      %dma_start3A_58 = arith.constant 0 : i32
      %dma_start3A_59 = tpu.memref_slice %arg4[%add3A, %multiple_of3A_5, %dma_start3A_58] : memref<32x80x128xi32, #tpu.memory_space<hbm>> -> memref<1x16x128xi32, #tpu.memory_space<hbm>>
      %dma_start3A_60 = tpu.memref_squeeze %dma_start3A_59 : memref<1x16x128xi32, #tpu.memory_space<hbm>> -> memref<16x128xi32, #tpu.memory_space<hbm>>
      tpu.enqueue_dma source(%dma_start3A_60 : memref<16x128xi32, #tpu.memory_space<hbm>>) target(%dma_start3A_57 : memref<16x128xi32, #tpu.memory_space<vmem>>) target_semaphore(%run_scoped3A_46 : memref<!tpu.dma_semaphore, #tpu.memory_space<semaphore_mem>>)
      %dma_wait3A = arith.constant 0 : i32
      %dma_wait3A_61 = arith.constant 0 : i32
      %dma_wait3A_62 = tpu.memref_slice %arg8[%run_scoped3A_6, %dma_wait3A, %dma_wait3A_61] : memref<2x16x128xi32, #tpu.memory_space<vmem>> -> memref<1x16x128xi32, #tpu.memory_space<vmem>>
      %dma_wait3A_63 = tpu.memref_squeeze %dma_wait3A_62 : memref<1x16x128xi32, #tpu.memory_space<vmem>> -> memref<16x128xi32, #tpu.memory_space<vmem>>
      %dma_wait3A_64 = arith.constant 0 : i32
      %dma_wait3A_65 = tpu.memref_slice %arg4[%add3A, %multiple_of3A_5, %dma_wait3A_64] : memref<32x80x128xi32, #tpu.memory_space<hbm>> -> memref<1x16x128xi32, #tpu.memory_space<hbm>>
      %dma_wait3A_66 = tpu.memref_squeeze %dma_wait3A_65 : memref<1x16x128xi32, #tpu.memory_space<hbm>> -> memref<16x128xi32, #tpu.memory_space<hbm>>
      %dma_wait3A_67 = arith.constant 0 : i32
      %dma_wait3A_68 = arith.constant 0 : i32
      %dma_wait3A_69 = tpu.memref_slice %arg8[%run_scoped3A_6, %dma_wait3A_67, %dma_wait3A_68] : memref<2x16x128xi32, #tpu.memory_space<vmem>> -> memref<1x16x128xi32, #tpu.memory_space<vmem>>
      %dma_wait3A_70 = tpu.memref_squeeze %dma_wait3A_69 : memref<1x16x128xi32, #tpu.memory_space<vmem>> -> memref<16x128xi32, #tpu.memory_space<vmem>>
      %dma_wait3A_71 = arith.constant 0 : i32
      %dma_wait3A_72 = tpu.memref_slice %arg4[%add3A, %multiple_of3A_5, %dma_wait3A_71] : memref<32x80x128xi32, #tpu.memory_space<hbm>> -> memref<1x16x128xi32, #tpu.memory_space<hbm>>
      %dma_wait3A_73 = tpu.memref_squeeze %dma_wait3A_72 : memref<1x16x128xi32, #tpu.memory_space<hbm>> -> memref<16x128xi32, #tpu.memory_space<hbm>>
      tpu.wait_dma2 semaphore(%run_scoped3A_46 : memref<!tpu.dma_semaphore, #tpu.memory_space<semaphore_mem>>) src(%dma_wait3A_73 : memref<16x128xi32, #tpu.memory_space<hbm>>) dst(%dma_wait3A_70 : memref<16x128xi32, #tpu.memory_space<vmem>>)
      tpu.yield
    }) : () -> ()
    %dma_start3A = arith.constant 0 : i32
    %dma_start3A_7 = arith.constant 0 : i32
    %dma_start3A_8 = arith.constant 0 : i32
    %dma_start3A_9 = arith.constant 0 : i32
    %dma_start3A_10 = arith.constant 0 : i32
    %dma_start3A_11 = tpu.memref_slice %arg9[%dma_start3A_8, %dma_start3A_9, %dma_start3A_10] : memref<2x128x128xf32, #tpu.memory_space<vmem>> -> memref<1x128x128xf32, #tpu.memory_space<vmem>>
    %dma_start3A_12 = tpu.memref_squeeze %dma_start3A_11 : memref<1x128x128xf32, #tpu.memory_space<vmem>> -> memref<128x128xf32, #tpu.memory_space<vmem>>
    %dma_start3A_13 = arith.constant 0 : i32
    %dma_start3A_14 = tpu.memref_slice %arg7[%dma_start3A, %dma_start3A_7, %dma_start3A_13] : memref<2x16x128xi32, #tpu.memory_space<vmem>> -> memref<1x1x128xi32, #tpu.memory_space<vmem>>
    %dma_start3A_15 = tpu.memref_squeeze %dma_start3A_14 : memref<1x1x128xi32, #tpu.memory_space<vmem>> -> memref<128xi32, #tpu.memory_space<vmem>>
    %dma_start3A_16 = arith.constant 0 : i32
    %dma_start3A_17 = arith.constant 0 : i32
    %dma_start3A_18 = tpu.memref_slice %arg2[%dma_start3A_16, %dma_start3A_17] : memref<10000x128xf32, #tpu.memory_space<hbm>> -> memref<10000x128xf32, #tpu.memory_space<hbm>>
    tpu.enqueue_indirect_dma source(%dma_start3A_18 : memref<10000x128xf32, #tpu.memory_space<hbm>>) target(%dma_start3A_12 : memref<128x128xf32, #tpu.memory_space<vmem>>) offsets(%dma_start3A_15 : memref<128xi32, #tpu.memory_space<vmem>>) semaphore(%arg11 : memref<!tpu.dma_semaphore, #tpu.memory_space<semaphore_mem>>)
    %dma_start3A_19 = arith.constant 0 : i32
    %dma_start3A_20 = arith.constant 1 : i32
    %dma_start3A_21 = arith.constant 1 : i32
    %dma_start3A_22 = arith.constant 0 : i32
    %dma_start3A_23 = arith.constant 0 : i32
    %dma_start3A_24 = tpu.memref_slice %arg9[%dma_start3A_21, %dma_start3A_22, %dma_start3A_23] : memref<2x128x128xf32, #tpu.memory_space<vmem>> -> memref<1x128x128xf32, #tpu.memory_space<vmem>>
    %dma_start3A_25 = tpu.memref_squeeze %dma_start3A_24 : memref<1x128x128xf32, #tpu.memory_space<vmem>> -> memref<128x128xf32, #tpu.memory_space<vmem>>
    %dma_start3A_26 = arith.constant 0 : i32
    %dma_start3A_27 = tpu.memref_slice %arg7[%dma_start3A_19, %dma_start3A_20, %dma_start3A_26] : memref<2x16x128xi32, #tpu.memory_space<vmem>> -> memref<1x1x128xi32, #tpu.memory_space<vmem>>
    %dma_start3A_28 = tpu.memref_squeeze %dma_start3A_27 : memref<1x1x128xi32, #tpu.memory_space<vmem>> -> memref<128xi32, #tpu.memory_space<vmem>>
    %dma_start3A_29 = arith.constant 0 : i32
    %dma_start3A_30 = arith.constant 0 : i32
    %dma_start3A_31 = tpu.memref_slice %arg2[%dma_start3A_29, %dma_start3A_30] : memref<10000x128xf32, #tpu.memory_space<hbm>> -> memref<10000x128xf32, #tpu.memory_space<hbm>>
    tpu.enqueue_indirect_dma source(%dma_start3A_31 : memref<10000x128xf32, #tpu.memory_space<hbm>>) target(%dma_start3A_25 : memref<128x128xf32, #tpu.memory_space<vmem>>) offsets(%dma_start3A_28 : memref<128xi32, #tpu.memory_space<vmem>>) semaphore(%arg12 : memref<!tpu.dma_semaphore, #tpu.memory_space<semaphore_mem>>)
    %multiple_of3A_32 = arith.constant 16 : i32
    %multiple_of3A_33 = tpu.assume_multiple %multiple_of3A_32, 8 : i32
    %run_scoped3A_34 = arith.constant 1 : i32
    "tpu.region"() ({
      %run_scoped3A_46 = tpu.sem_alloc : memref<!tpu.dma_semaphore, #tpu.memory_space<semaphore_mem>>
      %dma_start3A_47 = arith.constant 0 : i32
      %dma_start3A_48 = arith.constant 0 : i32
      %dma_start3A_49 = tpu.memref_slice %arg7[%run_scoped3A_34, %dma_start3A_47, %dma_start3A_48] : memref<2x16x128xi32, #tpu.memory_space<vmem>> -> memref<1x16x128xi32, #tpu.memory_space<vmem>>
      %dma_start3A_50 = tpu.memref_squeeze %dma_start3A_49 : memref<1x16x128xi32, #tpu.memory_space<vmem>> -> memref<16x128xi32, #tpu.memory_space<vmem>>
      %dma_start3A_51 = arith.constant 0 : i32
      %dma_start3A_52 = tpu.memref_slice %arg3[%add3A, %multiple_of3A_33, %dma_start3A_51] : memref<32x80x128xi32, #tpu.memory_space<hbm>> -> memref<1x16x128xi32, #tpu.memory_space<hbm>>
      %dma_start3A_53 = tpu.memref_squeeze %dma_start3A_52 : memref<1x16x128xi32, #tpu.memory_space<hbm>> -> memref<16x128xi32, #tpu.memory_space<hbm>>
      %dma_start3A_54 = arith.constant 0 : i32
      %dma_start3A_55 = arith.constant 0 : i32
      %dma_start3A_56 = tpu.memref_slice %arg7[%run_scoped3A_34, %dma_start3A_54, %dma_start3A_55] : memref<2x16x128xi32, #tpu.memory_space<vmem>> -> memref<1x16x128xi32, #tpu.memory_space<vmem>>
      %dma_start3A_57 = tpu.memref_squeeze %dma_start3A_56 : memref<1x16x128xi32, #tpu.memory_space<vmem>> -> memref<16x128xi32, #tpu.memory_space<vmem>>
      %dma_start3A_58 = arith.constant 0 : i32
      %dma_start3A_59 = tpu.memref_slice %arg3[%add3A, %multiple_of3A_33, %dma_start3A_58] : memref<32x80x128xi32, #tpu.memory_space<hbm>> -> memref<1x16x128xi32, #tpu.memory_space<hbm>>
      %dma_start3A_60 = tpu.memref_squeeze %dma_start3A_59 : memref<1x16x128xi32, #tpu.memory_space<hbm>> -> memref<16x128xi32, #tpu.memory_space<hbm>>
      tpu.enqueue_dma source(%dma_start3A_60 : memref<16x128xi32, #tpu.memory_space<hbm>>) target(%dma_start3A_57 : memref<16x128xi32, #tpu.memory_space<vmem>>) target_semaphore(%run_scoped3A_46 : memref<!tpu.dma_semaphore, #tpu.memory_space<semaphore_mem>>)
      %dma_wait3A = arith.constant 0 : i32
      %dma_wait3A_61 = arith.constant 0 : i32
      %dma_wait3A_62 = tpu.memref_slice %arg7[%run_scoped3A_34, %dma_wait3A, %dma_wait3A_61] : memref<2x16x128xi32, #tpu.memory_space<vmem>> -> memref<1x16x128xi32, #tpu.memory_space<vmem>>
      %dma_wait3A_63 = tpu.memref_squeeze %dma_wait3A_62 : memref<1x16x128xi32, #tpu.memory_space<vmem>> -> memref<16x128xi32, #tpu.memory_space<vmem>>
      %dma_wait3A_64 = arith.constant 0 : i32
      %dma_wait3A_65 = tpu.memref_slice %arg3[%add3A, %multiple_of3A_33, %dma_wait3A_64] : memref<32x80x128xi32, #tpu.memory_space<hbm>> -> memref<1x16x128xi32, #tpu.memory_space<hbm>>
      %dma_wait3A_66 = tpu.memref_squeeze %dma_wait3A_65 : memref<1x16x128xi32, #tpu.memory_space<hbm>> -> memref<16x128xi32, #tpu.memory_space<hbm>>
      %dma_wait3A_67 = arith.constant 0 : i32
      %dma_wait3A_68 = arith.constant 0 : i32
      %dma_wait3A_69 = tpu.memref_slice %arg7[%run_scoped3A_34, %dma_wait3A_67, %dma_wait3A_68] : memref<2x16x128xi32, #tpu.memory_space<vmem>> -> memref<1x16x128xi32, #tpu.memory_space<vmem>>
      %dma_wait3A_70 = tpu.memref_squeeze %dma_wait3A_69 : memref<1x16x128xi32, #tpu.memory_space<vmem>> -> memref<16x128xi32, #tpu.memory_space<vmem>>
      %dma_wait3A_71 = arith.constant 0 : i32
      %dma_wait3A_72 = tpu.memref_slice %arg3[%add3A, %multiple_of3A_33, %dma_wait3A_71] : memref<32x80x128xi32, #tpu.memory_space<hbm>> -> memref<1x16x128xi32, #tpu.memory_space<hbm>>
      %dma_wait3A_73 = tpu.memref_squeeze %dma_wait3A_72 : memref<1x16x128xi32, #tpu.memory_space<hbm>> -> memref<16x128xi32, #tpu.memory_space<hbm>>
      tpu.wait_dma2 semaphore(%run_scoped3A_46 : memref<!tpu.dma_semaphore, #tpu.memory_space<semaphore_mem>>) src(%dma_wait3A_73 : memref<16x128xi32, #tpu.memory_space<hbm>>) dst(%dma_wait3A_70 : memref<16x128xi32, #tpu.memory_space<vmem>>)
      tpu.yield
    }) : () -> ()
    %run_scoped3A_35 = arith.constant 1 : i32
    "tpu.region"() ({
      %run_scoped3A_46 = tpu.sem_alloc : memref<!tpu.dma_semaphore, #tpu.memory_space<semaphore_mem>>
      %dma_start3A_47 = arith.constant 0 : i32
      %dma_start3A_48 = arith.constant 0 : i32
      %dma_start3A_49 = tpu.memref_slice %arg8[%run_scoped3A_35, %dma_start3A_47, %dma_start3A_48] : memref<2x16x128xi32, #tpu.memory_space<vmem>> -> memref<1x16x128xi32, #tpu.memory_space<vmem>>
      %dma_start3A_50 = tpu.memref_squeeze %dma_start3A_49 : memref<1x16x128xi32, #tpu.memory_space<vmem>> -> memref<16x128xi32, #tpu.memory_space<vmem>>
      %dma_start3A_51 = arith.constant 0 : i32
      %dma_start3A_52 = tpu.memref_slice %arg4[%add3A, %multiple_of3A_33, %dma_start3A_51] : memref<32x80x128xi32, #tpu.memory_space<hbm>> -> memref<1x16x128xi32, #tpu.memory_space<hbm>>
      %dma_start3A_53 = tpu.memref_squeeze %dma_start3A_52 : memref<1x16x128xi32, #tpu.memory_space<hbm>> -> memref<16x128xi32, #tpu.memory_space<hbm>>
      %dma_start3A_54 = arith.constant 0 : i32
      %dma_start3A_55 = arith.constant 0 : i32
      %dma_start3A_56 = tpu.memref_slice %arg8[%run_scoped3A_35, %dma_start3A_54, %dma_start3A_55] : memref<2x16x128xi32, #tpu.memory_space<vmem>> -> memref<1x16x128xi32, #tpu.memory_space<vmem>>
      %dma_start3A_57 = tpu.memref_squeeze %dma_start3A_56 : memref<1x16x128xi32, #tpu.memory_space<vmem>> -> memref<16x128xi32, #tpu.memory_space<vmem>>
      %dma_start3A_58 = arith.constant 0 : i32
      %dma_start3A_59 = tpu.memref_slice %arg4[%add3A, %multiple_of3A_33, %dma_start3A_58] : memref<32x80x128xi32, #tpu.memory_space<hbm>> -> memref<1x16x128xi32, #tpu.memory_space<hbm>>
      %dma_start3A_60 = tpu.memref_squeeze %dma_start3A_59 : memref<1x16x128xi32, #tpu.memory_space<hbm>> -> memref<16x128xi32, #tpu.memory_space<hbm>>
      tpu.enqueue_dma source(%dma_start3A_60 : memref<16x128xi32, #tpu.memory_space<hbm>>) target(%dma_start3A_57 : memref<16x128xi32, #tpu.memory_space<vmem>>) target_semaphore(%run_scoped3A_46 : memref<!tpu.dma_semaphore, #tpu.memory_space<semaphore_mem>>)
      %dma_wait3A = arith.constant 0 : i32
      %dma_wait3A_61 = arith.constant 0 : i32
      %dma_wait3A_62 = tpu.memref_slice %arg8[%run_scoped3A_35, %dma_wait3A, %dma_wait3A_61] : memref<2x16x128xi32, #tpu.memory_space<vmem>> -> memref<1x16x128xi32, #tpu.memory_space<vmem>>
      %dma_wait3A_63 = tpu.memref_squeeze %dma_wait3A_62 : memref<1x16x128xi32, #tpu.memory_space<vmem>> -> memref<16x128xi32, #tpu.memory_space<vmem>>
      %dma_wait3A_64 = arith.constant 0 : i32
      %dma_wait3A_65 = tpu.memref_slice %arg4[%add3A, %multiple_of3A_33, %dma_wait3A_64] : memref<32x80x128xi32, #tpu.memory_space<hbm>> -> memref<1x16x128xi32, #tpu.memory_space<hbm>>
      %dma_wait3A_66 = tpu.memref_squeeze %dma_wait3A_65 : memref<1x16x128xi32, #tpu.memory_space<hbm>> -> memref<16x128xi32, #tpu.memory_space<hbm>>
      %dma_wait3A_67 = arith.constant 0 : i32
      %dma_wait3A_68 = arith.constant 0 : i32
      %dma_wait3A_69 = tpu.memref_slice %arg8[%run_scoped3A_35, %dma_wait3A_67, %dma_wait3A_68] : memref<2x16x128xi32, #tpu.memory_space<vmem>> -> memref<1x16x128xi32, #tpu.memory_space<vmem>>
      %dma_wait3A_70 = tpu.memref_squeeze %dma_wait3A_69 : memref<1x16x128xi32, #tpu.memory_space<vmem>> -> memref<16x128xi32, #tpu.memory_space<vmem>>
      %dma_wait3A_71 = arith.constant 0 : i32
      %dma_wait3A_72 = tpu.memref_slice %arg4[%add3A, %multiple_of3A_33, %dma_wait3A_71] : memref<32x80x128xi32, #tpu.memory_space<hbm>> -> memref<1x16x128xi32, #tpu.memory_space<hbm>>
      %dma_wait3A_73 = tpu.memref_squeeze %dma_wait3A_72 : memref<1x16x128xi32, #tpu.memory_space<hbm>> -> memref<16x128xi32, #tpu.memory_space<hbm>>
      tpu.wait_dma2 semaphore(%run_scoped3A_46 : memref<!tpu.dma_semaphore, #tpu.memory_space<semaphore_mem>>) src(%dma_wait3A_73 : memref<16x128xi32, #tpu.memory_space<hbm>>) dst(%dma_wait3A_70 : memref<16x128xi32, #tpu.memory_space<vmem>>)
      tpu.yield
    }) : () -> ()
    %scan3A = arith.constant 0 : i32
    %scan3A_36 = arith.constant 0 : i32
    %scan3A_37 = arith.constant 40 : i32
    %scan3A_38 = arith.addi %scan3A_36, %scan3A_37 : i32
    %scan3A_39 = arith.constant 1 : i32
    scf.for %scan3A_46 = %scan3A_36 to %scan3A_38 step %scan3A_39  : i32 {
      %mul3A_47 = arith.constant 2 : i32
      %mul3A_48 = arith.muli %mul3A_47, %scan3A_46 : i32
      %add3A_49 = arith.constant 0 : i32
      %add3A_50 = arith.addi %mul3A_48, %add3A_49 : i32
      %jit3A = arith.constant 16 : i32
      %div3A = arith.divsi %add3A_50, %jit3A : i32
      %sign3A = arith.constant 0 : i32
      %sign3A_51 = arith.cmpi sgt, %add3A_50, %sign3A : i32
      %sign3A_52 = arith.extui %sign3A_51 : i1 to i32
      %sign3A_53 = arith.constant 0 : i32
      %sign3A_54 = arith.cmpi slt, %add3A_50, %sign3A_53 : i32
      %sign3A_55 = arith.extui %sign3A_54 : i1 to i32
      %sign3A_56 = arith.subi %sign3A_52, %sign3A_55 : i32
      %sign3A_57 = arith.constant 0 : i32
      %sign3A_58 = arith.cmpi sgt, %jit3A, %sign3A_57 : i32
      %sign3A_59 = arith.extui %sign3A_58 : i1 to i32
      %sign3A_60 = arith.constant 0 : i32
      %sign3A_61 = arith.cmpi slt, %jit3A, %sign3A_60 : i32
      %sign3A_62 = arith.extui %sign3A_61 : i1 to i32
      %sign3A_63 = arith.subi %sign3A_59, %sign3A_62 : i32
      %ne3A = arith.cmpi ne, %sign3A_56, %sign3A_63 : i32
      %rem3A = arith.remsi %add3A_50, %jit3A : i32
      %ne3A_64 = arith.constant 0 : i32
      %ne3A_65 = arith.cmpi ne, %rem3A, %ne3A_64 : i32
      %and3A = arith.andi %ne3A, %ne3A_65 : i1
      %sub3A = arith.constant 1 : i32
      %sub3A_66 = arith.subi %div3A, %sub3A : i32
      %select_n3A = arith.select %and3A, %sub3A_66, %div3A : i32
      %jit3A_67 = arith.constant 2 : i32
      %eq3A = arith.constant 0 : i32
      %eq3A_68 = arith.cmpi eq, %jit3A_67, %eq3A : i32
      %jit3A_69 = arith.constant 1 : i32
      %select_n3A_70 = arith.select %eq3A_68, %jit3A_69, %jit3A_67 : i32
      %rem3A_71 = arith.remsi %select_n3A, %select_n3A_70 : i32
      %ne3A_72 = arith.constant 0 : i32
      %ne3A_73 = arith.cmpi ne, %rem3A_71, %ne3A_72 : i32
      %lt3A = arith.constant 0 : i32
      %lt3A_74 = arith.cmpi slt, %rem3A_71, %lt3A : i32
      %lt3A_75 = arith.constant 0 : i32
      %lt3A_76 = arith.cmpi slt, %select_n3A_70, %lt3A_75 : i32
      %ne3A_77 = arith.xori %lt3A_74, %lt3A_76 : i1
      %and3A_78 = arith.andi %ne3A_77, %ne3A_73 : i1
      %add3A_79 = arith.addi %rem3A_71, %select_n3A_70 : i32
      %select_n3A_80 = arith.select %and3A_78, %add3A_79, %rem3A_71 : i32
      %jit3A_81 = arith.constant 16 : i32
      %eq3A_82 = arith.constant 0 : i32
      %eq3A_83 = arith.cmpi eq, %jit3A_81, %eq3A_82 : i32
      %jit3A_84 = arith.constant 1 : i32
      %select_n3A_85 = arith.select %eq3A_83, %jit3A_84, %jit3A_81 : i32
      %rem3A_86 = arith.remsi %add3A_50, %select_n3A_85 : i32
      %ne3A_87 = arith.constant 0 : i32
      %ne3A_88 = arith.cmpi ne, %rem3A_86, %ne3A_87 : i32
      %lt3A_89 = arith.constant 0 : i32
      %lt3A_90 = arith.cmpi slt, %rem3A_86, %lt3A_89 : i32
      %lt3A_91 = arith.constant 0 : i32
      %lt3A_92 = arith.cmpi slt, %select_n3A_85, %lt3A_91 : i32
      %ne3A_93 = arith.xori %lt3A_90, %lt3A_92 : i1
      %and3A_94 = arith.andi %ne3A_93, %ne3A_88 : i1
      %add3A_95 = arith.addi %rem3A_86, %select_n3A_85 : i32
      %select_n3A_96 = arith.select %and3A_94, %add3A_95, %rem3A_86 : i32
      %dma_wait3A = arith.constant 0 : i32
      %dma_wait3A_97 = arith.constant 0 : i32
      %dma_wait3A_98 = arith.constant 0 : i32
      %dma_wait3A_99 = tpu.memref_slice %arg9[%dma_wait3A, %dma_wait3A_97, %dma_wait3A_98] : memref<2x128x128xf32, #tpu.memory_space<vmem>> -> memref<1x128x128xf32, #tpu.memory_space<vmem>>
      %dma_wait3A_100 = tpu.memref_squeeze %dma_wait3A_99 : memref<1x128x128xf32, #tpu.memory_space<vmem>> -> memref<128x128xf32, #tpu.memory_space<vmem>>
      %dma_wait3A_101 = arith.constant 0 : i32
      %dma_wait3A_102 = tpu.memref_slice %arg7[%select_n3A_80, %select_n3A_96, %dma_wait3A_101] : memref<2x16x128xi32, #tpu.memory_space<vmem>> -> memref<1x1x128xi32, #tpu.memory_space<vmem>>
      %dma_wait3A_103 = tpu.memref_squeeze %dma_wait3A_102 : memref<1x1x128xi32, #tpu.memory_space<vmem>> -> memref<128xi32, #tpu.memory_space<vmem>>
      %dma_wait3A_104 = arith.constant 0 : i32
      %dma_wait3A_105 = arith.constant 0 : i32
      %dma_wait3A_106 = tpu.memref_slice %arg2[%dma_wait3A_104, %dma_wait3A_105] : memref<10000x128xf32, #tpu.memory_space<hbm>> -> memref<10000x128xf32, #tpu.memory_space<hbm>>
      tpu.wait_indirect_dma semaphore(%arg11 : memref<!tpu.dma_semaphore, #tpu.memory_space<semaphore_mem>>) src(%dma_wait3A_106 : memref<10000x128xf32, #tpu.memory_space<hbm>>) dst(%dma_wait3A_100 : memref<128x128xf32, #tpu.memory_space<vmem>>)
      %jit3A_107 = arith.constant 2 : i32
      %eq3A_108 = arith.constant 0 : i32
      %eq3A_109 = arith.cmpi eq, %jit3A_107, %eq3A_108 : i32
      %jit3A_110 = arith.constant 1 : i32
      %select_n3A_111 = arith.select %eq3A_109, %jit3A_110, %jit3A_107 : i32
      %rem3A_112 = arith.remsi %select_n3A, %select_n3A_111 : i32
      %ne3A_113 = arith.constant 0 : i32
      %ne3A_114 = arith.cmpi ne, %rem3A_112, %ne3A_113 : i32
      %lt3A_115 = arith.constant 0 : i32
      %lt3A_116 = arith.cmpi slt, %rem3A_112, %lt3A_115 : i32
      %lt3A_117 = arith.constant 0 : i32
      %lt3A_118 = arith.cmpi slt, %select_n3A_111, %lt3A_117 : i32
      %ne3A_119 = arith.xori %lt3A_116, %lt3A_118 : i1
      %and3A_120 = arith.andi %ne3A_119, %ne3A_114 : i1
      %add3A_121 = arith.addi %rem3A_112, %select_n3A_111 : i32
      %select_n3A_122 = arith.select %and3A_120, %add3A_121, %rem3A_112 : i32
      %jit3A_123 = arith.constant 16 : i32
      %eq3A_124 = arith.constant 0 : i32
      %eq3A_125 = arith.cmpi eq, %jit3A_123, %eq3A_124 : i32
      %jit3A_126 = arith.constant 1 : i32
      %select_n3A_127 = arith.select %eq3A_125, %jit3A_126, %jit3A_123 : i32
      %rem3A_128 = arith.remsi %add3A_50, %select_n3A_127 : i32
      %ne3A_129 = arith.constant 0 : i32
      %ne3A_130 = arith.cmpi ne, %rem3A_128, %ne3A_129 : i32
      %lt3A_131 = arith.constant 0 : i32
      %lt3A_132 = arith.cmpi slt, %rem3A_128, %lt3A_131 : i32
      %lt3A_133 = arith.constant 0 : i32
      %lt3A_134 = arith.cmpi slt, %select_n3A_127, %lt3A_133 : i32
      %ne3A_135 = arith.xori %lt3A_132, %lt3A_134 : i1
      %and3A_136 = arith.andi %ne3A_135, %ne3A_130 : i1
      %add3A_137 = arith.addi %rem3A_128, %select_n3A_127 : i32
      %select_n3A_138 = arith.select %and3A_136, %add3A_137, %rem3A_128 : i32
      %run_scoped3A_139 = arith.constant 0 : i32
      "tpu.region"() ({
        %run_scoped3A_313 = tpu.sem_alloc : memref<!tpu.dma_semaphore, #tpu.memory_space<semaphore_mem>>
        %dma_start3A_314 = arith.constant 0 : i32
        %dma_start3A_315 = arith.constant 0 : i32
        %dma_start3A_316 = tpu.memref_slice %arg9[%run_scoped3A_139, %dma_start3A_314, %dma_start3A_315] : memref<2x128x128xf32, #tpu.memory_space<vmem>> -> memref<1x128x128xf32, #tpu.memory_space<vmem>>
        %dma_start3A_317 = tpu.memref_squeeze %dma_start3A_316 : memref<1x128x128xf32, #tpu.memory_space<vmem>> -> memref<128x128xf32, #tpu.memory_space<vmem>>
        %dma_start3A_318 = arith.constant 0 : i32
        %dma_start3A_319 = tpu.memref_slice %arg8[%select_n3A_122, %select_n3A_138, %dma_start3A_318] : memref<2x16x128xi32, #tpu.memory_space<vmem>> -> memref<1x1x128xi32, #tpu.memory_space<vmem>>
        %dma_start3A_320 = tpu.memref_squeeze %dma_start3A_319 : memref<1x1x128xi32, #tpu.memory_space<vmem>> -> memref<128xi32, #tpu.memory_space<vmem>>
        %dma_start3A_321 = arith.constant 0 : i32
        %dma_start3A_322 = arith.constant 0 : i32
        %dma_start3A_323 = tpu.memref_slice %arg10[%dma_start3A_321, %dma_start3A_322] : memref<10112x128xf32, #tpu.memory_space<vmem_shared>> -> memref<10112x128xf32, #tpu.memory_space<vmem_shared>>
        tpu.enqueue_indirect_dma source(%dma_start3A_317 : memref<128x128xf32, #tpu.memory_space<vmem>>) target(%dma_start3A_323 : memref<10112x128xf32, #tpu.memory_space<vmem_shared>>) offsets(%dma_start3A_320 : memref<128xi32, #tpu.memory_space<vmem>>) semaphore(%run_scoped3A_313 : memref<!tpu.dma_semaphore, #tpu.memory_space<semaphore_mem>>) {add = true}
        %dma_wait3A_324 = arith.constant 0 : i32
        %dma_wait3A_325 = arith.constant 0 : i32
        %dma_wait3A_326 = tpu.memref_slice %arg9[%run_scoped3A_139, %dma_wait3A_324, %dma_wait3A_325] : memref<2x128x128xf32, #tpu.memory_space<vmem>> -> memref<1x128x128xf32, #tpu.memory_space<vmem>>
        %dma_wait3A_327 = tpu.memref_squeeze %dma_wait3A_326 : memref<1x128x128xf32, #tpu.memory_space<vmem>> -> memref<128x128xf32, #tpu.memory_space<vmem>>
        %dma_wait3A_328 = arith.constant 0 : i32
        %dma_wait3A_329 = tpu.memref_slice %arg8[%select_n3A_122, %select_n3A_138, %dma_wait3A_328] : memref<2x16x128xi32, #tpu.memory_space<vmem>> -> memref<1x1x128xi32, #tpu.memory_space<vmem>>
        %dma_wait3A_330 = tpu.memref_squeeze %dma_wait3A_329 : memref<1x1x128xi32, #tpu.memory_space<vmem>> -> memref<128xi32, #tpu.memory_space<vmem>>
        %dma_wait3A_331 = arith.constant 0 : i32
        %dma_wait3A_332 = arith.constant 0 : i32
        %dma_wait3A_333 = tpu.memref_slice %arg10[%dma_wait3A_331, %dma_wait3A_332] : memref<10112x128xf32, #tpu.memory_space<vmem_shared>> -> memref<10112x128xf32, #tpu.memory_space<vmem_shared>>
        tpu.wait_indirect_dma semaphore(%run_scoped3A_313 : memref<!tpu.dma_semaphore, #tpu.memory_space<semaphore_mem>>) src(%dma_wait3A_327 : memref<128x128xf32, #tpu.memory_space<vmem>>) dst(%dma_wait3A_333 : memref<10112x128xf32, #tpu.memory_space<vmem_shared>>)
        tpu.yield
      }) : () -> ()
      %add3A_140 = arith.constant 2 : i32
      %add3A_141 = arith.addi %add3A_50, %add3A_140 : i32
      %lt3A_142 = arith.constant 80 : i32
      %lt3A_143 = arith.cmpi slt, %add3A_141, %lt3A_142 : i32
      %convert_element_type3A = arith.extui %lt3A_143 : i1 to i32
      %cond3A = arith.constant 0 : i32
      %cond3A_144 = arith.cmpi ne, %convert_element_type3A, %cond3A : i32
      scf.if %cond3A_144 {
        %jit3A_313 = arith.constant 16 : i32
        %div3A_314 = arith.divsi %add3A_141, %jit3A_313 : i32
        %sign3A_315 = arith.constant 0 : i32
        %sign3A_316 = arith.cmpi sgt, %add3A_141, %sign3A_315 : i32
        %sign3A_317 = arith.extui %sign3A_316 : i1 to i32
        %sign3A_318 = arith.constant 0 : i32
        %sign3A_319 = arith.cmpi slt, %add3A_141, %sign3A_318 : i32
        %sign3A_320 = arith.extui %sign3A_319 : i1 to i32
        %sign3A_321 = arith.subi %sign3A_317, %sign3A_320 : i32
        %sign3A_322 = arith.constant 0 : i32
        %sign3A_323 = arith.cmpi sgt, %jit3A_313, %sign3A_322 : i32
        %sign3A_324 = arith.extui %sign3A_323 : i1 to i32
        %sign3A_325 = arith.constant 0 : i32
        %sign3A_326 = arith.cmpi slt, %jit3A_313, %sign3A_325 : i32
        %sign3A_327 = arith.extui %sign3A_326 : i1 to i32
        %sign3A_328 = arith.subi %sign3A_324, %sign3A_327 : i32
        %ne3A_329 = arith.cmpi ne, %sign3A_321, %sign3A_328 : i32
        %rem3A_330 = arith.remsi %add3A_141, %jit3A_313 : i32
        %ne3A_331 = arith.constant 0 : i32
        %ne3A_332 = arith.cmpi ne, %rem3A_330, %ne3A_331 : i32
        %and3A_333 = arith.andi %ne3A_329, %ne3A_332 : i1
        %sub3A_334 = arith.constant 1 : i32
        %sub3A_335 = arith.subi %div3A_314, %sub3A_334 : i32
        %select_n3A_336 = arith.select %and3A_333, %sub3A_335, %div3A_314 : i32
        %jit3A_337 = arith.constant 2 : i32
        %eq3A_338 = arith.constant 0 : i32
        %eq3A_339 = arith.cmpi eq, %jit3A_337, %eq3A_338 : i32
        %jit3A_340 = arith.constant 1 : i32
        %select_n3A_341 = arith.select %eq3A_339, %jit3A_340, %jit3A_337 : i32
        %rem3A_342 = arith.remsi %select_n3A_336, %select_n3A_341 : i32
        %ne3A_343 = arith.constant 0 : i32
        %ne3A_344 = arith.cmpi ne, %rem3A_342, %ne3A_343 : i32
        %lt3A_345 = arith.constant 0 : i32
        %lt3A_346 = arith.cmpi slt, %rem3A_342, %lt3A_345 : i32
        %lt3A_347 = arith.constant 0 : i32
        %lt3A_348 = arith.cmpi slt, %select_n3A_341, %lt3A_347 : i32
        %ne3A_349 = arith.xori %lt3A_346, %lt3A_348 : i1
        %and3A_350 = arith.andi %ne3A_349, %ne3A_344 : i1
        %add3A_351 = arith.addi %rem3A_342, %select_n3A_341 : i32
        %select_n3A_352 = arith.select %and3A_350, %add3A_351, %rem3A_342 : i32
        %jit3A_353 = arith.constant 16 : i32
        %eq3A_354 = arith.constant 0 : i32
        %eq3A_355 = arith.cmpi eq, %jit3A_353, %eq3A_354 : i32
        %jit3A_356 = arith.constant 1 : i32
        %select_n3A_357 = arith.select %eq3A_355, %jit3A_356, %jit3A_353 : i32
        %rem3A_358 = arith.remsi %add3A_141, %select_n3A_357 : i32
        %ne3A_359 = arith.constant 0 : i32
        %ne3A_360 = arith.cmpi ne, %rem3A_358, %ne3A_359 : i32
        %lt3A_361 = arith.constant 0 : i32
        %lt3A_362 = arith.cmpi slt, %rem3A_358, %lt3A_361 : i32
        %lt3A_363 = arith.constant 0 : i32
        %lt3A_364 = arith.cmpi slt, %select_n3A_357, %lt3A_363 : i32
        %ne3A_365 = arith.xori %lt3A_362, %lt3A_364 : i1
        %and3A_366 = arith.andi %ne3A_365, %ne3A_360 : i1
        %add3A_367 = arith.addi %rem3A_358, %select_n3A_357 : i32
        %select_n3A_368 = arith.select %and3A_366, %add3A_367, %rem3A_358 : i32
        %dma_start3A_369 = arith.constant 0 : i32
        %dma_start3A_370 = arith.constant 0 : i32
        %dma_start3A_371 = arith.constant 0 : i32
        %dma_start3A_372 = tpu.memref_slice %arg9[%dma_start3A_369, %dma_start3A_370, %dma_start3A_371] : memref<2x128x128xf32, #tpu.memory_space<vmem>> -> memref<1x128x128xf32, #tpu.memory_space<vmem>>
        %dma_start3A_373 = tpu.memref_squeeze %dma_start3A_372 : memref<1x128x128xf32, #tpu.memory_space<vmem>> -> memref<128x128xf32, #tpu.memory_space<vmem>>
        %dma_start3A_374 = arith.constant 0 : i32
        %dma_start3A_375 = tpu.memref_slice %arg7[%select_n3A_352, %select_n3A_368, %dma_start3A_374] : memref<2x16x128xi32, #tpu.memory_space<vmem>> -> memref<1x1x128xi32, #tpu.memory_space<vmem>>
        %dma_start3A_376 = tpu.memref_squeeze %dma_start3A_375 : memref<1x1x128xi32, #tpu.memory_space<vmem>> -> memref<128xi32, #tpu.memory_space<vmem>>
        %dma_start3A_377 = arith.constant 0 : i32
        %dma_start3A_378 = arith.constant 0 : i32
        %dma_start3A_379 = tpu.memref_slice %arg2[%dma_start3A_377, %dma_start3A_378] : memref<10000x128xf32, #tpu.memory_space<hbm>> -> memref<10000x128xf32, #tpu.memory_space<hbm>>
        tpu.enqueue_indirect_dma source(%dma_start3A_379 : memref<10000x128xf32, #tpu.memory_space<hbm>>) target(%dma_start3A_373 : memref<128x128xf32, #tpu.memory_space<vmem>>) offsets(%dma_start3A_376 : memref<128xi32, #tpu.memory_space<vmem>>) semaphore(%arg11 : memref<!tpu.dma_semaphore, #tpu.memory_space<semaphore_mem>>)
      } else {
      }
      %jit3A_145 = arith.constant 16 : i32
      %eq3A_146 = arith.constant 0 : i32
      %eq3A_147 = arith.cmpi eq, %jit3A_145, %eq3A_146 : i32
      %jit3A_148 = arith.constant 1 : i32
      %select_n3A_149 = arith.select %eq3A_147, %jit3A_148, %jit3A_145 : i32
      %rem3A_150 = arith.remsi %add3A_50, %select_n3A_149 : i32
      %ne3A_151 = arith.constant 0 : i32
      %ne3A_152 = arith.cmpi ne, %rem3A_150, %ne3A_151 : i32
      %lt3A_153 = arith.constant 0 : i32
      %lt3A_154 = arith.cmpi slt, %rem3A_150, %lt3A_153 : i32
      %lt3A_155 = arith.constant 0 : i32
      %lt3A_156 = arith.cmpi slt, %select_n3A_149, %lt3A_155 : i32
      %ne3A_157 = arith.xori %lt3A_154, %lt3A_156 : i1
      %and3A_158 = arith.andi %ne3A_157, %ne3A_152 : i1
      %add3A_159 = arith.addi %rem3A_150, %select_n3A_149 : i32
      %select_n3A_160 = arith.select %and3A_158, %add3A_159, %rem3A_150 : i32
      %eq3A_161 = arith.constant 2 : i32
      %eq3A_162 = arith.cmpi eq, %select_n3A_160, %eq3A_161 : i32
      %ge3A = arith.constant 1 : i32
      %ge3A_163 = arith.cmpi sge, %select_n3A, %ge3A : i32
      %and3A_164 = arith.andi %eq3A_162, %ge3A_163 : i1
      %add3A_165 = arith.constant 1 : i32
      %add3A_166 = arith.addi %select_n3A, %add3A_165 : i32
      %lt3A_167 = arith.constant 5 : i32
      %lt3A_168 = arith.cmpi slt, %add3A_166, %lt3A_167 : i32
      %and3A_169 = arith.andi %and3A_164, %lt3A_168 : i1
      %convert_element_type3A_170 = arith.extui %and3A_169 : i1 to i32
      %cond3A_171 = arith.constant 0 : i32
      %cond3A_172 = arith.cmpi ne, %convert_element_type3A_170, %cond3A_171 : i32
      scf.if %cond3A_172 {
        %add3A_313 = arith.constant 1 : i32
        %add3A_314 = arith.addi %select_n3A, %add3A_313 : i32
        %mul3A_315 = arith.constant 16 : i32
        %mul3A_316 = arith.muli %add3A_314, %mul3A_315 : i32
        %multiple_of3A_317 = tpu.assume_multiple %mul3A_316, 8 : i32
        %jit3A_318 = arith.constant 2 : i32
        %eq3A_319 = arith.constant 0 : i32
        %eq3A_320 = arith.cmpi eq, %jit3A_318, %eq3A_319 : i32
        %jit3A_321 = arith.constant 1 : i32
        %select_n3A_322 = arith.select %eq3A_320, %jit3A_321, %jit3A_318 : i32
        %rem3A_323 = arith.remsi %add3A_314, %select_n3A_322 : i32
        %ne3A_324 = arith.constant 0 : i32
        %ne3A_325 = arith.cmpi ne, %rem3A_323, %ne3A_324 : i32
        %lt3A_326 = arith.constant 0 : i32
        %lt3A_327 = arith.cmpi slt, %rem3A_323, %lt3A_326 : i32
        %lt3A_328 = arith.constant 0 : i32
        %lt3A_329 = arith.cmpi slt, %select_n3A_322, %lt3A_328 : i32
        %ne3A_330 = arith.xori %lt3A_327, %lt3A_329 : i1
        %and3A_331 = arith.andi %ne3A_330, %ne3A_325 : i1
        %add3A_332 = arith.addi %rem3A_323, %select_n3A_322 : i32
        %select_n3A_333 = arith.select %and3A_331, %add3A_332, %rem3A_323 : i32
        "tpu.region"() ({
          %run_scoped3A_350 = tpu.sem_alloc : memref<!tpu.dma_semaphore, #tpu.memory_space<semaphore_mem>>
          %dma_start3A_351 = arith.constant 0 : i32
          %dma_start3A_352 = arith.constant 0 : i32
          %dma_start3A_353 = tpu.memref_slice %arg7[%select_n3A_333, %dma_start3A_351, %dma_start3A_352] : memref<2x16x128xi32, #tpu.memory_space<vmem>> -> memref<1x16x128xi32, #tpu.memory_space<vmem>>
          %dma_start3A_354 = tpu.memref_squeeze %dma_start3A_353 : memref<1x16x128xi32, #tpu.memory_space<vmem>> -> memref<16x128xi32, #tpu.memory_space<vmem>>
          %dma_start3A_355 = arith.constant 0 : i32
          %dma_start3A_356 = tpu.memref_slice %arg3[%add3A, %multiple_of3A_317, %dma_start3A_355] : memref<32x80x128xi32, #tpu.memory_space<hbm>> -> memref<1x16x128xi32, #tpu.memory_space<hbm>>
          %dma_start3A_357 = tpu.memref_squeeze %dma_start3A_356 : memref<1x16x128xi32, #tpu.memory_space<hbm>> -> memref<16x128xi32, #tpu.memory_space<hbm>>
          %dma_start3A_358 = arith.constant 0 : i32
          %dma_start3A_359 = arith.constant 0 : i32
          %dma_start3A_360 = tpu.memref_slice %arg7[%select_n3A_333, %dma_start3A_358, %dma_start3A_359] : memref<2x16x128xi32, #tpu.memory_space<vmem>> -> memref<1x16x128xi32, #tpu.memory_space<vmem>>
          %dma_start3A_361 = tpu.memref_squeeze %dma_start3A_360 : memref<1x16x128xi32, #tpu.memory_space<vmem>> -> memref<16x128xi32, #tpu.memory_space<vmem>>
          %dma_start3A_362 = arith.constant 0 : i32
          %dma_start3A_363 = tpu.memref_slice %arg3[%add3A, %multiple_of3A_317, %dma_start3A_362] : memref<32x80x128xi32, #tpu.memory_space<hbm>> -> memref<1x16x128xi32, #tpu.memory_space<hbm>>
          %dma_start3A_364 = tpu.memref_squeeze %dma_start3A_363 : memref<1x16x128xi32, #tpu.memory_space<hbm>> -> memref<16x128xi32, #tpu.memory_space<hbm>>
          tpu.enqueue_dma source(%dma_start3A_364 : memref<16x128xi32, #tpu.memory_space<hbm>>) target(%dma_start3A_361 : memref<16x128xi32, #tpu.memory_space<vmem>>) target_semaphore(%run_scoped3A_350 : memref<!tpu.dma_semaphore, #tpu.memory_space<semaphore_mem>>)
          %dma_wait3A_365 = arith.constant 0 : i32
          %dma_wait3A_366 = arith.constant 0 : i32
          %dma_wait3A_367 = tpu.memref_slice %arg7[%select_n3A_333, %dma_wait3A_365, %dma_wait3A_366] : memref<2x16x128xi32, #tpu.memory_space<vmem>> -> memref<1x16x128xi32, #tpu.memory_space<vmem>>
          %dma_wait3A_368 = tpu.memref_squeeze %dma_wait3A_367 : memref<1x16x128xi32, #tpu.memory_space<vmem>> -> memref<16x128xi32, #tpu.memory_space<vmem>>
          %dma_wait3A_369 = arith.constant 0 : i32
          %dma_wait3A_370 = tpu.memref_slice %arg3[%add3A, %multiple_of3A_317, %dma_wait3A_369] : memref<32x80x128xi32, #tpu.memory_space<hbm>> -> memref<1x16x128xi32, #tpu.memory_space<hbm>>
          %dma_wait3A_371 = tpu.memref_squeeze %dma_wait3A_370 : memref<1x16x128xi32, #tpu.memory_space<hbm>> -> memref<16x128xi32, #tpu.memory_space<hbm>>
          %dma_wait3A_372 = arith.constant 0 : i32
          %dma_wait3A_373 = arith.constant 0 : i32
          %dma_wait3A_374 = tpu.memref_slice %arg7[%select_n3A_333, %dma_wait3A_372, %dma_wait3A_373] : memref<2x16x128xi32, #tpu.memory_space<vmem>> -> memref<1x16x128xi32, #tpu.memory_space<vmem>>
          %dma_wait3A_375 = tpu.memref_squeeze %dma_wait3A_374 : memref<1x16x128xi32, #tpu.memory_space<vmem>> -> memref<16x128xi32, #tpu.memory_space<vmem>>
          %dma_wait3A_376 = arith.constant 0 : i32
          %dma_wait3A_377 = tpu.memref_slice %arg3[%add3A, %multiple_of3A_317, %dma_wait3A_376] : memref<32x80x128xi32, #tpu.memory_space<hbm>> -> memref<1x16x128xi32, #tpu.memory_space<hbm>>
          %dma_wait3A_378 = tpu.memref_squeeze %dma_wait3A_377 : memref<1x16x128xi32, #tpu.memory_space<hbm>> -> memref<16x128xi32, #tpu.memory_space<hbm>>
          tpu.wait_dma2 semaphore(%run_scoped3A_350 : memref<!tpu.dma_semaphore, #tpu.memory_space<semaphore_mem>>) src(%dma_wait3A_378 : memref<16x128xi32, #tpu.memory_space<hbm>>) dst(%dma_wait3A_375 : memref<16x128xi32, #tpu.memory_space<vmem>>)
          tpu.yield
        }) : () -> ()
        %jit3A_334 = arith.constant 2 : i32
        %eq3A_335 = arith.constant 0 : i32
        %eq3A_336 = arith.cmpi eq, %jit3A_334, %eq3A_335 : i32
        %jit3A_337 = arith.constant 1 : i32
        %select_n3A_338 = arith.select %eq3A_336, %jit3A_337, %jit3A_334 : i32
        %rem3A_339 = arith.remsi %add3A_314, %select_n3A_338 : i32
        %ne3A_340 = arith.constant 0 : i32
        %ne3A_341 = arith.cmpi ne, %rem3A_339, %ne3A_340 : i32
        %lt3A_342 = arith.constant 0 : i32
        %lt3A_343 = arith.cmpi slt, %rem3A_339, %lt3A_342 : i32
        %lt3A_344 = arith.constant 0 : i32
        %lt3A_345 = arith.cmpi slt, %select_n3A_338, %lt3A_344 : i32
        %ne3A_346 = arith.xori %lt3A_343, %lt3A_345 : i1
        %and3A_347 = arith.andi %ne3A_346, %ne3A_341 : i1
        %add3A_348 = arith.addi %rem3A_339, %select_n3A_338 : i32
        %select_n3A_349 = arith.select %and3A_347, %add3A_348, %rem3A_339 : i32
        "tpu.region"() ({
          %run_scoped3A_350 = tpu.sem_alloc : memref<!tpu.dma_semaphore, #tpu.memory_space<semaphore_mem>>
          %dma_start3A_351 = arith.constant 0 : i32
          %dma_start3A_352 = arith.constant 0 : i32
          %dma_start3A_353 = tpu.memref_slice %arg8[%select_n3A_349, %dma_start3A_351, %dma_start3A_352] : memref<2x16x128xi32, #tpu.memory_space<vmem>> -> memref<1x16x128xi32, #tpu.memory_space<vmem>>
          %dma_start3A_354 = tpu.memref_squeeze %dma_start3A_353 : memref<1x16x128xi32, #tpu.memory_space<vmem>> -> memref<16x128xi32, #tpu.memory_space<vmem>>
          %dma_start3A_355 = arith.constant 0 : i32
          %dma_start3A_356 = tpu.memref_slice %arg4[%add3A, %multiple_of3A_317, %dma_start3A_355] : memref<32x80x128xi32, #tpu.memory_space<hbm>> -> memref<1x16x128xi32, #tpu.memory_space<hbm>>
          %dma_start3A_357 = tpu.memref_squeeze %dma_start3A_356 : memref<1x16x128xi32, #tpu.memory_space<hbm>> -> memref<16x128xi32, #tpu.memory_space<hbm>>
          %dma_start3A_358 = arith.constant 0 : i32
          %dma_start3A_359 = arith.constant 0 : i32
          %dma_start3A_360 = tpu.memref_slice %arg8[%select_n3A_349, %dma_start3A_358, %dma_start3A_359] : memref<2x16x128xi32, #tpu.memory_space<vmem>> -> memref<1x16x128xi32, #tpu.memory_space<vmem>>
          %dma_start3A_361 = tpu.memref_squeeze %dma_start3A_360 : memref<1x16x128xi32, #tpu.memory_space<vmem>> -> memref<16x128xi32, #tpu.memory_space<vmem>>
          %dma_start3A_362 = arith.constant 0 : i32
          %dma_start3A_363 = tpu.memref_slice %arg4[%add3A, %multiple_of3A_317, %dma_start3A_362] : memref<32x80x128xi32, #tpu.memory_space<hbm>> -> memref<1x16x128xi32, #tpu.memory_space<hbm>>
          %dma_start3A_364 = tpu.memref_squeeze %dma_start3A_363 : memref<1x16x128xi32, #tpu.memory_space<hbm>> -> memref<16x128xi32, #tpu.memory_space<hbm>>
          tpu.enqueue_dma source(%dma_start3A_364 : memref<16x128xi32, #tpu.memory_space<hbm>>) target(%dma_start3A_361 : memref<16x128xi32, #tpu.memory_space<vmem>>) target_semaphore(%run_scoped3A_350 : memref<!tpu.dma_semaphore, #tpu.memory_space<semaphore_mem>>)
          %dma_wait3A_365 = arith.constant 0 : i32
          %dma_wait3A_366 = arith.constant 0 : i32
          %dma_wait3A_367 = tpu.memref_slice %arg8[%select_n3A_349, %dma_wait3A_365, %dma_wait3A_366] : memref<2x16x128xi32, #tpu.memory_space<vmem>> -> memref<1x16x128xi32, #tpu.memory_space<vmem>>
          %dma_wait3A_368 = tpu.memref_squeeze %dma_wait3A_367 : memref<1x16x128xi32, #tpu.memory_space<vmem>> -> memref<16x128xi32, #tpu.memory_space<vmem>>
          %dma_wait3A_369 = arith.constant 0 : i32
          %dma_wait3A_370 = tpu.memref_slice %arg4[%add3A, %multiple_of3A_317, %dma_wait3A_369] : memref<32x80x128xi32, #tpu.memory_space<hbm>> -> memref<1x16x128xi32, #tpu.memory_space<hbm>>
          %dma_wait3A_371 = tpu.memref_squeeze %dma_wait3A_370 : memref<1x16x128xi32, #tpu.memory_space<hbm>> -> memref<16x128xi32, #tpu.memory_space<hbm>>
          %dma_wait3A_372 = arith.constant 0 : i32
          %dma_wait3A_373 = arith.constant 0 : i32
          %dma_wait3A_374 = tpu.memref_slice %arg8[%select_n3A_349, %dma_wait3A_372, %dma_wait3A_373] : memref<2x16x128xi32, #tpu.memory_space<vmem>> -> memref<1x16x128xi32, #tpu.memory_space<vmem>>
          %dma_wait3A_375 = tpu.memref_squeeze %dma_wait3A_374 : memref<1x16x128xi32, #tpu.memory_space<vmem>> -> memref<16x128xi32, #tpu.memory_space<vmem>>
          %dma_wait3A_376 = arith.constant 0 : i32
          %dma_wait3A_377 = tpu.memref_slice %arg4[%add3A, %multiple_of3A_317, %dma_wait3A_376] : memref<32x80x128xi32, #tpu.memory_space<hbm>> -> memref<1x16x128xi32, #tpu.memory_space<hbm>>
          %dma_wait3A_378 = tpu.memref_squeeze %dma_wait3A_377 : memref<1x16x128xi32, #tpu.memory_space<hbm>> -> memref<16x128xi32, #tpu.memory_space<hbm>>
          tpu.wait_dma2 semaphore(%run_scoped3A_350 : memref<!tpu.dma_semaphore, #tpu.memory_space<semaphore_mem>>) src(%dma_wait3A_378 : memref<16x128xi32, #tpu.memory_space<hbm>>) dst(%dma_wait3A_375 : memref<16x128xi32, #tpu.memory_space<vmem>>)
          tpu.yield
        }) : () -> ()
      } else {
      }
      %mul3A_173 = arith.constant 2 : i32
      %mul3A_174 = arith.muli %mul3A_173, %scan3A_46 : i32
      %add3A_175 = arith.constant 1 : i32
      %add3A_176 = arith.addi %mul3A_174, %add3A_175 : i32
      %jit3A_177 = arith.constant 16 : i32
      %div3A_178 = arith.divsi %add3A_176, %jit3A_177 : i32
      %sign3A_179 = arith.constant 0 : i32
      %sign3A_180 = arith.cmpi sgt, %add3A_176, %sign3A_179 : i32
      %sign3A_181 = arith.extui %sign3A_180 : i1 to i32
      %sign3A_182 = arith.constant 0 : i32
      %sign3A_183 = arith.cmpi slt, %add3A_176, %sign3A_182 : i32
      %sign3A_184 = arith.extui %sign3A_183 : i1 to i32
      %sign3A_185 = arith.subi %sign3A_181, %sign3A_184 : i32
      %sign3A_186 = arith.constant 0 : i32
      %sign3A_187 = arith.cmpi sgt, %jit3A_177, %sign3A_186 : i32
      %sign3A_188 = arith.extui %sign3A_187 : i1 to i32
      %sign3A_189 = arith.constant 0 : i32
      %sign3A_190 = arith.cmpi slt, %jit3A_177, %sign3A_189 : i32
      %sign3A_191 = arith.extui %sign3A_190 : i1 to i32
      %sign3A_192 = arith.subi %sign3A_188, %sign3A_191 : i32
      %ne3A_193 = arith.cmpi ne, %sign3A_185, %sign3A_192 : i32
      %rem3A_194 = arith.remsi %add3A_176, %jit3A_177 : i32
      %ne3A_195 = arith.constant 0 : i32
      %ne3A_196 = arith.cmpi ne, %rem3A_194, %ne3A_195 : i32
      %and3A_197 = arith.andi %ne3A_193, %ne3A_196 : i1
      %sub3A_198 = arith.constant 1 : i32
      %sub3A_199 = arith.subi %div3A_178, %sub3A_198 : i32
      %select_n3A_200 = arith.select %and3A_197, %sub3A_199, %div3A_178 : i32
      %jit3A_201 = arith.constant 2 : i32
      %eq3A_202 = arith.constant 0 : i32
      %eq3A_203 = arith.cmpi eq, %jit3A_201, %eq3A_202 : i32
      %jit3A_204 = arith.constant 1 : i32
      %select_n3A_205 = arith.select %eq3A_203, %jit3A_204, %jit3A_201 : i32
      %rem3A_206 = arith.remsi %select_n3A_200, %select_n3A_205 : i32
      %ne3A_207 = arith.constant 0 : i32
      %ne3A_208 = arith.cmpi ne, %rem3A_206, %ne3A_207 : i32
      %lt3A_209 = arith.constant 0 : i32
      %lt3A_210 = arith.cmpi slt, %rem3A_206, %lt3A_209 : i32
      %lt3A_211 = arith.constant 0 : i32
      %lt3A_212 = arith.cmpi slt, %select_n3A_205, %lt3A_211 : i32
      %ne3A_213 = arith.xori %lt3A_210, %lt3A_212 : i1
      %and3A_214 = arith.andi %ne3A_213, %ne3A_208 : i1
      %add3A_215 = arith.addi %rem3A_206, %select_n3A_205 : i32
      %select_n3A_216 = arith.select %and3A_214, %add3A_215, %rem3A_206 : i32
      %jit3A_217 = arith.constant 16 : i32
      %eq3A_218 = arith.constant 0 : i32
      %eq3A_219 = arith.cmpi eq, %jit3A_217, %eq3A_218 : i32
      %jit3A_220 = arith.constant 1 : i32
      %select_n3A_221 = arith.select %eq3A_219, %jit3A_220, %jit3A_217 : i32
      %rem3A_222 = arith.remsi %add3A_176, %select_n3A_221 : i32
      %ne3A_223 = arith.constant 0 : i32
      %ne3A_224 = arith.cmpi ne, %rem3A_222, %ne3A_223 : i32
      %lt3A_225 = arith.constant 0 : i32
      %lt3A_226 = arith.cmpi slt, %rem3A_222, %lt3A_225 : i32
      %lt3A_227 = arith.constant 0 : i32
      %lt3A_228 = arith.cmpi slt, %select_n3A_221, %lt3A_227 : i32
      %ne3A_229 = arith.xori %lt3A_226, %lt3A_228 : i1
      %and3A_230 = arith.andi %ne3A_229, %ne3A_224 : i1
      %add3A_231 = arith.addi %rem3A_222, %select_n3A_221 : i32
      %select_n3A_232 = arith.select %and3A_230, %add3A_231, %rem3A_222 : i32
      %dma_wait3A_233 = arith.constant 1 : i32
      %dma_wait3A_234 = arith.constant 0 : i32
      %dma_wait3A_235 = arith.constant 0 : i32
      %dma_wait3A_236 = tpu.memref_slice %arg9[%dma_wait3A_233, %dma_wait3A_234, %dma_wait3A_235] : memref<2x128x128xf32, #tpu.memory_space<vmem>> -> memref<1x128x128xf32, #tpu.memory_space<vmem>>
      %dma_wait3A_237 = tpu.memref_squeeze %dma_wait3A_236 : memref<1x128x128xf32, #tpu.memory_space<vmem>> -> memref<128x128xf32, #tpu.memory_space<vmem>>
      %dma_wait3A_238 = arith.constant 0 : i32
      %dma_wait3A_239 = tpu.memref_slice %arg7[%select_n3A_216, %select_n3A_232, %dma_wait3A_238] : memref<2x16x128xi32, #tpu.memory_space<vmem>> -> memref<1x1x128xi32, #tpu.memory_space<vmem>>
      %dma_wait3A_240 = tpu.memref_squeeze %dma_wait3A_239 : memref<1x1x128xi32, #tpu.memory_space<vmem>> -> memref<128xi32, #tpu.memory_space<vmem>>
      %dma_wait3A_241 = arith.constant 0 : i32
      %dma_wait3A_242 = arith.constant 0 : i32
      %dma_wait3A_243 = tpu.memref_slice %arg2[%dma_wait3A_241, %dma_wait3A_242] : memref<10000x128xf32, #tpu.memory_space<hbm>> -> memref<10000x128xf32, #tpu.memory_space<hbm>>
      tpu.wait_indirect_dma semaphore(%arg12 : memref<!tpu.dma_semaphore, #tpu.memory_space<semaphore_mem>>) src(%dma_wait3A_243 : memref<10000x128xf32, #tpu.memory_space<hbm>>) dst(%dma_wait3A_237 : memref<128x128xf32, #tpu.memory_space<vmem>>)
      %jit3A_244 = arith.constant 2 : i32
      %eq3A_245 = arith.constant 0 : i32
      %eq3A_246 = arith.cmpi eq, %jit3A_244, %eq3A_245 : i32
      %jit3A_247 = arith.constant 1 : i32
      %select_n3A_248 = arith.select %eq3A_246, %jit3A_247, %jit3A_244 : i32
      %rem3A_249 = arith.remsi %select_n3A_200, %select_n3A_248 : i32
      %ne3A_250 = arith.constant 0 : i32
      %ne3A_251 = arith.cmpi ne, %rem3A_249, %ne3A_250 : i32
      %lt3A_252 = arith.constant 0 : i32
      %lt3A_253 = arith.cmpi slt, %rem3A_249, %lt3A_252 : i32
      %lt3A_254 = arith.constant 0 : i32
      %lt3A_255 = arith.cmpi slt, %select_n3A_248, %lt3A_254 : i32
      %ne3A_256 = arith.xori %lt3A_253, %lt3A_255 : i1
      %and3A_257 = arith.andi %ne3A_256, %ne3A_251 : i1
      %add3A_258 = arith.addi %rem3A_249, %select_n3A_248 : i32
      %select_n3A_259 = arith.select %and3A_257, %add3A_258, %rem3A_249 : i32
      %jit3A_260 = arith.constant 16 : i32
      %eq3A_261 = arith.constant 0 : i32
      %eq3A_262 = arith.cmpi eq, %jit3A_260, %eq3A_261 : i32
      %jit3A_263 = arith.constant 1 : i32
      %select_n3A_264 = arith.select %eq3A_262, %jit3A_263, %jit3A_260 : i32
      %rem3A_265 = arith.remsi %add3A_176, %select_n3A_264 : i32
      %ne3A_266 = arith.constant 0 : i32
      %ne3A_267 = arith.cmpi ne, %rem3A_265, %ne3A_266 : i32
      %lt3A_268 = arith.constant 0 : i32
      %lt3A_269 = arith.cmpi slt, %rem3A_265, %lt3A_268 : i32
      %lt3A_270 = arith.constant 0 : i32
      %lt3A_271 = arith.cmpi slt, %select_n3A_264, %lt3A_270 : i32
      %ne3A_272 = arith.xori %lt3A_269, %lt3A_271 : i1
      %and3A_273 = arith.andi %ne3A_272, %ne3A_267 : i1
      %add3A_274 = arith.addi %rem3A_265, %select_n3A_264 : i32
      %select_n3A_275 = arith.select %and3A_273, %add3A_274, %rem3A_265 : i32
      %run_scoped3A_276 = arith.constant 1 : i32
      "tpu.region"() ({
        %run_scoped3A_313 = tpu.sem_alloc : memref<!tpu.dma_semaphore, #tpu.memory_space<semaphore_mem>>
        %dma_start3A_314 = arith.constant 0 : i32
        %dma_start3A_315 = arith.constant 0 : i32
        %dma_start3A_316 = tpu.memref_slice %arg9[%run_scoped3A_276, %dma_start3A_314, %dma_start3A_315] : memref<2x128x128xf32, #tpu.memory_space<vmem>> -> memref<1x128x128xf32, #tpu.memory_space<vmem>>
        %dma_start3A_317 = tpu.memref_squeeze %dma_start3A_316 : memref<1x128x128xf32, #tpu.memory_space<vmem>> -> memref<128x128xf32, #tpu.memory_space<vmem>>
        %dma_start3A_318 = arith.constant 0 : i32
        %dma_start3A_319 = tpu.memref_slice %arg8[%select_n3A_259, %select_n3A_275, %dma_start3A_318] : memref<2x16x128xi32, #tpu.memory_space<vmem>> -> memref<1x1x128xi32, #tpu.memory_space<vmem>>
        %dma_start3A_320 = tpu.memref_squeeze %dma_start3A_319 : memref<1x1x128xi32, #tpu.memory_space<vmem>> -> memref<128xi32, #tpu.memory_space<vmem>>
        %dma_start3A_321 = arith.constant 0 : i32
        %dma_start3A_322 = arith.constant 0 : i32
        %dma_start3A_323 = tpu.memref_slice %arg10[%dma_start3A_321, %dma_start3A_322] : memref<10112x128xf32, #tpu.memory_space<vmem_shared>> -> memref<10112x128xf32, #tpu.memory_space<vmem_shared>>
        tpu.enqueue_indirect_dma source(%dma_start3A_317 : memref<128x128xf32, #tpu.memory_space<vmem>>) target(%dma_start3A_323 : memref<10112x128xf32, #tpu.memory_space<vmem_shared>>) offsets(%dma_start3A_320 : memref<128xi32, #tpu.memory_space<vmem>>) semaphore(%run_scoped3A_313 : memref<!tpu.dma_semaphore, #tpu.memory_space<semaphore_mem>>) {add = true}
        %dma_wait3A_324 = arith.constant 0 : i32
        %dma_wait3A_325 = arith.constant 0 : i32
        %dma_wait3A_326 = tpu.memref_slice %arg9[%run_scoped3A_276, %dma_wait3A_324, %dma_wait3A_325] : memref<2x128x128xf32, #tpu.memory_space<vmem>> -> memref<1x128x128xf32, #tpu.memory_space<vmem>>
        %dma_wait3A_327 = tpu.memref_squeeze %dma_wait3A_326 : memref<1x128x128xf32, #tpu.memory_space<vmem>> -> memref<128x128xf32, #tpu.memory_space<vmem>>
        %dma_wait3A_328 = arith.constant 0 : i32
        %dma_wait3A_329 = tpu.memref_slice %arg8[%select_n3A_259, %select_n3A_275, %dma_wait3A_328] : memref<2x16x128xi32, #tpu.memory_space<vmem>> -> memref<1x1x128xi32, #tpu.memory_space<vmem>>
        %dma_wait3A_330 = tpu.memref_squeeze %dma_wait3A_329 : memref<1x1x128xi32, #tpu.memory_space<vmem>> -> memref<128xi32, #tpu.memory_space<vmem>>
        %dma_wait3A_331 = arith.constant 0 : i32
        %dma_wait3A_332 = arith.constant 0 : i32
        %dma_wait3A_333 = tpu.memref_slice %arg10[%dma_wait3A_331, %dma_wait3A_332] : memref<10112x128xf32, #tpu.memory_space<vmem_shared>> -> memref<10112x128xf32, #tpu.memory_space<vmem_shared>>
        tpu.wait_indirect_dma semaphore(%run_scoped3A_313 : memref<!tpu.dma_semaphore, #tpu.memory_space<semaphore_mem>>) src(%dma_wait3A_327 : memref<128x128xf32, #tpu.memory_space<vmem>>) dst(%dma_wait3A_333 : memref<10112x128xf32, #tpu.memory_space<vmem_shared>>)
        tpu.yield
      }) : () -> ()
      %add3A_277 = arith.constant 2 : i32
      %add3A_278 = arith.addi %add3A_176, %add3A_277 : i32
      %lt3A_279 = arith.constant 80 : i32
      %lt3A_280 = arith.cmpi slt, %add3A_278, %lt3A_279 : i32
      %convert_element_type3A_281 = arith.extui %lt3A_280 : i1 to i32
      %cond3A_282 = arith.constant 0 : i32
      %cond3A_283 = arith.cmpi ne, %convert_element_type3A_281, %cond3A_282 : i32
      scf.if %cond3A_283 {
        %jit3A_313 = arith.constant 16 : i32
        %div3A_314 = arith.divsi %add3A_278, %jit3A_313 : i32
        %sign3A_315 = arith.constant 0 : i32
        %sign3A_316 = arith.cmpi sgt, %add3A_278, %sign3A_315 : i32
        %sign3A_317 = arith.extui %sign3A_316 : i1 to i32
        %sign3A_318 = arith.constant 0 : i32
        %sign3A_319 = arith.cmpi slt, %add3A_278, %sign3A_318 : i32
        %sign3A_320 = arith.extui %sign3A_319 : i1 to i32
        %sign3A_321 = arith.subi %sign3A_317, %sign3A_320 : i32
        %sign3A_322 = arith.constant 0 : i32
        %sign3A_323 = arith.cmpi sgt, %jit3A_313, %sign3A_322 : i32
        %sign3A_324 = arith.extui %sign3A_323 : i1 to i32
        %sign3A_325 = arith.constant 0 : i32
        %sign3A_326 = arith.cmpi slt, %jit3A_313, %sign3A_325 : i32
        %sign3A_327 = arith.extui %sign3A_326 : i1 to i32
        %sign3A_328 = arith.subi %sign3A_324, %sign3A_327 : i32
        %ne3A_329 = arith.cmpi ne, %sign3A_321, %sign3A_328 : i32
        %rem3A_330 = arith.remsi %add3A_278, %jit3A_313 : i32
        %ne3A_331 = arith.constant 0 : i32
        %ne3A_332 = arith.cmpi ne, %rem3A_330, %ne3A_331 : i32
        %and3A_333 = arith.andi %ne3A_329, %ne3A_332 : i1
        %sub3A_334 = arith.constant 1 : i32
        %sub3A_335 = arith.subi %div3A_314, %sub3A_334 : i32
        %select_n3A_336 = arith.select %and3A_333, %sub3A_335, %div3A_314 : i32
        %jit3A_337 = arith.constant 2 : i32
        %eq3A_338 = arith.constant 0 : i32
        %eq3A_339 = arith.cmpi eq, %jit3A_337, %eq3A_338 : i32
        %jit3A_340 = arith.constant 1 : i32
        %select_n3A_341 = arith.select %eq3A_339, %jit3A_340, %jit3A_337 : i32
        %rem3A_342 = arith.remsi %select_n3A_336, %select_n3A_341 : i32
        %ne3A_343 = arith.constant 0 : i32
        %ne3A_344 = arith.cmpi ne, %rem3A_342, %ne3A_343 : i32
        %lt3A_345 = arith.constant 0 : i32
        %lt3A_346 = arith.cmpi slt, %rem3A_342, %lt3A_345 : i32
        %lt3A_347 = arith.constant 0 : i32
        %lt3A_348 = arith.cmpi slt, %select_n3A_341, %lt3A_347 : i32
        %ne3A_349 = arith.xori %lt3A_346, %lt3A_348 : i1
        %and3A_350 = arith.andi %ne3A_349, %ne3A_344 : i1
        %add3A_351 = arith.addi %rem3A_342, %select_n3A_341 : i32
        %select_n3A_352 = arith.select %and3A_350, %add3A_351, %rem3A_342 : i32
        %jit3A_353 = arith.constant 16 : i32
        %eq3A_354 = arith.constant 0 : i32
        %eq3A_355 = arith.cmpi eq, %jit3A_353, %eq3A_354 : i32
        %jit3A_356 = arith.constant 1 : i32
        %select_n3A_357 = arith.select %eq3A_355, %jit3A_356, %jit3A_353 : i32
        %rem3A_358 = arith.remsi %add3A_278, %select_n3A_357 : i32
        %ne3A_359 = arith.constant 0 : i32
        %ne3A_360 = arith.cmpi ne, %rem3A_358, %ne3A_359 : i32
        %lt3A_361 = arith.constant 0 : i32
        %lt3A_362 = arith.cmpi slt, %rem3A_358, %lt3A_361 : i32
        %lt3A_363 = arith.constant 0 : i32
        %lt3A_364 = arith.cmpi slt, %select_n3A_357, %lt3A_363 : i32
        %ne3A_365 = arith.xori %lt3A_362, %lt3A_364 : i1
        %and3A_366 = arith.andi %ne3A_365, %ne3A_360 : i1
        %add3A_367 = arith.addi %rem3A_358, %select_n3A_357 : i32
        %select_n3A_368 = arith.select %and3A_366, %add3A_367, %rem3A_358 : i32
        %dma_start3A_369 = arith.constant 1 : i32
        %dma_start3A_370 = arith.constant 0 : i32
        %dma_start3A_371 = arith.constant 0 : i32
        %dma_start3A_372 = tpu.memref_slice %arg9[%dma_start3A_369, %dma_start3A_370, %dma_start3A_371] : memref<2x128x128xf32, #tpu.memory_space<vmem>> -> memref<1x128x128xf32, #tpu.memory_space<vmem>>
        %dma_start3A_373 = tpu.memref_squeeze %dma_start3A_372 : memref<1x128x128xf32, #tpu.memory_space<vmem>> -> memref<128x128xf32, #tpu.memory_space<vmem>>
        %dma_start3A_374 = arith.constant 0 : i32
        %dma_start3A_375 = tpu.memref_slice %arg7[%select_n3A_352, %select_n3A_368, %dma_start3A_374] : memref<2x16x128xi32, #tpu.memory_space<vmem>> -> memref<1x1x128xi32, #tpu.memory_space<vmem>>
        %dma_start3A_376 = tpu.memref_squeeze %dma_start3A_375 : memref<1x1x128xi32, #tpu.memory_space<vmem>> -> memref<128xi32, #tpu.memory_space<vmem>>
        %dma_start3A_377 = arith.constant 0 : i32
        %dma_start3A_378 = arith.constant 0 : i32
        %dma_start3A_379 = tpu.memref_slice %arg2[%dma_start3A_377, %dma_start3A_378] : memref<10000x128xf32, #tpu.memory_space<hbm>> -> memref<10000x128xf32, #tpu.memory_space<hbm>>
        tpu.enqueue_indirect_dma source(%dma_start3A_379 : memref<10000x128xf32, #tpu.memory_space<hbm>>) target(%dma_start3A_373 : memref<128x128xf32, #tpu.memory_space<vmem>>) offsets(%dma_start3A_376 : memref<128xi32, #tpu.memory_space<vmem>>) semaphore(%arg12 : memref<!tpu.dma_semaphore, #tpu.memory_space<semaphore_mem>>)
      } else {
      }
      %jit3A_284 = arith.constant 16 : i32
      %eq3A_285 = arith.constant 0 : i32
      %eq3A_286 = arith.cmpi eq, %jit3A_284, %eq3A_285 : i32
      %jit3A_287 = arith.constant 1 : i32
      %select_n3A_288 = arith.select %eq3A_286, %jit3A_287, %jit3A_284 : i32
      %rem3A_289 = arith.remsi %add3A_176, %select_n3A_288 : i32
      %ne3A_290 = arith.constant 0 : i32
      %ne3A_291 = arith.cmpi ne, %rem3A_289, %ne3A_290 : i32
      %lt3A_292 = arith.constant 0 : i32
      %lt3A_293 = arith.cmpi slt, %rem3A_289, %lt3A_292 : i32
      %lt3A_294 = arith.constant 0 : i32
      %lt3A_295 = arith.cmpi slt, %select_n3A_288, %lt3A_294 : i32
      %ne3A_296 = arith.xori %lt3A_293, %lt3A_295 : i1
      %and3A_297 = arith.andi %ne3A_296, %ne3A_291 : i1
      %add3A_298 = arith.addi %rem3A_289, %select_n3A_288 : i32
      %select_n3A_299 = arith.select %and3A_297, %add3A_298, %rem3A_289 : i32
      %eq3A_300 = arith.constant 2 : i32
      %eq3A_301 = arith.cmpi eq, %select_n3A_299, %eq3A_300 : i32
      %ge3A_302 = arith.constant 1 : i32
      %ge3A_303 = arith.cmpi sge, %select_n3A_200, %ge3A_302 : i32
      %and3A_304 = arith.andi %eq3A_301, %ge3A_303 : i1
      %add3A_305 = arith.constant 1 : i32
      %add3A_306 = arith.addi %select_n3A_200, %add3A_305 : i32
      %lt3A_307 = arith.constant 5 : i32
      %lt3A_308 = arith.cmpi slt, %add3A_306, %lt3A_307 : i32
      %and3A_309 = arith.andi %and3A_304, %lt3A_308 : i1
      %convert_element_type3A_310 = arith.extui %and3A_309 : i1 to i32
      %cond3A_311 = arith.constant 0 : i32
      %cond3A_312 = arith.cmpi ne, %convert_element_type3A_310, %cond3A_311 : i32
      scf.if %cond3A_312 {
        %add3A_313 = arith.constant 1 : i32
        %add3A_314 = arith.addi %select_n3A_200, %add3A_313 : i32
        %mul3A_315 = arith.constant 16 : i32
        %mul3A_316 = arith.muli %add3A_314, %mul3A_315 : i32
        %multiple_of3A_317 = tpu.assume_multiple %mul3A_316, 8 : i32
        %jit3A_318 = arith.constant 2 : i32
        %eq3A_319 = arith.constant 0 : i32
        %eq3A_320 = arith.cmpi eq, %jit3A_318, %eq3A_319 : i32
        %jit3A_321 = arith.constant 1 : i32
        %select_n3A_322 = arith.select %eq3A_320, %jit3A_321, %jit3A_318 : i32
        %rem3A_323 = arith.remsi %add3A_314, %select_n3A_322 : i32
        %ne3A_324 = arith.constant 0 : i32
        %ne3A_325 = arith.cmpi ne, %rem3A_323, %ne3A_324 : i32
        %lt3A_326 = arith.constant 0 : i32
        %lt3A_327 = arith.cmpi slt, %rem3A_323, %lt3A_326 : i32
        %lt3A_328 = arith.constant 0 : i32
        %lt3A_329 = arith.cmpi slt, %select_n3A_322, %lt3A_328 : i32
        %ne3A_330 = arith.xori %lt3A_327, %lt3A_329 : i1
        %and3A_331 = arith.andi %ne3A_330, %ne3A_325 : i1
        %add3A_332 = arith.addi %rem3A_323, %select_n3A_322 : i32
        %select_n3A_333 = arith.select %and3A_331, %add3A_332, %rem3A_323 : i32
        "tpu.region"() ({
          %run_scoped3A_350 = tpu.sem_alloc : memref<!tpu.dma_semaphore, #tpu.memory_space<semaphore_mem>>
          %dma_start3A_351 = arith.constant 0 : i32
          %dma_start3A_352 = arith.constant 0 : i32
          %dma_start3A_353 = tpu.memref_slice %arg7[%select_n3A_333, %dma_start3A_351, %dma_start3A_352] : memref<2x16x128xi32, #tpu.memory_space<vmem>> -> memref<1x16x128xi32, #tpu.memory_space<vmem>>
          %dma_start3A_354 = tpu.memref_squeeze %dma_start3A_353 : memref<1x16x128xi32, #tpu.memory_space<vmem>> -> memref<16x128xi32, #tpu.memory_space<vmem>>
          %dma_start3A_355 = arith.constant 0 : i32
          %dma_start3A_356 = tpu.memref_slice %arg3[%add3A, %multiple_of3A_317, %dma_start3A_355] : memref<32x80x128xi32, #tpu.memory_space<hbm>> -> memref<1x16x128xi32, #tpu.memory_space<hbm>>
          %dma_start3A_357 = tpu.memref_squeeze %dma_start3A_356 : memref<1x16x128xi32, #tpu.memory_space<hbm>> -> memref<16x128xi32, #tpu.memory_space<hbm>>
          %dma_start3A_358 = arith.constant 0 : i32
          %dma_start3A_359 = arith.constant 0 : i32
          %dma_start3A_360 = tpu.memref_slice %arg7[%select_n3A_333, %dma_start3A_358, %dma_start3A_359] : memref<2x16x128xi32, #tpu.memory_space<vmem>> -> memref<1x16x128xi32, #tpu.memory_space<vmem>>
          %dma_start3A_361 = tpu.memref_squeeze %dma_start3A_360 : memref<1x16x128xi32, #tpu.memory_space<vmem>> -> memref<16x128xi32, #tpu.memory_space<vmem>>
          %dma_start3A_362 = arith.constant 0 : i32
          %dma_start3A_363 = tpu.memref_slice %arg3[%add3A, %multiple_of3A_317, %dma_start3A_362] : memref<32x80x128xi32, #tpu.memory_space<hbm>> -> memref<1x16x128xi32, #tpu.memory_space<hbm>>
          %dma_start3A_364 = tpu.memref_squeeze %dma_start3A_363 : memref<1x16x128xi32, #tpu.memory_space<hbm>> -> memref<16x128xi32, #tpu.memory_space<hbm>>
          tpu.enqueue_dma source(%dma_start3A_364 : memref<16x128xi32, #tpu.memory_space<hbm>>) target(%dma_start3A_361 : memref<16x128xi32, #tpu.memory_space<vmem>>) target_semaphore(%run_scoped3A_350 : memref<!tpu.dma_semaphore, #tpu.memory_space<semaphore_mem>>)
          %dma_wait3A_365 = arith.constant 0 : i32
          %dma_wait3A_366 = arith.constant 0 : i32
          %dma_wait3A_367 = tpu.memref_slice %arg7[%select_n3A_333, %dma_wait3A_365, %dma_wait3A_366] : memref<2x16x128xi32, #tpu.memory_space<vmem>> -> memref<1x16x128xi32, #tpu.memory_space<vmem>>
          %dma_wait3A_368 = tpu.memref_squeeze %dma_wait3A_367 : memref<1x16x128xi32, #tpu.memory_space<vmem>> -> memref<16x128xi32, #tpu.memory_space<vmem>>
          %dma_wait3A_369 = arith.constant 0 : i32
          %dma_wait3A_370 = tpu.memref_slice %arg3[%add3A, %multiple_of3A_317, %dma_wait3A_369] : memref<32x80x128xi32, #tpu.memory_space<hbm>> -> memref<1x16x128xi32, #tpu.memory_space<hbm>>
          %dma_wait3A_371 = tpu.memref_squeeze %dma_wait3A_370 : memref<1x16x128xi32, #tpu.memory_space<hbm>> -> memref<16x128xi32, #tpu.memory_space<hbm>>
          %dma_wait3A_372 = arith.constant 0 : i32
          %dma_wait3A_373 = arith.constant 0 : i32
          %dma_wait3A_374 = tpu.memref_slice %arg7[%select_n3A_333, %dma_wait3A_372, %dma_wait3A_373] : memref<2x16x128xi32, #tpu.memory_space<vmem>> -> memref<1x16x128xi32, #tpu.memory_space<vmem>>
          %dma_wait3A_375 = tpu.memref_squeeze %dma_wait3A_374 : memref<1x16x128xi32, #tpu.memory_space<vmem>> -> memref<16x128xi32, #tpu.memory_space<vmem>>
          %dma_wait3A_376 = arith.constant 0 : i32
          %dma_wait3A_377 = tpu.memref_slice %arg3[%add3A, %multiple_of3A_317, %dma_wait3A_376] : memref<32x80x128xi32, #tpu.memory_space<hbm>> -> memref<1x16x128xi32, #tpu.memory_space<hbm>>
          %dma_wait3A_378 = tpu.memref_squeeze %dma_wait3A_377 : memref<1x16x128xi32, #tpu.memory_space<hbm>> -> memref<16x128xi32, #tpu.memory_space<hbm>>
          tpu.wait_dma2 semaphore(%run_scoped3A_350 : memref<!tpu.dma_semaphore, #tpu.memory_space<semaphore_mem>>) src(%dma_wait3A_378 : memref<16x128xi32, #tpu.memory_space<hbm>>) dst(%dma_wait3A_375 : memref<16x128xi32, #tpu.memory_space<vmem>>)
          tpu.yield
        }) : () -> ()
        %jit3A_334 = arith.constant 2 : i32
        %eq3A_335 = arith.constant 0 : i32
        %eq3A_336 = arith.cmpi eq, %jit3A_334, %eq3A_335 : i32
        %jit3A_337 = arith.constant 1 : i32
        %select_n3A_338 = arith.select %eq3A_336, %jit3A_337, %jit3A_334 : i32
        %rem3A_339 = arith.remsi %add3A_314, %select_n3A_338 : i32
        %ne3A_340 = arith.constant 0 : i32
        %ne3A_341 = arith.cmpi ne, %rem3A_339, %ne3A_340 : i32
        %lt3A_342 = arith.constant 0 : i32
        %lt3A_343 = arith.cmpi slt, %rem3A_339, %lt3A_342 : i32
        %lt3A_344 = arith.constant 0 : i32
        %lt3A_345 = arith.cmpi slt, %select_n3A_338, %lt3A_344 : i32
        %ne3A_346 = arith.xori %lt3A_343, %lt3A_345 : i1
        %and3A_347 = arith.andi %ne3A_346, %ne3A_341 : i1
        %add3A_348 = arith.addi %rem3A_339, %select_n3A_338 : i32
        %select_n3A_349 = arith.select %and3A_347, %add3A_348, %rem3A_339 : i32
        "tpu.region"() ({
          %run_scoped3A_350 = tpu.sem_alloc : memref<!tpu.dma_semaphore, #tpu.memory_space<semaphore_mem>>
          %dma_start3A_351 = arith.constant 0 : i32
          %dma_start3A_352 = arith.constant 0 : i32
          %dma_start3A_353 = tpu.memref_slice %arg8[%select_n3A_349, %dma_start3A_351, %dma_start3A_352] : memref<2x16x128xi32, #tpu.memory_space<vmem>> -> memref<1x16x128xi32, #tpu.memory_space<vmem>>
          %dma_start3A_354 = tpu.memref_squeeze %dma_start3A_353 : memref<1x16x128xi32, #tpu.memory_space<vmem>> -> memref<16x128xi32, #tpu.memory_space<vmem>>
          %dma_start3A_355 = arith.constant 0 : i32
          %dma_start3A_356 = tpu.memref_slice %arg4[%add3A, %multiple_of3A_317, %dma_start3A_355] : memref<32x80x128xi32, #tpu.memory_space<hbm>> -> memref<1x16x128xi32, #tpu.memory_space<hbm>>
          %dma_start3A_357 = tpu.memref_squeeze %dma_start3A_356 : memref<1x16x128xi32, #tpu.memory_space<hbm>> -> memref<16x128xi32, #tpu.memory_space<hbm>>
          %dma_start3A_358 = arith.constant 0 : i32
          %dma_start3A_359 = arith.constant 0 : i32
          %dma_start3A_360 = tpu.memref_slice %arg8[%select_n3A_349, %dma_start3A_358, %dma_start3A_359] : memref<2x16x128xi32, #tpu.memory_space<vmem>> -> memref<1x16x128xi32, #tpu.memory_space<vmem>>
          %dma_start3A_361 = tpu.memref_squeeze %dma_start3A_360 : memref<1x16x128xi32, #tpu.memory_space<vmem>> -> memref<16x128xi32, #tpu.memory_space<vmem>>
          %dma_start3A_362 = arith.constant 0 : i32
          %dma_start3A_363 = tpu.memref_slice %arg4[%add3A, %multiple_of3A_317, %dma_start3A_362] : memref<32x80x128xi32, #tpu.memory_space<hbm>> -> memref<1x16x128xi32, #tpu.memory_space<hbm>>
          %dma_start3A_364 = tpu.memref_squeeze %dma_start3A_363 : memref<1x16x128xi32, #tpu.memory_space<hbm>> -> memref<16x128xi32, #tpu.memory_space<hbm>>
          tpu.enqueue_dma source(%dma_start3A_364 : memref<16x128xi32, #tpu.memory_space<hbm>>) target(%dma_start3A_361 : memref<16x128xi32, #tpu.memory_space<vmem>>) target_semaphore(%run_scoped3A_350 : memref<!tpu.dma_semaphore, #tpu.memory_space<semaphore_mem>>)
          %dma_wait3A_365 = arith.constant 0 : i32
          %dma_wait3A_366 = arith.constant 0 : i32
          %dma_wait3A_367 = tpu.memref_slice %arg8[%select_n3A_349, %dma_wait3A_365, %dma_wait3A_366] : memref<2x16x128xi32, #tpu.memory_space<vmem>> -> memref<1x16x128xi32, #tpu.memory_space<vmem>>
          %dma_wait3A_368 = tpu.memref_squeeze %dma_wait3A_367 : memref<1x16x128xi32, #tpu.memory_space<vmem>> -> memref<16x128xi32, #tpu.memory_space<vmem>>
          %dma_wait3A_369 = arith.constant 0 : i32
          %dma_wait3A_370 = tpu.memref_slice %arg4[%add3A, %multiple_of3A_317, %dma_wait3A_369] : memref<32x80x128xi32, #tpu.memory_space<hbm>> -> memref<1x16x128xi32, #tpu.memory_space<hbm>>
          %dma_wait3A_371 = tpu.memref_squeeze %dma_wait3A_370 : memref<1x16x128xi32, #tpu.memory_space<hbm>> -> memref<16x128xi32, #tpu.memory_space<hbm>>
          %dma_wait3A_372 = arith.constant 0 : i32
          %dma_wait3A_373 = arith.constant 0 : i32
          %dma_wait3A_374 = tpu.memref_slice %arg8[%select_n3A_349, %dma_wait3A_372, %dma_wait3A_373] : memref<2x16x128xi32, #tpu.memory_space<vmem>> -> memref<1x16x128xi32, #tpu.memory_space<vmem>>
          %dma_wait3A_375 = tpu.memref_squeeze %dma_wait3A_374 : memref<1x16x128xi32, #tpu.memory_space<vmem>> -> memref<16x128xi32, #tpu.memory_space<vmem>>
          %dma_wait3A_376 = arith.constant 0 : i32
          %dma_wait3A_377 = tpu.memref_slice %arg4[%add3A, %multiple_of3A_317, %dma_wait3A_376] : memref<32x80x128xi32, #tpu.memory_space<hbm>> -> memref<1x16x128xi32, #tpu.memory_space<hbm>>
          %dma_wait3A_378 = tpu.memref_squeeze %dma_wait3A_377 : memref<1x16x128xi32, #tpu.memory_space<hbm>> -> memref<16x128xi32, #tpu.memory_space<hbm>>
          tpu.wait_dma2 semaphore(%run_scoped3A_350 : memref<!tpu.dma_semaphore, #tpu.memory_space<semaphore_mem>>) src(%dma_wait3A_378 : memref<16x128xi32, #tpu.memory_space<hbm>>) dst(%dma_wait3A_375 : memref<16x128xi32, #tpu.memory_space<vmem>>)
          tpu.yield
        }) : () -> ()
      } else {
      }
    }
    %scan3A_40 = arith.constant 40 : i32
    %barrier3A_41 = arith.constant 0 : index
    tpu.barrier barrier_id(%barrier3A_41)
    %mul3A_42 = arith.constant 632 : i32
    %mul3A_43 = arith.muli %arg1, %mul3A_42 : i32
    %mul3A_44 = arith.constant 632 : i32
    %mul3A_45 = arith.muli %arg1, %mul3A_44 : i32
    "tpu.region"() ({
      %run_scoped3A_46 = tpu.sem_alloc : memref<!tpu.dma_semaphore, #tpu.memory_space<semaphore_mem>>
      %dma_start3A_47 = arith.constant 0 : i32
      %dma_start3A_48 = tpu.memref_slice %arg6[%arg0, %mul3A_45, %dma_start3A_47] : memref<2x10112x128xf32, #tpu.memory_space<hbm>> -> memref<1x632x128xf32, #tpu.memory_space<hbm>>
      %dma_start3A_49 = tpu.memref_squeeze %dma_start3A_48 : memref<1x632x128xf32, #tpu.memory_space<hbm>> -> memref<632x128xf32, #tpu.memory_space<hbm>>
      %dma_start3A_50 = arith.constant 0 : i32
      %dma_start3A_51 = tpu.memref_slice %arg10[%mul3A_43, %dma_start3A_50] : memref<10112x128xf32, #tpu.memory_space<vmem_shared>> -> memref<632x128xf32, #tpu.memory_space<vmem_shared>>
      tpu.enqueue_dma source(%dma_start3A_51 : memref<632x128xf32, #tpu.memory_space<vmem_shared>>) target(%dma_start3A_49 : memref<632x128xf32, #tpu.memory_space<hbm>>) target_semaphore(%run_scoped3A_46 : memref<!tpu.dma_semaphore, #tpu.memory_space<semaphore_mem>>)
      %dma_wait3A = arith.constant 0 : i32
      %dma_wait3A_52 = tpu.memref_slice %arg6[%arg0, %mul3A_45, %dma_wait3A] : memref<2x10112x128xf32, #tpu.memory_space<hbm>> -> memref<1x632x128xf32, #tpu.memory_space<hbm>>
      %dma_wait3A_53 = tpu.memref_squeeze %dma_wait3A_52 : memref<1x632x128xf32, #tpu.memory_space<hbm>> -> memref<632x128xf32, #tpu.memory_space<hbm>>
      %dma_wait3A_54 = arith.constant 0 : i32
      %dma_wait3A_55 = tpu.memref_slice %arg10[%mul3A_43, %dma_wait3A_54] : memref<10112x128xf32, #tpu.memory_space<vmem_shared>> -> memref<632x128xf32, #tpu.memory_space<vmem_shared>>
      tpu.wait_dma2 semaphore(%run_scoped3A_46 : memref<!tpu.dma_semaphore, #tpu.memory_space<semaphore_mem>>) src(%dma_wait3A_55 : memref<632x128xf32, #tpu.memory_space<vmem_shared>>) dst(%dma_wait3A_53 : memref<632x128xf32, #tpu.memory_space<hbm>>)
      tpu.yield
    }) : () -> ()
    return
  }
}

#map = affine_map<(d0, d1) -> (0, 0)>
#map1 = affine_map<(d0, d1) -> (0, 0, 0)>
module attributes {stable_mosaic.version = 14 : i64} {
  func.func @_gs_body(%arg0: i32, %arg1: i32, %arg2: memref<10000x128xf32, #tpu.memory_space<hbm>>, %arg3: memref<32x80x128xi32, #tpu.memory_space<hbm>>, %arg4: memref<32x80x128xi32, #tpu.memory_space<hbm>>, %arg5: memref<2x10112x128xf32, #tpu.memory_space<hbm>>, %arg6: memref<2x10112x128xf32, #tpu.memory_space<hbm>>, %arg7: memref<2x16x128xi32, #tpu.memory_space<vmem>>, %arg8: memref<2x16x128xi32, #tpu.memory_space<vmem>>, %arg9: memref<2x128x128xf32, #tpu.memory_space<vmem>>, %arg10: memref<10112x128xf32, #tpu.memory_space<vmem_shared>>, %arg11: memref<!tpu.dma_semaphore, #tpu.memory_space<semaphore_mem>>, %arg12: memref<!tpu.dma_semaphore, #tpu.memory_space<semaphore_mem>>) attributes {dimension_semantics = [#tpu.dimension_semantics<core_parallel>, #tpu.dimension_semantics<subcore_parallel>], iteration_bounds = array<i64: 2, 16>, scalar_prefetch = 0 : i64, scratch_operands = 6 : i64, tpu.core_type = #tpu.core_type<sc_vector_subcore>, window_params = [{transform_indices = #map}, {transform_indices = #map1}, {transform_indices = #map1}, {transform_indices = #map1}, {transform_indices = #map1}]} {
    %mul3A = arith.constant 16 : i32
    %mul3A_0 = arith.muli %arg0, %mul3A : i32
    %add3A = arith.addi %mul3A_0, %arg1 : i32
    %mul3A_1 = arith.constant 632 : i32
    %mul3A_2 = arith.muli %arg1, %mul3A_1 : i32
    %mul3A_3 = arith.constant 632 : i32
    %mul3A_4 = arith.muli %arg1, %mul3A_3 : i32
    "tpu.region"() ({
      %run_scoped3A_46 = tpu.sem_alloc : memref<!tpu.dma_semaphore, #tpu.memory_space<semaphore_mem>>
      %dma_start3A_47 = arith.constant 0 : i32
      %dma_start3A_48 = tpu.memref_slice %arg10[%mul3A_4, %dma_start3A_47] : memref<10112x128xf32, #tpu.memory_space<vmem_shared>> -> memref<632x128xf32, #tpu.memory_space<vmem_shared>>
      %dma_start3A_49 = arith.constant 0 : i32
      %dma_start3A_50 = tpu.memref_slice %arg5[%arg0, %mul3A_2, %dma_start3A_49] : memref<2x10112x128xf32, #tpu.memory_space<hbm>> -> memref<1x632x128xf32, #tpu.memory_space<hbm>>
      %dma_start3A_51 = tpu.memref_squeeze %dma_start3A_50 : memref<1x632x128xf32, #tpu.memory_space<hbm>> -> memref<632x128xf32, #tpu.memory_space<hbm>>
      tpu.enqueue_dma source(%dma_start3A_51 : memref<632x128xf32, #tpu.memory_space<hbm>>) target(%dma_start3A_48 : memref<632x128xf32, #tpu.memory_space<vmem_shared>>) target_semaphore(%run_scoped3A_46 : memref<!tpu.dma_semaphore, #tpu.memory_space<semaphore_mem>>)
      %dma_wait3A = arith.constant 0 : i32
      %dma_wait3A_52 = tpu.memref_slice %arg10[%mul3A_4, %dma_wait3A] : memref<10112x128xf32, #tpu.memory_space<vmem_shared>> -> memref<632x128xf32, #tpu.memory_space<vmem_shared>>
      %dma_wait3A_53 = arith.constant 0 : i32
      %dma_wait3A_54 = tpu.memref_slice %arg5[%arg0, %mul3A_2, %dma_wait3A_53] : memref<2x10112x128xf32, #tpu.memory_space<hbm>> -> memref<1x632x128xf32, #tpu.memory_space<hbm>>
      %dma_wait3A_55 = tpu.memref_squeeze %dma_wait3A_54 : memref<1x632x128xf32, #tpu.memory_space<hbm>> -> memref<632x128xf32, #tpu.memory_space<hbm>>
      tpu.wait_dma2 semaphore(%run_scoped3A_46 : memref<!tpu.dma_semaphore, #tpu.memory_space<semaphore_mem>>) src(%dma_wait3A_55 : memref<632x128xf32, #tpu.memory_space<hbm>>) dst(%dma_wait3A_52 : memref<632x128xf32, #tpu.memory_space<vmem_shared>>)
      tpu.yield
    }) : () -> ()
    %barrier3A = arith.constant 0 : index
    tpu.barrier barrier_id(%barrier3A)
    %multiple_of3A = arith.constant 0 : i32
    %multiple_of3A_5 = tpu.assume_multiple %multiple_of3A, 8 : i32
    %run_scoped3A = arith.constant 0 : i32
    "tpu.region"() ({
      %run_scoped3A_46 = tpu.sem_alloc : memref<!tpu.dma_semaphore, #tpu.memory_space<semaphore_mem>>
      %dma_start3A_47 = arith.constant 0 : i32
      %dma_start3A_48 = arith.constant 0 : i32
      %dma_start3A_49 = tpu.memref_slice %arg7[%run_scoped3A, %dma_start3A_47, %dma_start3A_48] : memref<2x16x128xi32, #tpu.memory_space<vmem>> -> memref<1x16x128xi32, #tpu.memory_space<vmem>>
      %dma_start3A_50 = tpu.memref_squeeze %dma_start3A_49 : memref<1x16x128xi32, #tpu.memory_space<vmem>> -> memref<16x128xi32, #tpu.memory_space<vmem>>
      %dma_start3A_51 = arith.constant 0 : i32
      %dma_start3A_52 = tpu.memref_slice %arg3[%add3A, %multiple_of3A_5, %dma_start3A_51] : memref<32x80x128xi32, #tpu.memory_space<hbm>> -> memref<1x16x128xi32, #tpu.memory_space<hbm>>
      %dma_start3A_53 = tpu.memref_squeeze %dma_start3A_52 : memref<1x16x128xi32, #tpu.memory_space<hbm>> -> memref<16x128xi32, #tpu.memory_space<hbm>>
      %dma_start3A_54 = arith.constant 0 : i32
      %dma_start3A_55 = arith.constant 0 : i32
      %dma_start3A_56 = tpu.memref_slice %arg7[%run_scoped3A, %dma_start3A_54, %dma_start3A_55] : memref<2x16x128xi32, #tpu.memory_space<vmem>> -> memref<1x16x128xi32, #tpu.memory_space<vmem>>
      %dma_start3A_57 = tpu.memref_squeeze %dma_start3A_56 : memref<1x16x128xi32, #tpu.memory_space<vmem>> -> memref<16x128xi32, #tpu.memory_space<vmem>>
      %dma_start3A_58 = arith.constant 0 : i32
      %dma_start3A_59 = tpu.memref_slice %arg3[%add3A, %multiple_of3A_5, %dma_start3A_58] : memref<32x80x128xi32, #tpu.memory_space<hbm>> -> memref<1x16x128xi32, #tpu.memory_space<hbm>>
      %dma_start3A_60 = tpu.memref_squeeze %dma_start3A_59 : memref<1x16x128xi32, #tpu.memory_space<hbm>> -> memref<16x128xi32, #tpu.memory_space<hbm>>
      tpu.enqueue_dma source(%dma_start3A_60 : memref<16x128xi32, #tpu.memory_space<hbm>>) target(%dma_start3A_57 : memref<16x128xi32, #tpu.memory_space<vmem>>) target_semaphore(%run_scoped3A_46 : memref<!tpu.dma_semaphore, #tpu.memory_space<semaphore_mem>>)
      %dma_wait3A = arith.constant 0 : i32
      %dma_wait3A_61 = arith.constant 0 : i32
      %dma_wait3A_62 = tpu.memref_slice %arg7[%run_scoped3A, %dma_wait3A, %dma_wait3A_61] : memref<2x16x128xi32, #tpu.memory_space<vmem>> -> memref<1x16x128xi32, #tpu.memory_space<vmem>>
      %dma_wait3A_63 = tpu.memref_squeeze %dma_wait3A_62 : memref<1x16x128xi32, #tpu.memory_space<vmem>> -> memref<16x128xi32, #tpu.memory_space<vmem>>
      %dma_wait3A_64 = arith.constant 0 : i32
      %dma_wait3A_65 = tpu.memref_slice %arg3[%add3A, %multiple_of3A_5, %dma_wait3A_64] : memref<32x80x128xi32, #tpu.memory_space<hbm>> -> memref<1x16x128xi32, #tpu.memory_space<hbm>>
      %dma_wait3A_66 = tpu.memref_squeeze %dma_wait3A_65 : memref<1x16x128xi32, #tpu.memory_space<hbm>> -> memref<16x128xi32, #tpu.memory_space<hbm>>
      %dma_wait3A_67 = arith.constant 0 : i32
      %dma_wait3A_68 = arith.constant 0 : i32
      %dma_wait3A_69 = tpu.memref_slice %arg7[%run_scoped3A, %dma_wait3A_67, %dma_wait3A_68] : memref<2x16x128xi32, #tpu.memory_space<vmem>> -> memref<1x16x128xi32, #tpu.memory_space<vmem>>
      %dma_wait3A_70 = tpu.memref_squeeze %dma_wait3A_69 : memref<1x16x128xi32, #tpu.memory_space<vmem>> -> memref<16x128xi32, #tpu.memory_space<vmem>>
      %dma_wait3A_71 = arith.constant 0 : i32
      %dma_wait3A_72 = tpu.memref_slice %arg3[%add3A, %multiple_of3A_5, %dma_wait3A_71] : memref<32x80x128xi32, #tpu.memory_space<hbm>> -> memref<1x16x128xi32, #tpu.memory_space<hbm>>
      %dma_wait3A_73 = tpu.memref_squeeze %dma_wait3A_72 : memref<1x16x128xi32, #tpu.memory_space<hbm>> -> memref<16x128xi32, #tpu.memory_space<hbm>>
      tpu.wait_dma2 semaphore(%run_scoped3A_46 : memref<!tpu.dma_semaphore, #tpu.memory_space<semaphore_mem>>) src(%dma_wait3A_73 : memref<16x128xi32, #tpu.memory_space<hbm>>) dst(%dma_wait3A_70 : memref<16x128xi32, #tpu.memory_space<vmem>>)
      tpu.yield
    }) : () -> ()
    %run_scoped3A_6 = arith.constant 0 : i32
    "tpu.region"() ({
      %run_scoped3A_46 = tpu.sem_alloc : memref<!tpu.dma_semaphore, #tpu.memory_space<semaphore_mem>>
      %dma_start3A_47 = arith.constant 0 : i32
      %dma_start3A_48 = arith.constant 0 : i32
      %dma_start3A_49 = tpu.memref_slice %arg8[%run_scoped3A_6, %dma_start3A_47, %dma_start3A_48] : memref<2x16x128xi32, #tpu.memory_space<vmem>> -> memref<1x16x128xi32, #tpu.memory_space<vmem>>
      %dma_start3A_50 = tpu.memref_squeeze %dma_start3A_49 : memref<1x16x128xi32, #tpu.memory_space<vmem>> -> memref<16x128xi32, #tpu.memory_space<vmem>>
      %dma_start3A_51 = arith.constant 0 : i32
      %dma_start3A_52 = tpu.memref_slice %arg4[%add3A, %multiple_of3A_5, %dma_start3A_51] : memref<32x80x128xi32, #tpu.memory_space<hbm>> -> memref<1x16x128xi32, #tpu.memory_space<hbm>>
      %dma_start3A_53 = tpu.memref_squeeze %dma_start3A_52 : memref<1x16x128xi32, #tpu.memory_space<hbm>> -> memref<16x128xi32, #tpu.memory_space<hbm>>
      %dma_start3A_54 = arith.constant 0 : i32
      %dma_start3A_55 = arith.constant 0 : i32
      %dma_start3A_56 = tpu.memref_slice %arg8[%run_scoped3A_6, %dma_start3A_54, %dma_start3A_55] : memref<2x16x128xi32, #tpu.memory_space<vmem>> -> memref<1x16x128xi32, #tpu.memory_space<vmem>>
      %dma_start3A_57 = tpu.memref_squeeze %dma_start3A_56 : memref<1x16x128xi32, #tpu.memory_space<vmem>> -> memref<16x128xi32, #tpu.memory_space<vmem>>
      %dma_start3A_58 = arith.constant 0 : i32
      %dma_start3A_59 = tpu.memref_slice %arg4[%add3A, %multiple_of3A_5, %dma_start3A_58] : memref<32x80x128xi32, #tpu.memory_space<hbm>> -> memref<1x16x128xi32, #tpu.memory_space<hbm>>
      %dma_start3A_60 = tpu.memref_squeeze %dma_start3A_59 : memref<1x16x128xi32, #tpu.memory_space<hbm>> -> memref<16x128xi32, #tpu.memory_space<hbm>>
      tpu.enqueue_dma source(%dma_start3A_60 : memref<16x128xi32, #tpu.memory_space<hbm>>) target(%dma_start3A_57 : memref<16x128xi32, #tpu.memory_space<vmem>>) target_semaphore(%run_scoped3A_46 : memref<!tpu.dma_semaphore, #tpu.memory_space<semaphore_mem>>)
      %dma_wait3A = arith.constant 0 : i32
      %dma_wait3A_61 = arith.constant 0 : i32
      %dma_wait3A_62 = tpu.memref_slice %arg8[%run_scoped3A_6, %dma_wait3A, %dma_wait3A_61] : memref<2x16x128xi32, #tpu.memory_space<vmem>> -> memref<1x16x128xi32, #tpu.memory_space<vmem>>
      %dma_wait3A_63 = tpu.memref_squeeze %dma_wait3A_62 : memref<1x16x128xi32, #tpu.memory_space<vmem>> -> memref<16x128xi32, #tpu.memory_space<vmem>>
      %dma_wait3A_64 = arith.constant 0 : i32
      %dma_wait3A_65 = tpu.memref_slice %arg4[%add3A, %multiple_of3A_5, %dma_wait3A_64] : memref<32x80x128xi32, #tpu.memory_space<hbm>> -> memref<1x16x128xi32, #tpu.memory_space<hbm>>
      %dma_wait3A_66 = tpu.memref_squeeze %dma_wait3A_65 : memref<1x16x128xi32, #tpu.memory_space<hbm>> -> memref<16x128xi32, #tpu.memory_space<hbm>>
      %dma_wait3A_67 = arith.constant 0 : i32
      %dma_wait3A_68 = arith.constant 0 : i32
      %dma_wait3A_69 = tpu.memref_slice %arg8[%run_scoped3A_6, %dma_wait3A_67, %dma_wait3A_68] : memref<2x16x128xi32, #tpu.memory_space<vmem>> -> memref<1x16x128xi32, #tpu.memory_space<vmem>>
      %dma_wait3A_70 = tpu.memref_squeeze %dma_wait3A_69 : memref<1x16x128xi32, #tpu.memory_space<vmem>> -> memref<16x128xi32, #tpu.memory_space<vmem>>
      %dma_wait3A_71 = arith.constant 0 : i32
      %dma_wait3A_72 = tpu.memref_slice %arg4[%add3A, %multiple_of3A_5, %dma_wait3A_71] : memref<32x80x128xi32, #tpu.memory_space<hbm>> -> memref<1x16x128xi32, #tpu.memory_space<hbm>>
      %dma_wait3A_73 = tpu.memref_squeeze %dma_wait3A_72 : memref<1x16x128xi32, #tpu.memory_space<hbm>> -> memref<16x128xi32, #tpu.memory_space<hbm>>
      tpu.wait_dma2 semaphore(%run_scoped3A_46 : memref<!tpu.dma_semaphore, #tpu.memory_space<semaphore_mem>>) src(%dma_wait3A_73 : memref<16x128xi32, #tpu.memory_space<hbm>>) dst(%dma_wait3A_70 : memref<16x128xi32, #tpu.memory_space<vmem>>)
      tpu.yield
    }) : () -> ()
    %dma_start3A = arith.constant 0 : i32
    %dma_start3A_7 = arith.constant 0 : i32
    %dma_start3A_8 = arith.constant 0 : i32
    %dma_start3A_9 = arith.constant 0 : i32
    %dma_start3A_10 = arith.constant 0 : i32
    %dma_start3A_11 = tpu.memref_slice %arg9[%dma_start3A_8, %dma_start3A_9, %dma_start3A_10] : memref<2x128x128xf32, #tpu.memory_space<vmem>> -> memref<1x128x128xf32, #tpu.memory_space<vmem>>
    %dma_start3A_12 = tpu.memref_squeeze %dma_start3A_11 : memref<1x128x128xf32, #tpu.memory_space<vmem>> -> memref<128x128xf32, #tpu.memory_space<vmem>>
    %dma_start3A_13 = arith.constant 0 : i32
    %dma_start3A_14 = tpu.memref_slice %arg7[%dma_start3A, %dma_start3A_7, %dma_start3A_13] : memref<2x16x128xi32, #tpu.memory_space<vmem>> -> memref<1x1x128xi32, #tpu.memory_space<vmem>>
    %dma_start3A_15 = tpu.memref_squeeze %dma_start3A_14 : memref<1x1x128xi32, #tpu.memory_space<vmem>> -> memref<128xi32, #tpu.memory_space<vmem>>
    %dma_start3A_16 = arith.constant 0 : i32
    %dma_start3A_17 = arith.constant 0 : i32
    %dma_start3A_18 = tpu.memref_slice %arg2[%dma_start3A_16, %dma_start3A_17] : memref<10000x128xf32, #tpu.memory_space<hbm>> -> memref<10000x128xf32, #tpu.memory_space<hbm>>
    tpu.enqueue_indirect_dma source(%dma_start3A_18 : memref<10000x128xf32, #tpu.memory_space<hbm>>) target(%dma_start3A_12 : memref<128x128xf32, #tpu.memory_space<vmem>>) offsets(%dma_start3A_15 : memref<128xi32, #tpu.memory_space<vmem>>) semaphore(%arg11 : memref<!tpu.dma_semaphore, #tpu.memory_space<semaphore_mem>>)
    %dma_start3A_19 = arith.constant 0 : i32
    %dma_start3A_20 = arith.constant 1 : i32
    %dma_start3A_21 = arith.constant 1 : i32
    %dma_start3A_22 = arith.constant 0 : i32
    %dma_start3A_23 = arith.constant 0 : i32
    %dma_start3A_24 = tpu.memref_slice %arg9[%dma_start3A_21, %dma_start3A_22, %dma_start3A_23] : memref<2x128x128xf32, #tpu.memory_space<vmem>> -> memref<1x128x128xf32, #tpu.memory_space<vmem>>
    %dma_start3A_25 = tpu.memref_squeeze %dma_start3A_24 : memref<1x128x128xf32, #tpu.memory_space<vmem>> -> memref<128x128xf32, #tpu.memory_space<vmem>>
    %dma_start3A_26 = arith.constant 0 : i32
    %dma_start3A_27 = tpu.memref_slice %arg7[%dma_start3A_19, %dma_start3A_20, %dma_start3A_26] : memref<2x16x128xi32, #tpu.memory_space<vmem>> -> memref<1x1x128xi32, #tpu.memory_space<vmem>>
    %dma_start3A_28 = tpu.memref_squeeze %dma_start3A_27 : memref<1x1x128xi32, #tpu.memory_space<vmem>> -> memref<128xi32, #tpu.memory_space<vmem>>
    %dma_start3A_29 = arith.constant 0 : i32
    %dma_start3A_30 = arith.constant 0 : i32
    %dma_start3A_31 = tpu.memref_slice %arg2[%dma_start3A_29, %dma_start3A_30] : memref<10000x128xf32, #tpu.memory_space<hbm>> -> memref<10000x128xf32, #tpu.memory_space<hbm>>
    tpu.enqueue_indirect_dma source(%dma_start3A_31 : memref<10000x128xf32, #tpu.memory_space<hbm>>) target(%dma_start3A_25 : memref<128x128xf32, #tpu.memory_space<vmem>>) offsets(%dma_start3A_28 : memref<128xi32, #tpu.memory_space<vmem>>) semaphore(%arg12 : memref<!tpu.dma_semaphore, #tpu.memory_space<semaphore_mem>>)
    %multiple_of3A_32 = arith.constant 16 : i32
    %multiple_of3A_33 = tpu.assume_multiple %multiple_of3A_32, 8 : i32
    %run_scoped3A_34 = arith.constant 1 : i32
    "tpu.region"() ({
      %run_scoped3A_46 = tpu.sem_alloc : memref<!tpu.dma_semaphore, #tpu.memory_space<semaphore_mem>>
      %dma_start3A_47 = arith.constant 0 : i32
      %dma_start3A_48 = arith.constant 0 : i32
      %dma_start3A_49 = tpu.memref_slice %arg7[%run_scoped3A_34, %dma_start3A_47, %dma_start3A_48] : memref<2x16x128xi32, #tpu.memory_space<vmem>> -> memref<1x16x128xi32, #tpu.memory_space<vmem>>
      %dma_start3A_50 = tpu.memref_squeeze %dma_start3A_49 : memref<1x16x128xi32, #tpu.memory_space<vmem>> -> memref<16x128xi32, #tpu.memory_space<vmem>>
      %dma_start3A_51 = arith.constant 0 : i32
      %dma_start3A_52 = tpu.memref_slice %arg3[%add3A, %multiple_of3A_33, %dma_start3A_51] : memref<32x80x128xi32, #tpu.memory_space<hbm>> -> memref<1x16x128xi32, #tpu.memory_space<hbm>>
      %dma_start3A_53 = tpu.memref_squeeze %dma_start3A_52 : memref<1x16x128xi32, #tpu.memory_space<hbm>> -> memref<16x128xi32, #tpu.memory_space<hbm>>
      %dma_start3A_54 = arith.constant 0 : i32
      %dma_start3A_55 = arith.constant 0 : i32
      %dma_start3A_56 = tpu.memref_slice %arg7[%run_scoped3A_34, %dma_start3A_54, %dma_start3A_55] : memref<2x16x128xi32, #tpu.memory_space<vmem>> -> memref<1x16x128xi32, #tpu.memory_space<vmem>>
      %dma_start3A_57 = tpu.memref_squeeze %dma_start3A_56 : memref<1x16x128xi32, #tpu.memory_space<vmem>> -> memref<16x128xi32, #tpu.memory_space<vmem>>
      %dma_start3A_58 = arith.constant 0 : i32
      %dma_start3A_59 = tpu.memref_slice %arg3[%add3A, %multiple_of3A_33, %dma_start3A_58] : memref<32x80x128xi32, #tpu.memory_space<hbm>> -> memref<1x16x128xi32, #tpu.memory_space<hbm>>
      %dma_start3A_60 = tpu.memref_squeeze %dma_start3A_59 : memref<1x16x128xi32, #tpu.memory_space<hbm>> -> memref<16x128xi32, #tpu.memory_space<hbm>>
      tpu.enqueue_dma source(%dma_start3A_60 : memref<16x128xi32, #tpu.memory_space<hbm>>) target(%dma_start3A_57 : memref<16x128xi32, #tpu.memory_space<vmem>>) target_semaphore(%run_scoped3A_46 : memref<!tpu.dma_semaphore, #tpu.memory_space<semaphore_mem>>)
      %dma_wait3A = arith.constant 0 : i32
      %dma_wait3A_61 = arith.constant 0 : i32
      %dma_wait3A_62 = tpu.memref_slice %arg7[%run_scoped3A_34, %dma_wait3A, %dma_wait3A_61] : memref<2x16x128xi32, #tpu.memory_space<vmem>> -> memref<1x16x128xi32, #tpu.memory_space<vmem>>
      %dma_wait3A_63 = tpu.memref_squeeze %dma_wait3A_62 : memref<1x16x128xi32, #tpu.memory_space<vmem>> -> memref<16x128xi32, #tpu.memory_space<vmem>>
      %dma_wait3A_64 = arith.constant 0 : i32
      %dma_wait3A_65 = tpu.memref_slice %arg3[%add3A, %multiple_of3A_33, %dma_wait3A_64] : memref<32x80x128xi32, #tpu.memory_space<hbm>> -> memref<1x16x128xi32, #tpu.memory_space<hbm>>
      %dma_wait3A_66 = tpu.memref_squeeze %dma_wait3A_65 : memref<1x16x128xi32, #tpu.memory_space<hbm>> -> memref<16x128xi32, #tpu.memory_space<hbm>>
      %dma_wait3A_67 = arith.constant 0 : i32
      %dma_wait3A_68 = arith.constant 0 : i32
      %dma_wait3A_69 = tpu.memref_slice %arg7[%run_scoped3A_34, %dma_wait3A_67, %dma_wait3A_68] : memref<2x16x128xi32, #tpu.memory_space<vmem>> -> memref<1x16x128xi32, #tpu.memory_space<vmem>>
      %dma_wait3A_70 = tpu.memref_squeeze %dma_wait3A_69 : memref<1x16x128xi32, #tpu.memory_space<vmem>> -> memref<16x128xi32, #tpu.memory_space<vmem>>
      %dma_wait3A_71 = arith.constant 0 : i32
      %dma_wait3A_72 = tpu.memref_slice %arg3[%add3A, %multiple_of3A_33, %dma_wait3A_71] : memref<32x80x128xi32, #tpu.memory_space<hbm>> -> memref<1x16x128xi32, #tpu.memory_space<hbm>>
      %dma_wait3A_73 = tpu.memref_squeeze %dma_wait3A_72 : memref<1x16x128xi32, #tpu.memory_space<hbm>> -> memref<16x128xi32, #tpu.memory_space<hbm>>
      tpu.wait_dma2 semaphore(%run_scoped3A_46 : memref<!tpu.dma_semaphore, #tpu.memory_space<semaphore_mem>>) src(%dma_wait3A_73 : memref<16x128xi32, #tpu.memory_space<hbm>>) dst(%dma_wait3A_70 : memref<16x128xi32, #tpu.memory_space<vmem>>)
      tpu.yield
    }) : () -> ()
    %run_scoped3A_35 = arith.constant 1 : i32
    "tpu.region"() ({
      %run_scoped3A_46 = tpu.sem_alloc : memref<!tpu.dma_semaphore, #tpu.memory_space<semaphore_mem>>
      %dma_start3A_47 = arith.constant 0 : i32
      %dma_start3A_48 = arith.constant 0 : i32
      %dma_start3A_49 = tpu.memref_slice %arg8[%run_scoped3A_35, %dma_start3A_47, %dma_start3A_48] : memref<2x16x128xi32, #tpu.memory_space<vmem>> -> memref<1x16x128xi32, #tpu.memory_space<vmem>>
      %dma_start3A_50 = tpu.memref_squeeze %dma_start3A_49 : memref<1x16x128xi32, #tpu.memory_space<vmem>> -> memref<16x128xi32, #tpu.memory_space<vmem>>
      %dma_start3A_51 = arith.constant 0 : i32
      %dma_start3A_52 = tpu.memref_slice %arg4[%add3A, %multiple_of3A_33, %dma_start3A_51] : memref<32x80x128xi32, #tpu.memory_space<hbm>> -> memref<1x16x128xi32, #tpu.memory_space<hbm>>
      %dma_start3A_53 = tpu.memref_squeeze %dma_start3A_52 : memref<1x16x128xi32, #tpu.memory_space<hbm>> -> memref<16x128xi32, #tpu.memory_space<hbm>>
      %dma_start3A_54 = arith.constant 0 : i32
      %dma_start3A_55 = arith.constant 0 : i32
      %dma_start3A_56 = tpu.memref_slice %arg8[%run_scoped3A_35, %dma_start3A_54, %dma_start3A_55] : memref<2x16x128xi32, #tpu.memory_space<vmem>> -> memref<1x16x128xi32, #tpu.memory_space<vmem>>
      %dma_start3A_57 = tpu.memref_squeeze %dma_start3A_56 : memref<1x16x128xi32, #tpu.memory_space<vmem>> -> memref<16x128xi32, #tpu.memory_space<vmem>>
      %dma_start3A_58 = arith.constant 0 : i32
      %dma_start3A_59 = tpu.memref_slice %arg4[%add3A, %multiple_of3A_33, %dma_start3A_58] : memref<32x80x128xi32, #tpu.memory_space<hbm>> -> memref<1x16x128xi32, #tpu.memory_space<hbm>>
      %dma_start3A_60 = tpu.memref_squeeze %dma_start3A_59 : memref<1x16x128xi32, #tpu.memory_space<hbm>> -> memref<16x128xi32, #tpu.memory_space<hbm>>
      tpu.enqueue_dma source(%dma_start3A_60 : memref<16x128xi32, #tpu.memory_space<hbm>>) target(%dma_start3A_57 : memref<16x128xi32, #tpu.memory_space<vmem>>) target_semaphore(%run_scoped3A_46 : memref<!tpu.dma_semaphore, #tpu.memory_space<semaphore_mem>>)
      %dma_wait3A = arith.constant 0 : i32
      %dma_wait3A_61 = arith.constant 0 : i32
      %dma_wait3A_62 = tpu.memref_slice %arg8[%run_scoped3A_35, %dma_wait3A, %dma_wait3A_61] : memref<2x16x128xi32, #tpu.memory_space<vmem>> -> memref<1x16x128xi32, #tpu.memory_space<vmem>>
      %dma_wait3A_63 = tpu.memref_squeeze %dma_wait3A_62 : memref<1x16x128xi32, #tpu.memory_space<vmem>> -> memref<16x128xi32, #tpu.memory_space<vmem>>
      %dma_wait3A_64 = arith.constant 0 : i32
      %dma_wait3A_65 = tpu.memref_slice %arg4[%add3A, %multiple_of3A_33, %dma_wait3A_64] : memref<32x80x128xi32, #tpu.memory_space<hbm>> -> memref<1x16x128xi32, #tpu.memory_space<hbm>>
      %dma_wait3A_66 = tpu.memref_squeeze %dma_wait3A_65 : memref<1x16x128xi32, #tpu.memory_space<hbm>> -> memref<16x128xi32, #tpu.memory_space<hbm>>
      %dma_wait3A_67 = arith.constant 0 : i32
      %dma_wait3A_68 = arith.constant 0 : i32
      %dma_wait3A_69 = tpu.memref_slice %arg8[%run_scoped3A_35, %dma_wait3A_67, %dma_wait3A_68] : memref<2x16x128xi32, #tpu.memory_space<vmem>> -> memref<1x16x128xi32, #tpu.memory_space<vmem>>
      %dma_wait3A_70 = tpu.memref_squeeze %dma_wait3A_69 : memref<1x16x128xi32, #tpu.memory_space<vmem>> -> memref<16x128xi32, #tpu.memory_space<vmem>>
      %dma_wait3A_71 = arith.constant 0 : i32
      %dma_wait3A_72 = tpu.memref_slice %arg4[%add3A, %multiple_of3A_33, %dma_wait3A_71] : memref<32x80x128xi32, #tpu.memory_space<hbm>> -> memref<1x16x128xi32, #tpu.memory_space<hbm>>
      %dma_wait3A_73 = tpu.memref_squeeze %dma_wait3A_72 : memref<1x16x128xi32, #tpu.memory_space<hbm>> -> memref<16x128xi32, #tpu.memory_space<hbm>>
      tpu.wait_dma2 semaphore(%run_scoped3A_46 : memref<!tpu.dma_semaphore, #tpu.memory_space<semaphore_mem>>) src(%dma_wait3A_73 : memref<16x128xi32, #tpu.memory_space<hbm>>) dst(%dma_wait3A_70 : memref<16x128xi32, #tpu.memory_space<vmem>>)
      tpu.yield
    }) : () -> ()
    %scan3A = arith.constant 0 : i32
    %scan3A_36 = arith.constant 0 : i32
    %scan3A_37 = arith.constant 40 : i32
    %scan3A_38 = arith.addi %scan3A_36, %scan3A_37 : i32
    %scan3A_39 = arith.constant 1 : i32
    scf.for %scan3A_46 = %scan3A_36 to %scan3A_38 step %scan3A_39  : i32 {
      %mul3A_47 = arith.constant 2 : i32
      %mul3A_48 = arith.muli %mul3A_47, %scan3A_46 : i32
      %add3A_49 = arith.constant 0 : i32
      %add3A_50 = arith.addi %mul3A_48, %add3A_49 : i32
      %jit3A = arith.constant 16 : i32
      %div3A = arith.divsi %add3A_50, %jit3A : i32
      %sign3A = arith.constant 0 : i32
      %sign3A_51 = arith.cmpi sgt, %add3A_50, %sign3A : i32
      %sign3A_52 = arith.extui %sign3A_51 : i1 to i32
      %sign3A_53 = arith.constant 0 : i32
      %sign3A_54 = arith.cmpi slt, %add3A_50, %sign3A_53 : i32
      %sign3A_55 = arith.extui %sign3A_54 : i1 to i32
      %sign3A_56 = arith.subi %sign3A_52, %sign3A_55 : i32
      %sign3A_57 = arith.constant 0 : i32
      %sign3A_58 = arith.cmpi sgt, %jit3A, %sign3A_57 : i32
      %sign3A_59 = arith.extui %sign3A_58 : i1 to i32
      %sign3A_60 = arith.constant 0 : i32
      %sign3A_61 = arith.cmpi slt, %jit3A, %sign3A_60 : i32
      %sign3A_62 = arith.extui %sign3A_61 : i1 to i32
      %sign3A_63 = arith.subi %sign3A_59, %sign3A_62 : i32
      %ne3A = arith.cmpi ne, %sign3A_56, %sign3A_63 : i32
      %rem3A = arith.remsi %add3A_50, %jit3A : i32
      %ne3A_64 = arith.constant 0 : i32
      %ne3A_65 = arith.cmpi ne, %rem3A, %ne3A_64 : i32
      %and3A = arith.andi %ne3A, %ne3A_65 : i1
      %sub3A = arith.constant 1 : i32
      %sub3A_66 = arith.subi %div3A, %sub3A : i32
      %select_n3A = arith.select %and3A, %sub3A_66, %div3A : i32
      %jit3A_67 = arith.constant 2 : i32
      %eq3A = arith.constant 0 : i32
      %eq3A_68 = arith.cmpi eq, %jit3A_67, %eq3A : i32
      %jit3A_69 = arith.constant 1 : i32
      %select_n3A_70 = arith.select %eq3A_68, %jit3A_69, %jit3A_67 : i32
      %rem3A_71 = arith.remsi %select_n3A, %select_n3A_70 : i32
      %ne3A_72 = arith.constant 0 : i32
      %ne3A_73 = arith.cmpi ne, %rem3A_71, %ne3A_72 : i32
      %lt3A = arith.constant 0 : i32
      %lt3A_74 = arith.cmpi slt, %rem3A_71, %lt3A : i32
      %lt3A_75 = arith.constant 0 : i32
      %lt3A_76 = arith.cmpi slt, %select_n3A_70, %lt3A_75 : i32
      %ne3A_77 = arith.xori %lt3A_74, %lt3A_76 : i1
      %and3A_78 = arith.andi %ne3A_77, %ne3A_73 : i1
      %add3A_79 = arith.addi %rem3A_71, %select_n3A_70 : i32
      %select_n3A_80 = arith.select %and3A_78, %add3A_79, %rem3A_71 : i32
      %jit3A_81 = arith.constant 16 : i32
      %eq3A_82 = arith.constant 0 : i32
      %eq3A_83 = arith.cmpi eq, %jit3A_81, %eq3A_82 : i32
      %jit3A_84 = arith.constant 1 : i32
      %select_n3A_85 = arith.select %eq3A_83, %jit3A_84, %jit3A_81 : i32
      %rem3A_86 = arith.remsi %add3A_50, %select_n3A_85 : i32
      %ne3A_87 = arith.constant 0 : i32
      %ne3A_88 = arith.cmpi ne, %rem3A_86, %ne3A_87 : i32
      %lt3A_89 = arith.constant 0 : i32
      %lt3A_90 = arith.cmpi slt, %rem3A_86, %lt3A_89 : i32
      %lt3A_91 = arith.constant 0 : i32
      %lt3A_92 = arith.cmpi slt, %select_n3A_85, %lt3A_91 : i32
      %ne3A_93 = arith.xori %lt3A_90, %lt3A_92 : i1
      %and3A_94 = arith.andi %ne3A_93, %ne3A_88 : i1
      %add3A_95 = arith.addi %rem3A_86, %select_n3A_85 : i32
      %select_n3A_96 = arith.select %and3A_94, %add3A_95, %rem3A_86 : i32
      %dma_wait3A = arith.constant 0 : i32
      %dma_wait3A_97 = arith.constant 0 : i32
      %dma_wait3A_98 = arith.constant 0 : i32
      %dma_wait3A_99 = tpu.memref_slice %arg9[%dma_wait3A, %dma_wait3A_97, %dma_wait3A_98] : memref<2x128x128xf32, #tpu.memory_space<vmem>> -> memref<1x128x128xf32, #tpu.memory_space<vmem>>
      %dma_wait3A_100 = tpu.memref_squeeze %dma_wait3A_99 : memref<1x128x128xf32, #tpu.memory_space<vmem>> -> memref<128x128xf32, #tpu.memory_space<vmem>>
      %dma_wait3A_101 = arith.constant 0 : i32
      %dma_wait3A_102 = tpu.memref_slice %arg7[%select_n3A_80, %select_n3A_96, %dma_wait3A_101] : memref<2x16x128xi32, #tpu.memory_space<vmem>> -> memref<1x1x128xi32, #tpu.memory_space<vmem>>
      %dma_wait3A_103 = tpu.memref_squeeze %dma_wait3A_102 : memref<1x1x128xi32, #tpu.memory_space<vmem>> -> memref<128xi32, #tpu.memory_space<vmem>>
      %dma_wait3A_104 = arith.constant 0 : i32
      %dma_wait3A_105 = arith.constant 0 : i32
      %dma_wait3A_106 = tpu.memref_slice %arg2[%dma_wait3A_104, %dma_wait3A_105] : memref<10000x128xf32, #tpu.memory_space<hbm>> -> memref<10000x128xf32, #tpu.memory_space<hbm>>
      tpu.wait_indirect_dma semaphore(%arg11 : memref<!tpu.dma_semaphore, #tpu.memory_space<semaphore_mem>>) src(%dma_wait3A_106 : memref<10000x128xf32, #tpu.memory_space<hbm>>) dst(%dma_wait3A_100 : memref<128x128xf32, #tpu.memory_space<vmem>>)
      %jit3A_107 = arith.constant 2 : i32
      %eq3A_108 = arith.constant 0 : i32
      %eq3A_109 = arith.cmpi eq, %jit3A_107, %eq3A_108 : i32
      %jit3A_110 = arith.constant 1 : i32
      %select_n3A_111 = arith.select %eq3A_109, %jit3A_110, %jit3A_107 : i32
      %rem3A_112 = arith.remsi %select_n3A, %select_n3A_111 : i32
      %ne3A_113 = arith.constant 0 : i32
      %ne3A_114 = arith.cmpi ne, %rem3A_112, %ne3A_113 : i32
      %lt3A_115 = arith.constant 0 : i32
      %lt3A_116 = arith.cmpi slt, %rem3A_112, %lt3A_115 : i32
      %lt3A_117 = arith.constant 0 : i32
      %lt3A_118 = arith.cmpi slt, %select_n3A_111, %lt3A_117 : i32
      %ne3A_119 = arith.xori %lt3A_116, %lt3A_118 : i1
      %and3A_120 = arith.andi %ne3A_119, %ne3A_114 : i1
      %add3A_121 = arith.addi %rem3A_112, %select_n3A_111 : i32
      %select_n3A_122 = arith.select %and3A_120, %add3A_121, %rem3A_112 : i32
      %jit3A_123 = arith.constant 16 : i32
      %eq3A_124 = arith.constant 0 : i32
      %eq3A_125 = arith.cmpi eq, %jit3A_123, %eq3A_124 : i32
      %jit3A_126 = arith.constant 1 : i32
      %select_n3A_127 = arith.select %eq3A_125, %jit3A_126, %jit3A_123 : i32
      %rem3A_128 = arith.remsi %add3A_50, %select_n3A_127 : i32
      %ne3A_129 = arith.constant 0 : i32
      %ne3A_130 = arith.cmpi ne, %rem3A_128, %ne3A_129 : i32
      %lt3A_131 = arith.constant 0 : i32
      %lt3A_132 = arith.cmpi slt, %rem3A_128, %lt3A_131 : i32
      %lt3A_133 = arith.constant 0 : i32
      %lt3A_134 = arith.cmpi slt, %select_n3A_127, %lt3A_133 : i32
      %ne3A_135 = arith.xori %lt3A_132, %lt3A_134 : i1
      %and3A_136 = arith.andi %ne3A_135, %ne3A_130 : i1
      %add3A_137 = arith.addi %rem3A_128, %select_n3A_127 : i32
      %select_n3A_138 = arith.select %and3A_136, %add3A_137, %rem3A_128 : i32
      %run_scoped3A_139 = arith.constant 0 : i32
      "tpu.region"() ({
        %run_scoped3A_313 = tpu.sem_alloc : memref<!tpu.dma_semaphore, #tpu.memory_space<semaphore_mem>>
        %dma_start3A_314 = arith.constant 0 : i32
        %dma_start3A_315 = arith.constant 0 : i32
        %dma_start3A_316 = tpu.memref_slice %arg9[%run_scoped3A_139, %dma_start3A_314, %dma_start3A_315] : memref<2x128x128xf32, #tpu.memory_space<vmem>> -> memref<1x128x128xf32, #tpu.memory_space<vmem>>
        %dma_start3A_317 = tpu.memref_squeeze %dma_start3A_316 : memref<1x128x128xf32, #tpu.memory_space<vmem>> -> memref<128x128xf32, #tpu.memory_space<vmem>>
        %dma_start3A_318 = arith.constant 0 : i32
        %dma_start3A_319 = tpu.memref_slice %arg8[%select_n3A_122, %select_n3A_138, %dma_start3A_318] : memref<2x16x128xi32, #tpu.memory_space<vmem>> -> memref<1x1x128xi32, #tpu.memory_space<vmem>>
        %dma_start3A_320 = tpu.memref_squeeze %dma_start3A_319 : memref<1x1x128xi32, #tpu.memory_space<vmem>> -> memref<128xi32, #tpu.memory_space<vmem>>
        %dma_start3A_321 = arith.constant 0 : i32
        %dma_start3A_322 = arith.constant 0 : i32
        %dma_start3A_323 = tpu.memref_slice %arg10[%dma_start3A_321, %dma_start3A_322] : memref<10112x128xf32, #tpu.memory_space<vmem_shared>> -> memref<10112x128xf32, #tpu.memory_space<vmem_shared>>
        tpu.enqueue_indirect_dma source(%dma_start3A_317 : memref<128x128xf32, #tpu.memory_space<vmem>>) target(%dma_start3A_323 : memref<10112x128xf32, #tpu.memory_space<vmem_shared>>) offsets(%dma_start3A_320 : memref<128xi32, #tpu.memory_space<vmem>>) semaphore(%run_scoped3A_313 : memref<!tpu.dma_semaphore, #tpu.memory_space<semaphore_mem>>) {add = true}
        %dma_wait3A_324 = arith.constant 0 : i32
        %dma_wait3A_325 = arith.constant 0 : i32
        %dma_wait3A_326 = tpu.memref_slice %arg9[%run_scoped3A_139, %dma_wait3A_324, %dma_wait3A_325] : memref<2x128x128xf32, #tpu.memory_space<vmem>> -> memref<1x128x128xf32, #tpu.memory_space<vmem>>
        %dma_wait3A_327 = tpu.memref_squeeze %dma_wait3A_326 : memref<1x128x128xf32, #tpu.memory_space<vmem>> -> memref<128x128xf32, #tpu.memory_space<vmem>>
        %dma_wait3A_328 = arith.constant 0 : i32
        %dma_wait3A_329 = tpu.memref_slice %arg8[%select_n3A_122, %select_n3A_138, %dma_wait3A_328] : memref<2x16x128xi32, #tpu.memory_space<vmem>> -> memref<1x1x128xi32, #tpu.memory_space<vmem>>
        %dma_wait3A_330 = tpu.memref_squeeze %dma_wait3A_329 : memref<1x1x128xi32, #tpu.memory_space<vmem>> -> memref<128xi32, #tpu.memory_space<vmem>>
        %dma_wait3A_331 = arith.constant 0 : i32
        %dma_wait3A_332 = arith.constant 0 : i32
        %dma_wait3A_333 = tpu.memref_slice %arg10[%dma_wait3A_331, %dma_wait3A_332] : memref<10112x128xf32, #tpu.memory_space<vmem_shared>> -> memref<10112x128xf32, #tpu.memory_space<vmem_shared>>
        tpu.wait_indirect_dma semaphore(%run_scoped3A_313 : memref<!tpu.dma_semaphore, #tpu.memory_space<semaphore_mem>>) src(%dma_wait3A_327 : memref<128x128xf32, #tpu.memory_space<vmem>>) dst(%dma_wait3A_333 : memref<10112x128xf32, #tpu.memory_space<vmem_shared>>)
        tpu.yield
      }) : () -> ()
      %add3A_140 = arith.constant 2 : i32
      %add3A_141 = arith.addi %add3A_50, %add3A_140 : i32
      %lt3A_142 = arith.constant 80 : i32
      %lt3A_143 = arith.cmpi slt, %add3A_141, %lt3A_142 : i32
      %convert_element_type3A = arith.extui %lt3A_143 : i1 to i32
      %cond3A = arith.constant 0 : i32
      %cond3A_144 = arith.cmpi ne, %convert_element_type3A, %cond3A : i32
      scf.if %cond3A_144 {
        %jit3A_313 = arith.constant 16 : i32
        %div3A_314 = arith.divsi %add3A_141, %jit3A_313 : i32
        %sign3A_315 = arith.constant 0 : i32
        %sign3A_316 = arith.cmpi sgt, %add3A_141, %sign3A_315 : i32
        %sign3A_317 = arith.extui %sign3A_316 : i1 to i32
        %sign3A_318 = arith.constant 0 : i32
        %sign3A_319 = arith.cmpi slt, %add3A_141, %sign3A_318 : i32
        %sign3A_320 = arith.extui %sign3A_319 : i1 to i32
        %sign3A_321 = arith.subi %sign3A_317, %sign3A_320 : i32
        %sign3A_322 = arith.constant 0 : i32
        %sign3A_323 = arith.cmpi sgt, %jit3A_313, %sign3A_322 : i32
        %sign3A_324 = arith.extui %sign3A_323 : i1 to i32
        %sign3A_325 = arith.constant 0 : i32
        %sign3A_326 = arith.cmpi slt, %jit3A_313, %sign3A_325 : i32
        %sign3A_327 = arith.extui %sign3A_326 : i1 to i32
        %sign3A_328 = arith.subi %sign3A_324, %sign3A_327 : i32
        %ne3A_329 = arith.cmpi ne, %sign3A_321, %sign3A_328 : i32
        %rem3A_330 = arith.remsi %add3A_141, %jit3A_313 : i32
        %ne3A_331 = arith.constant 0 : i32
        %ne3A_332 = arith.cmpi ne, %rem3A_330, %ne3A_331 : i32
        %and3A_333 = arith.andi %ne3A_329, %ne3A_332 : i1
        %sub3A_334 = arith.constant 1 : i32
        %sub3A_335 = arith.subi %div3A_314, %sub3A_334 : i32
        %select_n3A_336 = arith.select %and3A_333, %sub3A_335, %div3A_314 : i32
        %jit3A_337 = arith.constant 2 : i32
        %eq3A_338 = arith.constant 0 : i32
        %eq3A_339 = arith.cmpi eq, %jit3A_337, %eq3A_338 : i32
        %jit3A_340 = arith.constant 1 : i32
        %select_n3A_341 = arith.select %eq3A_339, %jit3A_340, %jit3A_337 : i32
        %rem3A_342 = arith.remsi %select_n3A_336, %select_n3A_341 : i32
        %ne3A_343 = arith.constant 0 : i32
        %ne3A_344 = arith.cmpi ne, %rem3A_342, %ne3A_343 : i32
        %lt3A_345 = arith.constant 0 : i32
        %lt3A_346 = arith.cmpi slt, %rem3A_342, %lt3A_345 : i32
        %lt3A_347 = arith.constant 0 : i32
        %lt3A_348 = arith.cmpi slt, %select_n3A_341, %lt3A_347 : i32
        %ne3A_349 = arith.xori %lt3A_346, %lt3A_348 : i1
        %and3A_350 = arith.andi %ne3A_349, %ne3A_344 : i1
        %add3A_351 = arith.addi %rem3A_342, %select_n3A_341 : i32
        %select_n3A_352 = arith.select %and3A_350, %add3A_351, %rem3A_342 : i32
        %jit3A_353 = arith.constant 16 : i32
        %eq3A_354 = arith.constant 0 : i32
        %eq3A_355 = arith.cmpi eq, %jit3A_353, %eq3A_354 : i32
        %jit3A_356 = arith.constant 1 : i32
        %select_n3A_357 = arith.select %eq3A_355, %jit3A_356, %jit3A_353 : i32
        %rem3A_358 = arith.remsi %add3A_141, %select_n3A_357 : i32
        %ne3A_359 = arith.constant 0 : i32
        %ne3A_360 = arith.cmpi ne, %rem3A_358, %ne3A_359 : i32
        %lt3A_361 = arith.constant 0 : i32
        %lt3A_362 = arith.cmpi slt, %rem3A_358, %lt3A_361 : i32
        %lt3A_363 = arith.constant 0 : i32
        %lt3A_364 = arith.cmpi slt, %select_n3A_357, %lt3A_363 : i32
        %ne3A_365 = arith.xori %lt3A_362, %lt3A_364 : i1
        %and3A_366 = arith.andi %ne3A_365, %ne3A_360 : i1
        %add3A_367 = arith.addi %rem3A_358, %select_n3A_357 : i32
        %select_n3A_368 = arith.select %and3A_366, %add3A_367, %rem3A_358 : i32
        %dma_start3A_369 = arith.constant 0 : i32
        %dma_start3A_370 = arith.constant 0 : i32
        %dma_start3A_371 = arith.constant 0 : i32
        %dma_start3A_372 = tpu.memref_slice %arg9[%dma_start3A_369, %dma_start3A_370, %dma_start3A_371] : memref<2x128x128xf32, #tpu.memory_space<vmem>> -> memref<1x128x128xf32, #tpu.memory_space<vmem>>
        %dma_start3A_373 = tpu.memref_squeeze %dma_start3A_372 : memref<1x128x128xf32, #tpu.memory_space<vmem>> -> memref<128x128xf32, #tpu.memory_space<vmem>>
        %dma_start3A_374 = arith.constant 0 : i32
        %dma_start3A_375 = tpu.memref_slice %arg7[%select_n3A_352, %select_n3A_368, %dma_start3A_374] : memref<2x16x128xi32, #tpu.memory_space<vmem>> -> memref<1x1x128xi32, #tpu.memory_space<vmem>>
        %dma_start3A_376 = tpu.memref_squeeze %dma_start3A_375 : memref<1x1x128xi32, #tpu.memory_space<vmem>> -> memref<128xi32, #tpu.memory_space<vmem>>
        %dma_start3A_377 = arith.constant 0 : i32
        %dma_start3A_378 = arith.constant 0 : i32
        %dma_start3A_379 = tpu.memref_slice %arg2[%dma_start3A_377, %dma_start3A_378] : memref<10000x128xf32, #tpu.memory_space<hbm>> -> memref<10000x128xf32, #tpu.memory_space<hbm>>
        tpu.enqueue_indirect_dma source(%dma_start3A_379 : memref<10000x128xf32, #tpu.memory_space<hbm>>) target(%dma_start3A_373 : memref<128x128xf32, #tpu.memory_space<vmem>>) offsets(%dma_start3A_376 : memref<128xi32, #tpu.memory_space<vmem>>) semaphore(%arg11 : memref<!tpu.dma_semaphore, #tpu.memory_space<semaphore_mem>>)
      } else {
      }
      %jit3A_145 = arith.constant 16 : i32
      %eq3A_146 = arith.constant 0 : i32
      %eq3A_147 = arith.cmpi eq, %jit3A_145, %eq3A_146 : i32
      %jit3A_148 = arith.constant 1 : i32
      %select_n3A_149 = arith.select %eq3A_147, %jit3A_148, %jit3A_145 : i32
      %rem3A_150 = arith.remsi %add3A_50, %select_n3A_149 : i32
      %ne3A_151 = arith.constant 0 : i32
      %ne3A_152 = arith.cmpi ne, %rem3A_150, %ne3A_151 : i32
      %lt3A_153 = arith.constant 0 : i32
      %lt3A_154 = arith.cmpi slt, %rem3A_150, %lt3A_153 : i32
      %lt3A_155 = arith.constant 0 : i32
      %lt3A_156 = arith.cmpi slt, %select_n3A_149, %lt3A_155 : i32
      %ne3A_157 = arith.xori %lt3A_154, %lt3A_156 : i1
      %and3A_158 = arith.andi %ne3A_157, %ne3A_152 : i1
      %add3A_159 = arith.addi %rem3A_150, %select_n3A_149 : i32
      %select_n3A_160 = arith.select %and3A_158, %add3A_159, %rem3A_150 : i32
      %eq3A_161 = arith.constant 2 : i32
      %eq3A_162 = arith.cmpi eq, %select_n3A_160, %eq3A_161 : i32
      %ge3A = arith.constant 1 : i32
      %ge3A_163 = arith.cmpi sge, %select_n3A, %ge3A : i32
      %and3A_164 = arith.andi %eq3A_162, %ge3A_163 : i1
      %add3A_165 = arith.constant 1 : i32
      %add3A_166 = arith.addi %select_n3A, %add3A_165 : i32
      %lt3A_167 = arith.constant 5 : i32
      %lt3A_168 = arith.cmpi slt, %add3A_166, %lt3A_167 : i32
      %and3A_169 = arith.andi %and3A_164, %lt3A_168 : i1
      %convert_element_type3A_170 = arith.extui %and3A_169 : i1 to i32
      %cond3A_171 = arith.constant 0 : i32
      %cond3A_172 = arith.cmpi ne, %convert_element_type3A_170, %cond3A_171 : i32
      scf.if %cond3A_172 {
        %add3A_313 = arith.constant 1 : i32
        %add3A_314 = arith.addi %select_n3A, %add3A_313 : i32
        %mul3A_315 = arith.constant 16 : i32
        %mul3A_316 = arith.muli %add3A_314, %mul3A_315 : i32
        %multiple_of3A_317 = tpu.assume_multiple %mul3A_316, 8 : i32
        %jit3A_318 = arith.constant 2 : i32
        %eq3A_319 = arith.constant 0 : i32
        %eq3A_320 = arith.cmpi eq, %jit3A_318, %eq3A_319 : i32
        %jit3A_321 = arith.constant 1 : i32
        %select_n3A_322 = arith.select %eq3A_320, %jit3A_321, %jit3A_318 : i32
        %rem3A_323 = arith.remsi %add3A_314, %select_n3A_322 : i32
        %ne3A_324 = arith.constant 0 : i32
        %ne3A_325 = arith.cmpi ne, %rem3A_323, %ne3A_324 : i32
        %lt3A_326 = arith.constant 0 : i32
        %lt3A_327 = arith.cmpi slt, %rem3A_323, %lt3A_326 : i32
        %lt3A_328 = arith.constant 0 : i32
        %lt3A_329 = arith.cmpi slt, %select_n3A_322, %lt3A_328 : i32
        %ne3A_330 = arith.xori %lt3A_327, %lt3A_329 : i1
        %and3A_331 = arith.andi %ne3A_330, %ne3A_325 : i1
        %add3A_332 = arith.addi %rem3A_323, %select_n3A_322 : i32
        %select_n3A_333 = arith.select %and3A_331, %add3A_332, %rem3A_323 : i32
        "tpu.region"() ({
          %run_scoped3A_350 = tpu.sem_alloc : memref<!tpu.dma_semaphore, #tpu.memory_space<semaphore_mem>>
          %dma_start3A_351 = arith.constant 0 : i32
          %dma_start3A_352 = arith.constant 0 : i32
          %dma_start3A_353 = tpu.memref_slice %arg7[%select_n3A_333, %dma_start3A_351, %dma_start3A_352] : memref<2x16x128xi32, #tpu.memory_space<vmem>> -> memref<1x16x128xi32, #tpu.memory_space<vmem>>
          %dma_start3A_354 = tpu.memref_squeeze %dma_start3A_353 : memref<1x16x128xi32, #tpu.memory_space<vmem>> -> memref<16x128xi32, #tpu.memory_space<vmem>>
          %dma_start3A_355 = arith.constant 0 : i32
          %dma_start3A_356 = tpu.memref_slice %arg3[%add3A, %multiple_of3A_317, %dma_start3A_355] : memref<32x80x128xi32, #tpu.memory_space<hbm>> -> memref<1x16x128xi32, #tpu.memory_space<hbm>>
          %dma_start3A_357 = tpu.memref_squeeze %dma_start3A_356 : memref<1x16x128xi32, #tpu.memory_space<hbm>> -> memref<16x128xi32, #tpu.memory_space<hbm>>
          %dma_start3A_358 = arith.constant 0 : i32
          %dma_start3A_359 = arith.constant 0 : i32
          %dma_start3A_360 = tpu.memref_slice %arg7[%select_n3A_333, %dma_start3A_358, %dma_start3A_359] : memref<2x16x128xi32, #tpu.memory_space<vmem>> -> memref<1x16x128xi32, #tpu.memory_space<vmem>>
          %dma_start3A_361 = tpu.memref_squeeze %dma_start3A_360 : memref<1x16x128xi32, #tpu.memory_space<vmem>> -> memref<16x128xi32, #tpu.memory_space<vmem>>
          %dma_start3A_362 = arith.constant 0 : i32
          %dma_start3A_363 = tpu.memref_slice %arg3[%add3A, %multiple_of3A_317, %dma_start3A_362] : memref<32x80x128xi32, #tpu.memory_space<hbm>> -> memref<1x16x128xi32, #tpu.memory_space<hbm>>
          %dma_start3A_364 = tpu.memref_squeeze %dma_start3A_363 : memref<1x16x128xi32, #tpu.memory_space<hbm>> -> memref<16x128xi32, #tpu.memory_space<hbm>>
          tpu.enqueue_dma source(%dma_start3A_364 : memref<16x128xi32, #tpu.memory_space<hbm>>) target(%dma_start3A_361 : memref<16x128xi32, #tpu.memory_space<vmem>>) target_semaphore(%run_scoped3A_350 : memref<!tpu.dma_semaphore, #tpu.memory_space<semaphore_mem>>)
          %dma_wait3A_365 = arith.constant 0 : i32
          %dma_wait3A_366 = arith.constant 0 : i32
          %dma_wait3A_367 = tpu.memref_slice %arg7[%select_n3A_333, %dma_wait3A_365, %dma_wait3A_366] : memref<2x16x128xi32, #tpu.memory_space<vmem>> -> memref<1x16x128xi32, #tpu.memory_space<vmem>>
          %dma_wait3A_368 = tpu.memref_squeeze %dma_wait3A_367 : memref<1x16x128xi32, #tpu.memory_space<vmem>> -> memref<16x128xi32, #tpu.memory_space<vmem>>
          %dma_wait3A_369 = arith.constant 0 : i32
          %dma_wait3A_370 = tpu.memref_slice %arg3[%add3A, %multiple_of3A_317, %dma_wait3A_369] : memref<32x80x128xi32, #tpu.memory_space<hbm>> -> memref<1x16x128xi32, #tpu.memory_space<hbm>>
          %dma_wait3A_371 = tpu.memref_squeeze %dma_wait3A_370 : memref<1x16x128xi32, #tpu.memory_space<hbm>> -> memref<16x128xi32, #tpu.memory_space<hbm>>
          %dma_wait3A_372 = arith.constant 0 : i32
          %dma_wait3A_373 = arith.constant 0 : i32
          %dma_wait3A_374 = tpu.memref_slice %arg7[%select_n3A_333, %dma_wait3A_372, %dma_wait3A_373] : memref<2x16x128xi32, #tpu.memory_space<vmem>> -> memref<1x16x128xi32, #tpu.memory_space<vmem>>
          %dma_wait3A_375 = tpu.memref_squeeze %dma_wait3A_374 : memref<1x16x128xi32, #tpu.memory_space<vmem>> -> memref<16x128xi32, #tpu.memory_space<vmem>>
          %dma_wait3A_376 = arith.constant 0 : i32
          %dma_wait3A_377 = tpu.memref_slice %arg3[%add3A, %multiple_of3A_317, %dma_wait3A_376] : memref<32x80x128xi32, #tpu.memory_space<hbm>> -> memref<1x16x128xi32, #tpu.memory_space<hbm>>
          %dma_wait3A_378 = tpu.memref_squeeze %dma_wait3A_377 : memref<1x16x128xi32, #tpu.memory_space<hbm>> -> memref<16x128xi32, #tpu.memory_space<hbm>>
          tpu.wait_dma2 semaphore(%run_scoped3A_350 : memref<!tpu.dma_semaphore, #tpu.memory_space<semaphore_mem>>) src(%dma_wait3A_378 : memref<16x128xi32, #tpu.memory_space<hbm>>) dst(%dma_wait3A_375 : memref<16x128xi32, #tpu.memory_space<vmem>>)
          tpu.yield
        }) : () -> ()
        %jit3A_334 = arith.constant 2 : i32
        %eq3A_335 = arith.constant 0 : i32
        %eq3A_336 = arith.cmpi eq, %jit3A_334, %eq3A_335 : i32
        %jit3A_337 = arith.constant 1 : i32
        %select_n3A_338 = arith.select %eq3A_336, %jit3A_337, %jit3A_334 : i32
        %rem3A_339 = arith.remsi %add3A_314, %select_n3A_338 : i32
        %ne3A_340 = arith.constant 0 : i32
        %ne3A_341 = arith.cmpi ne, %rem3A_339, %ne3A_340 : i32
        %lt3A_342 = arith.constant 0 : i32
        %lt3A_343 = arith.cmpi slt, %rem3A_339, %lt3A_342 : i32
        %lt3A_344 = arith.constant 0 : i32
        %lt3A_345 = arith.cmpi slt, %select_n3A_338, %lt3A_344 : i32
        %ne3A_346 = arith.xori %lt3A_343, %lt3A_345 : i1
        %and3A_347 = arith.andi %ne3A_346, %ne3A_341 : i1
        %add3A_348 = arith.addi %rem3A_339, %select_n3A_338 : i32
        %select_n3A_349 = arith.select %and3A_347, %add3A_348, %rem3A_339 : i32
        "tpu.region"() ({
          %run_scoped3A_350 = tpu.sem_alloc : memref<!tpu.dma_semaphore, #tpu.memory_space<semaphore_mem>>
          %dma_start3A_351 = arith.constant 0 : i32
          %dma_start3A_352 = arith.constant 0 : i32
          %dma_start3A_353 = tpu.memref_slice %arg8[%select_n3A_349, %dma_start3A_351, %dma_start3A_352] : memref<2x16x128xi32, #tpu.memory_space<vmem>> -> memref<1x16x128xi32, #tpu.memory_space<vmem>>
          %dma_start3A_354 = tpu.memref_squeeze %dma_start3A_353 : memref<1x16x128xi32, #tpu.memory_space<vmem>> -> memref<16x128xi32, #tpu.memory_space<vmem>>
          %dma_start3A_355 = arith.constant 0 : i32
          %dma_start3A_356 = tpu.memref_slice %arg4[%add3A, %multiple_of3A_317, %dma_start3A_355] : memref<32x80x128xi32, #tpu.memory_space<hbm>> -> memref<1x16x128xi32, #tpu.memory_space<hbm>>
          %dma_start3A_357 = tpu.memref_squeeze %dma_start3A_356 : memref<1x16x128xi32, #tpu.memory_space<hbm>> -> memref<16x128xi32, #tpu.memory_space<hbm>>
          %dma_start3A_358 = arith.constant 0 : i32
          %dma_start3A_359 = arith.constant 0 : i32
          %dma_start3A_360 = tpu.memref_slice %arg8[%select_n3A_349, %dma_start3A_358, %dma_start3A_359] : memref<2x16x128xi32, #tpu.memory_space<vmem>> -> memref<1x16x128xi32, #tpu.memory_space<vmem>>
          %dma_start3A_361 = tpu.memref_squeeze %dma_start3A_360 : memref<1x16x128xi32, #tpu.memory_space<vmem>> -> memref<16x128xi32, #tpu.memory_space<vmem>>
          %dma_start3A_362 = arith.constant 0 : i32
          %dma_start3A_363 = tpu.memref_slice %arg4[%add3A, %multiple_of3A_317, %dma_start3A_362] : memref<32x80x128xi32, #tpu.memory_space<hbm>> -> memref<1x16x128xi32, #tpu.memory_space<hbm>>
          %dma_start3A_364 = tpu.memref_squeeze %dma_start3A_363 : memref<1x16x128xi32, #tpu.memory_space<hbm>> -> memref<16x128xi32, #tpu.memory_space<hbm>>
          tpu.enqueue_dma source(%dma_start3A_364 : memref<16x128xi32, #tpu.memory_space<hbm>>) target(%dma_start3A_361 : memref<16x128xi32, #tpu.memory_space<vmem>>) target_semaphore(%run_scoped3A_350 : memref<!tpu.dma_semaphore, #tpu.memory_space<semaphore_mem>>)
          %dma_wait3A_365 = arith.constant 0 : i32
          %dma_wait3A_366 = arith.constant 0 : i32
          %dma_wait3A_367 = tpu.memref_slice %arg8[%select_n3A_349, %dma_wait3A_365, %dma_wait3A_366] : memref<2x16x128xi32, #tpu.memory_space<vmem>> -> memref<1x16x128xi32, #tpu.memory_space<vmem>>
          %dma_wait3A_368 = tpu.memref_squeeze %dma_wait3A_367 : memref<1x16x128xi32, #tpu.memory_space<vmem>> -> memref<16x128xi32, #tpu.memory_space<vmem>>
          %dma_wait3A_369 = arith.constant 0 : i32
          %dma_wait3A_370 = tpu.memref_slice %arg4[%add3A, %multiple_of3A_317, %dma_wait3A_369] : memref<32x80x128xi32, #tpu.memory_space<hbm>> -> memref<1x16x128xi32, #tpu.memory_space<hbm>>
          %dma_wait3A_371 = tpu.memref_squeeze %dma_wait3A_370 : memref<1x16x128xi32, #tpu.memory_space<hbm>> -> memref<16x128xi32, #tpu.memory_space<hbm>>
          %dma_wait3A_372 = arith.constant 0 : i32
          %dma_wait3A_373 = arith.constant 0 : i32
          %dma_wait3A_374 = tpu.memref_slice %arg8[%select_n3A_349, %dma_wait3A_372, %dma_wait3A_373] : memref<2x16x128xi32, #tpu.memory_space<vmem>> -> memref<1x16x128xi32, #tpu.memory_space<vmem>>
          %dma_wait3A_375 = tpu.memref_squeeze %dma_wait3A_374 : memref<1x16x128xi32, #tpu.memory_space<vmem>> -> memref<16x128xi32, #tpu.memory_space<vmem>>
          %dma_wait3A_376 = arith.constant 0 : i32
          %dma_wait3A_377 = tpu.memref_slice %arg4[%add3A, %multiple_of3A_317, %dma_wait3A_376] : memref<32x80x128xi32, #tpu.memory_space<hbm>> -> memref<1x16x128xi32, #tpu.memory_space<hbm>>
          %dma_wait3A_378 = tpu.memref_squeeze %dma_wait3A_377 : memref<1x16x128xi32, #tpu.memory_space<hbm>> -> memref<16x128xi32, #tpu.memory_space<hbm>>
          tpu.wait_dma2 semaphore(%run_scoped3A_350 : memref<!tpu.dma_semaphore, #tpu.memory_space<semaphore_mem>>) src(%dma_wait3A_378 : memref<16x128xi32, #tpu.memory_space<hbm>>) dst(%dma_wait3A_375 : memref<16x128xi32, #tpu.memory_space<vmem>>)
          tpu.yield
        }) : () -> ()
      } else {
      }
      %mul3A_173 = arith.constant 2 : i32
      %mul3A_174 = arith.muli %mul3A_173, %scan3A_46 : i32
      %add3A_175 = arith.constant 1 : i32
      %add3A_176 = arith.addi %mul3A_174, %add3A_175 : i32
      %jit3A_177 = arith.constant 16 : i32
      %div3A_178 = arith.divsi %add3A_176, %jit3A_177 : i32
      %sign3A_179 = arith.constant 0 : i32
      %sign3A_180 = arith.cmpi sgt, %add3A_176, %sign3A_179 : i32
      %sign3A_181 = arith.extui %sign3A_180 : i1 to i32
      %sign3A_182 = arith.constant 0 : i32
      %sign3A_183 = arith.cmpi slt, %add3A_176, %sign3A_182 : i32
      %sign3A_184 = arith.extui %sign3A_183 : i1 to i32
      %sign3A_185 = arith.subi %sign3A_181, %sign3A_184 : i32
      %sign3A_186 = arith.constant 0 : i32
      %sign3A_187 = arith.cmpi sgt, %jit3A_177, %sign3A_186 : i32
      %sign3A_188 = arith.extui %sign3A_187 : i1 to i32
      %sign3A_189 = arith.constant 0 : i32
      %sign3A_190 = arith.cmpi slt, %jit3A_177, %sign3A_189 : i32
      %sign3A_191 = arith.extui %sign3A_190 : i1 to i32
      %sign3A_192 = arith.subi %sign3A_188, %sign3A_191 : i32
      %ne3A_193 = arith.cmpi ne, %sign3A_185, %sign3A_192 : i32
      %rem3A_194 = arith.remsi %add3A_176, %jit3A_177 : i32
      %ne3A_195 = arith.constant 0 : i32
      %ne3A_196 = arith.cmpi ne, %rem3A_194, %ne3A_195 : i32
      %and3A_197 = arith.andi %ne3A_193, %ne3A_196 : i1
      %sub3A_198 = arith.constant 1 : i32
      %sub3A_199 = arith.subi %div3A_178, %sub3A_198 : i32
      %select_n3A_200 = arith.select %and3A_197, %sub3A_199, %div3A_178 : i32
      %jit3A_201 = arith.constant 2 : i32
      %eq3A_202 = arith.constant 0 : i32
      %eq3A_203 = arith.cmpi eq, %jit3A_201, %eq3A_202 : i32
      %jit3A_204 = arith.constant 1 : i32
      %select_n3A_205 = arith.select %eq3A_203, %jit3A_204, %jit3A_201 : i32
      %rem3A_206 = arith.remsi %select_n3A_200, %select_n3A_205 : i32
      %ne3A_207 = arith.constant 0 : i32
      %ne3A_208 = arith.cmpi ne, %rem3A_206, %ne3A_207 : i32
      %lt3A_209 = arith.constant 0 : i32
      %lt3A_210 = arith.cmpi slt, %rem3A_206, %lt3A_209 : i32
      %lt3A_211 = arith.constant 0 : i32
      %lt3A_212 = arith.cmpi slt, %select_n3A_205, %lt3A_211 : i32
      %ne3A_213 = arith.xori %lt3A_210, %lt3A_212 : i1
      %and3A_214 = arith.andi %ne3A_213, %ne3A_208 : i1
      %add3A_215 = arith.addi %rem3A_206, %select_n3A_205 : i32
      %select_n3A_216 = arith.select %and3A_214, %add3A_215, %rem3A_206 : i32
      %jit3A_217 = arith.constant 16 : i32
      %eq3A_218 = arith.constant 0 : i32
      %eq3A_219 = arith.cmpi eq, %jit3A_217, %eq3A_218 : i32
      %jit3A_220 = arith.constant 1 : i32
      %select_n3A_221 = arith.select %eq3A_219, %jit3A_220, %jit3A_217 : i32
      %rem3A_222 = arith.remsi %add3A_176, %select_n3A_221 : i32
      %ne3A_223 = arith.constant 0 : i32
      %ne3A_224 = arith.cmpi ne, %rem3A_222, %ne3A_223 : i32
      %lt3A_225 = arith.constant 0 : i32
      %lt3A_226 = arith.cmpi slt, %rem3A_222, %lt3A_225 : i32
      %lt3A_227 = arith.constant 0 : i32
      %lt3A_228 = arith.cmpi slt, %select_n3A_221, %lt3A_227 : i32
      %ne3A_229 = arith.xori %lt3A_226, %lt3A_228 : i1
      %and3A_230 = arith.andi %ne3A_229, %ne3A_224 : i1
      %add3A_231 = arith.addi %rem3A_222, %select_n3A_221 : i32
      %select_n3A_232 = arith.select %and3A_230, %add3A_231, %rem3A_222 : i32
      %dma_wait3A_233 = arith.constant 1 : i32
      %dma_wait3A_234 = arith.constant 0 : i32
      %dma_wait3A_235 = arith.constant 0 : i32
      %dma_wait3A_236 = tpu.memref_slice %arg9[%dma_wait3A_233, %dma_wait3A_234, %dma_wait3A_235] : memref<2x128x128xf32, #tpu.memory_space<vmem>> -> memref<1x128x128xf32, #tpu.memory_space<vmem>>
      %dma_wait3A_237 = tpu.memref_squeeze %dma_wait3A_236 : memref<1x128x128xf32, #tpu.memory_space<vmem>> -> memref<128x128xf32, #tpu.memory_space<vmem>>
      %dma_wait3A_238 = arith.constant 0 : i32
      %dma_wait3A_239 = tpu.memref_slice %arg7[%select_n3A_216, %select_n3A_232, %dma_wait3A_238] : memref<2x16x128xi32, #tpu.memory_space<vmem>> -> memref<1x1x128xi32, #tpu.memory_space<vmem>>
      %dma_wait3A_240 = tpu.memref_squeeze %dma_wait3A_239 : memref<1x1x128xi32, #tpu.memory_space<vmem>> -> memref<128xi32, #tpu.memory_space<vmem>>
      %dma_wait3A_241 = arith.constant 0 : i32
      %dma_wait3A_242 = arith.constant 0 : i32
      %dma_wait3A_243 = tpu.memref_slice %arg2[%dma_wait3A_241, %dma_wait3A_242] : memref<10000x128xf32, #tpu.memory_space<hbm>> -> memref<10000x128xf32, #tpu.memory_space<hbm>>
      tpu.wait_indirect_dma semaphore(%arg12 : memref<!tpu.dma_semaphore, #tpu.memory_space<semaphore_mem>>) src(%dma_wait3A_243 : memref<10000x128xf32, #tpu.memory_space<hbm>>) dst(%dma_wait3A_237 : memref<128x128xf32, #tpu.memory_space<vmem>>)
      %jit3A_244 = arith.constant 2 : i32
      %eq3A_245 = arith.constant 0 : i32
      %eq3A_246 = arith.cmpi eq, %jit3A_244, %eq3A_245 : i32
      %jit3A_247 = arith.constant 1 : i32
      %select_n3A_248 = arith.select %eq3A_246, %jit3A_247, %jit3A_244 : i32
      %rem3A_249 = arith.remsi %select_n3A_200, %select_n3A_248 : i32
      %ne3A_250 = arith.constant 0 : i32
      %ne3A_251 = arith.cmpi ne, %rem3A_249, %ne3A_250 : i32
      %lt3A_252 = arith.constant 0 : i32
      %lt3A_253 = arith.cmpi slt, %rem3A_249, %lt3A_252 : i32
      %lt3A_254 = arith.constant 0 : i32
      %lt3A_255 = arith.cmpi slt, %select_n3A_248, %lt3A_254 : i32
      %ne3A_256 = arith.xori %lt3A_253, %lt3A_255 : i1
      %and3A_257 = arith.andi %ne3A_256, %ne3A_251 : i1
      %add3A_258 = arith.addi %rem3A_249, %select_n3A_248 : i32
      %select_n3A_259 = arith.select %and3A_257, %add3A_258, %rem3A_249 : i32
      %jit3A_260 = arith.constant 16 : i32
      %eq3A_261 = arith.constant 0 : i32
      %eq3A_262 = arith.cmpi eq, %jit3A_260, %eq3A_261 : i32
      %jit3A_263 = arith.constant 1 : i32
      %select_n3A_264 = arith.select %eq3A_262, %jit3A_263, %jit3A_260 : i32
      %rem3A_265 = arith.remsi %add3A_176, %select_n3A_264 : i32
      %ne3A_266 = arith.constant 0 : i32
      %ne3A_267 = arith.cmpi ne, %rem3A_265, %ne3A_266 : i32
      %lt3A_268 = arith.constant 0 : i32
      %lt3A_269 = arith.cmpi slt, %rem3A_265, %lt3A_268 : i32
      %lt3A_270 = arith.constant 0 : i32
      %lt3A_271 = arith.cmpi slt, %select_n3A_264, %lt3A_270 : i32
      %ne3A_272 = arith.xori %lt3A_269, %lt3A_271 : i1
      %and3A_273 = arith.andi %ne3A_272, %ne3A_267 : i1
      %add3A_274 = arith.addi %rem3A_265, %select_n3A_264 : i32
      %select_n3A_275 = arith.select %and3A_273, %add3A_274, %rem3A_265 : i32
      %run_scoped3A_276 = arith.constant 1 : i32
      "tpu.region"() ({
        %run_scoped3A_313 = tpu.sem_alloc : memref<!tpu.dma_semaphore, #tpu.memory_space<semaphore_mem>>
        %dma_start3A_314 = arith.constant 0 : i32
        %dma_start3A_315 = arith.constant 0 : i32
        %dma_start3A_316 = tpu.memref_slice %arg9[%run_scoped3A_276, %dma_start3A_314, %dma_start3A_315] : memref<2x128x128xf32, #tpu.memory_space<vmem>> -> memref<1x128x128xf32, #tpu.memory_space<vmem>>
        %dma_start3A_317 = tpu.memref_squeeze %dma_start3A_316 : memref<1x128x128xf32, #tpu.memory_space<vmem>> -> memref<128x128xf32, #tpu.memory_space<vmem>>
        %dma_start3A_318 = arith.constant 0 : i32
        %dma_start3A_319 = tpu.memref_slice %arg8[%select_n3A_259, %select_n3A_275, %dma_start3A_318] : memref<2x16x128xi32, #tpu.memory_space<vmem>> -> memref<1x1x128xi32, #tpu.memory_space<vmem>>
        %dma_start3A_320 = tpu.memref_squeeze %dma_start3A_319 : memref<1x1x128xi32, #tpu.memory_space<vmem>> -> memref<128xi32, #tpu.memory_space<vmem>>
        %dma_start3A_321 = arith.constant 0 : i32
        %dma_start3A_322 = arith.constant 0 : i32
        %dma_start3A_323 = tpu.memref_slice %arg10[%dma_start3A_321, %dma_start3A_322] : memref<10112x128xf32, #tpu.memory_space<vmem_shared>> -> memref<10112x128xf32, #tpu.memory_space<vmem_shared>>
        tpu.enqueue_indirect_dma source(%dma_start3A_317 : memref<128x128xf32, #tpu.memory_space<vmem>>) target(%dma_start3A_323 : memref<10112x128xf32, #tpu.memory_space<vmem_shared>>) offsets(%dma_start3A_320 : memref<128xi32, #tpu.memory_space<vmem>>) semaphore(%run_scoped3A_313 : memref<!tpu.dma_semaphore, #tpu.memory_space<semaphore_mem>>) {add = true}
        %dma_wait3A_324 = arith.constant 0 : i32
        %dma_wait3A_325 = arith.constant 0 : i32
        %dma_wait3A_326 = tpu.memref_slice %arg9[%run_scoped3A_276, %dma_wait3A_324, %dma_wait3A_325] : memref<2x128x128xf32, #tpu.memory_space<vmem>> -> memref<1x128x128xf32, #tpu.memory_space<vmem>>
        %dma_wait3A_327 = tpu.memref_squeeze %dma_wait3A_326 : memref<1x128x128xf32, #tpu.memory_space<vmem>> -> memref<128x128xf32, #tpu.memory_space<vmem>>
        %dma_wait3A_328 = arith.constant 0 : i32
        %dma_wait3A_329 = tpu.memref_slice %arg8[%select_n3A_259, %select_n3A_275, %dma_wait3A_328] : memref<2x16x128xi32, #tpu.memory_space<vmem>> -> memref<1x1x128xi32, #tpu.memory_space<vmem>>
        %dma_wait3A_330 = tpu.memref_squeeze %dma_wait3A_329 : memref<1x1x128xi32, #tpu.memory_space<vmem>> -> memref<128xi32, #tpu.memory_space<vmem>>
        %dma_wait3A_331 = arith.constant 0 : i32
        %dma_wait3A_332 = arith.constant 0 : i32
        %dma_wait3A_333 = tpu.memref_slice %arg10[%dma_wait3A_331, %dma_wait3A_332] : memref<10112x128xf32, #tpu.memory_space<vmem_shared>> -> memref<10112x128xf32, #tpu.memory_space<vmem_shared>>
        tpu.wait_indirect_dma semaphore(%run_scoped3A_313 : memref<!tpu.dma_semaphore, #tpu.memory_space<semaphore_mem>>) src(%dma_wait3A_327 : memref<128x128xf32, #tpu.memory_space<vmem>>) dst(%dma_wait3A_333 : memref<10112x128xf32, #tpu.memory_space<vmem_shared>>)
        tpu.yield
      }) : () -> ()
      %add3A_277 = arith.constant 2 : i32
      %add3A_278 = arith.addi %add3A_176, %add3A_277 : i32
      %lt3A_279 = arith.constant 80 : i32
      %lt3A_280 = arith.cmpi slt, %add3A_278, %lt3A_279 : i32
      %convert_element_type3A_281 = arith.extui %lt3A_280 : i1 to i32
      %cond3A_282 = arith.constant 0 : i32
      %cond3A_283 = arith.cmpi ne, %convert_element_type3A_281, %cond3A_282 : i32
      scf.if %cond3A_283 {
        %jit3A_313 = arith.constant 16 : i32
        %div3A_314 = arith.divsi %add3A_278, %jit3A_313 : i32
        %sign3A_315 = arith.constant 0 : i32
        %sign3A_316 = arith.cmpi sgt, %add3A_278, %sign3A_315 : i32
        %sign3A_317 = arith.extui %sign3A_316 : i1 to i32
        %sign3A_318 = arith.constant 0 : i32
        %sign3A_319 = arith.cmpi slt, %add3A_278, %sign3A_318 : i32
        %sign3A_320 = arith.extui %sign3A_319 : i1 to i32
        %sign3A_321 = arith.subi %sign3A_317, %sign3A_320 : i32
        %sign3A_322 = arith.constant 0 : i32
        %sign3A_323 = arith.cmpi sgt, %jit3A_313, %sign3A_322 : i32
        %sign3A_324 = arith.extui %sign3A_323 : i1 to i32
        %sign3A_325 = arith.constant 0 : i32
        %sign3A_326 = arith.cmpi slt, %jit3A_313, %sign3A_325 : i32
        %sign3A_327 = arith.extui %sign3A_326 : i1 to i32
        %sign3A_328 = arith.subi %sign3A_324, %sign3A_327 : i32
        %ne3A_329 = arith.cmpi ne, %sign3A_321, %sign3A_328 : i32
        %rem3A_330 = arith.remsi %add3A_278, %jit3A_313 : i32
        %ne3A_331 = arith.constant 0 : i32
        %ne3A_332 = arith.cmpi ne, %rem3A_330, %ne3A_331 : i32
        %and3A_333 = arith.andi %ne3A_329, %ne3A_332 : i1
        %sub3A_334 = arith.constant 1 : i32
        %sub3A_335 = arith.subi %div3A_314, %sub3A_334 : i32
        %select_n3A_336 = arith.select %and3A_333, %sub3A_335, %div3A_314 : i32
        %jit3A_337 = arith.constant 2 : i32
        %eq3A_338 = arith.constant 0 : i32
        %eq3A_339 = arith.cmpi eq, %jit3A_337, %eq3A_338 : i32
        %jit3A_340 = arith.constant 1 : i32
        %select_n3A_341 = arith.select %eq3A_339, %jit3A_340, %jit3A_337 : i32
        %rem3A_342 = arith.remsi %select_n3A_336, %select_n3A_341 : i32
        %ne3A_343 = arith.constant 0 : i32
        %ne3A_344 = arith.cmpi ne, %rem3A_342, %ne3A_343 : i32
        %lt3A_345 = arith.constant 0 : i32
        %lt3A_346 = arith.cmpi slt, %rem3A_342, %lt3A_345 : i32
        %lt3A_347 = arith.constant 0 : i32
        %lt3A_348 = arith.cmpi slt, %select_n3A_341, %lt3A_347 : i32
        %ne3A_349 = arith.xori %lt3A_346, %lt3A_348 : i1
        %and3A_350 = arith.andi %ne3A_349, %ne3A_344 : i1
        %add3A_351 = arith.addi %rem3A_342, %select_n3A_341 : i32
        %select_n3A_352 = arith.select %and3A_350, %add3A_351, %rem3A_342 : i32
        %jit3A_353 = arith.constant 16 : i32
        %eq3A_354 = arith.constant 0 : i32
        %eq3A_355 = arith.cmpi eq, %jit3A_353, %eq3A_354 : i32
        %jit3A_356 = arith.constant 1 : i32
        %select_n3A_357 = arith.select %eq3A_355, %jit3A_356, %jit3A_353 : i32
        %rem3A_358 = arith.remsi %add3A_278, %select_n3A_357 : i32
        %ne3A_359 = arith.constant 0 : i32
        %ne3A_360 = arith.cmpi ne, %rem3A_358, %ne3A_359 : i32
        %lt3A_361 = arith.constant 0 : i32
        %lt3A_362 = arith.cmpi slt, %rem3A_358, %lt3A_361 : i32
        %lt3A_363 = arith.constant 0 : i32
        %lt3A_364 = arith.cmpi slt, %select_n3A_357, %lt3A_363 : i32
        %ne3A_365 = arith.xori %lt3A_362, %lt3A_364 : i1
        %and3A_366 = arith.andi %ne3A_365, %ne3A_360 : i1
        %add3A_367 = arith.addi %rem3A_358, %select_n3A_357 : i32
        %select_n3A_368 = arith.select %and3A_366, %add3A_367, %rem3A_358 : i32
        %dma_start3A_369 = arith.constant 1 : i32
        %dma_start3A_370 = arith.constant 0 : i32
        %dma_start3A_371 = arith.constant 0 : i32
        %dma_start3A_372 = tpu.memref_slice %arg9[%dma_start3A_369, %dma_start3A_370, %dma_start3A_371] : memref<2x128x128xf32, #tpu.memory_space<vmem>> -> memref<1x128x128xf32, #tpu.memory_space<vmem>>
        %dma_start3A_373 = tpu.memref_squeeze %dma_start3A_372 : memref<1x128x128xf32, #tpu.memory_space<vmem>> -> memref<128x128xf32, #tpu.memory_space<vmem>>
        %dma_start3A_374 = arith.constant 0 : i32
        %dma_start3A_375 = tpu.memref_slice %arg7[%select_n3A_352, %select_n3A_368, %dma_start3A_374] : memref<2x16x128xi32, #tpu.memory_space<vmem>> -> memref<1x1x128xi32, #tpu.memory_space<vmem>>
        %dma_start3A_376 = tpu.memref_squeeze %dma_start3A_375 : memref<1x1x128xi32, #tpu.memory_space<vmem>> -> memref<128xi32, #tpu.memory_space<vmem>>
        %dma_start3A_377 = arith.constant 0 : i32
        %dma_start3A_378 = arith.constant 0 : i32
        %dma_start3A_379 = tpu.memref_slice %arg2[%dma_start3A_377, %dma_start3A_378] : memref<10000x128xf32, #tpu.memory_space<hbm>> -> memref<10000x128xf32, #tpu.memory_space<hbm>>
        tpu.enqueue_indirect_dma source(%dma_start3A_379 : memref<10000x128xf32, #tpu.memory_space<hbm>>) target(%dma_start3A_373 : memref<128x128xf32, #tpu.memory_space<vmem>>) offsets(%dma_start3A_376 : memref<128xi32, #tpu.memory_space<vmem>>) semaphore(%arg12 : memref<!tpu.dma_semaphore, #tpu.memory_space<semaphore_mem>>)
      } else {
      }
      %jit3A_284 = arith.constant 16 : i32
      %eq3A_285 = arith.constant 0 : i32
      %eq3A_286 = arith.cmpi eq, %jit3A_284, %eq3A_285 : i32
      %jit3A_287 = arith.constant 1 : i32
      %select_n3A_288 = arith.select %eq3A_286, %jit3A_287, %jit3A_284 : i32
      %rem3A_289 = arith.remsi %add3A_176, %select_n3A_288 : i32
      %ne3A_290 = arith.constant 0 : i32
      %ne3A_291 = arith.cmpi ne, %rem3A_289, %ne3A_290 : i32
      %lt3A_292 = arith.constant 0 : i32
      %lt3A_293 = arith.cmpi slt, %rem3A_289, %lt3A_292 : i32
      %lt3A_294 = arith.constant 0 : i32
      %lt3A_295 = arith.cmpi slt, %select_n3A_288, %lt3A_294 : i32
      %ne3A_296 = arith.xori %lt3A_293, %lt3A_295 : i1
      %and3A_297 = arith.andi %ne3A_296, %ne3A_291 : i1
      %add3A_298 = arith.addi %rem3A_289, %select_n3A_288 : i32
      %select_n3A_299 = arith.select %and3A_297, %add3A_298, %rem3A_289 : i32
      %eq3A_300 = arith.constant 2 : i32
      %eq3A_301 = arith.cmpi eq, %select_n3A_299, %eq3A_300 : i32
      %ge3A_302 = arith.constant 1 : i32
      %ge3A_303 = arith.cmpi sge, %select_n3A_200, %ge3A_302 : i32
      %and3A_304 = arith.andi %eq3A_301, %ge3A_303 : i1
      %add3A_305 = arith.constant 1 : i32
      %add3A_306 = arith.addi %select_n3A_200, %add3A_305 : i32
      %lt3A_307 = arith.constant 5 : i32
      %lt3A_308 = arith.cmpi slt, %add3A_306, %lt3A_307 : i32
      %and3A_309 = arith.andi %and3A_304, %lt3A_308 : i1
      %convert_element_type3A_310 = arith.extui %and3A_309 : i1 to i32
      %cond3A_311 = arith.constant 0 : i32
      %cond3A_312 = arith.cmpi ne, %convert_element_type3A_310, %cond3A_311 : i32
      scf.if %cond3A_312 {
        %add3A_313 = arith.constant 1 : i32
        %add3A_314 = arith.addi %select_n3A_200, %add3A_313 : i32
        %mul3A_315 = arith.constant 16 : i32
        %mul3A_316 = arith.muli %add3A_314, %mul3A_315 : i32
        %multiple_of3A_317 = tpu.assume_multiple %mul3A_316, 8 : i32
        %jit3A_318 = arith.constant 2 : i32
        %eq3A_319 = arith.constant 0 : i32
        %eq3A_320 = arith.cmpi eq, %jit3A_318, %eq3A_319 : i32
        %jit3A_321 = arith.constant 1 : i32
        %select_n3A_322 = arith.select %eq3A_320, %jit3A_321, %jit3A_318 : i32
        %rem3A_323 = arith.remsi %add3A_314, %select_n3A_322 : i32
        %ne3A_324 = arith.constant 0 : i32
        %ne3A_325 = arith.cmpi ne, %rem3A_323, %ne3A_324 : i32
        %lt3A_326 = arith.constant 0 : i32
        %lt3A_327 = arith.cmpi slt, %rem3A_323, %lt3A_326 : i32
        %lt3A_328 = arith.constant 0 : i32
        %lt3A_329 = arith.cmpi slt, %select_n3A_322, %lt3A_328 : i32
        %ne3A_330 = arith.xori %lt3A_327, %lt3A_329 : i1
        %and3A_331 = arith.andi %ne3A_330, %ne3A_325 : i1
        %add3A_332 = arith.addi %rem3A_323, %select_n3A_322 : i32
        %select_n3A_333 = arith.select %and3A_331, %add3A_332, %rem3A_323 : i32
        "tpu.region"() ({
          %run_scoped3A_350 = tpu.sem_alloc : memref<!tpu.dma_semaphore, #tpu.memory_space<semaphore_mem>>
          %dma_start3A_351 = arith.constant 0 : i32
          %dma_start3A_352 = arith.constant 0 : i32
          %dma_start3A_353 = tpu.memref_slice %arg7[%select_n3A_333, %dma_start3A_351, %dma_start3A_352] : memref<2x16x128xi32, #tpu.memory_space<vmem>> -> memref<1x16x128xi32, #tpu.memory_space<vmem>>
          %dma_start3A_354 = tpu.memref_squeeze %dma_start3A_353 : memref<1x16x128xi32, #tpu.memory_space<vmem>> -> memref<16x128xi32, #tpu.memory_space<vmem>>
          %dma_start3A_355 = arith.constant 0 : i32
          %dma_start3A_356 = tpu.memref_slice %arg3[%add3A, %multiple_of3A_317, %dma_start3A_355] : memref<32x80x128xi32, #tpu.memory_space<hbm>> -> memref<1x16x128xi32, #tpu.memory_space<hbm>>
          %dma_start3A_357 = tpu.memref_squeeze %dma_start3A_356 : memref<1x16x128xi32, #tpu.memory_space<hbm>> -> memref<16x128xi32, #tpu.memory_space<hbm>>
          %dma_start3A_358 = arith.constant 0 : i32
          %dma_start3A_359 = arith.constant 0 : i32
          %dma_start3A_360 = tpu.memref_slice %arg7[%select_n3A_333, %dma_start3A_358, %dma_start3A_359] : memref<2x16x128xi32, #tpu.memory_space<vmem>> -> memref<1x16x128xi32, #tpu.memory_space<vmem>>
          %dma_start3A_361 = tpu.memref_squeeze %dma_start3A_360 : memref<1x16x128xi32, #tpu.memory_space<vmem>> -> memref<16x128xi32, #tpu.memory_space<vmem>>
          %dma_start3A_362 = arith.constant 0 : i32
          %dma_start3A_363 = tpu.memref_slice %arg3[%add3A, %multiple_of3A_317, %dma_start3A_362] : memref<32x80x128xi32, #tpu.memory_space<hbm>> -> memref<1x16x128xi32, #tpu.memory_space<hbm>>
          %dma_start3A_364 = tpu.memref_squeeze %dma_start3A_363 : memref<1x16x128xi32, #tpu.memory_space<hbm>> -> memref<16x128xi32, #tpu.memory_space<hbm>>
          tpu.enqueue_dma source(%dma_start3A_364 : memref<16x128xi32, #tpu.memory_space<hbm>>) target(%dma_start3A_361 : memref<16x128xi32, #tpu.memory_space<vmem>>) target_semaphore(%run_scoped3A_350 : memref<!tpu.dma_semaphore, #tpu.memory_space<semaphore_mem>>)
          %dma_wait3A_365 = arith.constant 0 : i32
          %dma_wait3A_366 = arith.constant 0 : i32
          %dma_wait3A_367 = tpu.memref_slice %arg7[%select_n3A_333, %dma_wait3A_365, %dma_wait3A_366] : memref<2x16x128xi32, #tpu.memory_space<vmem>> -> memref<1x16x128xi32, #tpu.memory_space<vmem>>
          %dma_wait3A_368 = tpu.memref_squeeze %dma_wait3A_367 : memref<1x16x128xi32, #tpu.memory_space<vmem>> -> memref<16x128xi32, #tpu.memory_space<vmem>>
          %dma_wait3A_369 = arith.constant 0 : i32
          %dma_wait3A_370 = tpu.memref_slice %arg3[%add3A, %multiple_of3A_317, %dma_wait3A_369] : memref<32x80x128xi32, #tpu.memory_space<hbm>> -> memref<1x16x128xi32, #tpu.memory_space<hbm>>
          %dma_wait3A_371 = tpu.memref_squeeze %dma_wait3A_370 : memref<1x16x128xi32, #tpu.memory_space<hbm>> -> memref<16x128xi32, #tpu.memory_space<hbm>>
          %dma_wait3A_372 = arith.constant 0 : i32
          %dma_wait3A_373 = arith.constant 0 : i32
          %dma_wait3A_374 = tpu.memref_slice %arg7[%select_n3A_333, %dma_wait3A_372, %dma_wait3A_373] : memref<2x16x128xi32, #tpu.memory_space<vmem>> -> memref<1x16x128xi32, #tpu.memory_space<vmem>>
          %dma_wait3A_375 = tpu.memref_squeeze %dma_wait3A_374 : memref<1x16x128xi32, #tpu.memory_space<vmem>> -> memref<16x128xi32, #tpu.memory_space<vmem>>
          %dma_wait3A_376 = arith.constant 0 : i32
          %dma_wait3A_377 = tpu.memref_slice %arg3[%add3A, %multiple_of3A_317, %dma_wait3A_376] : memref<32x80x128xi32, #tpu.memory_space<hbm>> -> memref<1x16x128xi32, #tpu.memory_space<hbm>>
          %dma_wait3A_378 = tpu.memref_squeeze %dma_wait3A_377 : memref<1x16x128xi32, #tpu.memory_space<hbm>> -> memref<16x128xi32, #tpu.memory_space<hbm>>
          tpu.wait_dma2 semaphore(%run_scoped3A_350 : memref<!tpu.dma_semaphore, #tpu.memory_space<semaphore_mem>>) src(%dma_wait3A_378 : memref<16x128xi32, #tpu.memory_space<hbm>>) dst(%dma_wait3A_375 : memref<16x128xi32, #tpu.memory_space<vmem>>)
          tpu.yield
        }) : () -> ()
        %jit3A_334 = arith.constant 2 : i32
        %eq3A_335 = arith.constant 0 : i32
        %eq3A_336 = arith.cmpi eq, %jit3A_334, %eq3A_335 : i32
        %jit3A_337 = arith.constant 1 : i32
        %select_n3A_338 = arith.select %eq3A_336, %jit3A_337, %jit3A_334 : i32
        %rem3A_339 = arith.remsi %add3A_314, %select_n3A_338 : i32
        %ne3A_340 = arith.constant 0 : i32
        %ne3A_341 = arith.cmpi ne, %rem3A_339, %ne3A_340 : i32
        %lt3A_342 = arith.constant 0 : i32
        %lt3A_343 = arith.cmpi slt, %rem3A_339, %lt3A_342 : i32
        %lt3A_344 = arith.constant 0 : i32
        %lt3A_345 = arith.cmpi slt, %select_n3A_338, %lt3A_344 : i32
        %ne3A_346 = arith.xori %lt3A_343, %lt3A_345 : i1
        %and3A_347 = arith.andi %ne3A_346, %ne3A_341 : i1
        %add3A_348 = arith.addi %rem3A_339, %select_n3A_338 : i32
        %select_n3A_349 = arith.select %and3A_347, %add3A_348, %rem3A_339 : i32
        "tpu.region"() ({
          %run_scoped3A_350 = tpu.sem_alloc : memref<!tpu.dma_semaphore, #tpu.memory_space<semaphore_mem>>
          %dma_start3A_351 = arith.constant 0 : i32
          %dma_start3A_352 = arith.constant 0 : i32
          %dma_start3A_353 = tpu.memref_slice %arg8[%select_n3A_349, %dma_start3A_351, %dma_start3A_352] : memref<2x16x128xi32, #tpu.memory_space<vmem>> -> memref<1x16x128xi32, #tpu.memory_space<vmem>>
          %dma_start3A_354 = tpu.memref_squeeze %dma_start3A_353 : memref<1x16x128xi32, #tpu.memory_space<vmem>> -> memref<16x128xi32, #tpu.memory_space<vmem>>
          %dma_start3A_355 = arith.constant 0 : i32
          %dma_start3A_356 = tpu.memref_slice %arg4[%add3A, %multiple_of3A_317, %dma_start3A_355] : memref<32x80x128xi32, #tpu.memory_space<hbm>> -> memref<1x16x128xi32, #tpu.memory_space<hbm>>
          %dma_start3A_357 = tpu.memref_squeeze %dma_start3A_356 : memref<1x16x128xi32, #tpu.memory_space<hbm>> -> memref<16x128xi32, #tpu.memory_space<hbm>>
          %dma_start3A_358 = arith.constant 0 : i32
          %dma_start3A_359 = arith.constant 0 : i32
          %dma_start3A_360 = tpu.memref_slice %arg8[%select_n3A_349, %dma_start3A_358, %dma_start3A_359] : memref<2x16x128xi32, #tpu.memory_space<vmem>> -> memref<1x16x128xi32, #tpu.memory_space<vmem>>
          %dma_start3A_361 = tpu.memref_squeeze %dma_start3A_360 : memref<1x16x128xi32, #tpu.memory_space<vmem>> -> memref<16x128xi32, #tpu.memory_space<vmem>>
          %dma_start3A_362 = arith.constant 0 : i32
          %dma_start3A_363 = tpu.memref_slice %arg4[%add3A, %multiple_of3A_317, %dma_start3A_362] : memref<32x80x128xi32, #tpu.memory_space<hbm>> -> memref<1x16x128xi32, #tpu.memory_space<hbm>>
          %dma_start3A_364 = tpu.memref_squeeze %dma_start3A_363 : memref<1x16x128xi32, #tpu.memory_space<hbm>> -> memref<16x128xi32, #tpu.memory_space<hbm>>
          tpu.enqueue_dma source(%dma_start3A_364 : memref<16x128xi32, #tpu.memory_space<hbm>>) target(%dma_start3A_361 : memref<16x128xi32, #tpu.memory_space<vmem>>) target_semaphore(%run_scoped3A_350 : memref<!tpu.dma_semaphore, #tpu.memory_space<semaphore_mem>>)
          %dma_wait3A_365 = arith.constant 0 : i32
          %dma_wait3A_366 = arith.constant 0 : i32
          %dma_wait3A_367 = tpu.memref_slice %arg8[%select_n3A_349, %dma_wait3A_365, %dma_wait3A_366] : memref<2x16x128xi32, #tpu.memory_space<vmem>> -> memref<1x16x128xi32, #tpu.memory_space<vmem>>
          %dma_wait3A_368 = tpu.memref_squeeze %dma_wait3A_367 : memref<1x16x128xi32, #tpu.memory_space<vmem>> -> memref<16x128xi32, #tpu.memory_space<vmem>>
          %dma_wait3A_369 = arith.constant 0 : i32
          %dma_wait3A_370 = tpu.memref_slice %arg4[%add3A, %multiple_of3A_317, %dma_wait3A_369] : memref<32x80x128xi32, #tpu.memory_space<hbm>> -> memref<1x16x128xi32, #tpu.memory_space<hbm>>
          %dma_wait3A_371 = tpu.memref_squeeze %dma_wait3A_370 : memref<1x16x128xi32, #tpu.memory_space<hbm>> -> memref<16x128xi32, #tpu.memory_space<hbm>>
          %dma_wait3A_372 = arith.constant 0 : i32
          %dma_wait3A_373 = arith.constant 0 : i32
          %dma_wait3A_374 = tpu.memref_slice %arg8[%select_n3A_349, %dma_wait3A_372, %dma_wait3A_373] : memref<2x16x128xi32, #tpu.memory_space<vmem>> -> memref<1x16x128xi32, #tpu.memory_space<vmem>>
          %dma_wait3A_375 = tpu.memref_squeeze %dma_wait3A_374 : memref<1x16x128xi32, #tpu.memory_space<vmem>> -> memref<16x128xi32, #tpu.memory_space<vmem>>
          %dma_wait3A_376 = arith.constant 0 : i32
          %dma_wait3A_377 = tpu.memref_slice %arg4[%add3A, %multiple_of3A_317, %dma_wait3A_376] : memref<32x80x128xi32, #tpu.memory_space<hbm>> -> memref<1x16x128xi32, #tpu.memory_space<hbm>>
          %dma_wait3A_378 = tpu.memref_squeeze %dma_wait3A_377 : memref<1x16x128xi32, #tpu.memory_space<hbm>> -> memref<16x128xi32, #tpu.memory_space<hbm>>
          tpu.wait_dma2 semaphore(%run_scoped3A_350 : memref<!tpu.dma_semaphore, #tpu.memory_space<semaphore_mem>>) src(%dma_wait3A_378 : memref<16x128xi32, #tpu.memory_space<hbm>>) dst(%dma_wait3A_375 : memref<16x128xi32, #tpu.memory_space<vmem>>)
          tpu.yield
        }) : () -> ()
      } else {
      }
    }
    %scan3A_40 = arith.constant 40 : i32
    %barrier3A_41 = arith.constant 0 : index
    tpu.barrier barrier_id(%barrier3A_41)
    %mul3A_42 = arith.constant 632 : i32
    %mul3A_43 = arith.muli %arg1, %mul3A_42 : i32
    %mul3A_44 = arith.constant 632 : i32
    %mul3A_45 = arith.muli %arg1, %mul3A_44 : i32
    "tpu.region"() ({
      %run_scoped3A_46 = tpu.sem_alloc : memref<!tpu.dma_semaphore, #tpu.memory_space<semaphore_mem>>
      %dma_start3A_47 = arith.constant 0 : i32
      %dma_start3A_48 = tpu.memref_slice %arg6[%arg0, %mul3A_45, %dma_start3A_47] : memref<2x10112x128xf32, #tpu.memory_space<hbm>> -> memref<1x632x128xf32, #tpu.memory_space<hbm>>
      %dma_start3A_49 = tpu.memref_squeeze %dma_start3A_48 : memref<1x632x128xf32, #tpu.memory_space<hbm>> -> memref<632x128xf32, #tpu.memory_space<hbm>>
      %dma_start3A_50 = arith.constant 0 : i32
      %dma_start3A_51 = tpu.memref_slice %arg10[%mul3A_43, %dma_start3A_50] : memref<10112x128xf32, #tpu.memory_space<vmem_shared>> -> memref<632x128xf32, #tpu.memory_space<vmem_shared>>
      tpu.enqueue_dma source(%dma_start3A_51 : memref<632x128xf32, #tpu.memory_space<vmem_shared>>) target(%dma_start3A_49 : memref<632x128xf32, #tpu.memory_space<hbm>>) target_semaphore(%run_scoped3A_46 : memref<!tpu.dma_semaphore, #tpu.memory_space<semaphore_mem>>)
      %dma_wait3A = arith.constant 0 : i32
      %dma_wait3A_52 = tpu.memref_slice %arg6[%arg0, %mul3A_45, %dma_wait3A] : memref<2x10112x128xf32, #tpu.memory_space<hbm>> -> memref<1x632x128xf32, #tpu.memory_space<hbm>>
      %dma_wait3A_53 = tpu.memref_squeeze %dma_wait3A_52 : memref<1x632x128xf32, #tpu.memory_space<hbm>> -> memref<632x128xf32, #tpu.memory_space<hbm>>
      %dma_wait3A_54 = arith.constant 0 : i32
      %dma_wait3A_55 = tpu.memref_slice %arg10[%mul3A_43, %dma_wait3A_54] : memref<10112x128xf32, #tpu.memory_space<vmem_shared>> -> memref<632x128xf32, #tpu.memory_space<vmem_shared>>
      tpu.wait_dma2 semaphore(%run_scoped3A_46 : memref<!tpu.dma_semaphore, #tpu.memory_space<semaphore_mem>>) src(%dma_wait3A_55 : memref<632x128xf32, #tpu.memory_space<vmem_shared>>) dst(%dma_wait3A_53 : memref<632x128xf32, #tpu.memory_space<hbm>>)
      tpu.yield
    }) : () -> ()
    return
  }
}

#map = affine_map<(d0, d1) -> (0, 0)>
#map1 = affine_map<(d0, d1) -> (0, 0, 0)>
module attributes {stable_mosaic.version = 14 : i64} {
  func.func @_gs_body(%arg0: i32, %arg1: i32, %arg2: memref<327680x128xf32, #tpu.memory_space<hbm>>, %arg3: memref<32x80x128xi32, #tpu.memory_space<hbm>>, %arg4: memref<32x80x128xi32, #tpu.memory_space<hbm>>, %arg5: memref<2x10112x128xf32, #tpu.memory_space<hbm>>, %arg6: memref<2x10112x128xf32, #tpu.memory_space<hbm>>, %arg7: memref<2x16x128xi32, #tpu.memory_space<vmem>>, %arg8: memref<2x16x128xi32, #tpu.memory_space<vmem>>, %arg9: memref<2x128x128xf32, #tpu.memory_space<vmem>>, %arg10: memref<10112x128xf32, #tpu.memory_space<vmem_shared>>, %arg11: memref<!tpu.dma_semaphore, #tpu.memory_space<semaphore_mem>>, %arg12: memref<!tpu.dma_semaphore, #tpu.memory_space<semaphore_mem>>) attributes {dimension_semantics = [#tpu.dimension_semantics<core_parallel>, #tpu.dimension_semantics<subcore_parallel>], iteration_bounds = array<i64: 2, 16>, scalar_prefetch = 0 : i64, scratch_operands = 6 : i64, tpu.core_type = #tpu.core_type<sc_vector_subcore>, window_params = [{transform_indices = #map}, {transform_indices = #map1}, {transform_indices = #map1}, {transform_indices = #map1}, {transform_indices = #map1}]} {
    %mul3A = arith.constant 16 : i32
    %mul3A_0 = arith.muli %arg0, %mul3A : i32
    %add3A = arith.addi %mul3A_0, %arg1 : i32
    %mul3A_1 = arith.constant 632 : i32
    %mul3A_2 = arith.muli %arg1, %mul3A_1 : i32
    %mul3A_3 = arith.constant 632 : i32
    %mul3A_4 = arith.muli %arg1, %mul3A_3 : i32
    "tpu.region"() ({
      %run_scoped3A_46 = tpu.sem_alloc : memref<!tpu.dma_semaphore, #tpu.memory_space<semaphore_mem>>
      %dma_start3A_47 = arith.constant 0 : i32
      %dma_start3A_48 = tpu.memref_slice %arg10[%mul3A_4, %dma_start3A_47] : memref<10112x128xf32, #tpu.memory_space<vmem_shared>> -> memref<632x128xf32, #tpu.memory_space<vmem_shared>>
      %dma_start3A_49 = arith.constant 0 : i32
      %dma_start3A_50 = tpu.memref_slice %arg5[%arg0, %mul3A_2, %dma_start3A_49] : memref<2x10112x128xf32, #tpu.memory_space<hbm>> -> memref<1x632x128xf32, #tpu.memory_space<hbm>>
      %dma_start3A_51 = tpu.memref_squeeze %dma_start3A_50 : memref<1x632x128xf32, #tpu.memory_space<hbm>> -> memref<632x128xf32, #tpu.memory_space<hbm>>
      tpu.enqueue_dma source(%dma_start3A_51 : memref<632x128xf32, #tpu.memory_space<hbm>>) target(%dma_start3A_48 : memref<632x128xf32, #tpu.memory_space<vmem_shared>>) target_semaphore(%run_scoped3A_46 : memref<!tpu.dma_semaphore, #tpu.memory_space<semaphore_mem>>)
      %dma_wait3A = arith.constant 0 : i32
      %dma_wait3A_52 = tpu.memref_slice %arg10[%mul3A_4, %dma_wait3A] : memref<10112x128xf32, #tpu.memory_space<vmem_shared>> -> memref<632x128xf32, #tpu.memory_space<vmem_shared>>
      %dma_wait3A_53 = arith.constant 0 : i32
      %dma_wait3A_54 = tpu.memref_slice %arg5[%arg0, %mul3A_2, %dma_wait3A_53] : memref<2x10112x128xf32, #tpu.memory_space<hbm>> -> memref<1x632x128xf32, #tpu.memory_space<hbm>>
      %dma_wait3A_55 = tpu.memref_squeeze %dma_wait3A_54 : memref<1x632x128xf32, #tpu.memory_space<hbm>> -> memref<632x128xf32, #tpu.memory_space<hbm>>
      tpu.wait_dma2 semaphore(%run_scoped3A_46 : memref<!tpu.dma_semaphore, #tpu.memory_space<semaphore_mem>>) src(%dma_wait3A_55 : memref<632x128xf32, #tpu.memory_space<hbm>>) dst(%dma_wait3A_52 : memref<632x128xf32, #tpu.memory_space<vmem_shared>>)
      tpu.yield
    }) : () -> ()
    %barrier3A = arith.constant 0 : index
    tpu.barrier barrier_id(%barrier3A)
    %multiple_of3A = arith.constant 0 : i32
    %multiple_of3A_5 = tpu.assume_multiple %multiple_of3A, 8 : i32
    %run_scoped3A = arith.constant 0 : i32
    "tpu.region"() ({
      %run_scoped3A_46 = tpu.sem_alloc : memref<!tpu.dma_semaphore, #tpu.memory_space<semaphore_mem>>
      %dma_start3A_47 = arith.constant 0 : i32
      %dma_start3A_48 = arith.constant 0 : i32
      %dma_start3A_49 = tpu.memref_slice %arg7[%run_scoped3A, %dma_start3A_47, %dma_start3A_48] : memref<2x16x128xi32, #tpu.memory_space<vmem>> -> memref<1x16x128xi32, #tpu.memory_space<vmem>>
      %dma_start3A_50 = tpu.memref_squeeze %dma_start3A_49 : memref<1x16x128xi32, #tpu.memory_space<vmem>> -> memref<16x128xi32, #tpu.memory_space<vmem>>
      %dma_start3A_51 = arith.constant 0 : i32
      %dma_start3A_52 = tpu.memref_slice %arg3[%add3A, %multiple_of3A_5, %dma_start3A_51] : memref<32x80x128xi32, #tpu.memory_space<hbm>> -> memref<1x16x128xi32, #tpu.memory_space<hbm>>
      %dma_start3A_53 = tpu.memref_squeeze %dma_start3A_52 : memref<1x16x128xi32, #tpu.memory_space<hbm>> -> memref<16x128xi32, #tpu.memory_space<hbm>>
      %dma_start3A_54 = arith.constant 0 : i32
      %dma_start3A_55 = arith.constant 0 : i32
      %dma_start3A_56 = tpu.memref_slice %arg7[%run_scoped3A, %dma_start3A_54, %dma_start3A_55] : memref<2x16x128xi32, #tpu.memory_space<vmem>> -> memref<1x16x128xi32, #tpu.memory_space<vmem>>
      %dma_start3A_57 = tpu.memref_squeeze %dma_start3A_56 : memref<1x16x128xi32, #tpu.memory_space<vmem>> -> memref<16x128xi32, #tpu.memory_space<vmem>>
      %dma_start3A_58 = arith.constant 0 : i32
      %dma_start3A_59 = tpu.memref_slice %arg3[%add3A, %multiple_of3A_5, %dma_start3A_58] : memref<32x80x128xi32, #tpu.memory_space<hbm>> -> memref<1x16x128xi32, #tpu.memory_space<hbm>>
      %dma_start3A_60 = tpu.memref_squeeze %dma_start3A_59 : memref<1x16x128xi32, #tpu.memory_space<hbm>> -> memref<16x128xi32, #tpu.memory_space<hbm>>
      tpu.enqueue_dma source(%dma_start3A_60 : memref<16x128xi32, #tpu.memory_space<hbm>>) target(%dma_start3A_57 : memref<16x128xi32, #tpu.memory_space<vmem>>) target_semaphore(%run_scoped3A_46 : memref<!tpu.dma_semaphore, #tpu.memory_space<semaphore_mem>>)
      %dma_wait3A = arith.constant 0 : i32
      %dma_wait3A_61 = arith.constant 0 : i32
      %dma_wait3A_62 = tpu.memref_slice %arg7[%run_scoped3A, %dma_wait3A, %dma_wait3A_61] : memref<2x16x128xi32, #tpu.memory_space<vmem>> -> memref<1x16x128xi32, #tpu.memory_space<vmem>>
      %dma_wait3A_63 = tpu.memref_squeeze %dma_wait3A_62 : memref<1x16x128xi32, #tpu.memory_space<vmem>> -> memref<16x128xi32, #tpu.memory_space<vmem>>
      %dma_wait3A_64 = arith.constant 0 : i32
      %dma_wait3A_65 = tpu.memref_slice %arg3[%add3A, %multiple_of3A_5, %dma_wait3A_64] : memref<32x80x128xi32, #tpu.memory_space<hbm>> -> memref<1x16x128xi32, #tpu.memory_space<hbm>>
      %dma_wait3A_66 = tpu.memref_squeeze %dma_wait3A_65 : memref<1x16x128xi32, #tpu.memory_space<hbm>> -> memref<16x128xi32, #tpu.memory_space<hbm>>
      %dma_wait3A_67 = arith.constant 0 : i32
      %dma_wait3A_68 = arith.constant 0 : i32
      %dma_wait3A_69 = tpu.memref_slice %arg7[%run_scoped3A, %dma_wait3A_67, %dma_wait3A_68] : memref<2x16x128xi32, #tpu.memory_space<vmem>> -> memref<1x16x128xi32, #tpu.memory_space<vmem>>
      %dma_wait3A_70 = tpu.memref_squeeze %dma_wait3A_69 : memref<1x16x128xi32, #tpu.memory_space<vmem>> -> memref<16x128xi32, #tpu.memory_space<vmem>>
      %dma_wait3A_71 = arith.constant 0 : i32
      %dma_wait3A_72 = tpu.memref_slice %arg3[%add3A, %multiple_of3A_5, %dma_wait3A_71] : memref<32x80x128xi32, #tpu.memory_space<hbm>> -> memref<1x16x128xi32, #tpu.memory_space<hbm>>
      %dma_wait3A_73 = tpu.memref_squeeze %dma_wait3A_72 : memref<1x16x128xi32, #tpu.memory_space<hbm>> -> memref<16x128xi32, #tpu.memory_space<hbm>>
      tpu.wait_dma2 semaphore(%run_scoped3A_46 : memref<!tpu.dma_semaphore, #tpu.memory_space<semaphore_mem>>) src(%dma_wait3A_73 : memref<16x128xi32, #tpu.memory_space<hbm>>) dst(%dma_wait3A_70 : memref<16x128xi32, #tpu.memory_space<vmem>>)
      tpu.yield
    }) : () -> ()
    %run_scoped3A_6 = arith.constant 0 : i32
    "tpu.region"() ({
      %run_scoped3A_46 = tpu.sem_alloc : memref<!tpu.dma_semaphore, #tpu.memory_space<semaphore_mem>>
      %dma_start3A_47 = arith.constant 0 : i32
      %dma_start3A_48 = arith.constant 0 : i32
      %dma_start3A_49 = tpu.memref_slice %arg8[%run_scoped3A_6, %dma_start3A_47, %dma_start3A_48] : memref<2x16x128xi32, #tpu.memory_space<vmem>> -> memref<1x16x128xi32, #tpu.memory_space<vmem>>
      %dma_start3A_50 = tpu.memref_squeeze %dma_start3A_49 : memref<1x16x128xi32, #tpu.memory_space<vmem>> -> memref<16x128xi32, #tpu.memory_space<vmem>>
      %dma_start3A_51 = arith.constant 0 : i32
      %dma_start3A_52 = tpu.memref_slice %arg4[%add3A, %multiple_of3A_5, %dma_start3A_51] : memref<32x80x128xi32, #tpu.memory_space<hbm>> -> memref<1x16x128xi32, #tpu.memory_space<hbm>>
      %dma_start3A_53 = tpu.memref_squeeze %dma_start3A_52 : memref<1x16x128xi32, #tpu.memory_space<hbm>> -> memref<16x128xi32, #tpu.memory_space<hbm>>
      %dma_start3A_54 = arith.constant 0 : i32
      %dma_start3A_55 = arith.constant 0 : i32
      %dma_start3A_56 = tpu.memref_slice %arg8[%run_scoped3A_6, %dma_start3A_54, %dma_start3A_55] : memref<2x16x128xi32, #tpu.memory_space<vmem>> -> memref<1x16x128xi32, #tpu.memory_space<vmem>>
      %dma_start3A_57 = tpu.memref_squeeze %dma_start3A_56 : memref<1x16x128xi32, #tpu.memory_space<vmem>> -> memref<16x128xi32, #tpu.memory_space<vmem>>
      %dma_start3A_58 = arith.constant 0 : i32
      %dma_start3A_59 = tpu.memref_slice %arg4[%add3A, %multiple_of3A_5, %dma_start3A_58] : memref<32x80x128xi32, #tpu.memory_space<hbm>> -> memref<1x16x128xi32, #tpu.memory_space<hbm>>
      %dma_start3A_60 = tpu.memref_squeeze %dma_start3A_59 : memref<1x16x128xi32, #tpu.memory_space<hbm>> -> memref<16x128xi32, #tpu.memory_space<hbm>>
      tpu.enqueue_dma source(%dma_start3A_60 : memref<16x128xi32, #tpu.memory_space<hbm>>) target(%dma_start3A_57 : memref<16x128xi32, #tpu.memory_space<vmem>>) target_semaphore(%run_scoped3A_46 : memref<!tpu.dma_semaphore, #tpu.memory_space<semaphore_mem>>)
      %dma_wait3A = arith.constant 0 : i32
      %dma_wait3A_61 = arith.constant 0 : i32
      %dma_wait3A_62 = tpu.memref_slice %arg8[%run_scoped3A_6, %dma_wait3A, %dma_wait3A_61] : memref<2x16x128xi32, #tpu.memory_space<vmem>> -> memref<1x16x128xi32, #tpu.memory_space<vmem>>
      %dma_wait3A_63 = tpu.memref_squeeze %dma_wait3A_62 : memref<1x16x128xi32, #tpu.memory_space<vmem>> -> memref<16x128xi32, #tpu.memory_space<vmem>>
      %dma_wait3A_64 = arith.constant 0 : i32
      %dma_wait3A_65 = tpu.memref_slice %arg4[%add3A, %multiple_of3A_5, %dma_wait3A_64] : memref<32x80x128xi32, #tpu.memory_space<hbm>> -> memref<1x16x128xi32, #tpu.memory_space<hbm>>
      %dma_wait3A_66 = tpu.memref_squeeze %dma_wait3A_65 : memref<1x16x128xi32, #tpu.memory_space<hbm>> -> memref<16x128xi32, #tpu.memory_space<hbm>>
      %dma_wait3A_67 = arith.constant 0 : i32
      %dma_wait3A_68 = arith.constant 0 : i32
      %dma_wait3A_69 = tpu.memref_slice %arg8[%run_scoped3A_6, %dma_wait3A_67, %dma_wait3A_68] : memref<2x16x128xi32, #tpu.memory_space<vmem>> -> memref<1x16x128xi32, #tpu.memory_space<vmem>>
      %dma_wait3A_70 = tpu.memref_squeeze %dma_wait3A_69 : memref<1x16x128xi32, #tpu.memory_space<vmem>> -> memref<16x128xi32, #tpu.memory_space<vmem>>
      %dma_wait3A_71 = arith.constant 0 : i32
      %dma_wait3A_72 = tpu.memref_slice %arg4[%add3A, %multiple_of3A_5, %dma_wait3A_71] : memref<32x80x128xi32, #tpu.memory_space<hbm>> -> memref<1x16x128xi32, #tpu.memory_space<hbm>>
      %dma_wait3A_73 = tpu.memref_squeeze %dma_wait3A_72 : memref<1x16x128xi32, #tpu.memory_space<hbm>> -> memref<16x128xi32, #tpu.memory_space<hbm>>
      tpu.wait_dma2 semaphore(%run_scoped3A_46 : memref<!tpu.dma_semaphore, #tpu.memory_space<semaphore_mem>>) src(%dma_wait3A_73 : memref<16x128xi32, #tpu.memory_space<hbm>>) dst(%dma_wait3A_70 : memref<16x128xi32, #tpu.memory_space<vmem>>)
      tpu.yield
    }) : () -> ()
    %dma_start3A = arith.constant 0 : i32
    %dma_start3A_7 = arith.constant 0 : i32
    %dma_start3A_8 = arith.constant 0 : i32
    %dma_start3A_9 = arith.constant 0 : i32
    %dma_start3A_10 = arith.constant 0 : i32
    %dma_start3A_11 = tpu.memref_slice %arg9[%dma_start3A_8, %dma_start3A_9, %dma_start3A_10] : memref<2x128x128xf32, #tpu.memory_space<vmem>> -> memref<1x128x128xf32, #tpu.memory_space<vmem>>
    %dma_start3A_12 = tpu.memref_squeeze %dma_start3A_11 : memref<1x128x128xf32, #tpu.memory_space<vmem>> -> memref<128x128xf32, #tpu.memory_space<vmem>>
    %dma_start3A_13 = arith.constant 0 : i32
    %dma_start3A_14 = tpu.memref_slice %arg7[%dma_start3A, %dma_start3A_7, %dma_start3A_13] : memref<2x16x128xi32, #tpu.memory_space<vmem>> -> memref<1x1x128xi32, #tpu.memory_space<vmem>>
    %dma_start3A_15 = tpu.memref_squeeze %dma_start3A_14 : memref<1x1x128xi32, #tpu.memory_space<vmem>> -> memref<128xi32, #tpu.memory_space<vmem>>
    %dma_start3A_16 = arith.constant 0 : i32
    %dma_start3A_17 = arith.constant 0 : i32
    %dma_start3A_18 = tpu.memref_slice %arg2[%dma_start3A_16, %dma_start3A_17] : memref<327680x128xf32, #tpu.memory_space<hbm>> -> memref<327680x128xf32, #tpu.memory_space<hbm>>
    tpu.enqueue_indirect_dma source(%dma_start3A_18 : memref<327680x128xf32, #tpu.memory_space<hbm>>) target(%dma_start3A_12 : memref<128x128xf32, #tpu.memory_space<vmem>>) offsets(%dma_start3A_15 : memref<128xi32, #tpu.memory_space<vmem>>) semaphore(%arg11 : memref<!tpu.dma_semaphore, #tpu.memory_space<semaphore_mem>>)
    %dma_start3A_19 = arith.constant 0 : i32
    %dma_start3A_20 = arith.constant 1 : i32
    %dma_start3A_21 = arith.constant 1 : i32
    %dma_start3A_22 = arith.constant 0 : i32
    %dma_start3A_23 = arith.constant 0 : i32
    %dma_start3A_24 = tpu.memref_slice %arg9[%dma_start3A_21, %dma_start3A_22, %dma_start3A_23] : memref<2x128x128xf32, #tpu.memory_space<vmem>> -> memref<1x128x128xf32, #tpu.memory_space<vmem>>
    %dma_start3A_25 = tpu.memref_squeeze %dma_start3A_24 : memref<1x128x128xf32, #tpu.memory_space<vmem>> -> memref<128x128xf32, #tpu.memory_space<vmem>>
    %dma_start3A_26 = arith.constant 0 : i32
    %dma_start3A_27 = tpu.memref_slice %arg7[%dma_start3A_19, %dma_start3A_20, %dma_start3A_26] : memref<2x16x128xi32, #tpu.memory_space<vmem>> -> memref<1x1x128xi32, #tpu.memory_space<vmem>>
    %dma_start3A_28 = tpu.memref_squeeze %dma_start3A_27 : memref<1x1x128xi32, #tpu.memory_space<vmem>> -> memref<128xi32, #tpu.memory_space<vmem>>
    %dma_start3A_29 = arith.constant 0 : i32
    %dma_start3A_30 = arith.constant 0 : i32
    %dma_start3A_31 = tpu.memref_slice %arg2[%dma_start3A_29, %dma_start3A_30] : memref<327680x128xf32, #tpu.memory_space<hbm>> -> memref<327680x128xf32, #tpu.memory_space<hbm>>
    tpu.enqueue_indirect_dma source(%dma_start3A_31 : memref<327680x128xf32, #tpu.memory_space<hbm>>) target(%dma_start3A_25 : memref<128x128xf32, #tpu.memory_space<vmem>>) offsets(%dma_start3A_28 : memref<128xi32, #tpu.memory_space<vmem>>) semaphore(%arg12 : memref<!tpu.dma_semaphore, #tpu.memory_space<semaphore_mem>>)
    %multiple_of3A_32 = arith.constant 16 : i32
    %multiple_of3A_33 = tpu.assume_multiple %multiple_of3A_32, 8 : i32
    %run_scoped3A_34 = arith.constant 1 : i32
    "tpu.region"() ({
      %run_scoped3A_46 = tpu.sem_alloc : memref<!tpu.dma_semaphore, #tpu.memory_space<semaphore_mem>>
      %dma_start3A_47 = arith.constant 0 : i32
      %dma_start3A_48 = arith.constant 0 : i32
      %dma_start3A_49 = tpu.memref_slice %arg7[%run_scoped3A_34, %dma_start3A_47, %dma_start3A_48] : memref<2x16x128xi32, #tpu.memory_space<vmem>> -> memref<1x16x128xi32, #tpu.memory_space<vmem>>
      %dma_start3A_50 = tpu.memref_squeeze %dma_start3A_49 : memref<1x16x128xi32, #tpu.memory_space<vmem>> -> memref<16x128xi32, #tpu.memory_space<vmem>>
      %dma_start3A_51 = arith.constant 0 : i32
      %dma_start3A_52 = tpu.memref_slice %arg3[%add3A, %multiple_of3A_33, %dma_start3A_51] : memref<32x80x128xi32, #tpu.memory_space<hbm>> -> memref<1x16x128xi32, #tpu.memory_space<hbm>>
      %dma_start3A_53 = tpu.memref_squeeze %dma_start3A_52 : memref<1x16x128xi32, #tpu.memory_space<hbm>> -> memref<16x128xi32, #tpu.memory_space<hbm>>
      %dma_start3A_54 = arith.constant 0 : i32
      %dma_start3A_55 = arith.constant 0 : i32
      %dma_start3A_56 = tpu.memref_slice %arg7[%run_scoped3A_34, %dma_start3A_54, %dma_start3A_55] : memref<2x16x128xi32, #tpu.memory_space<vmem>> -> memref<1x16x128xi32, #tpu.memory_space<vmem>>
      %dma_start3A_57 = tpu.memref_squeeze %dma_start3A_56 : memref<1x16x128xi32, #tpu.memory_space<vmem>> -> memref<16x128xi32, #tpu.memory_space<vmem>>
      %dma_start3A_58 = arith.constant 0 : i32
      %dma_start3A_59 = tpu.memref_slice %arg3[%add3A, %multiple_of3A_33, %dma_start3A_58] : memref<32x80x128xi32, #tpu.memory_space<hbm>> -> memref<1x16x128xi32, #tpu.memory_space<hbm>>
      %dma_start3A_60 = tpu.memref_squeeze %dma_start3A_59 : memref<1x16x128xi32, #tpu.memory_space<hbm>> -> memref<16x128xi32, #tpu.memory_space<hbm>>
      tpu.enqueue_dma source(%dma_start3A_60 : memref<16x128xi32, #tpu.memory_space<hbm>>) target(%dma_start3A_57 : memref<16x128xi32, #tpu.memory_space<vmem>>) target_semaphore(%run_scoped3A_46 : memref<!tpu.dma_semaphore, #tpu.memory_space<semaphore_mem>>)
      %dma_wait3A = arith.constant 0 : i32
      %dma_wait3A_61 = arith.constant 0 : i32
      %dma_wait3A_62 = tpu.memref_slice %arg7[%run_scoped3A_34, %dma_wait3A, %dma_wait3A_61] : memref<2x16x128xi32, #tpu.memory_space<vmem>> -> memref<1x16x128xi32, #tpu.memory_space<vmem>>
      %dma_wait3A_63 = tpu.memref_squeeze %dma_wait3A_62 : memref<1x16x128xi32, #tpu.memory_space<vmem>> -> memref<16x128xi32, #tpu.memory_space<vmem>>
      %dma_wait3A_64 = arith.constant 0 : i32
      %dma_wait3A_65 = tpu.memref_slice %arg3[%add3A, %multiple_of3A_33, %dma_wait3A_64] : memref<32x80x128xi32, #tpu.memory_space<hbm>> -> memref<1x16x128xi32, #tpu.memory_space<hbm>>
      %dma_wait3A_66 = tpu.memref_squeeze %dma_wait3A_65 : memref<1x16x128xi32, #tpu.memory_space<hbm>> -> memref<16x128xi32, #tpu.memory_space<hbm>>
      %dma_wait3A_67 = arith.constant 0 : i32
      %dma_wait3A_68 = arith.constant 0 : i32
      %dma_wait3A_69 = tpu.memref_slice %arg7[%run_scoped3A_34, %dma_wait3A_67, %dma_wait3A_68] : memref<2x16x128xi32, #tpu.memory_space<vmem>> -> memref<1x16x128xi32, #tpu.memory_space<vmem>>
      %dma_wait3A_70 = tpu.memref_squeeze %dma_wait3A_69 : memref<1x16x128xi32, #tpu.memory_space<vmem>> -> memref<16x128xi32, #tpu.memory_space<vmem>>
      %dma_wait3A_71 = arith.constant 0 : i32
      %dma_wait3A_72 = tpu.memref_slice %arg3[%add3A, %multiple_of3A_33, %dma_wait3A_71] : memref<32x80x128xi32, #tpu.memory_space<hbm>> -> memref<1x16x128xi32, #tpu.memory_space<hbm>>
      %dma_wait3A_73 = tpu.memref_squeeze %dma_wait3A_72 : memref<1x16x128xi32, #tpu.memory_space<hbm>> -> memref<16x128xi32, #tpu.memory_space<hbm>>
      tpu.wait_dma2 semaphore(%run_scoped3A_46 : memref<!tpu.dma_semaphore, #tpu.memory_space<semaphore_mem>>) src(%dma_wait3A_73 : memref<16x128xi32, #tpu.memory_space<hbm>>) dst(%dma_wait3A_70 : memref<16x128xi32, #tpu.memory_space<vmem>>)
      tpu.yield
    }) : () -> ()
    %run_scoped3A_35 = arith.constant 1 : i32
    "tpu.region"() ({
      %run_scoped3A_46 = tpu.sem_alloc : memref<!tpu.dma_semaphore, #tpu.memory_space<semaphore_mem>>
      %dma_start3A_47 = arith.constant 0 : i32
      %dma_start3A_48 = arith.constant 0 : i32
      %dma_start3A_49 = tpu.memref_slice %arg8[%run_scoped3A_35, %dma_start3A_47, %dma_start3A_48] : memref<2x16x128xi32, #tpu.memory_space<vmem>> -> memref<1x16x128xi32, #tpu.memory_space<vmem>>
      %dma_start3A_50 = tpu.memref_squeeze %dma_start3A_49 : memref<1x16x128xi32, #tpu.memory_space<vmem>> -> memref<16x128xi32, #tpu.memory_space<vmem>>
      %dma_start3A_51 = arith.constant 0 : i32
      %dma_start3A_52 = tpu.memref_slice %arg4[%add3A, %multiple_of3A_33, %dma_start3A_51] : memref<32x80x128xi32, #tpu.memory_space<hbm>> -> memref<1x16x128xi32, #tpu.memory_space<hbm>>
      %dma_start3A_53 = tpu.memref_squeeze %dma_start3A_52 : memref<1x16x128xi32, #tpu.memory_space<hbm>> -> memref<16x128xi32, #tpu.memory_space<hbm>>
      %dma_start3A_54 = arith.constant 0 : i32
      %dma_start3A_55 = arith.constant 0 : i32
      %dma_start3A_56 = tpu.memref_slice %arg8[%run_scoped3A_35, %dma_start3A_54, %dma_start3A_55] : memref<2x16x128xi32, #tpu.memory_space<vmem>> -> memref<1x16x128xi32, #tpu.memory_space<vmem>>
      %dma_start3A_57 = tpu.memref_squeeze %dma_start3A_56 : memref<1x16x128xi32, #tpu.memory_space<vmem>> -> memref<16x128xi32, #tpu.memory_space<vmem>>
      %dma_start3A_58 = arith.constant 0 : i32
      %dma_start3A_59 = tpu.memref_slice %arg4[%add3A, %multiple_of3A_33, %dma_start3A_58] : memref<32x80x128xi32, #tpu.memory_space<hbm>> -> memref<1x16x128xi32, #tpu.memory_space<hbm>>
      %dma_start3A_60 = tpu.memref_squeeze %dma_start3A_59 : memref<1x16x128xi32, #tpu.memory_space<hbm>> -> memref<16x128xi32, #tpu.memory_space<hbm>>
      tpu.enqueue_dma source(%dma_start3A_60 : memref<16x128xi32, #tpu.memory_space<hbm>>) target(%dma_start3A_57 : memref<16x128xi32, #tpu.memory_space<vmem>>) target_semaphore(%run_scoped3A_46 : memref<!tpu.dma_semaphore, #tpu.memory_space<semaphore_mem>>)
      %dma_wait3A = arith.constant 0 : i32
      %dma_wait3A_61 = arith.constant 0 : i32
      %dma_wait3A_62 = tpu.memref_slice %arg8[%run_scoped3A_35, %dma_wait3A, %dma_wait3A_61] : memref<2x16x128xi32, #tpu.memory_space<vmem>> -> memref<1x16x128xi32, #tpu.memory_space<vmem>>
      %dma_wait3A_63 = tpu.memref_squeeze %dma_wait3A_62 : memref<1x16x128xi32, #tpu.memory_space<vmem>> -> memref<16x128xi32, #tpu.memory_space<vmem>>
      %dma_wait3A_64 = arith.constant 0 : i32
      %dma_wait3A_65 = tpu.memref_slice %arg4[%add3A, %multiple_of3A_33, %dma_wait3A_64] : memref<32x80x128xi32, #tpu.memory_space<hbm>> -> memref<1x16x128xi32, #tpu.memory_space<hbm>>
      %dma_wait3A_66 = tpu.memref_squeeze %dma_wait3A_65 : memref<1x16x128xi32, #tpu.memory_space<hbm>> -> memref<16x128xi32, #tpu.memory_space<hbm>>
      %dma_wait3A_67 = arith.constant 0 : i32
      %dma_wait3A_68 = arith.constant 0 : i32
      %dma_wait3A_69 = tpu.memref_slice %arg8[%run_scoped3A_35, %dma_wait3A_67, %dma_wait3A_68] : memref<2x16x128xi32, #tpu.memory_space<vmem>> -> memref<1x16x128xi32, #tpu.memory_space<vmem>>
      %dma_wait3A_70 = tpu.memref_squeeze %dma_wait3A_69 : memref<1x16x128xi32, #tpu.memory_space<vmem>> -> memref<16x128xi32, #tpu.memory_space<vmem>>
      %dma_wait3A_71 = arith.constant 0 : i32
      %dma_wait3A_72 = tpu.memref_slice %arg4[%add3A, %multiple_of3A_33, %dma_wait3A_71] : memref<32x80x128xi32, #tpu.memory_space<hbm>> -> memref<1x16x128xi32, #tpu.memory_space<hbm>>
      %dma_wait3A_73 = tpu.memref_squeeze %dma_wait3A_72 : memref<1x16x128xi32, #tpu.memory_space<hbm>> -> memref<16x128xi32, #tpu.memory_space<hbm>>
      tpu.wait_dma2 semaphore(%run_scoped3A_46 : memref<!tpu.dma_semaphore, #tpu.memory_space<semaphore_mem>>) src(%dma_wait3A_73 : memref<16x128xi32, #tpu.memory_space<hbm>>) dst(%dma_wait3A_70 : memref<16x128xi32, #tpu.memory_space<vmem>>)
      tpu.yield
    }) : () -> ()
    %scan3A = arith.constant 0 : i32
    %scan3A_36 = arith.constant 0 : i32
    %scan3A_37 = arith.constant 40 : i32
    %scan3A_38 = arith.addi %scan3A_36, %scan3A_37 : i32
    %scan3A_39 = arith.constant 1 : i32
    scf.for %scan3A_46 = %scan3A_36 to %scan3A_38 step %scan3A_39  : i32 {
      %mul3A_47 = arith.constant 2 : i32
      %mul3A_48 = arith.muli %mul3A_47, %scan3A_46 : i32
      %add3A_49 = arith.constant 0 : i32
      %add3A_50 = arith.addi %mul3A_48, %add3A_49 : i32
      %jit3A = arith.constant 16 : i32
      %div3A = arith.divsi %add3A_50, %jit3A : i32
      %sign3A = arith.constant 0 : i32
      %sign3A_51 = arith.cmpi sgt, %add3A_50, %sign3A : i32
      %sign3A_52 = arith.extui %sign3A_51 : i1 to i32
      %sign3A_53 = arith.constant 0 : i32
      %sign3A_54 = arith.cmpi slt, %add3A_50, %sign3A_53 : i32
      %sign3A_55 = arith.extui %sign3A_54 : i1 to i32
      %sign3A_56 = arith.subi %sign3A_52, %sign3A_55 : i32
      %sign3A_57 = arith.constant 0 : i32
      %sign3A_58 = arith.cmpi sgt, %jit3A, %sign3A_57 : i32
      %sign3A_59 = arith.extui %sign3A_58 : i1 to i32
      %sign3A_60 = arith.constant 0 : i32
      %sign3A_61 = arith.cmpi slt, %jit3A, %sign3A_60 : i32
      %sign3A_62 = arith.extui %sign3A_61 : i1 to i32
      %sign3A_63 = arith.subi %sign3A_59, %sign3A_62 : i32
      %ne3A = arith.cmpi ne, %sign3A_56, %sign3A_63 : i32
      %rem3A = arith.remsi %add3A_50, %jit3A : i32
      %ne3A_64 = arith.constant 0 : i32
      %ne3A_65 = arith.cmpi ne, %rem3A, %ne3A_64 : i32
      %and3A = arith.andi %ne3A, %ne3A_65 : i1
      %sub3A = arith.constant 1 : i32
      %sub3A_66 = arith.subi %div3A, %sub3A : i32
      %select_n3A = arith.select %and3A, %sub3A_66, %div3A : i32
      %jit3A_67 = arith.constant 2 : i32
      %eq3A = arith.constant 0 : i32
      %eq3A_68 = arith.cmpi eq, %jit3A_67, %eq3A : i32
      %jit3A_69 = arith.constant 1 : i32
      %select_n3A_70 = arith.select %eq3A_68, %jit3A_69, %jit3A_67 : i32
      %rem3A_71 = arith.remsi %select_n3A, %select_n3A_70 : i32
      %ne3A_72 = arith.constant 0 : i32
      %ne3A_73 = arith.cmpi ne, %rem3A_71, %ne3A_72 : i32
      %lt3A = arith.constant 0 : i32
      %lt3A_74 = arith.cmpi slt, %rem3A_71, %lt3A : i32
      %lt3A_75 = arith.constant 0 : i32
      %lt3A_76 = arith.cmpi slt, %select_n3A_70, %lt3A_75 : i32
      %ne3A_77 = arith.xori %lt3A_74, %lt3A_76 : i1
      %and3A_78 = arith.andi %ne3A_77, %ne3A_73 : i1
      %add3A_79 = arith.addi %rem3A_71, %select_n3A_70 : i32
      %select_n3A_80 = arith.select %and3A_78, %add3A_79, %rem3A_71 : i32
      %jit3A_81 = arith.constant 16 : i32
      %eq3A_82 = arith.constant 0 : i32
      %eq3A_83 = arith.cmpi eq, %jit3A_81, %eq3A_82 : i32
      %jit3A_84 = arith.constant 1 : i32
      %select_n3A_85 = arith.select %eq3A_83, %jit3A_84, %jit3A_81 : i32
      %rem3A_86 = arith.remsi %add3A_50, %select_n3A_85 : i32
      %ne3A_87 = arith.constant 0 : i32
      %ne3A_88 = arith.cmpi ne, %rem3A_86, %ne3A_87 : i32
      %lt3A_89 = arith.constant 0 : i32
      %lt3A_90 = arith.cmpi slt, %rem3A_86, %lt3A_89 : i32
      %lt3A_91 = arith.constant 0 : i32
      %lt3A_92 = arith.cmpi slt, %select_n3A_85, %lt3A_91 : i32
      %ne3A_93 = arith.xori %lt3A_90, %lt3A_92 : i1
      %and3A_94 = arith.andi %ne3A_93, %ne3A_88 : i1
      %add3A_95 = arith.addi %rem3A_86, %select_n3A_85 : i32
      %select_n3A_96 = arith.select %and3A_94, %add3A_95, %rem3A_86 : i32
      %dma_wait3A = arith.constant 0 : i32
      %dma_wait3A_97 = arith.constant 0 : i32
      %dma_wait3A_98 = arith.constant 0 : i32
      %dma_wait3A_99 = tpu.memref_slice %arg9[%dma_wait3A, %dma_wait3A_97, %dma_wait3A_98] : memref<2x128x128xf32, #tpu.memory_space<vmem>> -> memref<1x128x128xf32, #tpu.memory_space<vmem>>
      %dma_wait3A_100 = tpu.memref_squeeze %dma_wait3A_99 : memref<1x128x128xf32, #tpu.memory_space<vmem>> -> memref<128x128xf32, #tpu.memory_space<vmem>>
      %dma_wait3A_101 = arith.constant 0 : i32
      %dma_wait3A_102 = tpu.memref_slice %arg7[%select_n3A_80, %select_n3A_96, %dma_wait3A_101] : memref<2x16x128xi32, #tpu.memory_space<vmem>> -> memref<1x1x128xi32, #tpu.memory_space<vmem>>
      %dma_wait3A_103 = tpu.memref_squeeze %dma_wait3A_102 : memref<1x1x128xi32, #tpu.memory_space<vmem>> -> memref<128xi32, #tpu.memory_space<vmem>>
      %dma_wait3A_104 = arith.constant 0 : i32
      %dma_wait3A_105 = arith.constant 0 : i32
      %dma_wait3A_106 = tpu.memref_slice %arg2[%dma_wait3A_104, %dma_wait3A_105] : memref<327680x128xf32, #tpu.memory_space<hbm>> -> memref<327680x128xf32, #tpu.memory_space<hbm>>
      tpu.wait_indirect_dma semaphore(%arg11 : memref<!tpu.dma_semaphore, #tpu.memory_space<semaphore_mem>>) src(%dma_wait3A_106 : memref<327680x128xf32, #tpu.memory_space<hbm>>) dst(%dma_wait3A_100 : memref<128x128xf32, #tpu.memory_space<vmem>>)
      %jit3A_107 = arith.constant 2 : i32
      %eq3A_108 = arith.constant 0 : i32
      %eq3A_109 = arith.cmpi eq, %jit3A_107, %eq3A_108 : i32
      %jit3A_110 = arith.constant 1 : i32
      %select_n3A_111 = arith.select %eq3A_109, %jit3A_110, %jit3A_107 : i32
      %rem3A_112 = arith.remsi %select_n3A, %select_n3A_111 : i32
      %ne3A_113 = arith.constant 0 : i32
      %ne3A_114 = arith.cmpi ne, %rem3A_112, %ne3A_113 : i32
      %lt3A_115 = arith.constant 0 : i32
      %lt3A_116 = arith.cmpi slt, %rem3A_112, %lt3A_115 : i32
      %lt3A_117 = arith.constant 0 : i32
      %lt3A_118 = arith.cmpi slt, %select_n3A_111, %lt3A_117 : i32
      %ne3A_119 = arith.xori %lt3A_116, %lt3A_118 : i1
      %and3A_120 = arith.andi %ne3A_119, %ne3A_114 : i1
      %add3A_121 = arith.addi %rem3A_112, %select_n3A_111 : i32
      %select_n3A_122 = arith.select %and3A_120, %add3A_121, %rem3A_112 : i32
      %jit3A_123 = arith.constant 16 : i32
      %eq3A_124 = arith.constant 0 : i32
      %eq3A_125 = arith.cmpi eq, %jit3A_123, %eq3A_124 : i32
      %jit3A_126 = arith.constant 1 : i32
      %select_n3A_127 = arith.select %eq3A_125, %jit3A_126, %jit3A_123 : i32
      %rem3A_128 = arith.remsi %add3A_50, %select_n3A_127 : i32
      %ne3A_129 = arith.constant 0 : i32
      %ne3A_130 = arith.cmpi ne, %rem3A_128, %ne3A_129 : i32
      %lt3A_131 = arith.constant 0 : i32
      %lt3A_132 = arith.cmpi slt, %rem3A_128, %lt3A_131 : i32
      %lt3A_133 = arith.constant 0 : i32
      %lt3A_134 = arith.cmpi slt, %select_n3A_127, %lt3A_133 : i32
      %ne3A_135 = arith.xori %lt3A_132, %lt3A_134 : i1
      %and3A_136 = arith.andi %ne3A_135, %ne3A_130 : i1
      %add3A_137 = arith.addi %rem3A_128, %select_n3A_127 : i32
      %select_n3A_138 = arith.select %and3A_136, %add3A_137, %rem3A_128 : i32
      %run_scoped3A_139 = arith.constant 0 : i32
      "tpu.region"() ({
        %run_scoped3A_313 = tpu.sem_alloc : memref<!tpu.dma_semaphore, #tpu.memory_space<semaphore_mem>>
        %dma_start3A_314 = arith.constant 0 : i32
        %dma_start3A_315 = arith.constant 0 : i32
        %dma_start3A_316 = tpu.memref_slice %arg9[%run_scoped3A_139, %dma_start3A_314, %dma_start3A_315] : memref<2x128x128xf32, #tpu.memory_space<vmem>> -> memref<1x128x128xf32, #tpu.memory_space<vmem>>
        %dma_start3A_317 = tpu.memref_squeeze %dma_start3A_316 : memref<1x128x128xf32, #tpu.memory_space<vmem>> -> memref<128x128xf32, #tpu.memory_space<vmem>>
        %dma_start3A_318 = arith.constant 0 : i32
        %dma_start3A_319 = tpu.memref_slice %arg8[%select_n3A_122, %select_n3A_138, %dma_start3A_318] : memref<2x16x128xi32, #tpu.memory_space<vmem>> -> memref<1x1x128xi32, #tpu.memory_space<vmem>>
        %dma_start3A_320 = tpu.memref_squeeze %dma_start3A_319 : memref<1x1x128xi32, #tpu.memory_space<vmem>> -> memref<128xi32, #tpu.memory_space<vmem>>
        %dma_start3A_321 = arith.constant 0 : i32
        %dma_start3A_322 = arith.constant 0 : i32
        %dma_start3A_323 = tpu.memref_slice %arg10[%dma_start3A_321, %dma_start3A_322] : memref<10112x128xf32, #tpu.memory_space<vmem_shared>> -> memref<10112x128xf32, #tpu.memory_space<vmem_shared>>
        tpu.enqueue_indirect_dma source(%dma_start3A_317 : memref<128x128xf32, #tpu.memory_space<vmem>>) target(%dma_start3A_323 : memref<10112x128xf32, #tpu.memory_space<vmem_shared>>) offsets(%dma_start3A_320 : memref<128xi32, #tpu.memory_space<vmem>>) semaphore(%run_scoped3A_313 : memref<!tpu.dma_semaphore, #tpu.memory_space<semaphore_mem>>) {add = true}
        %dma_wait3A_324 = arith.constant 0 : i32
        %dma_wait3A_325 = arith.constant 0 : i32
        %dma_wait3A_326 = tpu.memref_slice %arg9[%run_scoped3A_139, %dma_wait3A_324, %dma_wait3A_325] : memref<2x128x128xf32, #tpu.memory_space<vmem>> -> memref<1x128x128xf32, #tpu.memory_space<vmem>>
        %dma_wait3A_327 = tpu.memref_squeeze %dma_wait3A_326 : memref<1x128x128xf32, #tpu.memory_space<vmem>> -> memref<128x128xf32, #tpu.memory_space<vmem>>
        %dma_wait3A_328 = arith.constant 0 : i32
        %dma_wait3A_329 = tpu.memref_slice %arg8[%select_n3A_122, %select_n3A_138, %dma_wait3A_328] : memref<2x16x128xi32, #tpu.memory_space<vmem>> -> memref<1x1x128xi32, #tpu.memory_space<vmem>>
        %dma_wait3A_330 = tpu.memref_squeeze %dma_wait3A_329 : memref<1x1x128xi32, #tpu.memory_space<vmem>> -> memref<128xi32, #tpu.memory_space<vmem>>
        %dma_wait3A_331 = arith.constant 0 : i32
        %dma_wait3A_332 = arith.constant 0 : i32
        %dma_wait3A_333 = tpu.memref_slice %arg10[%dma_wait3A_331, %dma_wait3A_332] : memref<10112x128xf32, #tpu.memory_space<vmem_shared>> -> memref<10112x128xf32, #tpu.memory_space<vmem_shared>>
        tpu.wait_indirect_dma semaphore(%run_scoped3A_313 : memref<!tpu.dma_semaphore, #tpu.memory_space<semaphore_mem>>) src(%dma_wait3A_327 : memref<128x128xf32, #tpu.memory_space<vmem>>) dst(%dma_wait3A_333 : memref<10112x128xf32, #tpu.memory_space<vmem_shared>>)
        tpu.yield
      }) : () -> ()
      %add3A_140 = arith.constant 2 : i32
      %add3A_141 = arith.addi %add3A_50, %add3A_140 : i32
      %lt3A_142 = arith.constant 80 : i32
      %lt3A_143 = arith.cmpi slt, %add3A_141, %lt3A_142 : i32
      %convert_element_type3A = arith.extui %lt3A_143 : i1 to i32
      %cond3A = arith.constant 0 : i32
      %cond3A_144 = arith.cmpi ne, %convert_element_type3A, %cond3A : i32
      scf.if %cond3A_144 {
        %jit3A_313 = arith.constant 16 : i32
        %div3A_314 = arith.divsi %add3A_141, %jit3A_313 : i32
        %sign3A_315 = arith.constant 0 : i32
        %sign3A_316 = arith.cmpi sgt, %add3A_141, %sign3A_315 : i32
        %sign3A_317 = arith.extui %sign3A_316 : i1 to i32
        %sign3A_318 = arith.constant 0 : i32
        %sign3A_319 = arith.cmpi slt, %add3A_141, %sign3A_318 : i32
        %sign3A_320 = arith.extui %sign3A_319 : i1 to i32
        %sign3A_321 = arith.subi %sign3A_317, %sign3A_320 : i32
        %sign3A_322 = arith.constant 0 : i32
        %sign3A_323 = arith.cmpi sgt, %jit3A_313, %sign3A_322 : i32
        %sign3A_324 = arith.extui %sign3A_323 : i1 to i32
        %sign3A_325 = arith.constant 0 : i32
        %sign3A_326 = arith.cmpi slt, %jit3A_313, %sign3A_325 : i32
        %sign3A_327 = arith.extui %sign3A_326 : i1 to i32
        %sign3A_328 = arith.subi %sign3A_324, %sign3A_327 : i32
        %ne3A_329 = arith.cmpi ne, %sign3A_321, %sign3A_328 : i32
        %rem3A_330 = arith.remsi %add3A_141, %jit3A_313 : i32
        %ne3A_331 = arith.constant 0 : i32
        %ne3A_332 = arith.cmpi ne, %rem3A_330, %ne3A_331 : i32
        %and3A_333 = arith.andi %ne3A_329, %ne3A_332 : i1
        %sub3A_334 = arith.constant 1 : i32
        %sub3A_335 = arith.subi %div3A_314, %sub3A_334 : i32
        %select_n3A_336 = arith.select %and3A_333, %sub3A_335, %div3A_314 : i32
        %jit3A_337 = arith.constant 2 : i32
        %eq3A_338 = arith.constant 0 : i32
        %eq3A_339 = arith.cmpi eq, %jit3A_337, %eq3A_338 : i32
        %jit3A_340 = arith.constant 1 : i32
        %select_n3A_341 = arith.select %eq3A_339, %jit3A_340, %jit3A_337 : i32
        %rem3A_342 = arith.remsi %select_n3A_336, %select_n3A_341 : i32
        %ne3A_343 = arith.constant 0 : i32
        %ne3A_344 = arith.cmpi ne, %rem3A_342, %ne3A_343 : i32
        %lt3A_345 = arith.constant 0 : i32
        %lt3A_346 = arith.cmpi slt, %rem3A_342, %lt3A_345 : i32
        %lt3A_347 = arith.constant 0 : i32
        %lt3A_348 = arith.cmpi slt, %select_n3A_341, %lt3A_347 : i32
        %ne3A_349 = arith.xori %lt3A_346, %lt3A_348 : i1
        %and3A_350 = arith.andi %ne3A_349, %ne3A_344 : i1
        %add3A_351 = arith.addi %rem3A_342, %select_n3A_341 : i32
        %select_n3A_352 = arith.select %and3A_350, %add3A_351, %rem3A_342 : i32
        %jit3A_353 = arith.constant 16 : i32
        %eq3A_354 = arith.constant 0 : i32
        %eq3A_355 = arith.cmpi eq, %jit3A_353, %eq3A_354 : i32
        %jit3A_356 = arith.constant 1 : i32
        %select_n3A_357 = arith.select %eq3A_355, %jit3A_356, %jit3A_353 : i32
        %rem3A_358 = arith.remsi %add3A_141, %select_n3A_357 : i32
        %ne3A_359 = arith.constant 0 : i32
        %ne3A_360 = arith.cmpi ne, %rem3A_358, %ne3A_359 : i32
        %lt3A_361 = arith.constant 0 : i32
        %lt3A_362 = arith.cmpi slt, %rem3A_358, %lt3A_361 : i32
        %lt3A_363 = arith.constant 0 : i32
        %lt3A_364 = arith.cmpi slt, %select_n3A_357, %lt3A_363 : i32
        %ne3A_365 = arith.xori %lt3A_362, %lt3A_364 : i1
        %and3A_366 = arith.andi %ne3A_365, %ne3A_360 : i1
        %add3A_367 = arith.addi %rem3A_358, %select_n3A_357 : i32
        %select_n3A_368 = arith.select %and3A_366, %add3A_367, %rem3A_358 : i32
        %dma_start3A_369 = arith.constant 0 : i32
        %dma_start3A_370 = arith.constant 0 : i32
        %dma_start3A_371 = arith.constant 0 : i32
        %dma_start3A_372 = tpu.memref_slice %arg9[%dma_start3A_369, %dma_start3A_370, %dma_start3A_371] : memref<2x128x128xf32, #tpu.memory_space<vmem>> -> memref<1x128x128xf32, #tpu.memory_space<vmem>>
        %dma_start3A_373 = tpu.memref_squeeze %dma_start3A_372 : memref<1x128x128xf32, #tpu.memory_space<vmem>> -> memref<128x128xf32, #tpu.memory_space<vmem>>
        %dma_start3A_374 = arith.constant 0 : i32
        %dma_start3A_375 = tpu.memref_slice %arg7[%select_n3A_352, %select_n3A_368, %dma_start3A_374] : memref<2x16x128xi32, #tpu.memory_space<vmem>> -> memref<1x1x128xi32, #tpu.memory_space<vmem>>
        %dma_start3A_376 = tpu.memref_squeeze %dma_start3A_375 : memref<1x1x128xi32, #tpu.memory_space<vmem>> -> memref<128xi32, #tpu.memory_space<vmem>>
        %dma_start3A_377 = arith.constant 0 : i32
        %dma_start3A_378 = arith.constant 0 : i32
        %dma_start3A_379 = tpu.memref_slice %arg2[%dma_start3A_377, %dma_start3A_378] : memref<327680x128xf32, #tpu.memory_space<hbm>> -> memref<327680x128xf32, #tpu.memory_space<hbm>>
        tpu.enqueue_indirect_dma source(%dma_start3A_379 : memref<327680x128xf32, #tpu.memory_space<hbm>>) target(%dma_start3A_373 : memref<128x128xf32, #tpu.memory_space<vmem>>) offsets(%dma_start3A_376 : memref<128xi32, #tpu.memory_space<vmem>>) semaphore(%arg11 : memref<!tpu.dma_semaphore, #tpu.memory_space<semaphore_mem>>)
      } else {
      }
      %jit3A_145 = arith.constant 16 : i32
      %eq3A_146 = arith.constant 0 : i32
      %eq3A_147 = arith.cmpi eq, %jit3A_145, %eq3A_146 : i32
      %jit3A_148 = arith.constant 1 : i32
      %select_n3A_149 = arith.select %eq3A_147, %jit3A_148, %jit3A_145 : i32
      %rem3A_150 = arith.remsi %add3A_50, %select_n3A_149 : i32
      %ne3A_151 = arith.constant 0 : i32
      %ne3A_152 = arith.cmpi ne, %rem3A_150, %ne3A_151 : i32
      %lt3A_153 = arith.constant 0 : i32
      %lt3A_154 = arith.cmpi slt, %rem3A_150, %lt3A_153 : i32
      %lt3A_155 = arith.constant 0 : i32
      %lt3A_156 = arith.cmpi slt, %select_n3A_149, %lt3A_155 : i32
      %ne3A_157 = arith.xori %lt3A_154, %lt3A_156 : i1
      %and3A_158 = arith.andi %ne3A_157, %ne3A_152 : i1
      %add3A_159 = arith.addi %rem3A_150, %select_n3A_149 : i32
      %select_n3A_160 = arith.select %and3A_158, %add3A_159, %rem3A_150 : i32
      %eq3A_161 = arith.constant 2 : i32
      %eq3A_162 = arith.cmpi eq, %select_n3A_160, %eq3A_161 : i32
      %ge3A = arith.constant 1 : i32
      %ge3A_163 = arith.cmpi sge, %select_n3A, %ge3A : i32
      %and3A_164 = arith.andi %eq3A_162, %ge3A_163 : i1
      %add3A_165 = arith.constant 1 : i32
      %add3A_166 = arith.addi %select_n3A, %add3A_165 : i32
      %lt3A_167 = arith.constant 5 : i32
      %lt3A_168 = arith.cmpi slt, %add3A_166, %lt3A_167 : i32
      %and3A_169 = arith.andi %and3A_164, %lt3A_168 : i1
      %convert_element_type3A_170 = arith.extui %and3A_169 : i1 to i32
      %cond3A_171 = arith.constant 0 : i32
      %cond3A_172 = arith.cmpi ne, %convert_element_type3A_170, %cond3A_171 : i32
      scf.if %cond3A_172 {
        %add3A_313 = arith.constant 1 : i32
        %add3A_314 = arith.addi %select_n3A, %add3A_313 : i32
        %mul3A_315 = arith.constant 16 : i32
        %mul3A_316 = arith.muli %add3A_314, %mul3A_315 : i32
        %multiple_of3A_317 = tpu.assume_multiple %mul3A_316, 8 : i32
        %jit3A_318 = arith.constant 2 : i32
        %eq3A_319 = arith.constant 0 : i32
        %eq3A_320 = arith.cmpi eq, %jit3A_318, %eq3A_319 : i32
        %jit3A_321 = arith.constant 1 : i32
        %select_n3A_322 = arith.select %eq3A_320, %jit3A_321, %jit3A_318 : i32
        %rem3A_323 = arith.remsi %add3A_314, %select_n3A_322 : i32
        %ne3A_324 = arith.constant 0 : i32
        %ne3A_325 = arith.cmpi ne, %rem3A_323, %ne3A_324 : i32
        %lt3A_326 = arith.constant 0 : i32
        %lt3A_327 = arith.cmpi slt, %rem3A_323, %lt3A_326 : i32
        %lt3A_328 = arith.constant 0 : i32
        %lt3A_329 = arith.cmpi slt, %select_n3A_322, %lt3A_328 : i32
        %ne3A_330 = arith.xori %lt3A_327, %lt3A_329 : i1
        %and3A_331 = arith.andi %ne3A_330, %ne3A_325 : i1
        %add3A_332 = arith.addi %rem3A_323, %select_n3A_322 : i32
        %select_n3A_333 = arith.select %and3A_331, %add3A_332, %rem3A_323 : i32
        "tpu.region"() ({
          %run_scoped3A_350 = tpu.sem_alloc : memref<!tpu.dma_semaphore, #tpu.memory_space<semaphore_mem>>
          %dma_start3A_351 = arith.constant 0 : i32
          %dma_start3A_352 = arith.constant 0 : i32
          %dma_start3A_353 = tpu.memref_slice %arg7[%select_n3A_333, %dma_start3A_351, %dma_start3A_352] : memref<2x16x128xi32, #tpu.memory_space<vmem>> -> memref<1x16x128xi32, #tpu.memory_space<vmem>>
          %dma_start3A_354 = tpu.memref_squeeze %dma_start3A_353 : memref<1x16x128xi32, #tpu.memory_space<vmem>> -> memref<16x128xi32, #tpu.memory_space<vmem>>
          %dma_start3A_355 = arith.constant 0 : i32
          %dma_start3A_356 = tpu.memref_slice %arg3[%add3A, %multiple_of3A_317, %dma_start3A_355] : memref<32x80x128xi32, #tpu.memory_space<hbm>> -> memref<1x16x128xi32, #tpu.memory_space<hbm>>
          %dma_start3A_357 = tpu.memref_squeeze %dma_start3A_356 : memref<1x16x128xi32, #tpu.memory_space<hbm>> -> memref<16x128xi32, #tpu.memory_space<hbm>>
          %dma_start3A_358 = arith.constant 0 : i32
          %dma_start3A_359 = arith.constant 0 : i32
          %dma_start3A_360 = tpu.memref_slice %arg7[%select_n3A_333, %dma_start3A_358, %dma_start3A_359] : memref<2x16x128xi32, #tpu.memory_space<vmem>> -> memref<1x16x128xi32, #tpu.memory_space<vmem>>
          %dma_start3A_361 = tpu.memref_squeeze %dma_start3A_360 : memref<1x16x128xi32, #tpu.memory_space<vmem>> -> memref<16x128xi32, #tpu.memory_space<vmem>>
          %dma_start3A_362 = arith.constant 0 : i32
          %dma_start3A_363 = tpu.memref_slice %arg3[%add3A, %multiple_of3A_317, %dma_start3A_362] : memref<32x80x128xi32, #tpu.memory_space<hbm>> -> memref<1x16x128xi32, #tpu.memory_space<hbm>>
          %dma_start3A_364 = tpu.memref_squeeze %dma_start3A_363 : memref<1x16x128xi32, #tpu.memory_space<hbm>> -> memref<16x128xi32, #tpu.memory_space<hbm>>
          tpu.enqueue_dma source(%dma_start3A_364 : memref<16x128xi32, #tpu.memory_space<hbm>>) target(%dma_start3A_361 : memref<16x128xi32, #tpu.memory_space<vmem>>) target_semaphore(%run_scoped3A_350 : memref<!tpu.dma_semaphore, #tpu.memory_space<semaphore_mem>>)
          %dma_wait3A_365 = arith.constant 0 : i32
          %dma_wait3A_366 = arith.constant 0 : i32
          %dma_wait3A_367 = tpu.memref_slice %arg7[%select_n3A_333, %dma_wait3A_365, %dma_wait3A_366] : memref<2x16x128xi32, #tpu.memory_space<vmem>> -> memref<1x16x128xi32, #tpu.memory_space<vmem>>
          %dma_wait3A_368 = tpu.memref_squeeze %dma_wait3A_367 : memref<1x16x128xi32, #tpu.memory_space<vmem>> -> memref<16x128xi32, #tpu.memory_space<vmem>>
          %dma_wait3A_369 = arith.constant 0 : i32
          %dma_wait3A_370 = tpu.memref_slice %arg3[%add3A, %multiple_of3A_317, %dma_wait3A_369] : memref<32x80x128xi32, #tpu.memory_space<hbm>> -> memref<1x16x128xi32, #tpu.memory_space<hbm>>
          %dma_wait3A_371 = tpu.memref_squeeze %dma_wait3A_370 : memref<1x16x128xi32, #tpu.memory_space<hbm>> -> memref<16x128xi32, #tpu.memory_space<hbm>>
          %dma_wait3A_372 = arith.constant 0 : i32
          %dma_wait3A_373 = arith.constant 0 : i32
          %dma_wait3A_374 = tpu.memref_slice %arg7[%select_n3A_333, %dma_wait3A_372, %dma_wait3A_373] : memref<2x16x128xi32, #tpu.memory_space<vmem>> -> memref<1x16x128xi32, #tpu.memory_space<vmem>>
          %dma_wait3A_375 = tpu.memref_squeeze %dma_wait3A_374 : memref<1x16x128xi32, #tpu.memory_space<vmem>> -> memref<16x128xi32, #tpu.memory_space<vmem>>
          %dma_wait3A_376 = arith.constant 0 : i32
          %dma_wait3A_377 = tpu.memref_slice %arg3[%add3A, %multiple_of3A_317, %dma_wait3A_376] : memref<32x80x128xi32, #tpu.memory_space<hbm>> -> memref<1x16x128xi32, #tpu.memory_space<hbm>>
          %dma_wait3A_378 = tpu.memref_squeeze %dma_wait3A_377 : memref<1x16x128xi32, #tpu.memory_space<hbm>> -> memref<16x128xi32, #tpu.memory_space<hbm>>
          tpu.wait_dma2 semaphore(%run_scoped3A_350 : memref<!tpu.dma_semaphore, #tpu.memory_space<semaphore_mem>>) src(%dma_wait3A_378 : memref<16x128xi32, #tpu.memory_space<hbm>>) dst(%dma_wait3A_375 : memref<16x128xi32, #tpu.memory_space<vmem>>)
          tpu.yield
        }) : () -> ()
        %jit3A_334 = arith.constant 2 : i32
        %eq3A_335 = arith.constant 0 : i32
        %eq3A_336 = arith.cmpi eq, %jit3A_334, %eq3A_335 : i32
        %jit3A_337 = arith.constant 1 : i32
        %select_n3A_338 = arith.select %eq3A_336, %jit3A_337, %jit3A_334 : i32
        %rem3A_339 = arith.remsi %add3A_314, %select_n3A_338 : i32
        %ne3A_340 = arith.constant 0 : i32
        %ne3A_341 = arith.cmpi ne, %rem3A_339, %ne3A_340 : i32
        %lt3A_342 = arith.constant 0 : i32
        %lt3A_343 = arith.cmpi slt, %rem3A_339, %lt3A_342 : i32
        %lt3A_344 = arith.constant 0 : i32
        %lt3A_345 = arith.cmpi slt, %select_n3A_338, %lt3A_344 : i32
        %ne3A_346 = arith.xori %lt3A_343, %lt3A_345 : i1
        %and3A_347 = arith.andi %ne3A_346, %ne3A_341 : i1
        %add3A_348 = arith.addi %rem3A_339, %select_n3A_338 : i32
        %select_n3A_349 = arith.select %and3A_347, %add3A_348, %rem3A_339 : i32
        "tpu.region"() ({
          %run_scoped3A_350 = tpu.sem_alloc : memref<!tpu.dma_semaphore, #tpu.memory_space<semaphore_mem>>
          %dma_start3A_351 = arith.constant 0 : i32
          %dma_start3A_352 = arith.constant 0 : i32
          %dma_start3A_353 = tpu.memref_slice %arg8[%select_n3A_349, %dma_start3A_351, %dma_start3A_352] : memref<2x16x128xi32, #tpu.memory_space<vmem>> -> memref<1x16x128xi32, #tpu.memory_space<vmem>>
          %dma_start3A_354 = tpu.memref_squeeze %dma_start3A_353 : memref<1x16x128xi32, #tpu.memory_space<vmem>> -> memref<16x128xi32, #tpu.memory_space<vmem>>
          %dma_start3A_355 = arith.constant 0 : i32
          %dma_start3A_356 = tpu.memref_slice %arg4[%add3A, %multiple_of3A_317, %dma_start3A_355] : memref<32x80x128xi32, #tpu.memory_space<hbm>> -> memref<1x16x128xi32, #tpu.memory_space<hbm>>
          %dma_start3A_357 = tpu.memref_squeeze %dma_start3A_356 : memref<1x16x128xi32, #tpu.memory_space<hbm>> -> memref<16x128xi32, #tpu.memory_space<hbm>>
          %dma_start3A_358 = arith.constant 0 : i32
          %dma_start3A_359 = arith.constant 0 : i32
          %dma_start3A_360 = tpu.memref_slice %arg8[%select_n3A_349, %dma_start3A_358, %dma_start3A_359] : memref<2x16x128xi32, #tpu.memory_space<vmem>> -> memref<1x16x128xi32, #tpu.memory_space<vmem>>
          %dma_start3A_361 = tpu.memref_squeeze %dma_start3A_360 : memref<1x16x128xi32, #tpu.memory_space<vmem>> -> memref<16x128xi32, #tpu.memory_space<vmem>>
          %dma_start3A_362 = arith.constant 0 : i32
          %dma_start3A_363 = tpu.memref_slice %arg4[%add3A, %multiple_of3A_317, %dma_start3A_362] : memref<32x80x128xi32, #tpu.memory_space<hbm>> -> memref<1x16x128xi32, #tpu.memory_space<hbm>>
          %dma_start3A_364 = tpu.memref_squeeze %dma_start3A_363 : memref<1x16x128xi32, #tpu.memory_space<hbm>> -> memref<16x128xi32, #tpu.memory_space<hbm>>
          tpu.enqueue_dma source(%dma_start3A_364 : memref<16x128xi32, #tpu.memory_space<hbm>>) target(%dma_start3A_361 : memref<16x128xi32, #tpu.memory_space<vmem>>) target_semaphore(%run_scoped3A_350 : memref<!tpu.dma_semaphore, #tpu.memory_space<semaphore_mem>>)
          %dma_wait3A_365 = arith.constant 0 : i32
          %dma_wait3A_366 = arith.constant 0 : i32
          %dma_wait3A_367 = tpu.memref_slice %arg8[%select_n3A_349, %dma_wait3A_365, %dma_wait3A_366] : memref<2x16x128xi32, #tpu.memory_space<vmem>> -> memref<1x16x128xi32, #tpu.memory_space<vmem>>
          %dma_wait3A_368 = tpu.memref_squeeze %dma_wait3A_367 : memref<1x16x128xi32, #tpu.memory_space<vmem>> -> memref<16x128xi32, #tpu.memory_space<vmem>>
          %dma_wait3A_369 = arith.constant 0 : i32
          %dma_wait3A_370 = tpu.memref_slice %arg4[%add3A, %multiple_of3A_317, %dma_wait3A_369] : memref<32x80x128xi32, #tpu.memory_space<hbm>> -> memref<1x16x128xi32, #tpu.memory_space<hbm>>
          %dma_wait3A_371 = tpu.memref_squeeze %dma_wait3A_370 : memref<1x16x128xi32, #tpu.memory_space<hbm>> -> memref<16x128xi32, #tpu.memory_space<hbm>>
          %dma_wait3A_372 = arith.constant 0 : i32
          %dma_wait3A_373 = arith.constant 0 : i32
          %dma_wait3A_374 = tpu.memref_slice %arg8[%select_n3A_349, %dma_wait3A_372, %dma_wait3A_373] : memref<2x16x128xi32, #tpu.memory_space<vmem>> -> memref<1x16x128xi32, #tpu.memory_space<vmem>>
          %dma_wait3A_375 = tpu.memref_squeeze %dma_wait3A_374 : memref<1x16x128xi32, #tpu.memory_space<vmem>> -> memref<16x128xi32, #tpu.memory_space<vmem>>
          %dma_wait3A_376 = arith.constant 0 : i32
          %dma_wait3A_377 = tpu.memref_slice %arg4[%add3A, %multiple_of3A_317, %dma_wait3A_376] : memref<32x80x128xi32, #tpu.memory_space<hbm>> -> memref<1x16x128xi32, #tpu.memory_space<hbm>>
          %dma_wait3A_378 = tpu.memref_squeeze %dma_wait3A_377 : memref<1x16x128xi32, #tpu.memory_space<hbm>> -> memref<16x128xi32, #tpu.memory_space<hbm>>
          tpu.wait_dma2 semaphore(%run_scoped3A_350 : memref<!tpu.dma_semaphore, #tpu.memory_space<semaphore_mem>>) src(%dma_wait3A_378 : memref<16x128xi32, #tpu.memory_space<hbm>>) dst(%dma_wait3A_375 : memref<16x128xi32, #tpu.memory_space<vmem>>)
          tpu.yield
        }) : () -> ()
      } else {
      }
      %mul3A_173 = arith.constant 2 : i32
      %mul3A_174 = arith.muli %mul3A_173, %scan3A_46 : i32
      %add3A_175 = arith.constant 1 : i32
      %add3A_176 = arith.addi %mul3A_174, %add3A_175 : i32
      %jit3A_177 = arith.constant 16 : i32
      %div3A_178 = arith.divsi %add3A_176, %jit3A_177 : i32
      %sign3A_179 = arith.constant 0 : i32
      %sign3A_180 = arith.cmpi sgt, %add3A_176, %sign3A_179 : i32
      %sign3A_181 = arith.extui %sign3A_180 : i1 to i32
      %sign3A_182 = arith.constant 0 : i32
      %sign3A_183 = arith.cmpi slt, %add3A_176, %sign3A_182 : i32
      %sign3A_184 = arith.extui %sign3A_183 : i1 to i32
      %sign3A_185 = arith.subi %sign3A_181, %sign3A_184 : i32
      %sign3A_186 = arith.constant 0 : i32
      %sign3A_187 = arith.cmpi sgt, %jit3A_177, %sign3A_186 : i32
      %sign3A_188 = arith.extui %sign3A_187 : i1 to i32
      %sign3A_189 = arith.constant 0 : i32
      %sign3A_190 = arith.cmpi slt, %jit3A_177, %sign3A_189 : i32
      %sign3A_191 = arith.extui %sign3A_190 : i1 to i32
      %sign3A_192 = arith.subi %sign3A_188, %sign3A_191 : i32
      %ne3A_193 = arith.cmpi ne, %sign3A_185, %sign3A_192 : i32
      %rem3A_194 = arith.remsi %add3A_176, %jit3A_177 : i32
      %ne3A_195 = arith.constant 0 : i32
      %ne3A_196 = arith.cmpi ne, %rem3A_194, %ne3A_195 : i32
      %and3A_197 = arith.andi %ne3A_193, %ne3A_196 : i1
      %sub3A_198 = arith.constant 1 : i32
      %sub3A_199 = arith.subi %div3A_178, %sub3A_198 : i32
      %select_n3A_200 = arith.select %and3A_197, %sub3A_199, %div3A_178 : i32
      %jit3A_201 = arith.constant 2 : i32
      %eq3A_202 = arith.constant 0 : i32
      %eq3A_203 = arith.cmpi eq, %jit3A_201, %eq3A_202 : i32
      %jit3A_204 = arith.constant 1 : i32
      %select_n3A_205 = arith.select %eq3A_203, %jit3A_204, %jit3A_201 : i32
      %rem3A_206 = arith.remsi %select_n3A_200, %select_n3A_205 : i32
      %ne3A_207 = arith.constant 0 : i32
      %ne3A_208 = arith.cmpi ne, %rem3A_206, %ne3A_207 : i32
      %lt3A_209 = arith.constant 0 : i32
      %lt3A_210 = arith.cmpi slt, %rem3A_206, %lt3A_209 : i32
      %lt3A_211 = arith.constant 0 : i32
      %lt3A_212 = arith.cmpi slt, %select_n3A_205, %lt3A_211 : i32
      %ne3A_213 = arith.xori %lt3A_210, %lt3A_212 : i1
      %and3A_214 = arith.andi %ne3A_213, %ne3A_208 : i1
      %add3A_215 = arith.addi %rem3A_206, %select_n3A_205 : i32
      %select_n3A_216 = arith.select %and3A_214, %add3A_215, %rem3A_206 : i32
      %jit3A_217 = arith.constant 16 : i32
      %eq3A_218 = arith.constant 0 : i32
      %eq3A_219 = arith.cmpi eq, %jit3A_217, %eq3A_218 : i32
      %jit3A_220 = arith.constant 1 : i32
      %select_n3A_221 = arith.select %eq3A_219, %jit3A_220, %jit3A_217 : i32
      %rem3A_222 = arith.remsi %add3A_176, %select_n3A_221 : i32
      %ne3A_223 = arith.constant 0 : i32
      %ne3A_224 = arith.cmpi ne, %rem3A_222, %ne3A_223 : i32
      %lt3A_225 = arith.constant 0 : i32
      %lt3A_226 = arith.cmpi slt, %rem3A_222, %lt3A_225 : i32
      %lt3A_227 = arith.constant 0 : i32
      %lt3A_228 = arith.cmpi slt, %select_n3A_221, %lt3A_227 : i32
      %ne3A_229 = arith.xori %lt3A_226, %lt3A_228 : i1
      %and3A_230 = arith.andi %ne3A_229, %ne3A_224 : i1
      %add3A_231 = arith.addi %rem3A_222, %select_n3A_221 : i32
      %select_n3A_232 = arith.select %and3A_230, %add3A_231, %rem3A_222 : i32
      %dma_wait3A_233 = arith.constant 1 : i32
      %dma_wait3A_234 = arith.constant 0 : i32
      %dma_wait3A_235 = arith.constant 0 : i32
      %dma_wait3A_236 = tpu.memref_slice %arg9[%dma_wait3A_233, %dma_wait3A_234, %dma_wait3A_235] : memref<2x128x128xf32, #tpu.memory_space<vmem>> -> memref<1x128x128xf32, #tpu.memory_space<vmem>>
      %dma_wait3A_237 = tpu.memref_squeeze %dma_wait3A_236 : memref<1x128x128xf32, #tpu.memory_space<vmem>> -> memref<128x128xf32, #tpu.memory_space<vmem>>
      %dma_wait3A_238 = arith.constant 0 : i32
      %dma_wait3A_239 = tpu.memref_slice %arg7[%select_n3A_216, %select_n3A_232, %dma_wait3A_238] : memref<2x16x128xi32, #tpu.memory_space<vmem>> -> memref<1x1x128xi32, #tpu.memory_space<vmem>>
      %dma_wait3A_240 = tpu.memref_squeeze %dma_wait3A_239 : memref<1x1x128xi32, #tpu.memory_space<vmem>> -> memref<128xi32, #tpu.memory_space<vmem>>
      %dma_wait3A_241 = arith.constant 0 : i32
      %dma_wait3A_242 = arith.constant 0 : i32
      %dma_wait3A_243 = tpu.memref_slice %arg2[%dma_wait3A_241, %dma_wait3A_242] : memref<327680x128xf32, #tpu.memory_space<hbm>> -> memref<327680x128xf32, #tpu.memory_space<hbm>>
      tpu.wait_indirect_dma semaphore(%arg12 : memref<!tpu.dma_semaphore, #tpu.memory_space<semaphore_mem>>) src(%dma_wait3A_243 : memref<327680x128xf32, #tpu.memory_space<hbm>>) dst(%dma_wait3A_237 : memref<128x128xf32, #tpu.memory_space<vmem>>)
      %jit3A_244 = arith.constant 2 : i32
      %eq3A_245 = arith.constant 0 : i32
      %eq3A_246 = arith.cmpi eq, %jit3A_244, %eq3A_245 : i32
      %jit3A_247 = arith.constant 1 : i32
      %select_n3A_248 = arith.select %eq3A_246, %jit3A_247, %jit3A_244 : i32
      %rem3A_249 = arith.remsi %select_n3A_200, %select_n3A_248 : i32
      %ne3A_250 = arith.constant 0 : i32
      %ne3A_251 = arith.cmpi ne, %rem3A_249, %ne3A_250 : i32
      %lt3A_252 = arith.constant 0 : i32
      %lt3A_253 = arith.cmpi slt, %rem3A_249, %lt3A_252 : i32
      %lt3A_254 = arith.constant 0 : i32
      %lt3A_255 = arith.cmpi slt, %select_n3A_248, %lt3A_254 : i32
      %ne3A_256 = arith.xori %lt3A_253, %lt3A_255 : i1
      %and3A_257 = arith.andi %ne3A_256, %ne3A_251 : i1
      %add3A_258 = arith.addi %rem3A_249, %select_n3A_248 : i32
      %select_n3A_259 = arith.select %and3A_257, %add3A_258, %rem3A_249 : i32
      %jit3A_260 = arith.constant 16 : i32
      %eq3A_261 = arith.constant 0 : i32
      %eq3A_262 = arith.cmpi eq, %jit3A_260, %eq3A_261 : i32
      %jit3A_263 = arith.constant 1 : i32
      %select_n3A_264 = arith.select %eq3A_262, %jit3A_263, %jit3A_260 : i32
      %rem3A_265 = arith.remsi %add3A_176, %select_n3A_264 : i32
      %ne3A_266 = arith.constant 0 : i32
      %ne3A_267 = arith.cmpi ne, %rem3A_265, %ne3A_266 : i32
      %lt3A_268 = arith.constant 0 : i32
      %lt3A_269 = arith.cmpi slt, %rem3A_265, %lt3A_268 : i32
      %lt3A_270 = arith.constant 0 : i32
      %lt3A_271 = arith.cmpi slt, %select_n3A_264, %lt3A_270 : i32
      %ne3A_272 = arith.xori %lt3A_269, %lt3A_271 : i1
      %and3A_273 = arith.andi %ne3A_272, %ne3A_267 : i1
      %add3A_274 = arith.addi %rem3A_265, %select_n3A_264 : i32
      %select_n3A_275 = arith.select %and3A_273, %add3A_274, %rem3A_265 : i32
      %run_scoped3A_276 = arith.constant 1 : i32
      "tpu.region"() ({
        %run_scoped3A_313 = tpu.sem_alloc : memref<!tpu.dma_semaphore, #tpu.memory_space<semaphore_mem>>
        %dma_start3A_314 = arith.constant 0 : i32
        %dma_start3A_315 = arith.constant 0 : i32
        %dma_start3A_316 = tpu.memref_slice %arg9[%run_scoped3A_276, %dma_start3A_314, %dma_start3A_315] : memref<2x128x128xf32, #tpu.memory_space<vmem>> -> memref<1x128x128xf32, #tpu.memory_space<vmem>>
        %dma_start3A_317 = tpu.memref_squeeze %dma_start3A_316 : memref<1x128x128xf32, #tpu.memory_space<vmem>> -> memref<128x128xf32, #tpu.memory_space<vmem>>
        %dma_start3A_318 = arith.constant 0 : i32
        %dma_start3A_319 = tpu.memref_slice %arg8[%select_n3A_259, %select_n3A_275, %dma_start3A_318] : memref<2x16x128xi32, #tpu.memory_space<vmem>> -> memref<1x1x128xi32, #tpu.memory_space<vmem>>
        %dma_start3A_320 = tpu.memref_squeeze %dma_start3A_319 : memref<1x1x128xi32, #tpu.memory_space<vmem>> -> memref<128xi32, #tpu.memory_space<vmem>>
        %dma_start3A_321 = arith.constant 0 : i32
        %dma_start3A_322 = arith.constant 0 : i32
        %dma_start3A_323 = tpu.memref_slice %arg10[%dma_start3A_321, %dma_start3A_322] : memref<10112x128xf32, #tpu.memory_space<vmem_shared>> -> memref<10112x128xf32, #tpu.memory_space<vmem_shared>>
        tpu.enqueue_indirect_dma source(%dma_start3A_317 : memref<128x128xf32, #tpu.memory_space<vmem>>) target(%dma_start3A_323 : memref<10112x128xf32, #tpu.memory_space<vmem_shared>>) offsets(%dma_start3A_320 : memref<128xi32, #tpu.memory_space<vmem>>) semaphore(%run_scoped3A_313 : memref<!tpu.dma_semaphore, #tpu.memory_space<semaphore_mem>>) {add = true}
        %dma_wait3A_324 = arith.constant 0 : i32
        %dma_wait3A_325 = arith.constant 0 : i32
        %dma_wait3A_326 = tpu.memref_slice %arg9[%run_scoped3A_276, %dma_wait3A_324, %dma_wait3A_325] : memref<2x128x128xf32, #tpu.memory_space<vmem>> -> memref<1x128x128xf32, #tpu.memory_space<vmem>>
        %dma_wait3A_327 = tpu.memref_squeeze %dma_wait3A_326 : memref<1x128x128xf32, #tpu.memory_space<vmem>> -> memref<128x128xf32, #tpu.memory_space<vmem>>
        %dma_wait3A_328 = arith.constant 0 : i32
        %dma_wait3A_329 = tpu.memref_slice %arg8[%select_n3A_259, %select_n3A_275, %dma_wait3A_328] : memref<2x16x128xi32, #tpu.memory_space<vmem>> -> memref<1x1x128xi32, #tpu.memory_space<vmem>>
        %dma_wait3A_330 = tpu.memref_squeeze %dma_wait3A_329 : memref<1x1x128xi32, #tpu.memory_space<vmem>> -> memref<128xi32, #tpu.memory_space<vmem>>
        %dma_wait3A_331 = arith.constant 0 : i32
        %dma_wait3A_332 = arith.constant 0 : i32
        %dma_wait3A_333 = tpu.memref_slice %arg10[%dma_wait3A_331, %dma_wait3A_332] : memref<10112x128xf32, #tpu.memory_space<vmem_shared>> -> memref<10112x128xf32, #tpu.memory_space<vmem_shared>>
        tpu.wait_indirect_dma semaphore(%run_scoped3A_313 : memref<!tpu.dma_semaphore, #tpu.memory_space<semaphore_mem>>) src(%dma_wait3A_327 : memref<128x128xf32, #tpu.memory_space<vmem>>) dst(%dma_wait3A_333 : memref<10112x128xf32, #tpu.memory_space<vmem_shared>>)
        tpu.yield
      }) : () -> ()
      %add3A_277 = arith.constant 2 : i32
      %add3A_278 = arith.addi %add3A_176, %add3A_277 : i32
      %lt3A_279 = arith.constant 80 : i32
      %lt3A_280 = arith.cmpi slt, %add3A_278, %lt3A_279 : i32
      %convert_element_type3A_281 = arith.extui %lt3A_280 : i1 to i32
      %cond3A_282 = arith.constant 0 : i32
      %cond3A_283 = arith.cmpi ne, %convert_element_type3A_281, %cond3A_282 : i32
      scf.if %cond3A_283 {
        %jit3A_313 = arith.constant 16 : i32
        %div3A_314 = arith.divsi %add3A_278, %jit3A_313 : i32
        %sign3A_315 = arith.constant 0 : i32
        %sign3A_316 = arith.cmpi sgt, %add3A_278, %sign3A_315 : i32
        %sign3A_317 = arith.extui %sign3A_316 : i1 to i32
        %sign3A_318 = arith.constant 0 : i32
        %sign3A_319 = arith.cmpi slt, %add3A_278, %sign3A_318 : i32
        %sign3A_320 = arith.extui %sign3A_319 : i1 to i32
        %sign3A_321 = arith.subi %sign3A_317, %sign3A_320 : i32
        %sign3A_322 = arith.constant 0 : i32
        %sign3A_323 = arith.cmpi sgt, %jit3A_313, %sign3A_322 : i32
        %sign3A_324 = arith.extui %sign3A_323 : i1 to i32
        %sign3A_325 = arith.constant 0 : i32
        %sign3A_326 = arith.cmpi slt, %jit3A_313, %sign3A_325 : i32
        %sign3A_327 = arith.extui %sign3A_326 : i1 to i32
        %sign3A_328 = arith.subi %sign3A_324, %sign3A_327 : i32
        %ne3A_329 = arith.cmpi ne, %sign3A_321, %sign3A_328 : i32
        %rem3A_330 = arith.remsi %add3A_278, %jit3A_313 : i32
        %ne3A_331 = arith.constant 0 : i32
        %ne3A_332 = arith.cmpi ne, %rem3A_330, %ne3A_331 : i32
        %and3A_333 = arith.andi %ne3A_329, %ne3A_332 : i1
        %sub3A_334 = arith.constant 1 : i32
        %sub3A_335 = arith.subi %div3A_314, %sub3A_334 : i32
        %select_n3A_336 = arith.select %and3A_333, %sub3A_335, %div3A_314 : i32
        %jit3A_337 = arith.constant 2 : i32
        %eq3A_338 = arith.constant 0 : i32
        %eq3A_339 = arith.cmpi eq, %jit3A_337, %eq3A_338 : i32
        %jit3A_340 = arith.constant 1 : i32
        %select_n3A_341 = arith.select %eq3A_339, %jit3A_340, %jit3A_337 : i32
        %rem3A_342 = arith.remsi %select_n3A_336, %select_n3A_341 : i32
        %ne3A_343 = arith.constant 0 : i32
        %ne3A_344 = arith.cmpi ne, %rem3A_342, %ne3A_343 : i32
        %lt3A_345 = arith.constant 0 : i32
        %lt3A_346 = arith.cmpi slt, %rem3A_342, %lt3A_345 : i32
        %lt3A_347 = arith.constant 0 : i32
        %lt3A_348 = arith.cmpi slt, %select_n3A_341, %lt3A_347 : i32
        %ne3A_349 = arith.xori %lt3A_346, %lt3A_348 : i1
        %and3A_350 = arith.andi %ne3A_349, %ne3A_344 : i1
        %add3A_351 = arith.addi %rem3A_342, %select_n3A_341 : i32
        %select_n3A_352 = arith.select %and3A_350, %add3A_351, %rem3A_342 : i32
        %jit3A_353 = arith.constant 16 : i32
        %eq3A_354 = arith.constant 0 : i32
        %eq3A_355 = arith.cmpi eq, %jit3A_353, %eq3A_354 : i32
        %jit3A_356 = arith.constant 1 : i32
        %select_n3A_357 = arith.select %eq3A_355, %jit3A_356, %jit3A_353 : i32
        %rem3A_358 = arith.remsi %add3A_278, %select_n3A_357 : i32
        %ne3A_359 = arith.constant 0 : i32
        %ne3A_360 = arith.cmpi ne, %rem3A_358, %ne3A_359 : i32
        %lt3A_361 = arith.constant 0 : i32
        %lt3A_362 = arith.cmpi slt, %rem3A_358, %lt3A_361 : i32
        %lt3A_363 = arith.constant 0 : i32
        %lt3A_364 = arith.cmpi slt, %select_n3A_357, %lt3A_363 : i32
        %ne3A_365 = arith.xori %lt3A_362, %lt3A_364 : i1
        %and3A_366 = arith.andi %ne3A_365, %ne3A_360 : i1
        %add3A_367 = arith.addi %rem3A_358, %select_n3A_357 : i32
        %select_n3A_368 = arith.select %and3A_366, %add3A_367, %rem3A_358 : i32
        %dma_start3A_369 = arith.constant 1 : i32
        %dma_start3A_370 = arith.constant 0 : i32
        %dma_start3A_371 = arith.constant 0 : i32
        %dma_start3A_372 = tpu.memref_slice %arg9[%dma_start3A_369, %dma_start3A_370, %dma_start3A_371] : memref<2x128x128xf32, #tpu.memory_space<vmem>> -> memref<1x128x128xf32, #tpu.memory_space<vmem>>
        %dma_start3A_373 = tpu.memref_squeeze %dma_start3A_372 : memref<1x128x128xf32, #tpu.memory_space<vmem>> -> memref<128x128xf32, #tpu.memory_space<vmem>>
        %dma_start3A_374 = arith.constant 0 : i32
        %dma_start3A_375 = tpu.memref_slice %arg7[%select_n3A_352, %select_n3A_368, %dma_start3A_374] : memref<2x16x128xi32, #tpu.memory_space<vmem>> -> memref<1x1x128xi32, #tpu.memory_space<vmem>>
        %dma_start3A_376 = tpu.memref_squeeze %dma_start3A_375 : memref<1x1x128xi32, #tpu.memory_space<vmem>> -> memref<128xi32, #tpu.memory_space<vmem>>
        %dma_start3A_377 = arith.constant 0 : i32
        %dma_start3A_378 = arith.constant 0 : i32
        %dma_start3A_379 = tpu.memref_slice %arg2[%dma_start3A_377, %dma_start3A_378] : memref<327680x128xf32, #tpu.memory_space<hbm>> -> memref<327680x128xf32, #tpu.memory_space<hbm>>
        tpu.enqueue_indirect_dma source(%dma_start3A_379 : memref<327680x128xf32, #tpu.memory_space<hbm>>) target(%dma_start3A_373 : memref<128x128xf32, #tpu.memory_space<vmem>>) offsets(%dma_start3A_376 : memref<128xi32, #tpu.memory_space<vmem>>) semaphore(%arg12 : memref<!tpu.dma_semaphore, #tpu.memory_space<semaphore_mem>>)
      } else {
      }
      %jit3A_284 = arith.constant 16 : i32
      %eq3A_285 = arith.constant 0 : i32
      %eq3A_286 = arith.cmpi eq, %jit3A_284, %eq3A_285 : i32
      %jit3A_287 = arith.constant 1 : i32
      %select_n3A_288 = arith.select %eq3A_286, %jit3A_287, %jit3A_284 : i32
      %rem3A_289 = arith.remsi %add3A_176, %select_n3A_288 : i32
      %ne3A_290 = arith.constant 0 : i32
      %ne3A_291 = arith.cmpi ne, %rem3A_289, %ne3A_290 : i32
      %lt3A_292 = arith.constant 0 : i32
      %lt3A_293 = arith.cmpi slt, %rem3A_289, %lt3A_292 : i32
      %lt3A_294 = arith.constant 0 : i32
      %lt3A_295 = arith.cmpi slt, %select_n3A_288, %lt3A_294 : i32
      %ne3A_296 = arith.xori %lt3A_293, %lt3A_295 : i1
      %and3A_297 = arith.andi %ne3A_296, %ne3A_291 : i1
      %add3A_298 = arith.addi %rem3A_289, %select_n3A_288 : i32
      %select_n3A_299 = arith.select %and3A_297, %add3A_298, %rem3A_289 : i32
      %eq3A_300 = arith.constant 2 : i32
      %eq3A_301 = arith.cmpi eq, %select_n3A_299, %eq3A_300 : i32
      %ge3A_302 = arith.constant 1 : i32
      %ge3A_303 = arith.cmpi sge, %select_n3A_200, %ge3A_302 : i32
      %and3A_304 = arith.andi %eq3A_301, %ge3A_303 : i1
      %add3A_305 = arith.constant 1 : i32
      %add3A_306 = arith.addi %select_n3A_200, %add3A_305 : i32
      %lt3A_307 = arith.constant 5 : i32
      %lt3A_308 = arith.cmpi slt, %add3A_306, %lt3A_307 : i32
      %and3A_309 = arith.andi %and3A_304, %lt3A_308 : i1
      %convert_element_type3A_310 = arith.extui %and3A_309 : i1 to i32
      %cond3A_311 = arith.constant 0 : i32
      %cond3A_312 = arith.cmpi ne, %convert_element_type3A_310, %cond3A_311 : i32
      scf.if %cond3A_312 {
        %add3A_313 = arith.constant 1 : i32
        %add3A_314 = arith.addi %select_n3A_200, %add3A_313 : i32
        %mul3A_315 = arith.constant 16 : i32
        %mul3A_316 = arith.muli %add3A_314, %mul3A_315 : i32
        %multiple_of3A_317 = tpu.assume_multiple %mul3A_316, 8 : i32
        %jit3A_318 = arith.constant 2 : i32
        %eq3A_319 = arith.constant 0 : i32
        %eq3A_320 = arith.cmpi eq, %jit3A_318, %eq3A_319 : i32
        %jit3A_321 = arith.constant 1 : i32
        %select_n3A_322 = arith.select %eq3A_320, %jit3A_321, %jit3A_318 : i32
        %rem3A_323 = arith.remsi %add3A_314, %select_n3A_322 : i32
        %ne3A_324 = arith.constant 0 : i32
        %ne3A_325 = arith.cmpi ne, %rem3A_323, %ne3A_324 : i32
        %lt3A_326 = arith.constant 0 : i32
        %lt3A_327 = arith.cmpi slt, %rem3A_323, %lt3A_326 : i32
        %lt3A_328 = arith.constant 0 : i32
        %lt3A_329 = arith.cmpi slt, %select_n3A_322, %lt3A_328 : i32
        %ne3A_330 = arith.xori %lt3A_327, %lt3A_329 : i1
        %and3A_331 = arith.andi %ne3A_330, %ne3A_325 : i1
        %add3A_332 = arith.addi %rem3A_323, %select_n3A_322 : i32
        %select_n3A_333 = arith.select %and3A_331, %add3A_332, %rem3A_323 : i32
        "tpu.region"() ({
          %run_scoped3A_350 = tpu.sem_alloc : memref<!tpu.dma_semaphore, #tpu.memory_space<semaphore_mem>>
          %dma_start3A_351 = arith.constant 0 : i32
          %dma_start3A_352 = arith.constant 0 : i32
          %dma_start3A_353 = tpu.memref_slice %arg7[%select_n3A_333, %dma_start3A_351, %dma_start3A_352] : memref<2x16x128xi32, #tpu.memory_space<vmem>> -> memref<1x16x128xi32, #tpu.memory_space<vmem>>
          %dma_start3A_354 = tpu.memref_squeeze %dma_start3A_353 : memref<1x16x128xi32, #tpu.memory_space<vmem>> -> memref<16x128xi32, #tpu.memory_space<vmem>>
          %dma_start3A_355 = arith.constant 0 : i32
          %dma_start3A_356 = tpu.memref_slice %arg3[%add3A, %multiple_of3A_317, %dma_start3A_355] : memref<32x80x128xi32, #tpu.memory_space<hbm>> -> memref<1x16x128xi32, #tpu.memory_space<hbm>>
          %dma_start3A_357 = tpu.memref_squeeze %dma_start3A_356 : memref<1x16x128xi32, #tpu.memory_space<hbm>> -> memref<16x128xi32, #tpu.memory_space<hbm>>
          %dma_start3A_358 = arith.constant 0 : i32
          %dma_start3A_359 = arith.constant 0 : i32
          %dma_start3A_360 = tpu.memref_slice %arg7[%select_n3A_333, %dma_start3A_358, %dma_start3A_359] : memref<2x16x128xi32, #tpu.memory_space<vmem>> -> memref<1x16x128xi32, #tpu.memory_space<vmem>>
          %dma_start3A_361 = tpu.memref_squeeze %dma_start3A_360 : memref<1x16x128xi32, #tpu.memory_space<vmem>> -> memref<16x128xi32, #tpu.memory_space<vmem>>
          %dma_start3A_362 = arith.constant 0 : i32
          %dma_start3A_363 = tpu.memref_slice %arg3[%add3A, %multiple_of3A_317, %dma_start3A_362] : memref<32x80x128xi32, #tpu.memory_space<hbm>> -> memref<1x16x128xi32, #tpu.memory_space<hbm>>
          %dma_start3A_364 = tpu.memref_squeeze %dma_start3A_363 : memref<1x16x128xi32, #tpu.memory_space<hbm>> -> memref<16x128xi32, #tpu.memory_space<hbm>>
          tpu.enqueue_dma source(%dma_start3A_364 : memref<16x128xi32, #tpu.memory_space<hbm>>) target(%dma_start3A_361 : memref<16x128xi32, #tpu.memory_space<vmem>>) target_semaphore(%run_scoped3A_350 : memref<!tpu.dma_semaphore, #tpu.memory_space<semaphore_mem>>)
          %dma_wait3A_365 = arith.constant 0 : i32
          %dma_wait3A_366 = arith.constant 0 : i32
          %dma_wait3A_367 = tpu.memref_slice %arg7[%select_n3A_333, %dma_wait3A_365, %dma_wait3A_366] : memref<2x16x128xi32, #tpu.memory_space<vmem>> -> memref<1x16x128xi32, #tpu.memory_space<vmem>>
          %dma_wait3A_368 = tpu.memref_squeeze %dma_wait3A_367 : memref<1x16x128xi32, #tpu.memory_space<vmem>> -> memref<16x128xi32, #tpu.memory_space<vmem>>
          %dma_wait3A_369 = arith.constant 0 : i32
          %dma_wait3A_370 = tpu.memref_slice %arg3[%add3A, %multiple_of3A_317, %dma_wait3A_369] : memref<32x80x128xi32, #tpu.memory_space<hbm>> -> memref<1x16x128xi32, #tpu.memory_space<hbm>>
          %dma_wait3A_371 = tpu.memref_squeeze %dma_wait3A_370 : memref<1x16x128xi32, #tpu.memory_space<hbm>> -> memref<16x128xi32, #tpu.memory_space<hbm>>
          %dma_wait3A_372 = arith.constant 0 : i32
          %dma_wait3A_373 = arith.constant 0 : i32
          %dma_wait3A_374 = tpu.memref_slice %arg7[%select_n3A_333, %dma_wait3A_372, %dma_wait3A_373] : memref<2x16x128xi32, #tpu.memory_space<vmem>> -> memref<1x16x128xi32, #tpu.memory_space<vmem>>
          %dma_wait3A_375 = tpu.memref_squeeze %dma_wait3A_374 : memref<1x16x128xi32, #tpu.memory_space<vmem>> -> memref<16x128xi32, #tpu.memory_space<vmem>>
          %dma_wait3A_376 = arith.constant 0 : i32
          %dma_wait3A_377 = tpu.memref_slice %arg3[%add3A, %multiple_of3A_317, %dma_wait3A_376] : memref<32x80x128xi32, #tpu.memory_space<hbm>> -> memref<1x16x128xi32, #tpu.memory_space<hbm>>
          %dma_wait3A_378 = tpu.memref_squeeze %dma_wait3A_377 : memref<1x16x128xi32, #tpu.memory_space<hbm>> -> memref<16x128xi32, #tpu.memory_space<hbm>>
          tpu.wait_dma2 semaphore(%run_scoped3A_350 : memref<!tpu.dma_semaphore, #tpu.memory_space<semaphore_mem>>) src(%dma_wait3A_378 : memref<16x128xi32, #tpu.memory_space<hbm>>) dst(%dma_wait3A_375 : memref<16x128xi32, #tpu.memory_space<vmem>>)
          tpu.yield
        }) : () -> ()
        %jit3A_334 = arith.constant 2 : i32
        %eq3A_335 = arith.constant 0 : i32
        %eq3A_336 = arith.cmpi eq, %jit3A_334, %eq3A_335 : i32
        %jit3A_337 = arith.constant 1 : i32
        %select_n3A_338 = arith.select %eq3A_336, %jit3A_337, %jit3A_334 : i32
        %rem3A_339 = arith.remsi %add3A_314, %select_n3A_338 : i32
        %ne3A_340 = arith.constant 0 : i32
        %ne3A_341 = arith.cmpi ne, %rem3A_339, %ne3A_340 : i32
        %lt3A_342 = arith.constant 0 : i32
        %lt3A_343 = arith.cmpi slt, %rem3A_339, %lt3A_342 : i32
        %lt3A_344 = arith.constant 0 : i32
        %lt3A_345 = arith.cmpi slt, %select_n3A_338, %lt3A_344 : i32
        %ne3A_346 = arith.xori %lt3A_343, %lt3A_345 : i1
        %and3A_347 = arith.andi %ne3A_346, %ne3A_341 : i1
        %add3A_348 = arith.addi %rem3A_339, %select_n3A_338 : i32
        %select_n3A_349 = arith.select %and3A_347, %add3A_348, %rem3A_339 : i32
        "tpu.region"() ({
          %run_scoped3A_350 = tpu.sem_alloc : memref<!tpu.dma_semaphore, #tpu.memory_space<semaphore_mem>>
          %dma_start3A_351 = arith.constant 0 : i32
          %dma_start3A_352 = arith.constant 0 : i32
          %dma_start3A_353 = tpu.memref_slice %arg8[%select_n3A_349, %dma_start3A_351, %dma_start3A_352] : memref<2x16x128xi32, #tpu.memory_space<vmem>> -> memref<1x16x128xi32, #tpu.memory_space<vmem>>
          %dma_start3A_354 = tpu.memref_squeeze %dma_start3A_353 : memref<1x16x128xi32, #tpu.memory_space<vmem>> -> memref<16x128xi32, #tpu.memory_space<vmem>>
          %dma_start3A_355 = arith.constant 0 : i32
          %dma_start3A_356 = tpu.memref_slice %arg4[%add3A, %multiple_of3A_317, %dma_start3A_355] : memref<32x80x128xi32, #tpu.memory_space<hbm>> -> memref<1x16x128xi32, #tpu.memory_space<hbm>>
          %dma_start3A_357 = tpu.memref_squeeze %dma_start3A_356 : memref<1x16x128xi32, #tpu.memory_space<hbm>> -> memref<16x128xi32, #tpu.memory_space<hbm>>
          %dma_start3A_358 = arith.constant 0 : i32
          %dma_start3A_359 = arith.constant 0 : i32
          %dma_start3A_360 = tpu.memref_slice %arg8[%select_n3A_349, %dma_start3A_358, %dma_start3A_359] : memref<2x16x128xi32, #tpu.memory_space<vmem>> -> memref<1x16x128xi32, #tpu.memory_space<vmem>>
          %dma_start3A_361 = tpu.memref_squeeze %dma_start3A_360 : memref<1x16x128xi32, #tpu.memory_space<vmem>> -> memref<16x128xi32, #tpu.memory_space<vmem>>
          %dma_start3A_362 = arith.constant 0 : i32
          %dma_start3A_363 = tpu.memref_slice %arg4[%add3A, %multiple_of3A_317, %dma_start3A_362] : memref<32x80x128xi32, #tpu.memory_space<hbm>> -> memref<1x16x128xi32, #tpu.memory_space<hbm>>
          %dma_start3A_364 = tpu.memref_squeeze %dma_start3A_363 : memref<1x16x128xi32, #tpu.memory_space<hbm>> -> memref<16x128xi32, #tpu.memory_space<hbm>>
          tpu.enqueue_dma source(%dma_start3A_364 : memref<16x128xi32, #tpu.memory_space<hbm>>) target(%dma_start3A_361 : memref<16x128xi32, #tpu.memory_space<vmem>>) target_semaphore(%run_scoped3A_350 : memref<!tpu.dma_semaphore, #tpu.memory_space<semaphore_mem>>)
          %dma_wait3A_365 = arith.constant 0 : i32
          %dma_wait3A_366 = arith.constant 0 : i32
          %dma_wait3A_367 = tpu.memref_slice %arg8[%select_n3A_349, %dma_wait3A_365, %dma_wait3A_366] : memref<2x16x128xi32, #tpu.memory_space<vmem>> -> memref<1x16x128xi32, #tpu.memory_space<vmem>>
          %dma_wait3A_368 = tpu.memref_squeeze %dma_wait3A_367 : memref<1x16x128xi32, #tpu.memory_space<vmem>> -> memref<16x128xi32, #tpu.memory_space<vmem>>
          %dma_wait3A_369 = arith.constant 0 : i32
          %dma_wait3A_370 = tpu.memref_slice %arg4[%add3A, %multiple_of3A_317, %dma_wait3A_369] : memref<32x80x128xi32, #tpu.memory_space<hbm>> -> memref<1x16x128xi32, #tpu.memory_space<hbm>>
          %dma_wait3A_371 = tpu.memref_squeeze %dma_wait3A_370 : memref<1x16x128xi32, #tpu.memory_space<hbm>> -> memref<16x128xi32, #tpu.memory_space<hbm>>
          %dma_wait3A_372 = arith.constant 0 : i32
          %dma_wait3A_373 = arith.constant 0 : i32
          %dma_wait3A_374 = tpu.memref_slice %arg8[%select_n3A_349, %dma_wait3A_372, %dma_wait3A_373] : memref<2x16x128xi32, #tpu.memory_space<vmem>> -> memref<1x16x128xi32, #tpu.memory_space<vmem>>
          %dma_wait3A_375 = tpu.memref_squeeze %dma_wait3A_374 : memref<1x16x128xi32, #tpu.memory_space<vmem>> -> memref<16x128xi32, #tpu.memory_space<vmem>>
          %dma_wait3A_376 = arith.constant 0 : i32
          %dma_wait3A_377 = tpu.memref_slice %arg4[%add3A, %multiple_of3A_317, %dma_wait3A_376] : memref<32x80x128xi32, #tpu.memory_space<hbm>> -> memref<1x16x128xi32, #tpu.memory_space<hbm>>
          %dma_wait3A_378 = tpu.memref_squeeze %dma_wait3A_377 : memref<1x16x128xi32, #tpu.memory_space<hbm>> -> memref<16x128xi32, #tpu.memory_space<hbm>>
          tpu.wait_dma2 semaphore(%run_scoped3A_350 : memref<!tpu.dma_semaphore, #tpu.memory_space<semaphore_mem>>) src(%dma_wait3A_378 : memref<16x128xi32, #tpu.memory_space<hbm>>) dst(%dma_wait3A_375 : memref<16x128xi32, #tpu.memory_space<vmem>>)
          tpu.yield
        }) : () -> ()
      } else {
      }
    }
    %scan3A_40 = arith.constant 40 : i32
    %barrier3A_41 = arith.constant 0 : index
    tpu.barrier barrier_id(%barrier3A_41)
    %mul3A_42 = arith.constant 632 : i32
    %mul3A_43 = arith.muli %arg1, %mul3A_42 : i32
    %mul3A_44 = arith.constant 632 : i32
    %mul3A_45 = arith.muli %arg1, %mul3A_44 : i32
    "tpu.region"() ({
      %run_scoped3A_46 = tpu.sem_alloc : memref<!tpu.dma_semaphore, #tpu.memory_space<semaphore_mem>>
      %dma_start3A_47 = arith.constant 0 : i32
      %dma_start3A_48 = tpu.memref_slice %arg6[%arg0, %mul3A_45, %dma_start3A_47] : memref<2x10112x128xf32, #tpu.memory_space<hbm>> -> memref<1x632x128xf32, #tpu.memory_space<hbm>>
      %dma_start3A_49 = tpu.memref_squeeze %dma_start3A_48 : memref<1x632x128xf32, #tpu.memory_space<hbm>> -> memref<632x128xf32, #tpu.memory_space<hbm>>
      %dma_start3A_50 = arith.constant 0 : i32
      %dma_start3A_51 = tpu.memref_slice %arg10[%mul3A_43, %dma_start3A_50] : memref<10112x128xf32, #tpu.memory_space<vmem_shared>> -> memref<632x128xf32, #tpu.memory_space<vmem_shared>>
      tpu.enqueue_dma source(%dma_start3A_51 : memref<632x128xf32, #tpu.memory_space<vmem_shared>>) target(%dma_start3A_49 : memref<632x128xf32, #tpu.memory_space<hbm>>) target_semaphore(%run_scoped3A_46 : memref<!tpu.dma_semaphore, #tpu.memory_space<semaphore_mem>>)
      %dma_wait3A = arith.constant 0 : i32
      %dma_wait3A_52 = tpu.memref_slice %arg6[%arg0, %mul3A_45, %dma_wait3A] : memref<2x10112x128xf32, #tpu.memory_space<hbm>> -> memref<1x632x128xf32, #tpu.memory_space<hbm>>
      %dma_wait3A_53 = tpu.memref_squeeze %dma_wait3A_52 : memref<1x632x128xf32, #tpu.memory_space<hbm>> -> memref<632x128xf32, #tpu.memory_space<hbm>>
      %dma_wait3A_54 = arith.constant 0 : i32
      %dma_wait3A_55 = tpu.memref_slice %arg10[%mul3A_43, %dma_wait3A_54] : memref<10112x128xf32, #tpu.memory_space<vmem_shared>> -> memref<632x128xf32, #tpu.memory_space<vmem_shared>>
      tpu.wait_dma2 semaphore(%run_scoped3A_46 : memref<!tpu.dma_semaphore, #tpu.memory_space<semaphore_mem>>) src(%dma_wait3A_55 : memref<632x128xf32, #tpu.memory_space<vmem_shared>>) dst(%dma_wait3A_53 : memref<632x128xf32, #tpu.memory_space<hbm>>)
      tpu.yield
    }) : () -> ()
    return
  }
}

#map = affine_map<(d0, d1) -> (0, 0)>
#map1 = affine_map<(d0, d1) -> (0, 0, 0)>
module attributes {stable_mosaic.version = 14 : i64} {
  func.func @_gs_body(%arg0: i32, %arg1: i32, %arg2: memref<10000x128xf32, #tpu.memory_space<hbm>>, %arg3: memref<32x80x128xi32, #tpu.memory_space<hbm>>, %arg4: memref<32x80x128xi32, #tpu.memory_space<hbm>>, %arg5: memref<2x10112x128xf32, #tpu.memory_space<hbm>>, %arg6: memref<2x10112x128xf32, #tpu.memory_space<hbm>>, %arg7: memref<2x16x128xi32, #tpu.memory_space<vmem>>, %arg8: memref<2x16x128xi32, #tpu.memory_space<vmem>>, %arg9: memref<2x128x128xf32, #tpu.memory_space<vmem>>, %arg10: memref<10112x128xf32, #tpu.memory_space<vmem_shared>>, %arg11: memref<!tpu.dma_semaphore, #tpu.memory_space<semaphore_mem>>, %arg12: memref<!tpu.dma_semaphore, #tpu.memory_space<semaphore_mem>>) attributes {dimension_semantics = [#tpu.dimension_semantics<core_parallel>, #tpu.dimension_semantics<subcore_parallel>], iteration_bounds = array<i64: 2, 16>, scalar_prefetch = 0 : i64, scratch_operands = 6 : i64, tpu.core_type = #tpu.core_type<sc_vector_subcore>, window_params = [{transform_indices = #map}, {transform_indices = #map1}, {transform_indices = #map1}, {transform_indices = #map1}, {transform_indices = #map1}]} {
    %mul3A = arith.constant 16 : i32
    %mul3A_0 = arith.muli %arg0, %mul3A : i32
    %add3A = arith.addi %mul3A_0, %arg1 : i32
    %mul3A_1 = arith.constant 632 : i32
    %mul3A_2 = arith.muli %arg1, %mul3A_1 : i32
    %mul3A_3 = arith.constant 632 : i32
    %mul3A_4 = arith.muli %arg1, %mul3A_3 : i32
    "tpu.region"() ({
      %run_scoped3A_46 = tpu.sem_alloc : memref<!tpu.dma_semaphore, #tpu.memory_space<semaphore_mem>>
      %dma_start3A_47 = arith.constant 0 : i32
      %dma_start3A_48 = tpu.memref_slice %arg10[%mul3A_4, %dma_start3A_47] : memref<10112x128xf32, #tpu.memory_space<vmem_shared>> -> memref<632x128xf32, #tpu.memory_space<vmem_shared>>
      %dma_start3A_49 = arith.constant 0 : i32
      %dma_start3A_50 = tpu.memref_slice %arg5[%arg0, %mul3A_2, %dma_start3A_49] : memref<2x10112x128xf32, #tpu.memory_space<hbm>> -> memref<1x632x128xf32, #tpu.memory_space<hbm>>
      %dma_start3A_51 = tpu.memref_squeeze %dma_start3A_50 : memref<1x632x128xf32, #tpu.memory_space<hbm>> -> memref<632x128xf32, #tpu.memory_space<hbm>>
      tpu.enqueue_dma source(%dma_start3A_51 : memref<632x128xf32, #tpu.memory_space<hbm>>) target(%dma_start3A_48 : memref<632x128xf32, #tpu.memory_space<vmem_shared>>) target_semaphore(%run_scoped3A_46 : memref<!tpu.dma_semaphore, #tpu.memory_space<semaphore_mem>>)
      %dma_wait3A = arith.constant 0 : i32
      %dma_wait3A_52 = tpu.memref_slice %arg10[%mul3A_4, %dma_wait3A] : memref<10112x128xf32, #tpu.memory_space<vmem_shared>> -> memref<632x128xf32, #tpu.memory_space<vmem_shared>>
      %dma_wait3A_53 = arith.constant 0 : i32
      %dma_wait3A_54 = tpu.memref_slice %arg5[%arg0, %mul3A_2, %dma_wait3A_53] : memref<2x10112x128xf32, #tpu.memory_space<hbm>> -> memref<1x632x128xf32, #tpu.memory_space<hbm>>
      %dma_wait3A_55 = tpu.memref_squeeze %dma_wait3A_54 : memref<1x632x128xf32, #tpu.memory_space<hbm>> -> memref<632x128xf32, #tpu.memory_space<hbm>>
      tpu.wait_dma2 semaphore(%run_scoped3A_46 : memref<!tpu.dma_semaphore, #tpu.memory_space<semaphore_mem>>) src(%dma_wait3A_55 : memref<632x128xf32, #tpu.memory_space<hbm>>) dst(%dma_wait3A_52 : memref<632x128xf32, #tpu.memory_space<vmem_shared>>)
      tpu.yield
    }) : () -> ()
    %barrier3A = arith.constant 0 : index
    tpu.barrier barrier_id(%barrier3A)
    %multiple_of3A = arith.constant 0 : i32
    %multiple_of3A_5 = tpu.assume_multiple %multiple_of3A, 8 : i32
    %run_scoped3A = arith.constant 0 : i32
    "tpu.region"() ({
      %run_scoped3A_46 = tpu.sem_alloc : memref<!tpu.dma_semaphore, #tpu.memory_space<semaphore_mem>>
      %dma_start3A_47 = arith.constant 0 : i32
      %dma_start3A_48 = arith.constant 0 : i32
      %dma_start3A_49 = tpu.memref_slice %arg7[%run_scoped3A, %dma_start3A_47, %dma_start3A_48] : memref<2x16x128xi32, #tpu.memory_space<vmem>> -> memref<1x16x128xi32, #tpu.memory_space<vmem>>
      %dma_start3A_50 = tpu.memref_squeeze %dma_start3A_49 : memref<1x16x128xi32, #tpu.memory_space<vmem>> -> memref<16x128xi32, #tpu.memory_space<vmem>>
      %dma_start3A_51 = arith.constant 0 : i32
      %dma_start3A_52 = tpu.memref_slice %arg3[%add3A, %multiple_of3A_5, %dma_start3A_51] : memref<32x80x128xi32, #tpu.memory_space<hbm>> -> memref<1x16x128xi32, #tpu.memory_space<hbm>>
      %dma_start3A_53 = tpu.memref_squeeze %dma_start3A_52 : memref<1x16x128xi32, #tpu.memory_space<hbm>> -> memref<16x128xi32, #tpu.memory_space<hbm>>
      %dma_start3A_54 = arith.constant 0 : i32
      %dma_start3A_55 = arith.constant 0 : i32
      %dma_start3A_56 = tpu.memref_slice %arg7[%run_scoped3A, %dma_start3A_54, %dma_start3A_55] : memref<2x16x128xi32, #tpu.memory_space<vmem>> -> memref<1x16x128xi32, #tpu.memory_space<vmem>>
      %dma_start3A_57 = tpu.memref_squeeze %dma_start3A_56 : memref<1x16x128xi32, #tpu.memory_space<vmem>> -> memref<16x128xi32, #tpu.memory_space<vmem>>
      %dma_start3A_58 = arith.constant 0 : i32
      %dma_start3A_59 = tpu.memref_slice %arg3[%add3A, %multiple_of3A_5, %dma_start3A_58] : memref<32x80x128xi32, #tpu.memory_space<hbm>> -> memref<1x16x128xi32, #tpu.memory_space<hbm>>
      %dma_start3A_60 = tpu.memref_squeeze %dma_start3A_59 : memref<1x16x128xi32, #tpu.memory_space<hbm>> -> memref<16x128xi32, #tpu.memory_space<hbm>>
      tpu.enqueue_dma source(%dma_start3A_60 : memref<16x128xi32, #tpu.memory_space<hbm>>) target(%dma_start3A_57 : memref<16x128xi32, #tpu.memory_space<vmem>>) target_semaphore(%run_scoped3A_46 : memref<!tpu.dma_semaphore, #tpu.memory_space<semaphore_mem>>)
      %dma_wait3A = arith.constant 0 : i32
      %dma_wait3A_61 = arith.constant 0 : i32
      %dma_wait3A_62 = tpu.memref_slice %arg7[%run_scoped3A, %dma_wait3A, %dma_wait3A_61] : memref<2x16x128xi32, #tpu.memory_space<vmem>> -> memref<1x16x128xi32, #tpu.memory_space<vmem>>
      %dma_wait3A_63 = tpu.memref_squeeze %dma_wait3A_62 : memref<1x16x128xi32, #tpu.memory_space<vmem>> -> memref<16x128xi32, #tpu.memory_space<vmem>>
      %dma_wait3A_64 = arith.constant 0 : i32
      %dma_wait3A_65 = tpu.memref_slice %arg3[%add3A, %multiple_of3A_5, %dma_wait3A_64] : memref<32x80x128xi32, #tpu.memory_space<hbm>> -> memref<1x16x128xi32, #tpu.memory_space<hbm>>
      %dma_wait3A_66 = tpu.memref_squeeze %dma_wait3A_65 : memref<1x16x128xi32, #tpu.memory_space<hbm>> -> memref<16x128xi32, #tpu.memory_space<hbm>>
      %dma_wait3A_67 = arith.constant 0 : i32
      %dma_wait3A_68 = arith.constant 0 : i32
      %dma_wait3A_69 = tpu.memref_slice %arg7[%run_scoped3A, %dma_wait3A_67, %dma_wait3A_68] : memref<2x16x128xi32, #tpu.memory_space<vmem>> -> memref<1x16x128xi32, #tpu.memory_space<vmem>>
      %dma_wait3A_70 = tpu.memref_squeeze %dma_wait3A_69 : memref<1x16x128xi32, #tpu.memory_space<vmem>> -> memref<16x128xi32, #tpu.memory_space<vmem>>
      %dma_wait3A_71 = arith.constant 0 : i32
      %dma_wait3A_72 = tpu.memref_slice %arg3[%add3A, %multiple_of3A_5, %dma_wait3A_71] : memref<32x80x128xi32, #tpu.memory_space<hbm>> -> memref<1x16x128xi32, #tpu.memory_space<hbm>>
      %dma_wait3A_73 = tpu.memref_squeeze %dma_wait3A_72 : memref<1x16x128xi32, #tpu.memory_space<hbm>> -> memref<16x128xi32, #tpu.memory_space<hbm>>
      tpu.wait_dma2 semaphore(%run_scoped3A_46 : memref<!tpu.dma_semaphore, #tpu.memory_space<semaphore_mem>>) src(%dma_wait3A_73 : memref<16x128xi32, #tpu.memory_space<hbm>>) dst(%dma_wait3A_70 : memref<16x128xi32, #tpu.memory_space<vmem>>)
      tpu.yield
    }) : () -> ()
    %run_scoped3A_6 = arith.constant 0 : i32
    "tpu.region"() ({
      %run_scoped3A_46 = tpu.sem_alloc : memref<!tpu.dma_semaphore, #tpu.memory_space<semaphore_mem>>
      %dma_start3A_47 = arith.constant 0 : i32
      %dma_start3A_48 = arith.constant 0 : i32
      %dma_start3A_49 = tpu.memref_slice %arg8[%run_scoped3A_6, %dma_start3A_47, %dma_start3A_48] : memref<2x16x128xi32, #tpu.memory_space<vmem>> -> memref<1x16x128xi32, #tpu.memory_space<vmem>>
      %dma_start3A_50 = tpu.memref_squeeze %dma_start3A_49 : memref<1x16x128xi32, #tpu.memory_space<vmem>> -> memref<16x128xi32, #tpu.memory_space<vmem>>
      %dma_start3A_51 = arith.constant 0 : i32
      %dma_start3A_52 = tpu.memref_slice %arg4[%add3A, %multiple_of3A_5, %dma_start3A_51] : memref<32x80x128xi32, #tpu.memory_space<hbm>> -> memref<1x16x128xi32, #tpu.memory_space<hbm>>
      %dma_start3A_53 = tpu.memref_squeeze %dma_start3A_52 : memref<1x16x128xi32, #tpu.memory_space<hbm>> -> memref<16x128xi32, #tpu.memory_space<hbm>>
      %dma_start3A_54 = arith.constant 0 : i32
      %dma_start3A_55 = arith.constant 0 : i32
      %dma_start3A_56 = tpu.memref_slice %arg8[%run_scoped3A_6, %dma_start3A_54, %dma_start3A_55] : memref<2x16x128xi32, #tpu.memory_space<vmem>> -> memref<1x16x128xi32, #tpu.memory_space<vmem>>
      %dma_start3A_57 = tpu.memref_squeeze %dma_start3A_56 : memref<1x16x128xi32, #tpu.memory_space<vmem>> -> memref<16x128xi32, #tpu.memory_space<vmem>>
      %dma_start3A_58 = arith.constant 0 : i32
      %dma_start3A_59 = tpu.memref_slice %arg4[%add3A, %multiple_of3A_5, %dma_start3A_58] : memref<32x80x128xi32, #tpu.memory_space<hbm>> -> memref<1x16x128xi32, #tpu.memory_space<hbm>>
      %dma_start3A_60 = tpu.memref_squeeze %dma_start3A_59 : memref<1x16x128xi32, #tpu.memory_space<hbm>> -> memref<16x128xi32, #tpu.memory_space<hbm>>
      tpu.enqueue_dma source(%dma_start3A_60 : memref<16x128xi32, #tpu.memory_space<hbm>>) target(%dma_start3A_57 : memref<16x128xi32, #tpu.memory_space<vmem>>) target_semaphore(%run_scoped3A_46 : memref<!tpu.dma_semaphore, #tpu.memory_space<semaphore_mem>>)
      %dma_wait3A = arith.constant 0 : i32
      %dma_wait3A_61 = arith.constant 0 : i32
      %dma_wait3A_62 = tpu.memref_slice %arg8[%run_scoped3A_6, %dma_wait3A, %dma_wait3A_61] : memref<2x16x128xi32, #tpu.memory_space<vmem>> -> memref<1x16x128xi32, #tpu.memory_space<vmem>>
      %dma_wait3A_63 = tpu.memref_squeeze %dma_wait3A_62 : memref<1x16x128xi32, #tpu.memory_space<vmem>> -> memref<16x128xi32, #tpu.memory_space<vmem>>
      %dma_wait3A_64 = arith.constant 0 : i32
      %dma_wait3A_65 = tpu.memref_slice %arg4[%add3A, %multiple_of3A_5, %dma_wait3A_64] : memref<32x80x128xi32, #tpu.memory_space<hbm>> -> memref<1x16x128xi32, #tpu.memory_space<hbm>>
      %dma_wait3A_66 = tpu.memref_squeeze %dma_wait3A_65 : memref<1x16x128xi32, #tpu.memory_space<hbm>> -> memref<16x128xi32, #tpu.memory_space<hbm>>
      %dma_wait3A_67 = arith.constant 0 : i32
      %dma_wait3A_68 = arith.constant 0 : i32
      %dma_wait3A_69 = tpu.memref_slice %arg8[%run_scoped3A_6, %dma_wait3A_67, %dma_wait3A_68] : memref<2x16x128xi32, #tpu.memory_space<vmem>> -> memref<1x16x128xi32, #tpu.memory_space<vmem>>
      %dma_wait3A_70 = tpu.memref_squeeze %dma_wait3A_69 : memref<1x16x128xi32, #tpu.memory_space<vmem>> -> memref<16x128xi32, #tpu.memory_space<vmem>>
      %dma_wait3A_71 = arith.constant 0 : i32
      %dma_wait3A_72 = tpu.memref_slice %arg4[%add3A, %multiple_of3A_5, %dma_wait3A_71] : memref<32x80x128xi32, #tpu.memory_space<hbm>> -> memref<1x16x128xi32, #tpu.memory_space<hbm>>
      %dma_wait3A_73 = tpu.memref_squeeze %dma_wait3A_72 : memref<1x16x128xi32, #tpu.memory_space<hbm>> -> memref<16x128xi32, #tpu.memory_space<hbm>>
      tpu.wait_dma2 semaphore(%run_scoped3A_46 : memref<!tpu.dma_semaphore, #tpu.memory_space<semaphore_mem>>) src(%dma_wait3A_73 : memref<16x128xi32, #tpu.memory_space<hbm>>) dst(%dma_wait3A_70 : memref<16x128xi32, #tpu.memory_space<vmem>>)
      tpu.yield
    }) : () -> ()
    %dma_start3A = arith.constant 0 : i32
    %dma_start3A_7 = arith.constant 0 : i32
    %dma_start3A_8 = arith.constant 0 : i32
    %dma_start3A_9 = arith.constant 0 : i32
    %dma_start3A_10 = arith.constant 0 : i32
    %dma_start3A_11 = tpu.memref_slice %arg9[%dma_start3A_8, %dma_start3A_9, %dma_start3A_10] : memref<2x128x128xf32, #tpu.memory_space<vmem>> -> memref<1x128x128xf32, #tpu.memory_space<vmem>>
    %dma_start3A_12 = tpu.memref_squeeze %dma_start3A_11 : memref<1x128x128xf32, #tpu.memory_space<vmem>> -> memref<128x128xf32, #tpu.memory_space<vmem>>
    %dma_start3A_13 = arith.constant 0 : i32
    %dma_start3A_14 = tpu.memref_slice %arg7[%dma_start3A, %dma_start3A_7, %dma_start3A_13] : memref<2x16x128xi32, #tpu.memory_space<vmem>> -> memref<1x1x128xi32, #tpu.memory_space<vmem>>
    %dma_start3A_15 = tpu.memref_squeeze %dma_start3A_14 : memref<1x1x128xi32, #tpu.memory_space<vmem>> -> memref<128xi32, #tpu.memory_space<vmem>>
    %dma_start3A_16 = arith.constant 0 : i32
    %dma_start3A_17 = arith.constant 0 : i32
    %dma_start3A_18 = tpu.memref_slice %arg2[%dma_start3A_16, %dma_start3A_17] : memref<10000x128xf32, #tpu.memory_space<hbm>> -> memref<10000x128xf32, #tpu.memory_space<hbm>>
    tpu.enqueue_indirect_dma source(%dma_start3A_18 : memref<10000x128xf32, #tpu.memory_space<hbm>>) target(%dma_start3A_12 : memref<128x128xf32, #tpu.memory_space<vmem>>) offsets(%dma_start3A_15 : memref<128xi32, #tpu.memory_space<vmem>>) semaphore(%arg11 : memref<!tpu.dma_semaphore, #tpu.memory_space<semaphore_mem>>)
    %dma_start3A_19 = arith.constant 0 : i32
    %dma_start3A_20 = arith.constant 1 : i32
    %dma_start3A_21 = arith.constant 1 : i32
    %dma_start3A_22 = arith.constant 0 : i32
    %dma_start3A_23 = arith.constant 0 : i32
    %dma_start3A_24 = tpu.memref_slice %arg9[%dma_start3A_21, %dma_start3A_22, %dma_start3A_23] : memref<2x128x128xf32, #tpu.memory_space<vmem>> -> memref<1x128x128xf32, #tpu.memory_space<vmem>>
    %dma_start3A_25 = tpu.memref_squeeze %dma_start3A_24 : memref<1x128x128xf32, #tpu.memory_space<vmem>> -> memref<128x128xf32, #tpu.memory_space<vmem>>
    %dma_start3A_26 = arith.constant 0 : i32
    %dma_start3A_27 = tpu.memref_slice %arg7[%dma_start3A_19, %dma_start3A_20, %dma_start3A_26] : memref<2x16x128xi32, #tpu.memory_space<vmem>> -> memref<1x1x128xi32, #tpu.memory_space<vmem>>
    %dma_start3A_28 = tpu.memref_squeeze %dma_start3A_27 : memref<1x1x128xi32, #tpu.memory_space<vmem>> -> memref<128xi32, #tpu.memory_space<vmem>>
    %dma_start3A_29 = arith.constant 0 : i32
    %dma_start3A_30 = arith.constant 0 : i32
    %dma_start3A_31 = tpu.memref_slice %arg2[%dma_start3A_29, %dma_start3A_30] : memref<10000x128xf32, #tpu.memory_space<hbm>> -> memref<10000x128xf32, #tpu.memory_space<hbm>>
    tpu.enqueue_indirect_dma source(%dma_start3A_31 : memref<10000x128xf32, #tpu.memory_space<hbm>>) target(%dma_start3A_25 : memref<128x128xf32, #tpu.memory_space<vmem>>) offsets(%dma_start3A_28 : memref<128xi32, #tpu.memory_space<vmem>>) semaphore(%arg12 : memref<!tpu.dma_semaphore, #tpu.memory_space<semaphore_mem>>)
    %multiple_of3A_32 = arith.constant 16 : i32
    %multiple_of3A_33 = tpu.assume_multiple %multiple_of3A_32, 8 : i32
    %run_scoped3A_34 = arith.constant 1 : i32
    "tpu.region"() ({
      %run_scoped3A_46 = tpu.sem_alloc : memref<!tpu.dma_semaphore, #tpu.memory_space<semaphore_mem>>
      %dma_start3A_47 = arith.constant 0 : i32
      %dma_start3A_48 = arith.constant 0 : i32
      %dma_start3A_49 = tpu.memref_slice %arg7[%run_scoped3A_34, %dma_start3A_47, %dma_start3A_48] : memref<2x16x128xi32, #tpu.memory_space<vmem>> -> memref<1x16x128xi32, #tpu.memory_space<vmem>>
      %dma_start3A_50 = tpu.memref_squeeze %dma_start3A_49 : memref<1x16x128xi32, #tpu.memory_space<vmem>> -> memref<16x128xi32, #tpu.memory_space<vmem>>
      %dma_start3A_51 = arith.constant 0 : i32
      %dma_start3A_52 = tpu.memref_slice %arg3[%add3A, %multiple_of3A_33, %dma_start3A_51] : memref<32x80x128xi32, #tpu.memory_space<hbm>> -> memref<1x16x128xi32, #tpu.memory_space<hbm>>
      %dma_start3A_53 = tpu.memref_squeeze %dma_start3A_52 : memref<1x16x128xi32, #tpu.memory_space<hbm>> -> memref<16x128xi32, #tpu.memory_space<hbm>>
      %dma_start3A_54 = arith.constant 0 : i32
      %dma_start3A_55 = arith.constant 0 : i32
      %dma_start3A_56 = tpu.memref_slice %arg7[%run_scoped3A_34, %dma_start3A_54, %dma_start3A_55] : memref<2x16x128xi32, #tpu.memory_space<vmem>> -> memref<1x16x128xi32, #tpu.memory_space<vmem>>
      %dma_start3A_57 = tpu.memref_squeeze %dma_start3A_56 : memref<1x16x128xi32, #tpu.memory_space<vmem>> -> memref<16x128xi32, #tpu.memory_space<vmem>>
      %dma_start3A_58 = arith.constant 0 : i32
      %dma_start3A_59 = tpu.memref_slice %arg3[%add3A, %multiple_of3A_33, %dma_start3A_58] : memref<32x80x128xi32, #tpu.memory_space<hbm>> -> memref<1x16x128xi32, #tpu.memory_space<hbm>>
      %dma_start3A_60 = tpu.memref_squeeze %dma_start3A_59 : memref<1x16x128xi32, #tpu.memory_space<hbm>> -> memref<16x128xi32, #tpu.memory_space<hbm>>
      tpu.enqueue_dma source(%dma_start3A_60 : memref<16x128xi32, #tpu.memory_space<hbm>>) target(%dma_start3A_57 : memref<16x128xi32, #tpu.memory_space<vmem>>) target_semaphore(%run_scoped3A_46 : memref<!tpu.dma_semaphore, #tpu.memory_space<semaphore_mem>>)
      %dma_wait3A = arith.constant 0 : i32
      %dma_wait3A_61 = arith.constant 0 : i32
      %dma_wait3A_62 = tpu.memref_slice %arg7[%run_scoped3A_34, %dma_wait3A, %dma_wait3A_61] : memref<2x16x128xi32, #tpu.memory_space<vmem>> -> memref<1x16x128xi32, #tpu.memory_space<vmem>>
      %dma_wait3A_63 = tpu.memref_squeeze %dma_wait3A_62 : memref<1x16x128xi32, #tpu.memory_space<vmem>> -> memref<16x128xi32, #tpu.memory_space<vmem>>
      %dma_wait3A_64 = arith.constant 0 : i32
      %dma_wait3A_65 = tpu.memref_slice %arg3[%add3A, %multiple_of3A_33, %dma_wait3A_64] : memref<32x80x128xi32, #tpu.memory_space<hbm>> -> memref<1x16x128xi32, #tpu.memory_space<hbm>>
      %dma_wait3A_66 = tpu.memref_squeeze %dma_wait3A_65 : memref<1x16x128xi32, #tpu.memory_space<hbm>> -> memref<16x128xi32, #tpu.memory_space<hbm>>
      %dma_wait3A_67 = arith.constant 0 : i32
      %dma_wait3A_68 = arith.constant 0 : i32
      %dma_wait3A_69 = tpu.memref_slice %arg7[%run_scoped3A_34, %dma_wait3A_67, %dma_wait3A_68] : memref<2x16x128xi32, #tpu.memory_space<vmem>> -> memref<1x16x128xi32, #tpu.memory_space<vmem>>
      %dma_wait3A_70 = tpu.memref_squeeze %dma_wait3A_69 : memref<1x16x128xi32, #tpu.memory_space<vmem>> -> memref<16x128xi32, #tpu.memory_space<vmem>>
      %dma_wait3A_71 = arith.constant 0 : i32
      %dma_wait3A_72 = tpu.memref_slice %arg3[%add3A, %multiple_of3A_33, %dma_wait3A_71] : memref<32x80x128xi32, #tpu.memory_space<hbm>> -> memref<1x16x128xi32, #tpu.memory_space<hbm>>
      %dma_wait3A_73 = tpu.memref_squeeze %dma_wait3A_72 : memref<1x16x128xi32, #tpu.memory_space<hbm>> -> memref<16x128xi32, #tpu.memory_space<hbm>>
      tpu.wait_dma2 semaphore(%run_scoped3A_46 : memref<!tpu.dma_semaphore, #tpu.memory_space<semaphore_mem>>) src(%dma_wait3A_73 : memref<16x128xi32, #tpu.memory_space<hbm>>) dst(%dma_wait3A_70 : memref<16x128xi32, #tpu.memory_space<vmem>>)
      tpu.yield
    }) : () -> ()
    %run_scoped3A_35 = arith.constant 1 : i32
    "tpu.region"() ({
      %run_scoped3A_46 = tpu.sem_alloc : memref<!tpu.dma_semaphore, #tpu.memory_space<semaphore_mem>>
      %dma_start3A_47 = arith.constant 0 : i32
      %dma_start3A_48 = arith.constant 0 : i32
      %dma_start3A_49 = tpu.memref_slice %arg8[%run_scoped3A_35, %dma_start3A_47, %dma_start3A_48] : memref<2x16x128xi32, #tpu.memory_space<vmem>> -> memref<1x16x128xi32, #tpu.memory_space<vmem>>
      %dma_start3A_50 = tpu.memref_squeeze %dma_start3A_49 : memref<1x16x128xi32, #tpu.memory_space<vmem>> -> memref<16x128xi32, #tpu.memory_space<vmem>>
      %dma_start3A_51 = arith.constant 0 : i32
      %dma_start3A_52 = tpu.memref_slice %arg4[%add3A, %multiple_of3A_33, %dma_start3A_51] : memref<32x80x128xi32, #tpu.memory_space<hbm>> -> memref<1x16x128xi32, #tpu.memory_space<hbm>>
      %dma_start3A_53 = tpu.memref_squeeze %dma_start3A_52 : memref<1x16x128xi32, #tpu.memory_space<hbm>> -> memref<16x128xi32, #tpu.memory_space<hbm>>
      %dma_start3A_54 = arith.constant 0 : i32
      %dma_start3A_55 = arith.constant 0 : i32
      %dma_start3A_56 = tpu.memref_slice %arg8[%run_scoped3A_35, %dma_start3A_54, %dma_start3A_55] : memref<2x16x128xi32, #tpu.memory_space<vmem>> -> memref<1x16x128xi32, #tpu.memory_space<vmem>>
      %dma_start3A_57 = tpu.memref_squeeze %dma_start3A_56 : memref<1x16x128xi32, #tpu.memory_space<vmem>> -> memref<16x128xi32, #tpu.memory_space<vmem>>
      %dma_start3A_58 = arith.constant 0 : i32
      %dma_start3A_59 = tpu.memref_slice %arg4[%add3A, %multiple_of3A_33, %dma_start3A_58] : memref<32x80x128xi32, #tpu.memory_space<hbm>> -> memref<1x16x128xi32, #tpu.memory_space<hbm>>
      %dma_start3A_60 = tpu.memref_squeeze %dma_start3A_59 : memref<1x16x128xi32, #tpu.memory_space<hbm>> -> memref<16x128xi32, #tpu.memory_space<hbm>>
      tpu.enqueue_dma source(%dma_start3A_60 : memref<16x128xi32, #tpu.memory_space<hbm>>) target(%dma_start3A_57 : memref<16x128xi32, #tpu.memory_space<vmem>>) target_semaphore(%run_scoped3A_46 : memref<!tpu.dma_semaphore, #tpu.memory_space<semaphore_mem>>)
      %dma_wait3A = arith.constant 0 : i32
      %dma_wait3A_61 = arith.constant 0 : i32
      %dma_wait3A_62 = tpu.memref_slice %arg8[%run_scoped3A_35, %dma_wait3A, %dma_wait3A_61] : memref<2x16x128xi32, #tpu.memory_space<vmem>> -> memref<1x16x128xi32, #tpu.memory_space<vmem>>
      %dma_wait3A_63 = tpu.memref_squeeze %dma_wait3A_62 : memref<1x16x128xi32, #tpu.memory_space<vmem>> -> memref<16x128xi32, #tpu.memory_space<vmem>>
      %dma_wait3A_64 = arith.constant 0 : i32
      %dma_wait3A_65 = tpu.memref_slice %arg4[%add3A, %multiple_of3A_33, %dma_wait3A_64] : memref<32x80x128xi32, #tpu.memory_space<hbm>> -> memref<1x16x128xi32, #tpu.memory_space<hbm>>
      %dma_wait3A_66 = tpu.memref_squeeze %dma_wait3A_65 : memref<1x16x128xi32, #tpu.memory_space<hbm>> -> memref<16x128xi32, #tpu.memory_space<hbm>>
      %dma_wait3A_67 = arith.constant 0 : i32
      %dma_wait3A_68 = arith.constant 0 : i32
      %dma_wait3A_69 = tpu.memref_slice %arg8[%run_scoped3A_35, %dma_wait3A_67, %dma_wait3A_68] : memref<2x16x128xi32, #tpu.memory_space<vmem>> -> memref<1x16x128xi32, #tpu.memory_space<vmem>>
      %dma_wait3A_70 = tpu.memref_squeeze %dma_wait3A_69 : memref<1x16x128xi32, #tpu.memory_space<vmem>> -> memref<16x128xi32, #tpu.memory_space<vmem>>
      %dma_wait3A_71 = arith.constant 0 : i32
      %dma_wait3A_72 = tpu.memref_slice %arg4[%add3A, %multiple_of3A_33, %dma_wait3A_71] : memref<32x80x128xi32, #tpu.memory_space<hbm>> -> memref<1x16x128xi32, #tpu.memory_space<hbm>>
      %dma_wait3A_73 = tpu.memref_squeeze %dma_wait3A_72 : memref<1x16x128xi32, #tpu.memory_space<hbm>> -> memref<16x128xi32, #tpu.memory_space<hbm>>
      tpu.wait_dma2 semaphore(%run_scoped3A_46 : memref<!tpu.dma_semaphore, #tpu.memory_space<semaphore_mem>>) src(%dma_wait3A_73 : memref<16x128xi32, #tpu.memory_space<hbm>>) dst(%dma_wait3A_70 : memref<16x128xi32, #tpu.memory_space<vmem>>)
      tpu.yield
    }) : () -> ()
    %scan3A = arith.constant 0 : i32
    %scan3A_36 = arith.constant 0 : i32
    %scan3A_37 = arith.constant 40 : i32
    %scan3A_38 = arith.addi %scan3A_36, %scan3A_37 : i32
    %scan3A_39 = arith.constant 1 : i32
    scf.for %scan3A_46 = %scan3A_36 to %scan3A_38 step %scan3A_39  : i32 {
      %mul3A_47 = arith.constant 2 : i32
      %mul3A_48 = arith.muli %mul3A_47, %scan3A_46 : i32
      %add3A_49 = arith.constant 0 : i32
      %add3A_50 = arith.addi %mul3A_48, %add3A_49 : i32
      %jit3A = arith.constant 16 : i32
      %div3A = arith.divsi %add3A_50, %jit3A : i32
      %sign3A = arith.constant 0 : i32
      %sign3A_51 = arith.cmpi sgt, %add3A_50, %sign3A : i32
      %sign3A_52 = arith.extui %sign3A_51 : i1 to i32
      %sign3A_53 = arith.constant 0 : i32
      %sign3A_54 = arith.cmpi slt, %add3A_50, %sign3A_53 : i32
      %sign3A_55 = arith.extui %sign3A_54 : i1 to i32
      %sign3A_56 = arith.subi %sign3A_52, %sign3A_55 : i32
      %sign3A_57 = arith.constant 0 : i32
      %sign3A_58 = arith.cmpi sgt, %jit3A, %sign3A_57 : i32
      %sign3A_59 = arith.extui %sign3A_58 : i1 to i32
      %sign3A_60 = arith.constant 0 : i32
      %sign3A_61 = arith.cmpi slt, %jit3A, %sign3A_60 : i32
      %sign3A_62 = arith.extui %sign3A_61 : i1 to i32
      %sign3A_63 = arith.subi %sign3A_59, %sign3A_62 : i32
      %ne3A = arith.cmpi ne, %sign3A_56, %sign3A_63 : i32
      %rem3A = arith.remsi %add3A_50, %jit3A : i32
      %ne3A_64 = arith.constant 0 : i32
      %ne3A_65 = arith.cmpi ne, %rem3A, %ne3A_64 : i32
      %and3A = arith.andi %ne3A, %ne3A_65 : i1
      %sub3A = arith.constant 1 : i32
      %sub3A_66 = arith.subi %div3A, %sub3A : i32
      %select_n3A = arith.select %and3A, %sub3A_66, %div3A : i32
      %jit3A_67 = arith.constant 2 : i32
      %eq3A = arith.constant 0 : i32
      %eq3A_68 = arith.cmpi eq, %jit3A_67, %eq3A : i32
      %jit3A_69 = arith.constant 1 : i32
      %select_n3A_70 = arith.select %eq3A_68, %jit3A_69, %jit3A_67 : i32
      %rem3A_71 = arith.remsi %select_n3A, %select_n3A_70 : i32
      %ne3A_72 = arith.constant 0 : i32
      %ne3A_73 = arith.cmpi ne, %rem3A_71, %ne3A_72 : i32
      %lt3A = arith.constant 0 : i32
      %lt3A_74 = arith.cmpi slt, %rem3A_71, %lt3A : i32
      %lt3A_75 = arith.constant 0 : i32
      %lt3A_76 = arith.cmpi slt, %select_n3A_70, %lt3A_75 : i32
      %ne3A_77 = arith.xori %lt3A_74, %lt3A_76 : i1
      %and3A_78 = arith.andi %ne3A_77, %ne3A_73 : i1
      %add3A_79 = arith.addi %rem3A_71, %select_n3A_70 : i32
      %select_n3A_80 = arith.select %and3A_78, %add3A_79, %rem3A_71 : i32
      %jit3A_81 = arith.constant 16 : i32
      %eq3A_82 = arith.constant 0 : i32
      %eq3A_83 = arith.cmpi eq, %jit3A_81, %eq3A_82 : i32
      %jit3A_84 = arith.constant 1 : i32
      %select_n3A_85 = arith.select %eq3A_83, %jit3A_84, %jit3A_81 : i32
      %rem3A_86 = arith.remsi %add3A_50, %select_n3A_85 : i32
      %ne3A_87 = arith.constant 0 : i32
      %ne3A_88 = arith.cmpi ne, %rem3A_86, %ne3A_87 : i32
      %lt3A_89 = arith.constant 0 : i32
      %lt3A_90 = arith.cmpi slt, %rem3A_86, %lt3A_89 : i32
      %lt3A_91 = arith.constant 0 : i32
      %lt3A_92 = arith.cmpi slt, %select_n3A_85, %lt3A_91 : i32
      %ne3A_93 = arith.xori %lt3A_90, %lt3A_92 : i1
      %and3A_94 = arith.andi %ne3A_93, %ne3A_88 : i1
      %add3A_95 = arith.addi %rem3A_86, %select_n3A_85 : i32
      %select_n3A_96 = arith.select %and3A_94, %add3A_95, %rem3A_86 : i32
      %dma_wait3A = arith.constant 0 : i32
      %dma_wait3A_97 = arith.constant 0 : i32
      %dma_wait3A_98 = arith.constant 0 : i32
      %dma_wait3A_99 = tpu.memref_slice %arg9[%dma_wait3A, %dma_wait3A_97, %dma_wait3A_98] : memref<2x128x128xf32, #tpu.memory_space<vmem>> -> memref<1x128x128xf32, #tpu.memory_space<vmem>>
      %dma_wait3A_100 = tpu.memref_squeeze %dma_wait3A_99 : memref<1x128x128xf32, #tpu.memory_space<vmem>> -> memref<128x128xf32, #tpu.memory_space<vmem>>
      %dma_wait3A_101 = arith.constant 0 : i32
      %dma_wait3A_102 = tpu.memref_slice %arg7[%select_n3A_80, %select_n3A_96, %dma_wait3A_101] : memref<2x16x128xi32, #tpu.memory_space<vmem>> -> memref<1x1x128xi32, #tpu.memory_space<vmem>>
      %dma_wait3A_103 = tpu.memref_squeeze %dma_wait3A_102 : memref<1x1x128xi32, #tpu.memory_space<vmem>> -> memref<128xi32, #tpu.memory_space<vmem>>
      %dma_wait3A_104 = arith.constant 0 : i32
      %dma_wait3A_105 = arith.constant 0 : i32
      %dma_wait3A_106 = tpu.memref_slice %arg2[%dma_wait3A_104, %dma_wait3A_105] : memref<10000x128xf32, #tpu.memory_space<hbm>> -> memref<10000x128xf32, #tpu.memory_space<hbm>>
      tpu.wait_indirect_dma semaphore(%arg11 : memref<!tpu.dma_semaphore, #tpu.memory_space<semaphore_mem>>) src(%dma_wait3A_106 : memref<10000x128xf32, #tpu.memory_space<hbm>>) dst(%dma_wait3A_100 : memref<128x128xf32, #tpu.memory_space<vmem>>)
      %jit3A_107 = arith.constant 2 : i32
      %eq3A_108 = arith.constant 0 : i32
      %eq3A_109 = arith.cmpi eq, %jit3A_107, %eq3A_108 : i32
      %jit3A_110 = arith.constant 1 : i32
      %select_n3A_111 = arith.select %eq3A_109, %jit3A_110, %jit3A_107 : i32
      %rem3A_112 = arith.remsi %select_n3A, %select_n3A_111 : i32
      %ne3A_113 = arith.constant 0 : i32
      %ne3A_114 = arith.cmpi ne, %rem3A_112, %ne3A_113 : i32
      %lt3A_115 = arith.constant 0 : i32
      %lt3A_116 = arith.cmpi slt, %rem3A_112, %lt3A_115 : i32
      %lt3A_117 = arith.constant 0 : i32
      %lt3A_118 = arith.cmpi slt, %select_n3A_111, %lt3A_117 : i32
      %ne3A_119 = arith.xori %lt3A_116, %lt3A_118 : i1
      %and3A_120 = arith.andi %ne3A_119, %ne3A_114 : i1
      %add3A_121 = arith.addi %rem3A_112, %select_n3A_111 : i32
      %select_n3A_122 = arith.select %and3A_120, %add3A_121, %rem3A_112 : i32
      %jit3A_123 = arith.constant 16 : i32
      %eq3A_124 = arith.constant 0 : i32
      %eq3A_125 = arith.cmpi eq, %jit3A_123, %eq3A_124 : i32
      %jit3A_126 = arith.constant 1 : i32
      %select_n3A_127 = arith.select %eq3A_125, %jit3A_126, %jit3A_123 : i32
      %rem3A_128 = arith.remsi %add3A_50, %select_n3A_127 : i32
      %ne3A_129 = arith.constant 0 : i32
      %ne3A_130 = arith.cmpi ne, %rem3A_128, %ne3A_129 : i32
      %lt3A_131 = arith.constant 0 : i32
      %lt3A_132 = arith.cmpi slt, %rem3A_128, %lt3A_131 : i32
      %lt3A_133 = arith.constant 0 : i32
      %lt3A_134 = arith.cmpi slt, %select_n3A_127, %lt3A_133 : i32
      %ne3A_135 = arith.xori %lt3A_132, %lt3A_134 : i1
      %and3A_136 = arith.andi %ne3A_135, %ne3A_130 : i1
      %add3A_137 = arith.addi %rem3A_128, %select_n3A_127 : i32
      %select_n3A_138 = arith.select %and3A_136, %add3A_137, %rem3A_128 : i32
      %run_scoped3A_139 = arith.constant 0 : i32
      "tpu.region"() ({
        %run_scoped3A_313 = tpu.sem_alloc : memref<!tpu.dma_semaphore, #tpu.memory_space<semaphore_mem>>
        %dma_start3A_314 = arith.constant 0 : i32
        %dma_start3A_315 = arith.constant 0 : i32
        %dma_start3A_316 = tpu.memref_slice %arg9[%run_scoped3A_139, %dma_start3A_314, %dma_start3A_315] : memref<2x128x128xf32, #tpu.memory_space<vmem>> -> memref<1x128x128xf32, #tpu.memory_space<vmem>>
        %dma_start3A_317 = tpu.memref_squeeze %dma_start3A_316 : memref<1x128x128xf32, #tpu.memory_space<vmem>> -> memref<128x128xf32, #tpu.memory_space<vmem>>
        %dma_start3A_318 = arith.constant 0 : i32
        %dma_start3A_319 = tpu.memref_slice %arg8[%select_n3A_122, %select_n3A_138, %dma_start3A_318] : memref<2x16x128xi32, #tpu.memory_space<vmem>> -> memref<1x1x128xi32, #tpu.memory_space<vmem>>
        %dma_start3A_320 = tpu.memref_squeeze %dma_start3A_319 : memref<1x1x128xi32, #tpu.memory_space<vmem>> -> memref<128xi32, #tpu.memory_space<vmem>>
        %dma_start3A_321 = arith.constant 0 : i32
        %dma_start3A_322 = arith.constant 0 : i32
        %dma_start3A_323 = tpu.memref_slice %arg10[%dma_start3A_321, %dma_start3A_322] : memref<10112x128xf32, #tpu.memory_space<vmem_shared>> -> memref<10112x128xf32, #tpu.memory_space<vmem_shared>>
        tpu.enqueue_indirect_dma source(%dma_start3A_317 : memref<128x128xf32, #tpu.memory_space<vmem>>) target(%dma_start3A_323 : memref<10112x128xf32, #tpu.memory_space<vmem_shared>>) offsets(%dma_start3A_320 : memref<128xi32, #tpu.memory_space<vmem>>) semaphore(%run_scoped3A_313 : memref<!tpu.dma_semaphore, #tpu.memory_space<semaphore_mem>>) {add = true}
        %dma_wait3A_324 = arith.constant 0 : i32
        %dma_wait3A_325 = arith.constant 0 : i32
        %dma_wait3A_326 = tpu.memref_slice %arg9[%run_scoped3A_139, %dma_wait3A_324, %dma_wait3A_325] : memref<2x128x128xf32, #tpu.memory_space<vmem>> -> memref<1x128x128xf32, #tpu.memory_space<vmem>>
        %dma_wait3A_327 = tpu.memref_squeeze %dma_wait3A_326 : memref<1x128x128xf32, #tpu.memory_space<vmem>> -> memref<128x128xf32, #tpu.memory_space<vmem>>
        %dma_wait3A_328 = arith.constant 0 : i32
        %dma_wait3A_329 = tpu.memref_slice %arg8[%select_n3A_122, %select_n3A_138, %dma_wait3A_328] : memref<2x16x128xi32, #tpu.memory_space<vmem>> -> memref<1x1x128xi32, #tpu.memory_space<vmem>>
        %dma_wait3A_330 = tpu.memref_squeeze %dma_wait3A_329 : memref<1x1x128xi32, #tpu.memory_space<vmem>> -> memref<128xi32, #tpu.memory_space<vmem>>
        %dma_wait3A_331 = arith.constant 0 : i32
        %dma_wait3A_332 = arith.constant 0 : i32
        %dma_wait3A_333 = tpu.memref_slice %arg10[%dma_wait3A_331, %dma_wait3A_332] : memref<10112x128xf32, #tpu.memory_space<vmem_shared>> -> memref<10112x128xf32, #tpu.memory_space<vmem_shared>>
        tpu.wait_indirect_dma semaphore(%run_scoped3A_313 : memref<!tpu.dma_semaphore, #tpu.memory_space<semaphore_mem>>) src(%dma_wait3A_327 : memref<128x128xf32, #tpu.memory_space<vmem>>) dst(%dma_wait3A_333 : memref<10112x128xf32, #tpu.memory_space<vmem_shared>>)
        tpu.yield
      }) : () -> ()
      %add3A_140 = arith.constant 2 : i32
      %add3A_141 = arith.addi %add3A_50, %add3A_140 : i32
      %lt3A_142 = arith.constant 80 : i32
      %lt3A_143 = arith.cmpi slt, %add3A_141, %lt3A_142 : i32
      %convert_element_type3A = arith.extui %lt3A_143 : i1 to i32
      %cond3A = arith.constant 0 : i32
      %cond3A_144 = arith.cmpi ne, %convert_element_type3A, %cond3A : i32
      scf.if %cond3A_144 {
        %jit3A_313 = arith.constant 16 : i32
        %div3A_314 = arith.divsi %add3A_141, %jit3A_313 : i32
        %sign3A_315 = arith.constant 0 : i32
        %sign3A_316 = arith.cmpi sgt, %add3A_141, %sign3A_315 : i32
        %sign3A_317 = arith.extui %sign3A_316 : i1 to i32
        %sign3A_318 = arith.constant 0 : i32
        %sign3A_319 = arith.cmpi slt, %add3A_141, %sign3A_318 : i32
        %sign3A_320 = arith.extui %sign3A_319 : i1 to i32
        %sign3A_321 = arith.subi %sign3A_317, %sign3A_320 : i32
        %sign3A_322 = arith.constant 0 : i32
        %sign3A_323 = arith.cmpi sgt, %jit3A_313, %sign3A_322 : i32
        %sign3A_324 = arith.extui %sign3A_323 : i1 to i32
        %sign3A_325 = arith.constant 0 : i32
        %sign3A_326 = arith.cmpi slt, %jit3A_313, %sign3A_325 : i32
        %sign3A_327 = arith.extui %sign3A_326 : i1 to i32
        %sign3A_328 = arith.subi %sign3A_324, %sign3A_327 : i32
        %ne3A_329 = arith.cmpi ne, %sign3A_321, %sign3A_328 : i32
        %rem3A_330 = arith.remsi %add3A_141, %jit3A_313 : i32
        %ne3A_331 = arith.constant 0 : i32
        %ne3A_332 = arith.cmpi ne, %rem3A_330, %ne3A_331 : i32
        %and3A_333 = arith.andi %ne3A_329, %ne3A_332 : i1
        %sub3A_334 = arith.constant 1 : i32
        %sub3A_335 = arith.subi %div3A_314, %sub3A_334 : i32
        %select_n3A_336 = arith.select %and3A_333, %sub3A_335, %div3A_314 : i32
        %jit3A_337 = arith.constant 2 : i32
        %eq3A_338 = arith.constant 0 : i32
        %eq3A_339 = arith.cmpi eq, %jit3A_337, %eq3A_338 : i32
        %jit3A_340 = arith.constant 1 : i32
        %select_n3A_341 = arith.select %eq3A_339, %jit3A_340, %jit3A_337 : i32
        %rem3A_342 = arith.remsi %select_n3A_336, %select_n3A_341 : i32
        %ne3A_343 = arith.constant 0 : i32
        %ne3A_344 = arith.cmpi ne, %rem3A_342, %ne3A_343 : i32
        %lt3A_345 = arith.constant 0 : i32
        %lt3A_346 = arith.cmpi slt, %rem3A_342, %lt3A_345 : i32
        %lt3A_347 = arith.constant 0 : i32
        %lt3A_348 = arith.cmpi slt, %select_n3A_341, %lt3A_347 : i32
        %ne3A_349 = arith.xori %lt3A_346, %lt3A_348 : i1
        %and3A_350 = arith.andi %ne3A_349, %ne3A_344 : i1
        %add3A_351 = arith.addi %rem3A_342, %select_n3A_341 : i32
        %select_n3A_352 = arith.select %and3A_350, %add3A_351, %rem3A_342 : i32
        %jit3A_353 = arith.constant 16 : i32
        %eq3A_354 = arith.constant 0 : i32
        %eq3A_355 = arith.cmpi eq, %jit3A_353, %eq3A_354 : i32
        %jit3A_356 = arith.constant 1 : i32
        %select_n3A_357 = arith.select %eq3A_355, %jit3A_356, %jit3A_353 : i32
        %rem3A_358 = arith.remsi %add3A_141, %select_n3A_357 : i32
        %ne3A_359 = arith.constant 0 : i32
        %ne3A_360 = arith.cmpi ne, %rem3A_358, %ne3A_359 : i32
        %lt3A_361 = arith.constant 0 : i32
        %lt3A_362 = arith.cmpi slt, %rem3A_358, %lt3A_361 : i32
        %lt3A_363 = arith.constant 0 : i32
        %lt3A_364 = arith.cmpi slt, %select_n3A_357, %lt3A_363 : i32
        %ne3A_365 = arith.xori %lt3A_362, %lt3A_364 : i1
        %and3A_366 = arith.andi %ne3A_365, %ne3A_360 : i1
        %add3A_367 = arith.addi %rem3A_358, %select_n3A_357 : i32
        %select_n3A_368 = arith.select %and3A_366, %add3A_367, %rem3A_358 : i32
        %dma_start3A_369 = arith.constant 0 : i32
        %dma_start3A_370 = arith.constant 0 : i32
        %dma_start3A_371 = arith.constant 0 : i32
        %dma_start3A_372 = tpu.memref_slice %arg9[%dma_start3A_369, %dma_start3A_370, %dma_start3A_371] : memref<2x128x128xf32, #tpu.memory_space<vmem>> -> memref<1x128x128xf32, #tpu.memory_space<vmem>>
        %dma_start3A_373 = tpu.memref_squeeze %dma_start3A_372 : memref<1x128x128xf32, #tpu.memory_space<vmem>> -> memref<128x128xf32, #tpu.memory_space<vmem>>
        %dma_start3A_374 = arith.constant 0 : i32
        %dma_start3A_375 = tpu.memref_slice %arg7[%select_n3A_352, %select_n3A_368, %dma_start3A_374] : memref<2x16x128xi32, #tpu.memory_space<vmem>> -> memref<1x1x128xi32, #tpu.memory_space<vmem>>
        %dma_start3A_376 = tpu.memref_squeeze %dma_start3A_375 : memref<1x1x128xi32, #tpu.memory_space<vmem>> -> memref<128xi32, #tpu.memory_space<vmem>>
        %dma_start3A_377 = arith.constant 0 : i32
        %dma_start3A_378 = arith.constant 0 : i32
        %dma_start3A_379 = tpu.memref_slice %arg2[%dma_start3A_377, %dma_start3A_378] : memref<10000x128xf32, #tpu.memory_space<hbm>> -> memref<10000x128xf32, #tpu.memory_space<hbm>>
        tpu.enqueue_indirect_dma source(%dma_start3A_379 : memref<10000x128xf32, #tpu.memory_space<hbm>>) target(%dma_start3A_373 : memref<128x128xf32, #tpu.memory_space<vmem>>) offsets(%dma_start3A_376 : memref<128xi32, #tpu.memory_space<vmem>>) semaphore(%arg11 : memref<!tpu.dma_semaphore, #tpu.memory_space<semaphore_mem>>)
      } else {
      }
      %jit3A_145 = arith.constant 16 : i32
      %eq3A_146 = arith.constant 0 : i32
      %eq3A_147 = arith.cmpi eq, %jit3A_145, %eq3A_146 : i32
      %jit3A_148 = arith.constant 1 : i32
      %select_n3A_149 = arith.select %eq3A_147, %jit3A_148, %jit3A_145 : i32
      %rem3A_150 = arith.remsi %add3A_50, %select_n3A_149 : i32
      %ne3A_151 = arith.constant 0 : i32
      %ne3A_152 = arith.cmpi ne, %rem3A_150, %ne3A_151 : i32
      %lt3A_153 = arith.constant 0 : i32
      %lt3A_154 = arith.cmpi slt, %rem3A_150, %lt3A_153 : i32
      %lt3A_155 = arith.constant 0 : i32
      %lt3A_156 = arith.cmpi slt, %select_n3A_149, %lt3A_155 : i32
      %ne3A_157 = arith.xori %lt3A_154, %lt3A_156 : i1
      %and3A_158 = arith.andi %ne3A_157, %ne3A_152 : i1
      %add3A_159 = arith.addi %rem3A_150, %select_n3A_149 : i32
      %select_n3A_160 = arith.select %and3A_158, %add3A_159, %rem3A_150 : i32
      %eq3A_161 = arith.constant 2 : i32
      %eq3A_162 = arith.cmpi eq, %select_n3A_160, %eq3A_161 : i32
      %ge3A = arith.constant 1 : i32
      %ge3A_163 = arith.cmpi sge, %select_n3A, %ge3A : i32
      %and3A_164 = arith.andi %eq3A_162, %ge3A_163 : i1
      %add3A_165 = arith.constant 1 : i32
      %add3A_166 = arith.addi %select_n3A, %add3A_165 : i32
      %lt3A_167 = arith.constant 5 : i32
      %lt3A_168 = arith.cmpi slt, %add3A_166, %lt3A_167 : i32
      %and3A_169 = arith.andi %and3A_164, %lt3A_168 : i1
      %convert_element_type3A_170 = arith.extui %and3A_169 : i1 to i32
      %cond3A_171 = arith.constant 0 : i32
      %cond3A_172 = arith.cmpi ne, %convert_element_type3A_170, %cond3A_171 : i32
      scf.if %cond3A_172 {
        %add3A_313 = arith.constant 1 : i32
        %add3A_314 = arith.addi %select_n3A, %add3A_313 : i32
        %mul3A_315 = arith.constant 16 : i32
        %mul3A_316 = arith.muli %add3A_314, %mul3A_315 : i32
        %multiple_of3A_317 = tpu.assume_multiple %mul3A_316, 8 : i32
        %jit3A_318 = arith.constant 2 : i32
        %eq3A_319 = arith.constant 0 : i32
        %eq3A_320 = arith.cmpi eq, %jit3A_318, %eq3A_319 : i32
        %jit3A_321 = arith.constant 1 : i32
        %select_n3A_322 = arith.select %eq3A_320, %jit3A_321, %jit3A_318 : i32
        %rem3A_323 = arith.remsi %add3A_314, %select_n3A_322 : i32
        %ne3A_324 = arith.constant 0 : i32
        %ne3A_325 = arith.cmpi ne, %rem3A_323, %ne3A_324 : i32
        %lt3A_326 = arith.constant 0 : i32
        %lt3A_327 = arith.cmpi slt, %rem3A_323, %lt3A_326 : i32
        %lt3A_328 = arith.constant 0 : i32
        %lt3A_329 = arith.cmpi slt, %select_n3A_322, %lt3A_328 : i32
        %ne3A_330 = arith.xori %lt3A_327, %lt3A_329 : i1
        %and3A_331 = arith.andi %ne3A_330, %ne3A_325 : i1
        %add3A_332 = arith.addi %rem3A_323, %select_n3A_322 : i32
        %select_n3A_333 = arith.select %and3A_331, %add3A_332, %rem3A_323 : i32
        "tpu.region"() ({
          %run_scoped3A_350 = tpu.sem_alloc : memref<!tpu.dma_semaphore, #tpu.memory_space<semaphore_mem>>
          %dma_start3A_351 = arith.constant 0 : i32
          %dma_start3A_352 = arith.constant 0 : i32
          %dma_start3A_353 = tpu.memref_slice %arg7[%select_n3A_333, %dma_start3A_351, %dma_start3A_352] : memref<2x16x128xi32, #tpu.memory_space<vmem>> -> memref<1x16x128xi32, #tpu.memory_space<vmem>>
          %dma_start3A_354 = tpu.memref_squeeze %dma_start3A_353 : memref<1x16x128xi32, #tpu.memory_space<vmem>> -> memref<16x128xi32, #tpu.memory_space<vmem>>
          %dma_start3A_355 = arith.constant 0 : i32
          %dma_start3A_356 = tpu.memref_slice %arg3[%add3A, %multiple_of3A_317, %dma_start3A_355] : memref<32x80x128xi32, #tpu.memory_space<hbm>> -> memref<1x16x128xi32, #tpu.memory_space<hbm>>
          %dma_start3A_357 = tpu.memref_squeeze %dma_start3A_356 : memref<1x16x128xi32, #tpu.memory_space<hbm>> -> memref<16x128xi32, #tpu.memory_space<hbm>>
          %dma_start3A_358 = arith.constant 0 : i32
          %dma_start3A_359 = arith.constant 0 : i32
          %dma_start3A_360 = tpu.memref_slice %arg7[%select_n3A_333, %dma_start3A_358, %dma_start3A_359] : memref<2x16x128xi32, #tpu.memory_space<vmem>> -> memref<1x16x128xi32, #tpu.memory_space<vmem>>
          %dma_start3A_361 = tpu.memref_squeeze %dma_start3A_360 : memref<1x16x128xi32, #tpu.memory_space<vmem>> -> memref<16x128xi32, #tpu.memory_space<vmem>>
          %dma_start3A_362 = arith.constant 0 : i32
          %dma_start3A_363 = tpu.memref_slice %arg3[%add3A, %multiple_of3A_317, %dma_start3A_362] : memref<32x80x128xi32, #tpu.memory_space<hbm>> -> memref<1x16x128xi32, #tpu.memory_space<hbm>>
          %dma_start3A_364 = tpu.memref_squeeze %dma_start3A_363 : memref<1x16x128xi32, #tpu.memory_space<hbm>> -> memref<16x128xi32, #tpu.memory_space<hbm>>
          tpu.enqueue_dma source(%dma_start3A_364 : memref<16x128xi32, #tpu.memory_space<hbm>>) target(%dma_start3A_361 : memref<16x128xi32, #tpu.memory_space<vmem>>) target_semaphore(%run_scoped3A_350 : memref<!tpu.dma_semaphore, #tpu.memory_space<semaphore_mem>>)
          %dma_wait3A_365 = arith.constant 0 : i32
          %dma_wait3A_366 = arith.constant 0 : i32
          %dma_wait3A_367 = tpu.memref_slice %arg7[%select_n3A_333, %dma_wait3A_365, %dma_wait3A_366] : memref<2x16x128xi32, #tpu.memory_space<vmem>> -> memref<1x16x128xi32, #tpu.memory_space<vmem>>
          %dma_wait3A_368 = tpu.memref_squeeze %dma_wait3A_367 : memref<1x16x128xi32, #tpu.memory_space<vmem>> -> memref<16x128xi32, #tpu.memory_space<vmem>>
          %dma_wait3A_369 = arith.constant 0 : i32
          %dma_wait3A_370 = tpu.memref_slice %arg3[%add3A, %multiple_of3A_317, %dma_wait3A_369] : memref<32x80x128xi32, #tpu.memory_space<hbm>> -> memref<1x16x128xi32, #tpu.memory_space<hbm>>
          %dma_wait3A_371 = tpu.memref_squeeze %dma_wait3A_370 : memref<1x16x128xi32, #tpu.memory_space<hbm>> -> memref<16x128xi32, #tpu.memory_space<hbm>>
          %dma_wait3A_372 = arith.constant 0 : i32
          %dma_wait3A_373 = arith.constant 0 : i32
          %dma_wait3A_374 = tpu.memref_slice %arg7[%select_n3A_333, %dma_wait3A_372, %dma_wait3A_373] : memref<2x16x128xi32, #tpu.memory_space<vmem>> -> memref<1x16x128xi32, #tpu.memory_space<vmem>>
          %dma_wait3A_375 = tpu.memref_squeeze %dma_wait3A_374 : memref<1x16x128xi32, #tpu.memory_space<vmem>> -> memref<16x128xi32, #tpu.memory_space<vmem>>
          %dma_wait3A_376 = arith.constant 0 : i32
          %dma_wait3A_377 = tpu.memref_slice %arg3[%add3A, %multiple_of3A_317, %dma_wait3A_376] : memref<32x80x128xi32, #tpu.memory_space<hbm>> -> memref<1x16x128xi32, #tpu.memory_space<hbm>>
          %dma_wait3A_378 = tpu.memref_squeeze %dma_wait3A_377 : memref<1x16x128xi32, #tpu.memory_space<hbm>> -> memref<16x128xi32, #tpu.memory_space<hbm>>
          tpu.wait_dma2 semaphore(%run_scoped3A_350 : memref<!tpu.dma_semaphore, #tpu.memory_space<semaphore_mem>>) src(%dma_wait3A_378 : memref<16x128xi32, #tpu.memory_space<hbm>>) dst(%dma_wait3A_375 : memref<16x128xi32, #tpu.memory_space<vmem>>)
          tpu.yield
        }) : () -> ()
        %jit3A_334 = arith.constant 2 : i32
        %eq3A_335 = arith.constant 0 : i32
        %eq3A_336 = arith.cmpi eq, %jit3A_334, %eq3A_335 : i32
        %jit3A_337 = arith.constant 1 : i32
        %select_n3A_338 = arith.select %eq3A_336, %jit3A_337, %jit3A_334 : i32
        %rem3A_339 = arith.remsi %add3A_314, %select_n3A_338 : i32
        %ne3A_340 = arith.constant 0 : i32
        %ne3A_341 = arith.cmpi ne, %rem3A_339, %ne3A_340 : i32
        %lt3A_342 = arith.constant 0 : i32
        %lt3A_343 = arith.cmpi slt, %rem3A_339, %lt3A_342 : i32
        %lt3A_344 = arith.constant 0 : i32
        %lt3A_345 = arith.cmpi slt, %select_n3A_338, %lt3A_344 : i32
        %ne3A_346 = arith.xori %lt3A_343, %lt3A_345 : i1
        %and3A_347 = arith.andi %ne3A_346, %ne3A_341 : i1
        %add3A_348 = arith.addi %rem3A_339, %select_n3A_338 : i32
        %select_n3A_349 = arith.select %and3A_347, %add3A_348, %rem3A_339 : i32
        "tpu.region"() ({
          %run_scoped3A_350 = tpu.sem_alloc : memref<!tpu.dma_semaphore, #tpu.memory_space<semaphore_mem>>
          %dma_start3A_351 = arith.constant 0 : i32
          %dma_start3A_352 = arith.constant 0 : i32
          %dma_start3A_353 = tpu.memref_slice %arg8[%select_n3A_349, %dma_start3A_351, %dma_start3A_352] : memref<2x16x128xi32, #tpu.memory_space<vmem>> -> memref<1x16x128xi32, #tpu.memory_space<vmem>>
          %dma_start3A_354 = tpu.memref_squeeze %dma_start3A_353 : memref<1x16x128xi32, #tpu.memory_space<vmem>> -> memref<16x128xi32, #tpu.memory_space<vmem>>
          %dma_start3A_355 = arith.constant 0 : i32
          %dma_start3A_356 = tpu.memref_slice %arg4[%add3A, %multiple_of3A_317, %dma_start3A_355] : memref<32x80x128xi32, #tpu.memory_space<hbm>> -> memref<1x16x128xi32, #tpu.memory_space<hbm>>
          %dma_start3A_357 = tpu.memref_squeeze %dma_start3A_356 : memref<1x16x128xi32, #tpu.memory_space<hbm>> -> memref<16x128xi32, #tpu.memory_space<hbm>>
          %dma_start3A_358 = arith.constant 0 : i32
          %dma_start3A_359 = arith.constant 0 : i32
          %dma_start3A_360 = tpu.memref_slice %arg8[%select_n3A_349, %dma_start3A_358, %dma_start3A_359] : memref<2x16x128xi32, #tpu.memory_space<vmem>> -> memref<1x16x128xi32, #tpu.memory_space<vmem>>
          %dma_start3A_361 = tpu.memref_squeeze %dma_start3A_360 : memref<1x16x128xi32, #tpu.memory_space<vmem>> -> memref<16x128xi32, #tpu.memory_space<vmem>>
          %dma_start3A_362 = arith.constant 0 : i32
          %dma_start3A_363 = tpu.memref_slice %arg4[%add3A, %multiple_of3A_317, %dma_start3A_362] : memref<32x80x128xi32, #tpu.memory_space<hbm>> -> memref<1x16x128xi32, #tpu.memory_space<hbm>>
          %dma_start3A_364 = tpu.memref_squeeze %dma_start3A_363 : memref<1x16x128xi32, #tpu.memory_space<hbm>> -> memref<16x128xi32, #tpu.memory_space<hbm>>
          tpu.enqueue_dma source(%dma_start3A_364 : memref<16x128xi32, #tpu.memory_space<hbm>>) target(%dma_start3A_361 : memref<16x128xi32, #tpu.memory_space<vmem>>) target_semaphore(%run_scoped3A_350 : memref<!tpu.dma_semaphore, #tpu.memory_space<semaphore_mem>>)
          %dma_wait3A_365 = arith.constant 0 : i32
          %dma_wait3A_366 = arith.constant 0 : i32
          %dma_wait3A_367 = tpu.memref_slice %arg8[%select_n3A_349, %dma_wait3A_365, %dma_wait3A_366] : memref<2x16x128xi32, #tpu.memory_space<vmem>> -> memref<1x16x128xi32, #tpu.memory_space<vmem>>
          %dma_wait3A_368 = tpu.memref_squeeze %dma_wait3A_367 : memref<1x16x128xi32, #tpu.memory_space<vmem>> -> memref<16x128xi32, #tpu.memory_space<vmem>>
          %dma_wait3A_369 = arith.constant 0 : i32
          %dma_wait3A_370 = tpu.memref_slice %arg4[%add3A, %multiple_of3A_317, %dma_wait3A_369] : memref<32x80x128xi32, #tpu.memory_space<hbm>> -> memref<1x16x128xi32, #tpu.memory_space<hbm>>
          %dma_wait3A_371 = tpu.memref_squeeze %dma_wait3A_370 : memref<1x16x128xi32, #tpu.memory_space<hbm>> -> memref<16x128xi32, #tpu.memory_space<hbm>>
          %dma_wait3A_372 = arith.constant 0 : i32
          %dma_wait3A_373 = arith.constant 0 : i32
          %dma_wait3A_374 = tpu.memref_slice %arg8[%select_n3A_349, %dma_wait3A_372, %dma_wait3A_373] : memref<2x16x128xi32, #tpu.memory_space<vmem>> -> memref<1x16x128xi32, #tpu.memory_space<vmem>>
          %dma_wait3A_375 = tpu.memref_squeeze %dma_wait3A_374 : memref<1x16x128xi32, #tpu.memory_space<vmem>> -> memref<16x128xi32, #tpu.memory_space<vmem>>
          %dma_wait3A_376 = arith.constant 0 : i32
          %dma_wait3A_377 = tpu.memref_slice %arg4[%add3A, %multiple_of3A_317, %dma_wait3A_376] : memref<32x80x128xi32, #tpu.memory_space<hbm>> -> memref<1x16x128xi32, #tpu.memory_space<hbm>>
          %dma_wait3A_378 = tpu.memref_squeeze %dma_wait3A_377 : memref<1x16x128xi32, #tpu.memory_space<hbm>> -> memref<16x128xi32, #tpu.memory_space<hbm>>
          tpu.wait_dma2 semaphore(%run_scoped3A_350 : memref<!tpu.dma_semaphore, #tpu.memory_space<semaphore_mem>>) src(%dma_wait3A_378 : memref<16x128xi32, #tpu.memory_space<hbm>>) dst(%dma_wait3A_375 : memref<16x128xi32, #tpu.memory_space<vmem>>)
          tpu.yield
        }) : () -> ()
      } else {
      }
      %mul3A_173 = arith.constant 2 : i32
      %mul3A_174 = arith.muli %mul3A_173, %scan3A_46 : i32
      %add3A_175 = arith.constant 1 : i32
      %add3A_176 = arith.addi %mul3A_174, %add3A_175 : i32
      %jit3A_177 = arith.constant 16 : i32
      %div3A_178 = arith.divsi %add3A_176, %jit3A_177 : i32
      %sign3A_179 = arith.constant 0 : i32
      %sign3A_180 = arith.cmpi sgt, %add3A_176, %sign3A_179 : i32
      %sign3A_181 = arith.extui %sign3A_180 : i1 to i32
      %sign3A_182 = arith.constant 0 : i32
      %sign3A_183 = arith.cmpi slt, %add3A_176, %sign3A_182 : i32
      %sign3A_184 = arith.extui %sign3A_183 : i1 to i32
      %sign3A_185 = arith.subi %sign3A_181, %sign3A_184 : i32
      %sign3A_186 = arith.constant 0 : i32
      %sign3A_187 = arith.cmpi sgt, %jit3A_177, %sign3A_186 : i32
      %sign3A_188 = arith.extui %sign3A_187 : i1 to i32
      %sign3A_189 = arith.constant 0 : i32
      %sign3A_190 = arith.cmpi slt, %jit3A_177, %sign3A_189 : i32
      %sign3A_191 = arith.extui %sign3A_190 : i1 to i32
      %sign3A_192 = arith.subi %sign3A_188, %sign3A_191 : i32
      %ne3A_193 = arith.cmpi ne, %sign3A_185, %sign3A_192 : i32
      %rem3A_194 = arith.remsi %add3A_176, %jit3A_177 : i32
      %ne3A_195 = arith.constant 0 : i32
      %ne3A_196 = arith.cmpi ne, %rem3A_194, %ne3A_195 : i32
      %and3A_197 = arith.andi %ne3A_193, %ne3A_196 : i1
      %sub3A_198 = arith.constant 1 : i32
      %sub3A_199 = arith.subi %div3A_178, %sub3A_198 : i32
      %select_n3A_200 = arith.select %and3A_197, %sub3A_199, %div3A_178 : i32
      %jit3A_201 = arith.constant 2 : i32
      %eq3A_202 = arith.constant 0 : i32
      %eq3A_203 = arith.cmpi eq, %jit3A_201, %eq3A_202 : i32
      %jit3A_204 = arith.constant 1 : i32
      %select_n3A_205 = arith.select %eq3A_203, %jit3A_204, %jit3A_201 : i32
      %rem3A_206 = arith.remsi %select_n3A_200, %select_n3A_205 : i32
      %ne3A_207 = arith.constant 0 : i32
      %ne3A_208 = arith.cmpi ne, %rem3A_206, %ne3A_207 : i32
      %lt3A_209 = arith.constant 0 : i32
      %lt3A_210 = arith.cmpi slt, %rem3A_206, %lt3A_209 : i32
      %lt3A_211 = arith.constant 0 : i32
      %lt3A_212 = arith.cmpi slt, %select_n3A_205, %lt3A_211 : i32
      %ne3A_213 = arith.xori %lt3A_210, %lt3A_212 : i1
      %and3A_214 = arith.andi %ne3A_213, %ne3A_208 : i1
      %add3A_215 = arith.addi %rem3A_206, %select_n3A_205 : i32
      %select_n3A_216 = arith.select %and3A_214, %add3A_215, %rem3A_206 : i32
      %jit3A_217 = arith.constant 16 : i32
      %eq3A_218 = arith.constant 0 : i32
      %eq3A_219 = arith.cmpi eq, %jit3A_217, %eq3A_218 : i32
      %jit3A_220 = arith.constant 1 : i32
      %select_n3A_221 = arith.select %eq3A_219, %jit3A_220, %jit3A_217 : i32
      %rem3A_222 = arith.remsi %add3A_176, %select_n3A_221 : i32
      %ne3A_223 = arith.constant 0 : i32
      %ne3A_224 = arith.cmpi ne, %rem3A_222, %ne3A_223 : i32
      %lt3A_225 = arith.constant 0 : i32
      %lt3A_226 = arith.cmpi slt, %rem3A_222, %lt3A_225 : i32
      %lt3A_227 = arith.constant 0 : i32
      %lt3A_228 = arith.cmpi slt, %select_n3A_221, %lt3A_227 : i32
      %ne3A_229 = arith.xori %lt3A_226, %lt3A_228 : i1
      %and3A_230 = arith.andi %ne3A_229, %ne3A_224 : i1
      %add3A_231 = arith.addi %rem3A_222, %select_n3A_221 : i32
      %select_n3A_232 = arith.select %and3A_230, %add3A_231, %rem3A_222 : i32
      %dma_wait3A_233 = arith.constant 1 : i32
      %dma_wait3A_234 = arith.constant 0 : i32
      %dma_wait3A_235 = arith.constant 0 : i32
      %dma_wait3A_236 = tpu.memref_slice %arg9[%dma_wait3A_233, %dma_wait3A_234, %dma_wait3A_235] : memref<2x128x128xf32, #tpu.memory_space<vmem>> -> memref<1x128x128xf32, #tpu.memory_space<vmem>>
      %dma_wait3A_237 = tpu.memref_squeeze %dma_wait3A_236 : memref<1x128x128xf32, #tpu.memory_space<vmem>> -> memref<128x128xf32, #tpu.memory_space<vmem>>
      %dma_wait3A_238 = arith.constant 0 : i32
      %dma_wait3A_239 = tpu.memref_slice %arg7[%select_n3A_216, %select_n3A_232, %dma_wait3A_238] : memref<2x16x128xi32, #tpu.memory_space<vmem>> -> memref<1x1x128xi32, #tpu.memory_space<vmem>>
      %dma_wait3A_240 = tpu.memref_squeeze %dma_wait3A_239 : memref<1x1x128xi32, #tpu.memory_space<vmem>> -> memref<128xi32, #tpu.memory_space<vmem>>
      %dma_wait3A_241 = arith.constant 0 : i32
      %dma_wait3A_242 = arith.constant 0 : i32
      %dma_wait3A_243 = tpu.memref_slice %arg2[%dma_wait3A_241, %dma_wait3A_242] : memref<10000x128xf32, #tpu.memory_space<hbm>> -> memref<10000x128xf32, #tpu.memory_space<hbm>>
      tpu.wait_indirect_dma semaphore(%arg12 : memref<!tpu.dma_semaphore, #tpu.memory_space<semaphore_mem>>) src(%dma_wait3A_243 : memref<10000x128xf32, #tpu.memory_space<hbm>>) dst(%dma_wait3A_237 : memref<128x128xf32, #tpu.memory_space<vmem>>)
      %jit3A_244 = arith.constant 2 : i32
      %eq3A_245 = arith.constant 0 : i32
      %eq3A_246 = arith.cmpi eq, %jit3A_244, %eq3A_245 : i32
      %jit3A_247 = arith.constant 1 : i32
      %select_n3A_248 = arith.select %eq3A_246, %jit3A_247, %jit3A_244 : i32
      %rem3A_249 = arith.remsi %select_n3A_200, %select_n3A_248 : i32
      %ne3A_250 = arith.constant 0 : i32
      %ne3A_251 = arith.cmpi ne, %rem3A_249, %ne3A_250 : i32
      %lt3A_252 = arith.constant 0 : i32
      %lt3A_253 = arith.cmpi slt, %rem3A_249, %lt3A_252 : i32
      %lt3A_254 = arith.constant 0 : i32
      %lt3A_255 = arith.cmpi slt, %select_n3A_248, %lt3A_254 : i32
      %ne3A_256 = arith.xori %lt3A_253, %lt3A_255 : i1
      %and3A_257 = arith.andi %ne3A_256, %ne3A_251 : i1
      %add3A_258 = arith.addi %rem3A_249, %select_n3A_248 : i32
      %select_n3A_259 = arith.select %and3A_257, %add3A_258, %rem3A_249 : i32
      %jit3A_260 = arith.constant 16 : i32
      %eq3A_261 = arith.constant 0 : i32
      %eq3A_262 = arith.cmpi eq, %jit3A_260, %eq3A_261 : i32
      %jit3A_263 = arith.constant 1 : i32
      %select_n3A_264 = arith.select %eq3A_262, %jit3A_263, %jit3A_260 : i32
      %rem3A_265 = arith.remsi %add3A_176, %select_n3A_264 : i32
      %ne3A_266 = arith.constant 0 : i32
      %ne3A_267 = arith.cmpi ne, %rem3A_265, %ne3A_266 : i32
      %lt3A_268 = arith.constant 0 : i32
      %lt3A_269 = arith.cmpi slt, %rem3A_265, %lt3A_268 : i32
      %lt3A_270 = arith.constant 0 : i32
      %lt3A_271 = arith.cmpi slt, %select_n3A_264, %lt3A_270 : i32
      %ne3A_272 = arith.xori %lt3A_269, %lt3A_271 : i1
      %and3A_273 = arith.andi %ne3A_272, %ne3A_267 : i1
      %add3A_274 = arith.addi %rem3A_265, %select_n3A_264 : i32
      %select_n3A_275 = arith.select %and3A_273, %add3A_274, %rem3A_265 : i32
      %run_scoped3A_276 = arith.constant 1 : i32
      "tpu.region"() ({
        %run_scoped3A_313 = tpu.sem_alloc : memref<!tpu.dma_semaphore, #tpu.memory_space<semaphore_mem>>
        %dma_start3A_314 = arith.constant 0 : i32
        %dma_start3A_315 = arith.constant 0 : i32
        %dma_start3A_316 = tpu.memref_slice %arg9[%run_scoped3A_276, %dma_start3A_314, %dma_start3A_315] : memref<2x128x128xf32, #tpu.memory_space<vmem>> -> memref<1x128x128xf32, #tpu.memory_space<vmem>>
        %dma_start3A_317 = tpu.memref_squeeze %dma_start3A_316 : memref<1x128x128xf32, #tpu.memory_space<vmem>> -> memref<128x128xf32, #tpu.memory_space<vmem>>
        %dma_start3A_318 = arith.constant 0 : i32
        %dma_start3A_319 = tpu.memref_slice %arg8[%select_n3A_259, %select_n3A_275, %dma_start3A_318] : memref<2x16x128xi32, #tpu.memory_space<vmem>> -> memref<1x1x128xi32, #tpu.memory_space<vmem>>
        %dma_start3A_320 = tpu.memref_squeeze %dma_start3A_319 : memref<1x1x128xi32, #tpu.memory_space<vmem>> -> memref<128xi32, #tpu.memory_space<vmem>>
        %dma_start3A_321 = arith.constant 0 : i32
        %dma_start3A_322 = arith.constant 0 : i32
        %dma_start3A_323 = tpu.memref_slice %arg10[%dma_start3A_321, %dma_start3A_322] : memref<10112x128xf32, #tpu.memory_space<vmem_shared>> -> memref<10112x128xf32, #tpu.memory_space<vmem_shared>>
        tpu.enqueue_indirect_dma source(%dma_start3A_317 : memref<128x128xf32, #tpu.memory_space<vmem>>) target(%dma_start3A_323 : memref<10112x128xf32, #tpu.memory_space<vmem_shared>>) offsets(%dma_start3A_320 : memref<128xi32, #tpu.memory_space<vmem>>) semaphore(%run_scoped3A_313 : memref<!tpu.dma_semaphore, #tpu.memory_space<semaphore_mem>>) {add = true}
        %dma_wait3A_324 = arith.constant 0 : i32
        %dma_wait3A_325 = arith.constant 0 : i32
        %dma_wait3A_326 = tpu.memref_slice %arg9[%run_scoped3A_276, %dma_wait3A_324, %dma_wait3A_325] : memref<2x128x128xf32, #tpu.memory_space<vmem>> -> memref<1x128x128xf32, #tpu.memory_space<vmem>>
        %dma_wait3A_327 = tpu.memref_squeeze %dma_wait3A_326 : memref<1x128x128xf32, #tpu.memory_space<vmem>> -> memref<128x128xf32, #tpu.memory_space<vmem>>
        %dma_wait3A_328 = arith.constant 0 : i32
        %dma_wait3A_329 = tpu.memref_slice %arg8[%select_n3A_259, %select_n3A_275, %dma_wait3A_328] : memref<2x16x128xi32, #tpu.memory_space<vmem>> -> memref<1x1x128xi32, #tpu.memory_space<vmem>>
        %dma_wait3A_330 = tpu.memref_squeeze %dma_wait3A_329 : memref<1x1x128xi32, #tpu.memory_space<vmem>> -> memref<128xi32, #tpu.memory_space<vmem>>
        %dma_wait3A_331 = arith.constant 0 : i32
        %dma_wait3A_332 = arith.constant 0 : i32
        %dma_wait3A_333 = tpu.memref_slice %arg10[%dma_wait3A_331, %dma_wait3A_332] : memref<10112x128xf32, #tpu.memory_space<vmem_shared>> -> memref<10112x128xf32, #tpu.memory_space<vmem_shared>>
        tpu.wait_indirect_dma semaphore(%run_scoped3A_313 : memref<!tpu.dma_semaphore, #tpu.memory_space<semaphore_mem>>) src(%dma_wait3A_327 : memref<128x128xf32, #tpu.memory_space<vmem>>) dst(%dma_wait3A_333 : memref<10112x128xf32, #tpu.memory_space<vmem_shared>>)
        tpu.yield
      }) : () -> ()
      %add3A_277 = arith.constant 2 : i32
      %add3A_278 = arith.addi %add3A_176, %add3A_277 : i32
      %lt3A_279 = arith.constant 80 : i32
      %lt3A_280 = arith.cmpi slt, %add3A_278, %lt3A_279 : i32
      %convert_element_type3A_281 = arith.extui %lt3A_280 : i1 to i32
      %cond3A_282 = arith.constant 0 : i32
      %cond3A_283 = arith.cmpi ne, %convert_element_type3A_281, %cond3A_282 : i32
      scf.if %cond3A_283 {
        %jit3A_313 = arith.constant 16 : i32
        %div3A_314 = arith.divsi %add3A_278, %jit3A_313 : i32
        %sign3A_315 = arith.constant 0 : i32
        %sign3A_316 = arith.cmpi sgt, %add3A_278, %sign3A_315 : i32
        %sign3A_317 = arith.extui %sign3A_316 : i1 to i32
        %sign3A_318 = arith.constant 0 : i32
        %sign3A_319 = arith.cmpi slt, %add3A_278, %sign3A_318 : i32
        %sign3A_320 = arith.extui %sign3A_319 : i1 to i32
        %sign3A_321 = arith.subi %sign3A_317, %sign3A_320 : i32
        %sign3A_322 = arith.constant 0 : i32
        %sign3A_323 = arith.cmpi sgt, %jit3A_313, %sign3A_322 : i32
        %sign3A_324 = arith.extui %sign3A_323 : i1 to i32
        %sign3A_325 = arith.constant 0 : i32
        %sign3A_326 = arith.cmpi slt, %jit3A_313, %sign3A_325 : i32
        %sign3A_327 = arith.extui %sign3A_326 : i1 to i32
        %sign3A_328 = arith.subi %sign3A_324, %sign3A_327 : i32
        %ne3A_329 = arith.cmpi ne, %sign3A_321, %sign3A_328 : i32
        %rem3A_330 = arith.remsi %add3A_278, %jit3A_313 : i32
        %ne3A_331 = arith.constant 0 : i32
        %ne3A_332 = arith.cmpi ne, %rem3A_330, %ne3A_331 : i32
        %and3A_333 = arith.andi %ne3A_329, %ne3A_332 : i1
        %sub3A_334 = arith.constant 1 : i32
        %sub3A_335 = arith.subi %div3A_314, %sub3A_334 : i32
        %select_n3A_336 = arith.select %and3A_333, %sub3A_335, %div3A_314 : i32
        %jit3A_337 = arith.constant 2 : i32
        %eq3A_338 = arith.constant 0 : i32
        %eq3A_339 = arith.cmpi eq, %jit3A_337, %eq3A_338 : i32
        %jit3A_340 = arith.constant 1 : i32
        %select_n3A_341 = arith.select %eq3A_339, %jit3A_340, %jit3A_337 : i32
        %rem3A_342 = arith.remsi %select_n3A_336, %select_n3A_341 : i32
        %ne3A_343 = arith.constant 0 : i32
        %ne3A_344 = arith.cmpi ne, %rem3A_342, %ne3A_343 : i32
        %lt3A_345 = arith.constant 0 : i32
        %lt3A_346 = arith.cmpi slt, %rem3A_342, %lt3A_345 : i32
        %lt3A_347 = arith.constant 0 : i32
        %lt3A_348 = arith.cmpi slt, %select_n3A_341, %lt3A_347 : i32
        %ne3A_349 = arith.xori %lt3A_346, %lt3A_348 : i1
        %and3A_350 = arith.andi %ne3A_349, %ne3A_344 : i1
        %add3A_351 = arith.addi %rem3A_342, %select_n3A_341 : i32
        %select_n3A_352 = arith.select %and3A_350, %add3A_351, %rem3A_342 : i32
        %jit3A_353 = arith.constant 16 : i32
        %eq3A_354 = arith.constant 0 : i32
        %eq3A_355 = arith.cmpi eq, %jit3A_353, %eq3A_354 : i32
        %jit3A_356 = arith.constant 1 : i32
        %select_n3A_357 = arith.select %eq3A_355, %jit3A_356, %jit3A_353 : i32
        %rem3A_358 = arith.remsi %add3A_278, %select_n3A_357 : i32
        %ne3A_359 = arith.constant 0 : i32
        %ne3A_360 = arith.cmpi ne, %rem3A_358, %ne3A_359 : i32
        %lt3A_361 = arith.constant 0 : i32
        %lt3A_362 = arith.cmpi slt, %rem3A_358, %lt3A_361 : i32
        %lt3A_363 = arith.constant 0 : i32
        %lt3A_364 = arith.cmpi slt, %select_n3A_357, %lt3A_363 : i32
        %ne3A_365 = arith.xori %lt3A_362, %lt3A_364 : i1
        %and3A_366 = arith.andi %ne3A_365, %ne3A_360 : i1
        %add3A_367 = arith.addi %rem3A_358, %select_n3A_357 : i32
        %select_n3A_368 = arith.select %and3A_366, %add3A_367, %rem3A_358 : i32
        %dma_start3A_369 = arith.constant 1 : i32
        %dma_start3A_370 = arith.constant 0 : i32
        %dma_start3A_371 = arith.constant 0 : i32
        %dma_start3A_372 = tpu.memref_slice %arg9[%dma_start3A_369, %dma_start3A_370, %dma_start3A_371] : memref<2x128x128xf32, #tpu.memory_space<vmem>> -> memref<1x128x128xf32, #tpu.memory_space<vmem>>
        %dma_start3A_373 = tpu.memref_squeeze %dma_start3A_372 : memref<1x128x128xf32, #tpu.memory_space<vmem>> -> memref<128x128xf32, #tpu.memory_space<vmem>>
        %dma_start3A_374 = arith.constant 0 : i32
        %dma_start3A_375 = tpu.memref_slice %arg7[%select_n3A_352, %select_n3A_368, %dma_start3A_374] : memref<2x16x128xi32, #tpu.memory_space<vmem>> -> memref<1x1x128xi32, #tpu.memory_space<vmem>>
        %dma_start3A_376 = tpu.memref_squeeze %dma_start3A_375 : memref<1x1x128xi32, #tpu.memory_space<vmem>> -> memref<128xi32, #tpu.memory_space<vmem>>
        %dma_start3A_377 = arith.constant 0 : i32
        %dma_start3A_378 = arith.constant 0 : i32
        %dma_start3A_379 = tpu.memref_slice %arg2[%dma_start3A_377, %dma_start3A_378] : memref<10000x128xf32, #tpu.memory_space<hbm>> -> memref<10000x128xf32, #tpu.memory_space<hbm>>
        tpu.enqueue_indirect_dma source(%dma_start3A_379 : memref<10000x128xf32, #tpu.memory_space<hbm>>) target(%dma_start3A_373 : memref<128x128xf32, #tpu.memory_space<vmem>>) offsets(%dma_start3A_376 : memref<128xi32, #tpu.memory_space<vmem>>) semaphore(%arg12 : memref<!tpu.dma_semaphore, #tpu.memory_space<semaphore_mem>>)
      } else {
      }
      %jit3A_284 = arith.constant 16 : i32
      %eq3A_285 = arith.constant 0 : i32
      %eq3A_286 = arith.cmpi eq, %jit3A_284, %eq3A_285 : i32
      %jit3A_287 = arith.constant 1 : i32
      %select_n3A_288 = arith.select %eq3A_286, %jit3A_287, %jit3A_284 : i32
      %rem3A_289 = arith.remsi %add3A_176, %select_n3A_288 : i32
      %ne3A_290 = arith.constant 0 : i32
      %ne3A_291 = arith.cmpi ne, %rem3A_289, %ne3A_290 : i32
      %lt3A_292 = arith.constant 0 : i32
      %lt3A_293 = arith.cmpi slt, %rem3A_289, %lt3A_292 : i32
      %lt3A_294 = arith.constant 0 : i32
      %lt3A_295 = arith.cmpi slt, %select_n3A_288, %lt3A_294 : i32
      %ne3A_296 = arith.xori %lt3A_293, %lt3A_295 : i1
      %and3A_297 = arith.andi %ne3A_296, %ne3A_291 : i1
      %add3A_298 = arith.addi %rem3A_289, %select_n3A_288 : i32
      %select_n3A_299 = arith.select %and3A_297, %add3A_298, %rem3A_289 : i32
      %eq3A_300 = arith.constant 2 : i32
      %eq3A_301 = arith.cmpi eq, %select_n3A_299, %eq3A_300 : i32
      %ge3A_302 = arith.constant 1 : i32
      %ge3A_303 = arith.cmpi sge, %select_n3A_200, %ge3A_302 : i32
      %and3A_304 = arith.andi %eq3A_301, %ge3A_303 : i1
      %add3A_305 = arith.constant 1 : i32
      %add3A_306 = arith.addi %select_n3A_200, %add3A_305 : i32
      %lt3A_307 = arith.constant 5 : i32
      %lt3A_308 = arith.cmpi slt, %add3A_306, %lt3A_307 : i32
      %and3A_309 = arith.andi %and3A_304, %lt3A_308 : i1
      %convert_element_type3A_310 = arith.extui %and3A_309 : i1 to i32
      %cond3A_311 = arith.constant 0 : i32
      %cond3A_312 = arith.cmpi ne, %convert_element_type3A_310, %cond3A_311 : i32
      scf.if %cond3A_312 {
        %add3A_313 = arith.constant 1 : i32
        %add3A_314 = arith.addi %select_n3A_200, %add3A_313 : i32
        %mul3A_315 = arith.constant 16 : i32
        %mul3A_316 = arith.muli %add3A_314, %mul3A_315 : i32
        %multiple_of3A_317 = tpu.assume_multiple %mul3A_316, 8 : i32
        %jit3A_318 = arith.constant 2 : i32
        %eq3A_319 = arith.constant 0 : i32
        %eq3A_320 = arith.cmpi eq, %jit3A_318, %eq3A_319 : i32
        %jit3A_321 = arith.constant 1 : i32
        %select_n3A_322 = arith.select %eq3A_320, %jit3A_321, %jit3A_318 : i32
        %rem3A_323 = arith.remsi %add3A_314, %select_n3A_322 : i32
        %ne3A_324 = arith.constant 0 : i32
        %ne3A_325 = arith.cmpi ne, %rem3A_323, %ne3A_324 : i32
        %lt3A_326 = arith.constant 0 : i32
        %lt3A_327 = arith.cmpi slt, %rem3A_323, %lt3A_326 : i32
        %lt3A_328 = arith.constant 0 : i32
        %lt3A_329 = arith.cmpi slt, %select_n3A_322, %lt3A_328 : i32
        %ne3A_330 = arith.xori %lt3A_327, %lt3A_329 : i1
        %and3A_331 = arith.andi %ne3A_330, %ne3A_325 : i1
        %add3A_332 = arith.addi %rem3A_323, %select_n3A_322 : i32
        %select_n3A_333 = arith.select %and3A_331, %add3A_332, %rem3A_323 : i32
        "tpu.region"() ({
          %run_scoped3A_350 = tpu.sem_alloc : memref<!tpu.dma_semaphore, #tpu.memory_space<semaphore_mem>>
          %dma_start3A_351 = arith.constant 0 : i32
          %dma_start3A_352 = arith.constant 0 : i32
          %dma_start3A_353 = tpu.memref_slice %arg7[%select_n3A_333, %dma_start3A_351, %dma_start3A_352] : memref<2x16x128xi32, #tpu.memory_space<vmem>> -> memref<1x16x128xi32, #tpu.memory_space<vmem>>
          %dma_start3A_354 = tpu.memref_squeeze %dma_start3A_353 : memref<1x16x128xi32, #tpu.memory_space<vmem>> -> memref<16x128xi32, #tpu.memory_space<vmem>>
          %dma_start3A_355 = arith.constant 0 : i32
          %dma_start3A_356 = tpu.memref_slice %arg3[%add3A, %multiple_of3A_317, %dma_start3A_355] : memref<32x80x128xi32, #tpu.memory_space<hbm>> -> memref<1x16x128xi32, #tpu.memory_space<hbm>>
          %dma_start3A_357 = tpu.memref_squeeze %dma_start3A_356 : memref<1x16x128xi32, #tpu.memory_space<hbm>> -> memref<16x128xi32, #tpu.memory_space<hbm>>
          %dma_start3A_358 = arith.constant 0 : i32
          %dma_start3A_359 = arith.constant 0 : i32
          %dma_start3A_360 = tpu.memref_slice %arg7[%select_n3A_333, %dma_start3A_358, %dma_start3A_359] : memref<2x16x128xi32, #tpu.memory_space<vmem>> -> memref<1x16x128xi32, #tpu.memory_space<vmem>>
          %dma_start3A_361 = tpu.memref_squeeze %dma_start3A_360 : memref<1x16x128xi32, #tpu.memory_space<vmem>> -> memref<16x128xi32, #tpu.memory_space<vmem>>
          %dma_start3A_362 = arith.constant 0 : i32
          %dma_start3A_363 = tpu.memref_slice %arg3[%add3A, %multiple_of3A_317, %dma_start3A_362] : memref<32x80x128xi32, #tpu.memory_space<hbm>> -> memref<1x16x128xi32, #tpu.memory_space<hbm>>
          %dma_start3A_364 = tpu.memref_squeeze %dma_start3A_363 : memref<1x16x128xi32, #tpu.memory_space<hbm>> -> memref<16x128xi32, #tpu.memory_space<hbm>>
          tpu.enqueue_dma source(%dma_start3A_364 : memref<16x128xi32, #tpu.memory_space<hbm>>) target(%dma_start3A_361 : memref<16x128xi32, #tpu.memory_space<vmem>>) target_semaphore(%run_scoped3A_350 : memref<!tpu.dma_semaphore, #tpu.memory_space<semaphore_mem>>)
          %dma_wait3A_365 = arith.constant 0 : i32
          %dma_wait3A_366 = arith.constant 0 : i32
          %dma_wait3A_367 = tpu.memref_slice %arg7[%select_n3A_333, %dma_wait3A_365, %dma_wait3A_366] : memref<2x16x128xi32, #tpu.memory_space<vmem>> -> memref<1x16x128xi32, #tpu.memory_space<vmem>>
          %dma_wait3A_368 = tpu.memref_squeeze %dma_wait3A_367 : memref<1x16x128xi32, #tpu.memory_space<vmem>> -> memref<16x128xi32, #tpu.memory_space<vmem>>
          %dma_wait3A_369 = arith.constant 0 : i32
          %dma_wait3A_370 = tpu.memref_slice %arg3[%add3A, %multiple_of3A_317, %dma_wait3A_369] : memref<32x80x128xi32, #tpu.memory_space<hbm>> -> memref<1x16x128xi32, #tpu.memory_space<hbm>>
          %dma_wait3A_371 = tpu.memref_squeeze %dma_wait3A_370 : memref<1x16x128xi32, #tpu.memory_space<hbm>> -> memref<16x128xi32, #tpu.memory_space<hbm>>
          %dma_wait3A_372 = arith.constant 0 : i32
          %dma_wait3A_373 = arith.constant 0 : i32
          %dma_wait3A_374 = tpu.memref_slice %arg7[%select_n3A_333, %dma_wait3A_372, %dma_wait3A_373] : memref<2x16x128xi32, #tpu.memory_space<vmem>> -> memref<1x16x128xi32, #tpu.memory_space<vmem>>
          %dma_wait3A_375 = tpu.memref_squeeze %dma_wait3A_374 : memref<1x16x128xi32, #tpu.memory_space<vmem>> -> memref<16x128xi32, #tpu.memory_space<vmem>>
          %dma_wait3A_376 = arith.constant 0 : i32
          %dma_wait3A_377 = tpu.memref_slice %arg3[%add3A, %multiple_of3A_317, %dma_wait3A_376] : memref<32x80x128xi32, #tpu.memory_space<hbm>> -> memref<1x16x128xi32, #tpu.memory_space<hbm>>
          %dma_wait3A_378 = tpu.memref_squeeze %dma_wait3A_377 : memref<1x16x128xi32, #tpu.memory_space<hbm>> -> memref<16x128xi32, #tpu.memory_space<hbm>>
          tpu.wait_dma2 semaphore(%run_scoped3A_350 : memref<!tpu.dma_semaphore, #tpu.memory_space<semaphore_mem>>) src(%dma_wait3A_378 : memref<16x128xi32, #tpu.memory_space<hbm>>) dst(%dma_wait3A_375 : memref<16x128xi32, #tpu.memory_space<vmem>>)
          tpu.yield
        }) : () -> ()
        %jit3A_334 = arith.constant 2 : i32
        %eq3A_335 = arith.constant 0 : i32
        %eq3A_336 = arith.cmpi eq, %jit3A_334, %eq3A_335 : i32
        %jit3A_337 = arith.constant 1 : i32
        %select_n3A_338 = arith.select %eq3A_336, %jit3A_337, %jit3A_334 : i32
        %rem3A_339 = arith.remsi %add3A_314, %select_n3A_338 : i32
        %ne3A_340 = arith.constant 0 : i32
        %ne3A_341 = arith.cmpi ne, %rem3A_339, %ne3A_340 : i32
        %lt3A_342 = arith.constant 0 : i32
        %lt3A_343 = arith.cmpi slt, %rem3A_339, %lt3A_342 : i32
        %lt3A_344 = arith.constant 0 : i32
        %lt3A_345 = arith.cmpi slt, %select_n3A_338, %lt3A_344 : i32
        %ne3A_346 = arith.xori %lt3A_343, %lt3A_345 : i1
        %and3A_347 = arith.andi %ne3A_346, %ne3A_341 : i1
        %add3A_348 = arith.addi %rem3A_339, %select_n3A_338 : i32
        %select_n3A_349 = arith.select %and3A_347, %add3A_348, %rem3A_339 : i32
        "tpu.region"() ({
          %run_scoped3A_350 = tpu.sem_alloc : memref<!tpu.dma_semaphore, #tpu.memory_space<semaphore_mem>>
          %dma_start3A_351 = arith.constant 0 : i32
          %dma_start3A_352 = arith.constant 0 : i32
          %dma_start3A_353 = tpu.memref_slice %arg8[%select_n3A_349, %dma_start3A_351, %dma_start3A_352] : memref<2x16x128xi32, #tpu.memory_space<vmem>> -> memref<1x16x128xi32, #tpu.memory_space<vmem>>
          %dma_start3A_354 = tpu.memref_squeeze %dma_start3A_353 : memref<1x16x128xi32, #tpu.memory_space<vmem>> -> memref<16x128xi32, #tpu.memory_space<vmem>>
          %dma_start3A_355 = arith.constant 0 : i32
          %dma_start3A_356 = tpu.memref_slice %arg4[%add3A, %multiple_of3A_317, %dma_start3A_355] : memref<32x80x128xi32, #tpu.memory_space<hbm>> -> memref<1x16x128xi32, #tpu.memory_space<hbm>>
          %dma_start3A_357 = tpu.memref_squeeze %dma_start3A_356 : memref<1x16x128xi32, #tpu.memory_space<hbm>> -> memref<16x128xi32, #tpu.memory_space<hbm>>
          %dma_start3A_358 = arith.constant 0 : i32
          %dma_start3A_359 = arith.constant 0 : i32
          %dma_start3A_360 = tpu.memref_slice %arg8[%select_n3A_349, %dma_start3A_358, %dma_start3A_359] : memref<2x16x128xi32, #tpu.memory_space<vmem>> -> memref<1x16x128xi32, #tpu.memory_space<vmem>>
          %dma_start3A_361 = tpu.memref_squeeze %dma_start3A_360 : memref<1x16x128xi32, #tpu.memory_space<vmem>> -> memref<16x128xi32, #tpu.memory_space<vmem>>
          %dma_start3A_362 = arith.constant 0 : i32
          %dma_start3A_363 = tpu.memref_slice %arg4[%add3A, %multiple_of3A_317, %dma_start3A_362] : memref<32x80x128xi32, #tpu.memory_space<hbm>> -> memref<1x16x128xi32, #tpu.memory_space<hbm>>
          %dma_start3A_364 = tpu.memref_squeeze %dma_start3A_363 : memref<1x16x128xi32, #tpu.memory_space<hbm>> -> memref<16x128xi32, #tpu.memory_space<hbm>>
          tpu.enqueue_dma source(%dma_start3A_364 : memref<16x128xi32, #tpu.memory_space<hbm>>) target(%dma_start3A_361 : memref<16x128xi32, #tpu.memory_space<vmem>>) target_semaphore(%run_scoped3A_350 : memref<!tpu.dma_semaphore, #tpu.memory_space<semaphore_mem>>)
          %dma_wait3A_365 = arith.constant 0 : i32
          %dma_wait3A_366 = arith.constant 0 : i32
          %dma_wait3A_367 = tpu.memref_slice %arg8[%select_n3A_349, %dma_wait3A_365, %dma_wait3A_366] : memref<2x16x128xi32, #tpu.memory_space<vmem>> -> memref<1x16x128xi32, #tpu.memory_space<vmem>>
          %dma_wait3A_368 = tpu.memref_squeeze %dma_wait3A_367 : memref<1x16x128xi32, #tpu.memory_space<vmem>> -> memref<16x128xi32, #tpu.memory_space<vmem>>
          %dma_wait3A_369 = arith.constant 0 : i32
          %dma_wait3A_370 = tpu.memref_slice %arg4[%add3A, %multiple_of3A_317, %dma_wait3A_369] : memref<32x80x128xi32, #tpu.memory_space<hbm>> -> memref<1x16x128xi32, #tpu.memory_space<hbm>>
          %dma_wait3A_371 = tpu.memref_squeeze %dma_wait3A_370 : memref<1x16x128xi32, #tpu.memory_space<hbm>> -> memref<16x128xi32, #tpu.memory_space<hbm>>
          %dma_wait3A_372 = arith.constant 0 : i32
          %dma_wait3A_373 = arith.constant 0 : i32
          %dma_wait3A_374 = tpu.memref_slice %arg8[%select_n3A_349, %dma_wait3A_372, %dma_wait3A_373] : memref<2x16x128xi32, #tpu.memory_space<vmem>> -> memref<1x16x128xi32, #tpu.memory_space<vmem>>
          %dma_wait3A_375 = tpu.memref_squeeze %dma_wait3A_374 : memref<1x16x128xi32, #tpu.memory_space<vmem>> -> memref<16x128xi32, #tpu.memory_space<vmem>>
          %dma_wait3A_376 = arith.constant 0 : i32
          %dma_wait3A_377 = tpu.memref_slice %arg4[%add3A, %multiple_of3A_317, %dma_wait3A_376] : memref<32x80x128xi32, #tpu.memory_space<hbm>> -> memref<1x16x128xi32, #tpu.memory_space<hbm>>
          %dma_wait3A_378 = tpu.memref_squeeze %dma_wait3A_377 : memref<1x16x128xi32, #tpu.memory_space<hbm>> -> memref<16x128xi32, #tpu.memory_space<hbm>>
          tpu.wait_dma2 semaphore(%run_scoped3A_350 : memref<!tpu.dma_semaphore, #tpu.memory_space<semaphore_mem>>) src(%dma_wait3A_378 : memref<16x128xi32, #tpu.memory_space<hbm>>) dst(%dma_wait3A_375 : memref<16x128xi32, #tpu.memory_space<vmem>>)
          tpu.yield
        }) : () -> ()
      } else {
      }
    }
    %scan3A_40 = arith.constant 40 : i32
    %barrier3A_41 = arith.constant 0 : index
    tpu.barrier barrier_id(%barrier3A_41)
    %mul3A_42 = arith.constant 632 : i32
    %mul3A_43 = arith.muli %arg1, %mul3A_42 : i32
    %mul3A_44 = arith.constant 632 : i32
    %mul3A_45 = arith.muli %arg1, %mul3A_44 : i32
    "tpu.region"() ({
      %run_scoped3A_46 = tpu.sem_alloc : memref<!tpu.dma_semaphore, #tpu.memory_space<semaphore_mem>>
      %dma_start3A_47 = arith.constant 0 : i32
      %dma_start3A_48 = tpu.memref_slice %arg6[%arg0, %mul3A_45, %dma_start3A_47] : memref<2x10112x128xf32, #tpu.memory_space<hbm>> -> memref<1x632x128xf32, #tpu.memory_space<hbm>>
      %dma_start3A_49 = tpu.memref_squeeze %dma_start3A_48 : memref<1x632x128xf32, #tpu.memory_space<hbm>> -> memref<632x128xf32, #tpu.memory_space<hbm>>
      %dma_start3A_50 = arith.constant 0 : i32
      %dma_start3A_51 = tpu.memref_slice %arg10[%mul3A_43, %dma_start3A_50] : memref<10112x128xf32, #tpu.memory_space<vmem_shared>> -> memref<632x128xf32, #tpu.memory_space<vmem_shared>>
      tpu.enqueue_dma source(%dma_start3A_51 : memref<632x128xf32, #tpu.memory_space<vmem_shared>>) target(%dma_start3A_49 : memref<632x128xf32, #tpu.memory_space<hbm>>) target_semaphore(%run_scoped3A_46 : memref<!tpu.dma_semaphore, #tpu.memory_space<semaphore_mem>>)
      %dma_wait3A = arith.constant 0 : i32
      %dma_wait3A_52 = tpu.memref_slice %arg6[%arg0, %mul3A_45, %dma_wait3A] : memref<2x10112x128xf32, #tpu.memory_space<hbm>> -> memref<1x632x128xf32, #tpu.memory_space<hbm>>
      %dma_wait3A_53 = tpu.memref_squeeze %dma_wait3A_52 : memref<1x632x128xf32, #tpu.memory_space<hbm>> -> memref<632x128xf32, #tpu.memory_space<hbm>>
      %dma_wait3A_54 = arith.constant 0 : i32
      %dma_wait3A_55 = tpu.memref_slice %arg10[%mul3A_43, %dma_wait3A_54] : memref<10112x128xf32, #tpu.memory_space<vmem_shared>> -> memref<632x128xf32, #tpu.memory_space<vmem_shared>>
      tpu.wait_dma2 semaphore(%run_scoped3A_46 : memref<!tpu.dma_semaphore, #tpu.memory_space<semaphore_mem>>) src(%dma_wait3A_55 : memref<632x128xf32, #tpu.memory_space<vmem_shared>>) dst(%dma_wait3A_53 : memref<632x128xf32, #tpu.memory_space<hbm>>)
      tpu.yield
    }) : () -> ()
    return
  }
}

module attributes {stable_mosaic.version = 14 : i64} {
  func.func @_mm_relu_body(%arg0: i32, %arg1: memref<2000x128xf32, #tpu.memory_space<vmem>>, %arg2: memref<128x128xf32, #tpu.memory_space<vmem>>, %arg3: memref<2000x128xf32, #tpu.memory_space<vmem>>) attributes {dimension_semantics = [#tpu.dimension_semantics<arbitrary>], iteration_bounds = array<i64: 5>, scalar_prefetch = 0 : i64, scratch_operands = 0 : i64, tpu.core_type = #tpu.core_type<tc>, window_params = [{transform_indices = @transform_0, window_bounds = array<i64: 2000, 128>}, {pipeline_mode = #tpu.pipeline_mode<synchronous>, transform_indices = @transform_1, window_bounds = array<i64: 128, 128>}, {transform_indices = @transform_2, window_bounds = array<i64: 2000, 128>}]} {
    %get3A = arith.constant 0 : index
    %get3A_0 = arith.constant 0 : index
    %get3A_1 = vector.load %arg1[%get3A, %get3A_0] : memref<2000x128xf32, #tpu.memory_space<vmem>>, vector<2000x128xf32>
    %get3A_2 = arith.constant 0 : index
    %get3A_3 = arith.constant 0 : index
    %get3A_4 = vector.load %arg2[%get3A_2, %get3A_3] : memref<128x128xf32, #tpu.memory_space<vmem>>, vector<128x128xf32>
    %dot_general3A = arith.constant dense<0.000000e+00> : vector<2000x128xf32>
    %dot_general3A_5 = tpu.matmul %get3A_1, %get3A_4, %dot_general3A {dimension_numbers = #tpu.dot_dimension_numbers<[1], [0], [0], [1], [0, 0, 1, 1], [], []>, transpose_lhs_hint = false} : vector<2000x128xf32>, vector<128x128xf32>, vector<2000x128xf32> -> vector<2000x128xf32>
    %max3A = arith.constant 0.000000e+00 : f32
    %max3A_6 = vector.broadcast %max3A : f32 to vector<2000x128xf32>
    %max3A_7 = arith.maximumf %dot_general3A_5, %max3A_6 : vector<2000x128xf32>
    %swap3A = arith.constant 0 : index
    %swap3A_8 = arith.constant 0 : index
    %swap3A_9 = vector.load %arg3[%swap3A, %swap3A_8] : memref<2000x128xf32, #tpu.memory_space<vmem>>, vector<2000x128xf32>
    tpu.vector_store %arg3[%swap3A, %swap3A_8], %max3A_7 {strides = array<i32>} : memref<2000x128xf32, #tpu.memory_space<vmem>>, vector<2000x128xf32>,
    return
  }
  func.func @transform_0(%arg0: i32) -> (i32, i32) {
    %c0_i32 = arith.constant 0 : i32
    %c0_i32_0 = arith.constant 0 : i32
    return %arg0, %c0_i32 : i32, i32
  }
  func.func @transform_1(%arg0: i32) -> (i32, i32) {
    %c0_i32 = arith.constant 0 : i32
    %c0_i32_0 = arith.constant 0 : i32
    %c0_i32_1 = arith.constant 0 : i32
    return %c0_i32, %c0_i32_0 : i32, i32
  }
  func.func @transform_2(%arg0: i32) -> (i32, i32) {
    %c0_i32 = arith.constant 0 : i32
    %c0_i32_0 = arith.constant 0 : i32
    return %arg0, %c0_i32 : i32, i32
  }
}

module attributes {stable_mosaic.version = 14 : i64} {
  func.func @_mm_relu_body(%arg0: i32, %arg1: memref<3200x16xbf16, #tpu.memory_space<vmem>>, %arg2: memref<16x128xbf16, #tpu.memory_space<vmem>>, %arg3: memref<3200x128xf32, #tpu.memory_space<vmem>>) attributes {dimension_semantics = [#tpu.dimension_semantics<arbitrary>], iteration_bounds = array<i64: 100>, scalar_prefetch = 0 : i64, scratch_operands = 0 : i64, tpu.core_type = #tpu.core_type<tc>, window_params = [{transform_indices = @transform_0, window_bounds = array<i64: 3200, 16>}, {pipeline_mode = #tpu.pipeline_mode<synchronous>, transform_indices = @transform_1, window_bounds = array<i64: 16, 128>}, {transform_indices = @transform_2, window_bounds = array<i64: 3200, 128>}]} {
    %get3A = arith.constant 0 : index
    %get3A_0 = arith.constant 0 : index
    %get3A_1 = vector.load %arg1[%get3A, %get3A_0] : memref<3200x16xbf16, #tpu.memory_space<vmem>>, vector<3200x16xbf16>
    %get3A_2 = arith.constant 0 : index
    %get3A_3 = arith.constant 0 : index
    %get3A_4 = vector.load %arg2[%get3A_2, %get3A_3] : memref<16x128xbf16, #tpu.memory_space<vmem>>, vector<16x128xbf16>
    %dot_general3A = arith.constant dense<0.000000e+00> : vector<3200x128xf32>
    %dot_general3A_5 = tpu.matmul %get3A_1, %get3A_4, %dot_general3A {dimension_numbers = #tpu.dot_dimension_numbers<[1], [0], [0], [1], [0, 0, 1, 1], [], []>, transpose_lhs_hint = false} : vector<3200x16xbf16>, vector<16x128xbf16>, vector<3200x128xf32> -> vector<3200x128xf32>
    %max3A = arith.constant 0.000000e+00 : f32
    %max3A_6 = vector.broadcast %max3A : f32 to vector<3200x128xf32>
    %max3A_7 = arith.maximumf %dot_general3A_5, %max3A_6 : vector<3200x128xf32>
    %swap3A = arith.constant 0 : index
    %swap3A_8 = arith.constant 0 : index
    %swap3A_9 = vector.load %arg3[%swap3A, %swap3A_8] : memref<3200x128xf32, #tpu.memory_space<vmem>>, vector<3200x128xf32>
    tpu.vector_store %arg3[%swap3A, %swap3A_8], %max3A_7 {strides = array<i32>} : memref<3200x128xf32, #tpu.memory_space<vmem>>, vector<3200x128xf32>,
    return
  }
  func.func @transform_0(%arg0: i32) -> (i32, i32) {
    %c0_i32 = arith.constant 0 : i32
    %c0_i32_0 = arith.constant 0 : i32
    return %arg0, %c0_i32 : i32, i32
  }
  func.func @transform_1(%arg0: i32) -> (i32, i32) {
    %c0_i32 = arith.constant 0 : i32
    %c0_i32_0 = arith.constant 0 : i32
    %c0_i32_1 = arith.constant 0 : i32
    return %c0_i32, %c0_i32_0 : i32, i32
  }
  func.func @transform_2(%arg0: i32) -> (i32, i32) {
    %c0_i32 = arith.constant 0 : i32
    %c0_i32_0 = arith.constant 0 : i32
    return %arg0, %c0_i32 : i32, i32
  }
}

module attributes {stable_mosaic.version = 14 : i64} {
  func.func @_upd_body(%arg0: i32, %arg1: memref<2000x128xf32, #tpu.memory_space<vmem>>, %arg2: memref<2x2000x128xf32, #tpu.memory_space<vmem>>, %arg3: memref<2x2000x128xf32, #tpu.memory_space<vmem>>, %arg4: memref<128x128xf32, #tpu.memory_space<vmem>>, %arg5: memref<2000x128xf32, #tpu.memory_space<vmem>>) attributes {dimension_semantics = [#tpu.dimension_semantics<arbitrary>], iteration_bounds = array<i64: 5>, scalar_prefetch = 0 : i64, scratch_operands = 0 : i64, tpu.core_type = #tpu.core_type<tc>, window_params = [{transform_indices = @transform_0, window_bounds = array<i64: 2000, 128>}, {transform_indices = @transform_1, window_bounds = array<i64: 2, 2000, 128>}, {transform_indices = @transform_2, window_bounds = array<i64: 2, 2000, 128>}, {pipeline_mode = #tpu.pipeline_mode<synchronous>, transform_indices = @transform_3, window_bounds = array<i64: 128, 128>}, {transform_indices = @transform_4, window_bounds = array<i64: 2000, 128>}]} {
    %get3A = arith.constant 0 : index
    %get3A_0 = arith.constant 0 : index
    %get3A_1 = arith.constant 0 : index
    %get3A_2 = vector.load %arg2[%get3A, %get3A_0, %get3A_1] : memref<2x2000x128xf32, #tpu.memory_space<vmem>>, vector<1x2000x128xf32>
    %get3A_3 = vector.shape_cast %get3A_2 : vector<1x2000x128xf32> to vector<2000x128xf32>
    %get3A_4 = arith.constant 1 : index
    %get3A_5 = arith.constant 0 : index
    %get3A_6 = arith.constant 0 : index
    %get3A_7 = vector.load %arg2[%get3A_4, %get3A_5, %get3A_6] : memref<2x2000x128xf32, #tpu.memory_space<vmem>>, vector<1x2000x128xf32>
    %get3A_8 = vector.shape_cast %get3A_7 : vector<1x2000x128xf32> to vector<2000x128xf32>
    %add3A = arith.addf %get3A_3, %get3A_8 : vector<2000x128xf32>
    %get3A_9 = arith.constant 0 : index
    %get3A_10 = arith.constant 0 : index
    %get3A_11 = arith.constant 0 : index
    %get3A_12 = vector.load %arg3[%get3A_9, %get3A_10, %get3A_11] : memref<2x2000x128xf32, #tpu.memory_space<vmem>>, vector<1x2000x128xf32>
    %get3A_13 = vector.shape_cast %get3A_12 : vector<1x2000x128xf32> to vector<2000x128xf32>
    %add3A_14 = arith.addf %add3A, %get3A_13 : vector<2000x128xf32>
    %get3A_15 = arith.constant 1 : index
    %get3A_16 = arith.constant 0 : index
    %get3A_17 = arith.constant 0 : index
    %get3A_18 = vector.load %arg3[%get3A_15, %get3A_16, %get3A_17] : memref<2x2000x128xf32, #tpu.memory_space<vmem>>, vector<1x2000x128xf32>
    %get3A_19 = vector.shape_cast %get3A_18 : vector<1x2000x128xf32> to vector<2000x128xf32>
    %add3A_20 = arith.addf %add3A_14, %get3A_19 : vector<2000x128xf32>
    %get3A_21 = arith.constant 0 : index
    %get3A_22 = arith.constant 0 : index
    %get3A_23 = vector.load %arg1[%get3A_21, %get3A_22] : memref<2000x128xf32, #tpu.memory_space<vmem>>, vector<2000x128xf32>
    %get3A_24 = arith.constant 0 : index
    %get3A_25 = arith.constant 0 : index
    %get3A_26 = vector.load %arg4[%get3A_24, %get3A_25] : memref<128x128xf32, #tpu.memory_space<vmem>>, vector<128x128xf32>
    %dot_general3A = arith.constant dense<0.000000e+00> : vector<2000x128xf32>
    %dot_general3A_27 = tpu.matmul %get3A_23, %get3A_26, %dot_general3A {dimension_numbers = #tpu.dot_dimension_numbers<[1], [0], [0], [1], [0, 0, 1, 1], [], []>, transpose_lhs_hint = false} : vector<2000x128xf32>, vector<128x128xf32>, vector<2000x128xf32> -> vector<2000x128xf32>
    %add3A_28 = arith.addf %dot_general3A_27, %add3A_20 : vector<2000x128xf32>
    %max3A = arith.constant 0.000000e+00 : f32
    %max3A_29 = vector.broadcast %max3A : f32 to vector<2000x128xf32>
    %max3A_30 = arith.maximumf %add3A_28, %max3A_29 : vector<2000x128xf32>
    %swap3A = arith.constant 0 : index
    %swap3A_31 = arith.constant 0 : index
    %swap3A_32 = vector.load %arg5[%swap3A, %swap3A_31] : memref<2000x128xf32, #tpu.memory_space<vmem>>, vector<2000x128xf32>
    tpu.vector_store %arg5[%swap3A, %swap3A_31], %max3A_30 {strides = array<i32>} : memref<2000x128xf32, #tpu.memory_space<vmem>>, vector<2000x128xf32>,
    return
  }
  func.func @transform_0(%arg0: i32) -> (i32, i32) {
    %c0_i32 = arith.constant 0 : i32
    %c0_i32_0 = arith.constant 0 : i32
    return %arg0, %c0_i32 : i32, i32
  }
  func.func @transform_1(%arg0: i32) -> (i32, i32, i32) {
    %c0_i32 = arith.constant 0 : i32
    %c0_i32_0 = arith.constant 0 : i32
    %c0_i32_1 = arith.constant 0 : i32
    return %c0_i32, %arg0, %c0_i32_0 : i32, i32, i32
  }
  func.func @transform_2(%arg0: i32) -> (i32, i32, i32) {
    %c0_i32 = arith.constant 0 : i32
    %c0_i32_0 = arith.constant 0 : i32
    %c0_i32_1 = arith.constant 0 : i32
    return %c0_i32, %arg0, %c0_i32_0 : i32, i32, i32
  }
  func.func @transform_3(%arg0: i32) -> (i32, i32) {
    %c0_i32 = arith.constant 0 : i32
    %c0_i32_0 = arith.constant 0 : i32
    %c0_i32_1 = arith.constant 0 : i32
    return %c0_i32, %c0_i32_0 : i32, i32
  }
  func.func @transform_4(%arg0: i32) -> (i32, i32) {
    %c0_i32 = arith.constant 0 : i32
    %c0_i32_0 = arith.constant 0 : i32
    return %arg0, %c0_i32 : i32, i32
  }
}

module attributes {stable_mosaic.version = 14 : i64} {
  func.func @_updf_body(%arg0: i32, %arg1: memref<2000x128xf32, #tpu.memory_space<vmem>>, %arg2: memref<2x2000x128xf32, #tpu.memory_space<vmem>>, %arg3: memref<2x2000x128xf32, #tpu.memory_space<vmem>>, %arg4: memref<128x128xf32, #tpu.memory_space<vmem>>, %arg5: memref<128x128xf32, #tpu.memory_space<vmem>>, %arg6: memref<1x128xf32, #tpu.memory_space<vmem>>, %arg7: memref<128x1xf32, #tpu.memory_space<vmem>>, %arg8: memref<1x1xf32, #tpu.memory_space<vmem>>, %arg9: memref<2000x128xf32, #tpu.memory_space<vmem>>, %arg10: memref<2000x128xf32, #tpu.memory_space<vmem>>, %arg11: memref<2000x1xf32, #tpu.memory_space<vmem>>) attributes {dimension_semantics = [#tpu.dimension_semantics<arbitrary>], iteration_bounds = array<i64: 5>, scalar_prefetch = 0 : i64, scratch_operands = 0 : i64, tpu.core_type = #tpu.core_type<tc>, window_params = [{transform_indices = @transform_0, window_bounds = array<i64: 2000, 128>}, {transform_indices = @transform_1, window_bounds = array<i64: 2, 2000, 128>}, {transform_indices = @transform_2, window_bounds = array<i64: 2, 2000, 128>}, {pipeline_mode = #tpu.pipeline_mode<synchronous>, transform_indices = @transform_3, window_bounds = array<i64: 128, 128>}, {pipeline_mode = #tpu.pipeline_mode<synchronous>, transform_indices = @transform_4, window_bounds = array<i64: 128, 128>}, {pipeline_mode = #tpu.pipeline_mode<synchronous>, transform_indices = @transform_5, window_bounds = array<i64: 1, 128>}, {pipeline_mode = #tpu.pipeline_mode<synchronous>, transform_indices = @transform_6, window_bounds = array<i64: 128, 1>}, {pipeline_mode = #tpu.pipeline_mode<synchronous>, transform_indices = @transform_7, window_bounds = array<i64: 1, 1>}, {transform_indices = @transform_8, window_bounds = array<i64: 2000, 128>}, {transform_indices = @transform_9, window_bounds = array<i64: 2000, 128>}, {transform_indices = @transform_10, window_bounds = array<i64: 2000, 1>}]} {
    %get3A = arith.constant 0 : index
    %get3A_0 = arith.constant 0 : index
    %get3A_1 = arith.constant 0 : index
    %get3A_2 = vector.load %arg2[%get3A, %get3A_0, %get3A_1] : memref<2x2000x128xf32, #tpu.memory_space<vmem>>, vector<1x2000x128xf32>
    %get3A_3 = vector.shape_cast %get3A_2 : vector<1x2000x128xf32> to vector<2000x128xf32>
    %get3A_4 = arith.constant 1 : index
    %get3A_5 = arith.constant 0 : index
    %get3A_6 = arith.constant 0 : index
    %get3A_7 = vector.load %arg2[%get3A_4, %get3A_5, %get3A_6] : memref<2x2000x128xf32, #tpu.memory_space<vmem>>, vector<1x2000x128xf32>
    %get3A_8 = vector.shape_cast %get3A_7 : vector<1x2000x128xf32> to vector<2000x128xf32>
    %add3A = arith.addf %get3A_3, %get3A_8 : vector<2000x128xf32>
    %get3A_9 = arith.constant 0 : index
    %get3A_10 = arith.constant 0 : index
    %get3A_11 = arith.constant 0 : index
    %get3A_12 = vector.load %arg3[%get3A_9, %get3A_10, %get3A_11] : memref<2x2000x128xf32, #tpu.memory_space<vmem>>, vector<1x2000x128xf32>
    %get3A_13 = vector.shape_cast %get3A_12 : vector<1x2000x128xf32> to vector<2000x128xf32>
    %add3A_14 = arith.addf %add3A, %get3A_13 : vector<2000x128xf32>
    %get3A_15 = arith.constant 1 : index
    %get3A_16 = arith.constant 0 : index
    %get3A_17 = arith.constant 0 : index
    %get3A_18 = vector.load %arg3[%get3A_15, %get3A_16, %get3A_17] : memref<2x2000x128xf32, #tpu.memory_space<vmem>>, vector<1x2000x128xf32>
    %get3A_19 = vector.shape_cast %get3A_18 : vector<1x2000x128xf32> to vector<2000x128xf32>
    %add3A_20 = arith.addf %add3A_14, %get3A_19 : vector<2000x128xf32>
    %swap3A = arith.constant 0 : index
    %swap3A_21 = arith.constant 0 : index
    %swap3A_22 = vector.load %arg10[%swap3A, %swap3A_21] : memref<2000x128xf32, #tpu.memory_space<vmem>>, vector<2000x128xf32>
    tpu.vector_store %arg10[%swap3A, %swap3A_21], %add3A_20 {strides = array<i32>} : memref<2000x128xf32, #tpu.memory_space<vmem>>, vector<2000x128xf32>,
    %get3A_23 = arith.constant 0 : index
    %get3A_24 = arith.constant 0 : index
    %get3A_25 = vector.load %arg1[%get3A_23, %get3A_24] : memref<2000x128xf32, #tpu.memory_space<vmem>>, vector<2000x128xf32>
    %get3A_26 = arith.constant 0 : index
    %get3A_27 = arith.constant 0 : index
    %get3A_28 = vector.load %arg4[%get3A_26, %get3A_27] : memref<128x128xf32, #tpu.memory_space<vmem>>, vector<128x128xf32>
    %dot_general3A = arith.constant dense<0.000000e+00> : vector<2000x128xf32>
    %dot_general3A_29 = tpu.matmul %get3A_25, %get3A_28, %dot_general3A {dimension_numbers = #tpu.dot_dimension_numbers<[1], [0], [0], [1], [0, 0, 1, 1], [], []>, transpose_lhs_hint = false} : vector<2000x128xf32>, vector<128x128xf32>, vector<2000x128xf32> -> vector<2000x128xf32>
    %add3A_30 = arith.addf %dot_general3A_29, %add3A_20 : vector<2000x128xf32>
    %max3A = arith.constant 0.000000e+00 : f32
    %max3A_31 = vector.broadcast %max3A : f32 to vector<2000x128xf32>
    %max3A_32 = arith.maximumf %add3A_30, %max3A_31 : vector<2000x128xf32>
    %swap3A_33 = arith.constant 0 : index
    %swap3A_34 = arith.constant 0 : index
    %swap3A_35 = vector.load %arg9[%swap3A_33, %swap3A_34] : memref<2000x128xf32, #tpu.memory_space<vmem>>, vector<2000x128xf32>
    tpu.vector_store %arg9[%swap3A_33, %swap3A_34], %max3A_32 {strides = array<i32>} : memref<2000x128xf32, #tpu.memory_space<vmem>>, vector<2000x128xf32>,
    %get3A_36 = arith.constant 0 : index
    %get3A_37 = arith.constant 0 : index
    %get3A_38 = vector.load %arg5[%get3A_36, %get3A_37] : memref<128x128xf32, #tpu.memory_space<vmem>>, vector<128x128xf32>
    %dot_general3A_39 = arith.constant dense<0.000000e+00> : vector<2000x128xf32>
    %dot_general3A_40 = tpu.matmul %max3A_32, %get3A_38, %dot_general3A_39 {dimension_numbers = #tpu.dot_dimension_numbers<[1], [0], [0], [1], [0, 0, 1, 1], [], []>, transpose_lhs_hint = false} : vector<2000x128xf32>, vector<128x128xf32>, vector<2000x128xf32> -> vector<2000x128xf32>
    %get3A_41 = arith.constant 0 : index
    %get3A_42 = arith.constant 0 : index
    %get3A_43 = vector.load %arg6[%get3A_41, %get3A_42] : memref<1x128xf32, #tpu.memory_space<vmem>>, vector<1x128xf32>
    %add3A_44 = vector.broadcast %get3A_43 : vector<1x128xf32> to vector<2000x128xf32>
    %add3A_45 = arith.addf %dot_general3A_40, %add3A_44 : vector<2000x128xf32>
    %max3A_46 = arith.constant 0.000000e+00 : f32
    %max3A_47 = vector.broadcast %max3A_46 : f32 to vector<2000x128xf32>
    %max3A_48 = arith.maximumf %add3A_45, %max3A_47 : vector<2000x128xf32>
    %get3A_49 = arith.constant 0 : index
    %get3A_50 = arith.constant 0 : index
    %get3A_51 = vector.load %arg7[%get3A_49, %get3A_50] : memref<128x1xf32, #tpu.memory_space<vmem>>, vector<128x1xf32>
    %dot_general3A_52 = arith.constant dense<0.000000e+00> : vector<2000x1xf32>
    %dot_general3A_53 = tpu.matmul %max3A_48, %get3A_51, %dot_general3A_52 {dimension_numbers = #tpu.dot_dimension_numbers<[1], [0], [0], [1], [0, 0, 1, 1], [], []>, transpose_lhs_hint = false} : vector<2000x128xf32>, vector<128x1xf32>, vector<2000x1xf32> -> vector<2000x1xf32>
    %get3A_54 = arith.constant 0 : index
    %get3A_55 = arith.constant 0 : index
    %get3A_56 = vector.load %arg8[%get3A_54, %get3A_55] : memref<1x1xf32, #tpu.memory_space<vmem>>, vector<1x1xf32>
    %add3A_57 = vector.broadcast %get3A_56 : vector<1x1xf32> to vector<2000x1xf32>
    %add3A_58 = arith.addf %dot_general3A_53, %add3A_57 : vector<2000x1xf32>
    %swap3A_59 = arith.constant 0 : index
    %swap3A_60 = arith.constant 0 : index
    %swap3A_61 = vector.load %arg11[%swap3A_59, %swap3A_60] : memref<2000x1xf32, #tpu.memory_space<vmem>>, vector<2000x1xf32>
    tpu.vector_store %arg11[%swap3A_59, %swap3A_60], %add3A_58 {strides = array<i32>} : memref<2000x1xf32, #tpu.memory_space<vmem>>, vector<2000x1xf32>,
    return
  }
  func.func @transform_0(%arg0: i32) -> (i32, i32) {
    %c0_i32 = arith.constant 0 : i32
    %c0_i32_0 = arith.constant 0 : i32
    return %arg0, %c0_i32 : i32, i32
  }
  func.func @transform_1(%arg0: i32) -> (i32, i32, i32) {
    %c0_i32 = arith.constant 0 : i32
    %c0_i32_0 = arith.constant 0 : i32
    %c0_i32_1 = arith.constant 0 : i32
    return %c0_i32, %arg0, %c0_i32_0 : i32, i32, i32
  }
  func.func @transform_2(%arg0: i32) -> (i32, i32, i32) {
    %c0_i32 = arith.constant 0 : i32
    %c0_i32_0 = arith.constant 0 : i32
    %c0_i32_1 = arith.constant 0 : i32
    return %c0_i32, %arg0, %c0_i32_0 : i32, i32, i32
  }
  func.func @transform_3(%arg0: i32) -> (i32, i32) {
    %c0_i32 = arith.constant 0 : i32
    %c0_i32_0 = arith.constant 0 : i32
    %c0_i32_1 = arith.constant 0 : i32
    return %c0_i32, %c0_i32_0 : i32, i32
  }
  func.func @transform_4(%arg0: i32) -> (i32, i32) {
    %c0_i32 = arith.constant 0 : i32
    %c0_i32_0 = arith.constant 0 : i32
    %c0_i32_1 = arith.constant 0 : i32
    return %c0_i32, %c0_i32_0 : i32, i32
  }
  func.func @transform_5(%arg0: i32) -> (i32, i32) {
    %c0_i32 = arith.constant 0 : i32
    %c0_i32_0 = arith.constant 0 : i32
    %c0_i32_1 = arith.constant 0 : i32
    return %c0_i32, %c0_i32_0 : i32, i32
  }
  func.func @transform_6(%arg0: i32) -> (i32, i32) {
    %c0_i32 = arith.constant 0 : i32
    %c0_i32_0 = arith.constant 0 : i32
    %c0_i32_1 = arith.constant 0 : i32
    return %c0_i32, %c0_i32_0 : i32, i32
  }
  func.func @transform_7(%arg0: i32) -> (i32, i32) {
    %c0_i32 = arith.constant 0 : i32
    %c0_i32_0 = arith.constant 0 : i32
    %c0_i32_1 = arith.constant 0 : i32
    return %c0_i32, %c0_i32_0 : i32, i32
  }
  func.func @transform_8(%arg0: i32) -> (i32, i32) {
    %c0_i32 = arith.constant 0 : i32
    %c0_i32_0 = arith.constant 0 : i32
    return %arg0, %c0_i32 : i32, i32
  }
  func.func @transform_9(%arg0: i32) -> (i32, i32) {
    %c0_i32 = arith.constant 0 : i32
    %c0_i32_0 = arith.constant 0 : i32
    return %arg0, %c0_i32 : i32, i32
  }
  func.func @transform_10(%arg0: i32) -> (i32, i32) {
    %c0_i32 = arith.constant 0 : i32
    %c0_i32_0 = arith.constant 0 : i32
    return %arg0, %c0_i32 : i32, i32
  }
}

</mosaic_0001>

<sc_bundles>
// kernel: kernel.11.cloned.1.call-start
scs
__scs_entry_jumppad:
0x0: {  	(pc) =	sbr.rel $0x88, $3  }
0x1: {  	(tag) =	ssettag $0x0;
	lr =	simm.s32 $0x1  }
0x2: {  	[smem:$0x3F97] =	sst lr;
	_ =	strace $0xD0000000  }
0x3: {  	_ = 	snop  }
0x4: {  	_ = 	snop  }
0x5: {  	_ = 	snop  }
0x6: {  	_ = 	snop  }
0x7: {  	_ = 	snop  }
__scs_overlays_trampoline_lowered:
0x8: {  	[smem:$0x3FA6] =	sst s0  }
0x9: {  	[smem:$0x3FA7] =	sst s1  }
0xa: {  	[smem:$0x3FA8] =	sst s2  }
0xb: {  	[smem:$0x3FA9] =	sst s3  }
0xc: {  	[smem:$0x3FAA] =	sst s4  }
0xd: {  	[smem:$0x3FAB] =	sst s5  }
0xe: {  	[smem:$0x3FAC] =	sst s6  }
0xf: {  	[smem:$0x3FAD] =	sst s7  }
0x10: {  	[smem:$0x3FAE] =	sst s8  }
0x11: {  	[smem:$0x3FAF] =	sst s9;
	s0 =	simm.s32 @!p0 $0x0  }
0x12: {  	s1 =	sld [smem:$0x3F95];
	s0 =	simm.s32 @p0 $0x1  }
0x13: {  	[smem:$0x3FB0] =	sst s0;
	s0 =	simm.s32 @!p1 $0x0  }
0x14: {  	s2 =	sld [smem:$0x3F94];
	s0 =	simm.s32 @p1 $0x1  }
0x15: {  	[smem:$0x3FB1] =	sst s0;
	s0 =	simm.s32 @!p2 $0x0  }
0x16: {  	s3 =	sld [smem:$0x3FDB];
	s0 =	simm.s32 @p2 $0x1  }
0x17: {  	s4 =	simm.s32 $0x1BF5;
	[smem:$0x3FB3] =	sst s0  }
0x18: {  	s0 =	sld [smem:$0x3F96];
	_ =	swait.ge [sflag:s4], $0x0  }
0x19: {  	s7 =	sld [smem:$0x3F97]  }
0x1a: {  	s8 =	sadd.s32 $0xFFFFE003, lr  }
0x1b: {  	s9 =	sadd.s32 $0xFFFFFEF7, lr;
	s5 =	simm.s32 $0xFFFFFFFF;
	p2 =	slt.u32 s8, $0xFFFFF086  }
0x1c: {  	p1 =	slt.u32 s9, $0xF7A;
	s5 =	simm.s32 @!p2 $0x0  }
0x1d: {  	s5 =	simm.s32 @p1 $0x1;
	p0 =	seq.s32 s7, s2  }
0x1e: {  	s7 =	smul.u32 @!p0 $0xF7A, s2;
	p2 =	seq.s32 @!p0 s5, $0x0  }
0x1f: {  	s9 =	smul.u32 $0xF7A, s1;
	s8 =	simm.s32 @!p0 $0x1BF5;
	p2 =	por !p2, p0  }
0x20: {  	[sflag:s8] =	ssyncset.s32 @!p0 $0xFFFFF086;
	s6 =	sadd.s32 @!p0 s3, s7;
	s7 =	simm.s32 @!p0 $0x108  }
0x21: {  	s3 =	sadd.s32 s3, s9;
	s6 =	sadd.s32 @!p0 $0x88, s6;
	s7 =	simm.s32 @p2 $0x1082  }
0x22: {  	[simem:s7], [sflag:s8] =	dma.local @!p0 [hbm:s6], $0xF7A  }
0x23: {  	s9 =	sor.u32 $0xD0000000, s2;
	s6 =	simm.s32 $0x108;
	_ =	swait.ge @!p0 [sflag:s8], $0x0  }
0x24: {  	s3 =	sadd.s32 $0x88, s3;
	s6 =	simm.s32 @!p1 $0x1082;
	[sflag:s4] =	ssyncset.s32 $0xFFFFF086  }
0x25: {  	[simem:s6], [sflag:s4] =	dma.local [hbm:s3], $0xF7A  }
0x26: {  	[smem:$0x3F97] =	sst s1;
	(tag) =	ssettag s2;
	_ =	strace s9  }
0x27: {  	s1 =	sld [smem:$0x3FA7]  }
0x28: {  	s2 =	sld [smem:$0x3FA8]  }
0x29: {  	s4 =	sld [smem:$0x3FAA]  }
0x2a: {  	p0 =	seq.s32 s5, $0x0;
	s5 =	sld [smem:$0x3FAB]  }
0x2b: {  	s6 =	sld [smem:$0x3FAC]  }
0x2c: {  	s7 =	sld [smem:$0x3FAD]  }
0x2d: {  	s3 =	simm.s32 $0x108;
	s8 =	sld [smem:$0x3FAE]  }
0x2e: {  	s3 =	simm.s32 @!p0 $0x1082;
	s9 =	sld [smem:$0x3FAF]  }
0x2f: {  	lr =	sadd.s32 s0, s3;
	s0 =	sld [smem:$0x3FA6]  }
0x30: {  	s3 =	sld [smem:$0x3FA9]  }
0x31: {  	[smem:$0x3FB2] =	sst s10  }
0x32: {  	s10 =	sld [smem:$0x3FB0];
	_ =	sdelay $0x3  }
0x33: {  	p0 =	seq.s32 s10, $0x1;
	s10 =	sld [smem:$0x3FB2];
	_ =	sdelay $0x3  }
0x34: {  	[smem:$0x3FB2] =	sst s10  }
0x35: {  	s10 =	sld [smem:$0x3FB1];
	_ =	sdelay $0x3  }
0x36: {  	p1 =	seq.s32 s10, $0x1;
	s10 =	sld [smem:$0x3FB2];
	_ =	sdelay $0x3  }
0x37: {  	[smem:$0x3FB2] =	sst s10  }
0x38: {  	s10 =	sld [smem:$0x3FB3]  }
0x39: {  	_ = 	snop;
	(pc) =	sbr.ind lr, $3  }
0x3a: {  	_ = 	snop  }
0x3b: {  	_ = 	snop  }
0x3c: {  	p2 =	seq.s32 s10, $0x1;
	s10 =	sld [smem:$0x3FB2]  }
0x3d: {  	_ =	shalt  }
0x3e: {  	_ =	shalt  }
0x3f: {  	_ =	shalt  }
0x40: {  	_ =	shalt  }
0x41: {  	_ =	shalt  }
0x42: {  	_ =	shalt  }
0x43: {  	_ =	shalt  }
0x44: {  	_ =	shalt  }
0x45: {  	_ =	shalt  }
0x46: {  	_ =	shalt  }
0x47: {  	_ =	shalt  }
0x48: {  	_ =	shalt  }
0x49: {  	_ =	shalt  }
0x4a: {  	_ =	shalt  }
0x4b: {  	_ =	shalt  }
0x4c: {  	_ =	shalt  }
0x4d: {  	_ =	shalt  }
0x4e: {  	_ =	shalt  }
0x4f: {  	_ =	shalt  }
0x50: {  	_ =	shalt  }
0x51: {  	_ =	shalt  }
0x52: {  	_ =	shalt  }
0x53: {  	_ =	shalt  }
0x54: {  	_ =	shalt  }
0x55: {  	_ =	shalt  }
0x56: {  	_ =	shalt  }
0x57: {  	_ =	shalt  }
0x58: {  	_ =	shalt  }
0x59: {  	_ =	shalt  }
0x5a: {  	_ =	shalt  }
0x5b: {  	_ =	shalt  }
0x5c: {  	_ =	shalt  }
0x5d: {  	_ =	shalt  }
0x5e: {  	_ =	shalt  }
0x5f: {  	_ =	shalt  }
0x60: {  	_ =	shalt  }
0x61: {  	_ =	shalt  }
0x62: {  	_ =	shalt  }
0x63: {  	_ =	shalt  }
0x64: {  	_ =	shalt  }
0x65: {  	_ =	shalt  }
0x66: {  	_ =	shalt  }
0x67: {  	_ =	shalt  }
0x68: {  	_ =	shalt  }
0x69: {  	_ =	shalt  }
0x6a: {  	_ =	shalt  }
0x6b: {  	_ =	shalt  }
0x6c: {  	_ =	shalt  }
0x6d: {  	_ =	shalt  }
0x6e: {  	_ =	shalt  }
0x6f: {  	_ =	shalt  }
0x70: {  	_ =	shalt  }
0x71: {  	_ =	shalt  }
0x72: {  	_ =	shalt  }
0x73: {  	_ =	shalt  }
0x74: {  	_ =	shalt  }
0x75: {  	_ =	shalt  }
0x76: {  	_ =	shalt  }
0x77: {  	_ =	shalt  }
0x78: {  	_ =	shalt  }
0x79: {  	_ =	shalt  }
0x7a: {  	_ =	shalt  }
0x7b: {  	_ =	shalt  }
0x7c: {  	_ =	shalt  }
0x7d: {  	_ =	shalt  }
0x7e: {  	_ =	shalt  }
0x7f: {  	_ =	shalt  }
0x80: {  	_ =	shalt  }
0x81: {  	_ =	shalt  }
0x82: {  	_ =	shalt  }
0x83: {  	_ =	shalt  }
0x84: {  	_ =	shalt  }
0x85: {  	_ =	shalt  }
0x86: {  	_ =	shalt  }
0x87: {  	_ =	shalt  }
.Lfunc_end0:
.L_simem_size_0:
called_computation_lowered:
.L_overlay_start_0:
0x88: {  	s2 =	sld [smem:$0x3FD9]  }
0x89: {  	s3 =	sld [smem:$0x3FFE];
	_ =	sdelay $0x1  }
0x8a: {  	s1 =	srdreg.scid  }
0x8b: {  	s0 =	sand.u32 $0x1, s1  }
0x8c: {  	s15 =	sshll.u32 s0, $0xA;
	s2 =	sadd.s32 s3, s2  }
0x8d: {  	s2 =	sadd.s32 s2, s15  }
0x8e: {  	[smem:$0x3FBE] =	sst s2  }
0x8f: {  	_ = 	snop  }
0x90: {  	s2 =	sld [smem:$0x3FD0];
	_ =	sdelay $0x2  }
0x91: {  	s16 =	simm.s32 $0xB;
	s4 =	simm.s32 $0x10  }
0x92: {  	[smem:s4], [sflag:s16] =	dma.local [hbm:s2], $0x1  }
0x93: {  	_ =	swait.eq [sflag:s16], $0x1  }
0x94: {  	[sflag:s16] =	ssyncset.done $0x0  }
0x95: {  	[sflag:s16] =	ssyncadd.s32 $0xFFFFFFFF  }
0x96: {  	s17 =	sld [smem:$0x12];
	(tm) =	ssettm $0x1  }
0x97: {  	s18 =	sld [smem:$0x3FFB];
	_ =	sdelay $0x3  }
0x98: {  	_ =	strace s18  }
0x99: {  	s2 =	sld [smem:$0x3FFC];
	_ =	sdelay $0x3  }
0x9a: {  	_ =	strace s2  }
0x9b: {  	s2 =	sld [smem:$0x3FFD];
	_ =	sdelay $0x3  }
0x9c: {  	_ =	strace s2  }
0x9d: {  	_ =	strace $0x8FFFFFFF  }
0x9e: {  	s19 =	sld [smem:$0x3FDB];
	_ =	sdelay $0x1  }
0x9f: {  	s20 =	simm.s32 $_scs_section_size  }
0xa0: {  	s5 =	simm.s32 $_size__tile_overlayer_lowered;
	s6 =	simm.s32 $_tile_overlayer_lowered  }
0xa1: {  	s7 =	simm.s32 $0x1BFF;
	s21 =	sshll.u32 s6, $0x1;
	s4 =	sadd.s32 s20, s19  }
0xa2: {  	s22 =	simm.s32 $0x0;
	s5 =	sshll.u32 s5, $0x1;
	s6 =	sadd.s32 s21, s4  }
0xa3: {  	[timem:s22], [sflag:s7] =	dma.local [hbm:s6], s5  }
0xa4: {  	_ =	swait.ge [sflag:s7], s5  }
0xa5: {  	s5 =	ssub.s32 $0x0, s5;
	[sflag:s7] =	ssyncset.done $0x0  }
0xa6: {  	[sflag:s7] =	ssyncadd.s32 s5;
	_ =	sdelay $0x1  }
0xa7: {  	s23 =	simm.s32 $0x1B8B  }
0xa8: {  	_ =	swait.ge [sflag:s23], $0x1  }
0xa9: {  	[sflag:s23] =	ssyncset.done $0x0  }
0xaa: {  	[sflag:s23] =	ssyncadd.s32 $0xFFFFFFFF  }
0xab: {  	s5 =	sld [smem:$0x0]  }
0xac: {  	s6 =	sand.u32 $0xFFFFFFFE, s1  }
0xad: {  	p0 =	sne.s32 s1, s6  }
0xae: {  	s6 =	sshll.u32 @p0 s6, $0xE  }
0xaf: {  	s6 =	sadd.s32 @p0 $0x11B8D, s6;
	s7 =	sshll.u32 @p0 s5, $0x11  }
0xb0: {  	s6 =	sor.u32 @p0 s7, s6  }
0xb1: {  	[sflag:s6] =	ssyncadd.remote.s32 @p0 $0x1;
	_ =	sdelay $0x1  }
0xb2: {  	s6 =	simm.s32 @p0 $0x1B8D  }
0xb3: {  	_ =	swait.eq @p0 [sflag:s6], $0x1  }
0xb4: {  	[sflag:s6] =	ssyncadd.s32 @p0 $0xFFFFFFFF  }
0xb5: {  	s7 =	sshll.u32 @!p0 s1, $0xE  }
0xb6: {  	s7 =	sor.u32 @!p0 $0x4000, s7;
	s6 =	simm.s32 @!p0 $0x1B8D  }
0xb7: {  	s5 =	sshll.u32 @!p0 s5, $0x11;
	s7 =	sadd.s32 @!p0 $0x11B8D, s7;
	_ =	swait.eq @!p0 [sflag:s6], $0x1  }
0xb8: {  	s5 =	sor.u32 @!p0 s5, s7;
	[sflag:s6] =	ssyncadd.s32 @!p0 $0xFFFFFFFF  }
0xb9: {  	s25 =	simm.s32 $0x1B8E;
	s24 =	sld [smem:$0x3FFE];
	[sflag:s5] =	ssyncadd.remote.s32 @!p0 $0x1  }
0xba: {  	s26 =	simm.s32 $execute0_lowered;
	[smem:$0x3FD2] =	sst s25  }
0xbb: {  	s6 =	sshll.u32 s26, $0x1;
	_ =	strace $0x80000049;
	[dreg:$0x1] =	wrdreg $0xFFFFFFFF  }
0xbc: {  	s28 =	simm.s32 $_size_execute0_lowered;
	s4 =	sadd.s32 s4, s6;
	[dreg:$0x0] =	wrdreg $0x0  }
0xbd: {  	s6 =	sshll.u32 s28, $0x1;
	[dreg:$0x2] =	wrdreg s4  }
0xbe: {  	[dreg:$0x3] =	wrdreg s6  }
0xbf: {  	[dreg:$0x4] =	wrdreg $0xC0  }
0xc0: {  	_ =	task [dreg:s22], $0x5FFFF  }
0xc1: {  	[dreg:$0x1] =	wrdreg $0xFFFFFFFF  }
0xc2: {  	[dreg:$0x0] =	wrdreg $0x60  }
0xc3: {  	[dreg:$0x2] =	wrdreg s24  }
0xc4: {  	[dreg:$0x3] =	wrdreg s17  }
0xc5: {  	[dreg:$0x4] =	wrdreg $0xA0000  }
0xc6: {  	[dreg:$0x5] =	wrdreg $0x9  }
0xc7: {  	_ =	task.clear_ibuf [dreg:s22], $0x6FFFF;
	_ =	strace $0x90000049  }
0xc8: {  	s29 =	simm.s32 $0x9;
	_ =	strace $0x8000004B  }
0xc9: {  	_ =	swait.ge [sflag:s29], $0x1  }
0xca: {  	[sflag:s29] =	ssyncadd.s32 $0xFFFFFFFF  }
0xcb: {  	_ =	strace $0x9000004B  }
0xcc: {  	_ =	sfence  }
0xcd: {  	s30 =	sld [smem:$0x0];
	_ =	sdelay $0x2  }
0xce: {  	s31 =	sshll.u32 s1, $0xD;
	s1 =	sshrl.u32 s1, $0x2  }
0xcf: {  	s4 =	sand.u32 $0x4000, s31;
	s1 =	sadd.s32 s1, s30  }
0xd0: {  	s0 =	sor.u32 s4, s0;
	s1 =	sshll.u32 s1, $0x11  }
0xd1: {  	s0 =	sor.u32 s1, s0  }
0xd2: {  	s0 =	sadd.s32 $0x8F2B, s0  }
0xd3: {  	[sflag:s0] =	ssyncadd.remote.s32 $0x1  }
0xd4: {  	_ =	sfence.sel $0xFFFF  }
0xd5: {  	[dreg:$0x0] =	wrdreg $0xFFFFFFFF;
	(pc) =	sbr.abs _section_cstart, $3  }
0xd6: {  	[dreg:$0x1] =	wrdreg $0xFFFFFFFF  }
0xd7: {  	_ =	task.clear_ibuf [dreg:s22], $0x2FFFF;
	_ =	strace $0x9FFFFFFF  }
0xd8: {  	(tm) =	ssettm $0x7FFFFFFF  }
0xd9: {  	_ =	shalt  }
tec
execute0_lowered:
.L_overlay_start_1:
0x0: {  	(tag) =	ssettag $0x1  }
0x1: {  	s0 =	rddreg [dreg:$0x0]  }
0x2: {  	s1 =	rddreg [dreg:$0x1]  }
0x3: {  	s2 =	rddreg [dreg:$0x2];
	s3 =	srdreg.scid;
	s4 =	simm.s32 $0x0  }
0x4: {  	s22 =	stileid.u32;
	s17 =	simm.s32 $0x3;
	s19 =	simm.s32 $0x80  }
0x5: {  	s20 =	simm.s32 $0x2000;
	s21 =	simm.s32 $0x6000;
	s28 =	simm.s32 $0x0  }
0x6: {  	s7 =	sand.u32 $0x1, s3;
	[smem:$0x7FF] =	sst s4;
	s9 =	smul.u32 $0x13C00, s22  }
0x7: {  	s5 =	sadd.s32 $0x327000, s0;
	s6 =	sadd.s32 $0x4000, s0;
	s11 =	smul.u32 $0x4F000, s22  }
0x8: {  	s29 =	sshll.u32 s22, $0x6;
	s8 =	smul.u32 $0x13C000, s7;
	s23 =	sshll.u32 s7, $0x4  }
0x9: {  	_ =	strace $0x8000004A;
	s10 =	ssub.s32 $0x2, s7;
	s24 =	sor.u32 s22, s23  }
0xa: {  	s25 =	sshrl.u32 s10, $0x1;
	s26 =	sshrl.u32 s11, $0x2;
	s8 =	sadd.s32 s9, s8  }
0xb: {  	s7 =	smul.u32 $0x2800, s24;
	s15 =	ssub.s32 s10, s25;
	s16 =	sadd.s32 s26, s2  }
0xc: {  	s9 =	sor.u32 $0x1C03, s29;
	s24 =	simm.s32 $0x1;
	s25 =	simm.s32 $0x4  }
.Ltmp0:
0xd: {  	s26 =	simm.s32 $0x2;
	s8 =	sshrl.u32 s8, $0x3;
	(pc) =	sbr.rel .LBB2_1-.Ltmp0, $4  }
0xe: {  	s15 =	smax.u32 s15, $0x1;
	s0 =	sadd.s32 s8, s0;
	s30 =	sshrl.u32 s7, $0x3  }
0xf: {  	s16 =	sshrl.u32 s16, $0x3;
	s31 =	sadd.s32 $0x18000, s0;
	s13 =	sadd.s32 $0x100, s30  }
0x10: {  	s10 =	sadd.s32 s1, s30;
	s11 =	sadd.s32 s6, s30;
	s14 =	sadd.s32 $0xB6000, s0  }
0x11: {  	[dreg:$0x4] =	wrdreg s31;
	s12 =	sadd.s32 s1, s13;
	s13 =	sadd.s32 s6, s13  }
.LBB2_4:
0x12: {  	s28 =	sadd.s32 $0x1, s28  }
0x13: {  	p0 =	sne.s32 s28, s15  }
.Ltmp1:
0x14: {  	[bflag:$0x0] =	sbarrier.arrive $0xFFFF;
	(pc) =	sbr.rel @!p0 .LBB2_5-.Ltmp1, $4  }
0x15: {  	[hbm:s14], [sflag:s9] =	dma.local [spmem:s16], $0x2780  }
0x16: {  	_ =	swait.ge [sflag:s17], $0x2780  }
0x17: {  	[sflag:s17] =	ssyncset.done $0x0  }
0x18: {  	[sflag:s17] =	ssyncadd.s32 $0xFFFFD880  }
.LBB2_1:
0x19: {  	s0 =	rddreg [dreg:$0x4]  }
0x1a: {  	[spmem:s16], [sflag:s9] =	dma.local [hbm:s0], $0x2780  }
0x1b: {  	_ =	swait.ge [sflag:s17], $0x2780  }
0x1c: {  	[sflag:s17] =	ssyncset.done $0x0  }
0x1d: {  	[sflag:s17] =	ssyncadd.s32 $0xFFFFD880  }
0x1e: {  	[bflag:$0x0] =	sbarrier.arrive $0xFFFF  }
0x1f: {  	[tilespmem:s4], [sflag:$0x3] =	stream.linear.gather [hbm4b:s10+s4], $0x800, $0x38;
	[tilespmem:$0x1DC00] =	vst v63  }
0x20: {  	_ =	swait.ge [sflag:s17], $0x800  }
0x21: {  	[sflag:s17] =	ssyncset.done $0x0  }
0x22: {  	s22 =	simm.s32 $0x1000;
	[sflag:s17] =	ssyncadd.s32 $0xFFFFF800  }
0x23: {  	[tilespmem:s22], [sflag:$0x3] =	stream.linear.gather [hbm4b:s11+s4], $0x800, $0x38;
	[tilespmem:$0x1DC00] =	vst v63  }
0x24: {  	_ =	swait.ge [sflag:s17], $0x800  }
0x25: {  	[sflag:s17] =	ssyncset.done $0x0  }
0x26: {  	[sflag:s17] =	ssyncadd.s32 $0xFFFFF800  }
0x27: {  	[tilespmem:s20], [sflag:$0x1] =	stream.indirect.gather [hbm4b:s5+s19], $0x80, s4, s19, $0xb8;
	[tilespmem:$0x1DC00] =	vst v63  }
0x28: {  	_ = 	snop  }
0x29: {  	[tilespmem:s21], [sflag:$0x2] =	stream.indirect.gather [hbm4b:s5+s19], $0x80, s19, s19, $0xb8;
	[tilespmem:$0x1DC00] =	vst v63  }
0x2a: {  	s23 =	simm.s32 $0x800  }
0x2b: {  	[tilespmem:s23], [sflag:$0x3] =	stream.linear.gather [hbm4b:s12+s4], $0x800, $0x38;
	[tilespmem:$0x1DC00] =	vst v63  }
0x2c: {  	_ =	swait.ge [sflag:s17], $0x800  }
0x2d: {  	[sflag:s17] =	ssyncset.done $0x0  }
0x2e: {  	s30 =	simm.s32 $0x1800;
	[sflag:s17] =	ssyncadd.s32 $0xFFFFF800  }
0x2f: {  	[tilespmem:s30], [sflag:$0x3] =	stream.linear.gather [hbm4b:s13+s4], $0x800, $0x38;
	[tilespmem:$0x1DC00] =	vst v63  }
0x30: {  	_ =	swait.ge [sflag:s17], $0x800  }
0x31: {  	s29 =	simm.s32 $0x0;
	[sflag:s17] =	ssyncset.done $0x0  }
0x32: {  	s31 =	simm.s32 $0x0;
	s0 =	simm.s32 $0x0;
	[sflag:s17] =	ssyncadd.s32 $0xFFFFF800  }
.LBB2_2:
0x33: {  	s30 =	sshrl.u32 s31, $0x3  }
0x34: {  	s3 =	sand.u32 $0xE, s29;
	_ =	swait.ge [sflag:s24], $0x4000;
	p0 =	seq.s32 s31, $0x27  }
0x35: {  	s18 =	sshll.u32 s30, $0xB;
	s23 =	sshll.u32 s3, $0x7;
	[sflag:s24] =	ssyncset.done $0x0  }
0x36: {  	s8 =	simm.s32 @!p0 $0x2000;
	p1 =	sne.s32 @!p0 s3, $0x2;
	s22 =	sand.u32 $0x800, s18  }
0x37: {  	s3 =	sadd.s32 @!p0 $0xFFFFFFFF, s30;
	p2 =	por p1, p0;
	s22 =	sor.u32 s23, s22  }
0x38: {  	[sflag:s24] =	ssyncadd.s32 $0xFFFFC000;
	p2 =	sgt.u32 @!p2 s3, $0x2;
	s22 =	sor.u32 $0x1000, s22  }
0x39: {  	[spmem:s2] =	stream.indirect.scatter.add.f32 [tilespmem:s20], [sflag:$0x4], $0x80, s22, s19, $0xb8;
	[tilespmem:$0x1DC00] =	vst v63  }
0x3a: {  	s23 =	simm.s32 @!p0 $0x80;
	p1 =	por @!p0 p2, p1;
	_ =	swait.ge [sflag:s25], $0x4000  }
0x3b: {  	s22 =	sadd.s32 @!p0 $0x100, s0;
	p1 =	por p1, p0;
	[sflag:s25] =	ssyncset.done $0x0  }
0x3c: {  	s22 =	sand.u32 @!p0 $0xF00, s22;
	s3 =	sadd.s32 @!p1 $0x800, s18;
	[sflag:s25] =	ssyncadd.s32 $0xFFFFC000  }
0x3d: {  	[tilespmem:s8], [sflag:$0x1] =	stream.indirect.gather @!p0 [hbm4b:s5+s23], $0x80, s22, s23, $0xb8;
	[tilespmem:$0x1DC00] =	vst v63  }
0x3e: {  	s8 =	sadd.s32 @!p1 s7, s3  }
0x3f: {  	s8 =	sshrl.u32 @!p1 s8, $0x3  }
0x40: {  	s3 =	sand.u32 @!p1 $0x800, s3;
	s22 =	simm.s32 @!p1 $0x0;
	s18 =	sadd.s32 @!p1 s1, s8  }
0x41: {  	[tilespmem:s3], [sflag:$0x4] =	stream.linear.gather @!p1 [hbm4b:s18+s22], $0x800, $0x38;
	[tilespmem:$0x1DC00] =	vst v63  }
0x42: {  	s18 =	simm.s32 @!p1 $0x4  }
0x43: {  	_ =	swait.ge @!p1 [sflag:s18], $0x800  }
0x44: {  	[sflag:s18] =	ssyncset.done @!p1 $0x0  }
0x45: {  	s8 =	sadd.s32 @!p1 s6, s8;
	s3 =	sor.u32 @!p1 $0x1000, s3;
	[sflag:s18] =	ssyncadd.s32 @!p1 $0xFFFFF800  }
0x46: {  	[tilespmem:s3], [sflag:$0x4] =	stream.linear.gather @!p1 [hbm4b:s8+s22], $0x800, $0x38;
	[tilespmem:$0x1DC00] =	vst v63  }
0x47: {  	_ =	swait.ge @!p1 [sflag:s18], $0x800  }
0x48: {  	[sflag:s18] =	ssyncset.done @!p1 $0x0  }
0x49: {  	s30 =	smov.u32 s0;
	[sflag:s18] =	ssyncadd.s32 @!p1 $0xFFFFF800  }
0x4a: {  	s30 =	simm.s32 @p0 $0x2700;
	_ =	swait.ge [sflag:s26], $0x4000  }
0x4b: {  	s23 =	sand.u32 $0xF00, s30;
	[sflag:s26] =	ssyncset.done $0x0  }
.Ltmp2:
0x4c: {  	s3 =	sor.u32 $0x1080, s23;
	[sflag:s26] =	ssyncadd.s32 $0xFFFFC000;
	(pc) =	sbr.rel @p0 .LBB2_4-.Ltmp2, $4  }
0x4d: {  	[spmem:s2] =	stream.indirect.scatter.add.f32 [tilespmem:s21], [sflag:$0x4], $0x80, s3, s19, $0xb8;
	[tilespmem:$0x1DC00] =	vst v63  }
0x4e: {  	_ =	swait.ge [sflag:s25], $0x4000  }
0x4f: {  	[sflag:s25] =	ssyncset.done $0x0  }
0x50: {  	[sflag:s25] =	ssyncadd.s32 $0xFFFFC000  }
.Ltmp3:
0x51: {  	(pc) =	sbr.rel .LBB2_2-.Ltmp3, $4  }
0x52: {  	_ = 	snop  }
0x53: {  	s3 =	sadd.s32 $0x180, s30;
	s31 =	sadd.s32 $0x1, s31  }
0x54: {  	s0 =	sadd.s32 $0x100, s0;
	s29 =	sadd.s32 $0x2, s29;
	s3 =	sand.u32 $0xF80, s3  }
0x55: {  	[tilespmem:s21], [sflag:$0x2] =	stream.indirect.gather [hbm4b:s5+s19], $0x80, s3, s19, $0xb8;
	[tilespmem:$0x1DC00] =	vst v63  }
.LBB2_5:
0x56: {  	_ =	sfence.sel $0x180000  }
0x57: {  	[bflag:$0x0] =	sbarrier.arrive $0xFFFF  }
0x58: {  	_ =	strace $0x9000004A  }
0x59: {  	s0 =	stileid.u32;
	[bflag:$0x2] =	sbarrier.arrive $0xFFFF  }
0x5a: {  	p0 =	sne.s32 s0, $0x0;
	s0 =	rddreg [dreg:$0x3]  }
0x5b: {  	s0 =	sadd.s32 @!p0 $0x100000, s0  }
0x5c: {  	[sflag:s0] =	ssyncadd.tile.s32 @!p0 $0x1;
	_ =	shalt  }
.Lfunc_end2:
_tile_overlayer_lowered:
.L_overlay_start_2:
0x5d: {  	(tag) =	ssettag $0x2  }
0x5e: {  	s0 =	rddreg [dreg:$0x0];
	s2 =	stileid.u32  }
0x5f: {  	s1 =	rddreg [dreg:$0x1];
	p0 =	sne.s32 s2, $0x0  }
0x60: {  	s3 =	rddreg [dreg:$0x2];
	[bflag:$0x3] =	sbarrier.arrive $0xFFFF;
	s2 =	simm.s32 @!p0 $0x1C03  }
0x61: {  	[timem:s3], [sflag:s2] =	dma.local @!p0 [hbm:s0], s1  }
0x62: {  	s0 =	simm.s32 @!p0 $0x3  }
0x63: {  	_ =	swait.ge @!p0 [sflag:s0], s1  }
0x64: {  	s1 =	ssub.s32 @!p0 $0x0, s1;
	[sflag:s0] =	ssyncset.done @!p0 $0x0  }
0x65: {  	[sflag:s0] =	ssyncadd.s32 @!p0 s1  }
0x66: {  	[bflag:$0x3] =	sbarrier.arrive $0xFFFF  }
0x67: {  	_ =	shalt  }

// kernel: kernel.14.cloned.1.call-start
scs
__scs_entry_jumppad:
0x0: {  	(pc) =	sbr.rel $0x88, $3  }
0x1: {  	(tag) =	ssettag $0x0;
	lr =	simm.s32 $0x1  }
0x2: {  	[smem:$0x3F97] =	sst lr;
	_ =	strace $0xD0000000  }
0x3: {  	_ = 	snop  }
0x4: {  	_ = 	snop  }
0x5: {  	_ = 	snop  }
0x6: {  	_ = 	snop  }
0x7: {  	_ = 	snop  }
__scs_overlays_trampoline_lowered:
0x8: {  	[smem:$0x3FA6] =	sst s0  }
0x9: {  	[smem:$0x3FA7] =	sst s1  }
0xa: {  	[smem:$0x3FA8] =	sst s2  }
0xb: {  	[smem:$0x3FA9] =	sst s3  }
0xc: {  	[smem:$0x3FAA] =	sst s4  }
0xd: {  	[smem:$0x3FAB] =	sst s5  }
0xe: {  	[smem:$0x3FAC] =	sst s6  }
0xf: {  	[smem:$0x3FAD] =	sst s7  }
0x10: {  	[smem:$0x3FAE] =	sst s8  }
0x11: {  	[smem:$0x3FAF] =	sst s9;
	s0 =	simm.s32 @!p0 $0x0  }
0x12: {  	s1 =	sld [smem:$0x3F95];
	s0 =	simm.s32 @p0 $0x1  }
0x13: {  	[smem:$0x3FB0] =	sst s0;
	s0 =	simm.s32 @!p1 $0x0  }
0x14: {  	s2 =	sld [smem:$0x3F94];
	s0 =	simm.s32 @p1 $0x1  }
0x15: {  	[smem:$0x3FB1] =	sst s0;
	s0 =	simm.s32 @!p2 $0x0  }
0x16: {  	s3 =	sld [smem:$0x3FDB];
	s0 =	simm.s32 @p2 $0x1  }
0x17: {  	s4 =	simm.s32 $0x1BF5;
	[smem:$0x3FB3] =	sst s0  }
0x18: {  	s0 =	sld [smem:$0x3F96];
	_ =	swait.ge [sflag:s4], $0x0  }
0x19: {  	s7 =	sld [smem:$0x3F97]  }
0x1a: {  	s8 =	sadd.s32 $0xFFFFE003, lr  }
0x1b: {  	s9 =	sadd.s32 $0xFFFFFEF7, lr;
	s5 =	simm.s32 $0xFFFFFFFF;
	p2 =	slt.u32 s8, $0xFFFFF086  }
0x1c: {  	p1 =	slt.u32 s9, $0xF7A;
	s5 =	simm.s32 @!p2 $0x0  }
0x1d: {  	s5 =	simm.s32 @p1 $0x1;
	p0 =	seq.s32 s7, s2  }
0x1e: {  	s7 =	smul.u32 @!p0 $0xF7A, s2;
	p2 =	seq.s32 @!p0 s5, $0x0  }
0x1f: {  	s9 =	smul.u32 $0xF7A, s1;
	s8 =	simm.s32 @!p0 $0x1BF5;
	p2 =	por !p2, p0  }
0x20: {  	[sflag:s8] =	ssyncset.s32 @!p0 $0xFFFFF086;
	s6 =	sadd.s32 @!p0 s3, s7;
	s7 =	simm.s32 @!p0 $0x108  }
0x21: {  	s3 =	sadd.s32 s3, s9;
	s6 =	sadd.s32 @!p0 $0x88, s6;
	s7 =	simm.s32 @p2 $0x1082  }
0x22: {  	[simem:s7], [sflag:s8] =	dma.local @!p0 [hbm:s6], $0xF7A  }
0x23: {  	s9 =	sor.u32 $0xD0000000, s2;
	s6 =	simm.s32 $0x108;
	_ =	swait.ge @!p0 [sflag:s8], $0x0  }
0x24: {  	s3 =	sadd.s32 $0x88, s3;
	s6 =	simm.s32 @!p1 $0x1082;
	[sflag:s4] =	ssyncset.s32 $0xFFFFF086  }
0x25: {  	[simem:s6], [sflag:s4] =	dma.local [hbm:s3], $0xF7A  }
0x26: {  	[smem:$0x3F97] =	sst s1;
	(tag) =	ssettag s2;
	_ =	strace s9  }
0x27: {  	s1 =	sld [smem:$0x3FA7]  }
0x28: {  	s2 =	sld [smem:$0x3FA8]  }
0x29: {  	s4 =	sld [smem:$0x3FAA]  }
0x2a: {  	p0 =	seq.s32 s5, $0x0;
	s5 =	sld [smem:$0x3FAB]  }
0x2b: {  	s6 =	sld [smem:$0x3FAC]  }
0x2c: {  	s7 =	sld [smem:$0x3FAD]  }
0x2d: {  	s3 =	simm.s32 $0x108;
	s8 =	sld [smem:$0x3FAE]  }
0x2e: {  	s3 =	simm.s32 @!p0 $0x1082;
	s9 =	sld [smem:$0x3FAF]  }
0x2f: {  	lr =	sadd.s32 s0, s3;
	s0 =	sld [smem:$0x3FA6]  }
0x30: {  	s3 =	sld [smem:$0x3FA9]  }
0x31: {  	[smem:$0x3FB2] =	sst s10  }
0x32: {  	s10 =	sld [smem:$0x3FB0];
	_ =	sdelay $0x3  }
0x33: {  	p0 =	seq.s32 s10, $0x1;
	s10 =	sld [smem:$0x3FB2];
	_ =	sdelay $0x3  }
0x34: {  	[smem:$0x3FB2] =	sst s10  }
0x35: {  	s10 =	sld [smem:$0x3FB1];
	_ =	sdelay $0x3  }
0x36: {  	p1 =	seq.s32 s10, $0x1;
	s10 =	sld [smem:$0x3FB2];
	_ =	sdelay $0x3  }
0x37: {  	[smem:$0x3FB2] =	sst s10  }
0x38: {  	s10 =	sld [smem:$0x3FB3]  }
0x39: {  	_ = 	snop;
	(pc) =	sbr.ind lr, $3  }
0x3a: {  	_ = 	snop  }
0x3b: {  	_ = 	snop  }
0x3c: {  	p2 =	seq.s32 s10, $0x1;
	s10 =	sld [smem:$0x3FB2]  }
0x3d: {  	_ =	shalt  }
0x3e: {  	_ =	shalt  }
0x3f: {  	_ =	shalt  }
0x40: {  	_ =	shalt  }
0x41: {  	_ =	shalt  }
0x42: {  	_ =	shalt  }
0x43: {  	_ =	shalt  }
0x44: {  	_ =	shalt  }
0x45: {  	_ =	shalt  }
0x46: {  	_ =	shalt  }
0x47: {  	_ =	shalt  }
0x48: {  	_ =	shalt  }
0x49: {  	_ =	shalt  }
0x4a: {  	_ =	shalt  }
0x4b: {  	_ =	shalt  }
0x4c: {  	_ =	shalt  }
0x4d: {  	_ =	shalt  }
0x4e: {  	_ =	shalt  }
0x4f: {  	_ =	shalt  }
0x50: {  	_ =	shalt  }
0x51: {  	_ =	shalt  }
0x52: {  	_ =	shalt  }
0x53: {  	_ =	shalt  }
0x54: {  	_ =	shalt  }
0x55: {  	_ =	shalt  }
0x56: {  	_ =	shalt  }
0x57: {  	_ =	shalt  }
0x58: {  	_ =	shalt  }
0x59: {  	_ =	shalt  }
0x5a: {  	_ =	shalt  }
0x5b: {  	_ =	shalt  }
0x5c: {  	_ =	shalt  }
0x5d: {  	_ =	shalt  }
0x5e: {  	_ =	shalt  }
0x5f: {  	_ =	shalt  }
0x60: {  	_ =	shalt  }
0x61: {  	_ =	shalt  }
0x62: {  	_ =	shalt  }
0x63: {  	_ =	shalt  }
0x64: {  	_ =	shalt  }
0x65: {  	_ =	shalt  }
0x66: {  	_ =	shalt  }
0x67: {  	_ =	shalt  }
0x68: {  	_ =	shalt  }
0x69: {  	_ =	shalt  }
0x6a: {  	_ =	shalt  }
0x6b: {  	_ =	shalt  }
0x6c: {  	_ =	shalt  }
0x6d: {  	_ =	shalt  }
0x6e: {  	_ =	shalt  }
0x6f: {  	_ =	shalt  }
0x70: {  	_ =	shalt  }
0x71: {  	_ =	shalt  }
0x72: {  	_ =	shalt  }
0x73: {  	_ =	shalt  }
0x74: {  	_ =	shalt  }
0x75: {  	_ =	shalt  }
0x76: {  	_ =	shalt  }
0x77: {  	_ =	shalt  }
0x78: {  	_ =	shalt  }
0x79: {  	_ =	shalt  }
0x7a: {  	_ =	shalt  }
0x7b: {  	_ =	shalt  }
0x7c: {  	_ =	shalt  }
0x7d: {  	_ =	shalt  }
0x7e: {  	_ =	shalt  }
0x7f: {  	_ =	shalt  }
0x80: {  	_ =	shalt  }
0x81: {  	_ =	shalt  }
0x82: {  	_ =	shalt  }
0x83: {  	_ =	shalt  }
0x84: {  	_ =	shalt  }
0x85: {  	_ =	shalt  }
0x86: {  	_ =	shalt  }
0x87: {  	_ =	shalt  }
.Lfunc_end0:
.L_simem_size_0:
called_computation.1_lowered:
.L_overlay_start_0:
0x88: {  	s2 =	sld [smem:$0x3FD9]  }
0x89: {  	s3 =	sld [smem:$0x3FFE];
	_ =	sdelay $0x1  }
0x8a: {  	s1 =	srdreg.scid  }
0x8b: {  	s0 =	sand.u32 $0x1, s1  }
0x8c: {  	s14 =	sshll.u32 s0, $0xA;
	s2 =	sadd.s32 s3, s2  }
0x8d: {  	s2 =	sadd.s32 s2, s14  }
0x8e: {  	[smem:$0x3FBE] =	sst s2  }
0x8f: {  	_ = 	snop  }
0x90: {  	s2 =	sld [smem:$0x3FD0];
	_ =	sdelay $0x2  }
0x91: {  	s15 =	simm.s32 $0xB;
	s4 =	simm.s32 $0x10  }
0x92: {  	[smem:s4], [sflag:s15] =	dma.local [hbm:s2], $0x1  }
0x93: {  	_ =	swait.eq [sflag:s15], $0x1  }
0x94: {  	[sflag:s15] =	ssyncset.done $0x0  }
0x95: {  	[sflag:s15] =	ssyncadd.s32 $0xFFFFFFFF  }
0x96: {  	s16 =	sld [smem:$0x11];
	(tm) =	ssettm $0x1  }
0x97: {  	s17 =	sld [smem:$0x3FFB];
	_ =	sdelay $0x3  }
0x98: {  	_ =	strace s17  }
0x99: {  	s3 =	sld [smem:$0x3FFC];
	_ =	sdelay $0x3  }
0x9a: {  	_ =	strace s3  }
0x9b: {  	s3 =	sld [smem:$0x3FFD];
	_ =	sdelay $0x3  }
0x9c: {  	_ =	strace s3  }
0x9d: {  	_ =	strace $0x8FFFFFFF  }
0x9e: {  	s18 =	sld [smem:$0x3FDB];
	_ =	sdelay $0x1  }
0x9f: {  	s19 =	simm.s32 $_scs_section_size  }
0xa0: {  	s5 =	simm.s32 $_size__tile_overlayer_lowered;
	s6 =	simm.s32 $_tile_overlayer_lowered  }
0xa1: {  	s22 =	simm.s32 $0x1BFF;
	s21 =	sshll.u32 s6, $0x1;
	s3 =	sadd.s32 s19, s18  }
0xa2: {  	s7 =	simm.s32 $0x0;
	s20 =	sshll.u32 s5, $0x1;
	s5 =	sadd.s32 s21, s3  }
0xa3: {  	[timem:s7], [sflag:s22] =	dma.local [hbm:s5], s20  }
0xa4: {  	_ =	swait.ge [sflag:s22], s20  }
0xa5: {  	s4 =	ssub.s32 $0x0, s20;
	[sflag:s22] =	ssyncset.done $0x0  }
0xa6: {  	[sflag:s22] =	ssyncadd.s32 s4;
	_ =	sdelay $0x1  }
0xa7: {  	s23 =	simm.s32 $0x1B8B  }
0xa8: {  	_ =	swait.ge [sflag:s23], $0x1  }
0xa9: {  	[sflag:s23] =	ssyncset.done $0x0  }
0xaa: {  	s25 =	simm.s32 $0x1B8E;
	s24 =	sld [smem:$0x3FFE];
	[sflag:s23] =	ssyncadd.s32 $0xFFFFFFFF  }
0xab: {  	s26 =	simm.s32 $execute0_lowered;
	[smem:$0x3FD2] =	sst s25  }
0xac: {  	s5 =	sshll.u32 s26, $0x1;
	_ =	strace $0x80000046;
	[dreg:$0x1] =	wrdreg $0xFFFFFFFF  }
0xad: {  	s28 =	simm.s32 $_size_execute0_lowered;
	s3 =	sadd.s32 s3, s5;
	[dreg:$0x0] =	wrdreg $0x0  }
0xae: {  	s5 =	sshll.u32 s28, $0x1;
	[dreg:$0x2] =	wrdreg s3  }
0xaf: {  	[dreg:$0x3] =	wrdreg s5  }
0xb0: {  	[dreg:$0x4] =	wrdreg $0xC0  }
0xb1: {  	_ =	task [dreg:s7], $0x5FFFF  }
0xb2: {  	[dreg:$0x1] =	wrdreg $0xFFFFFFFF  }
0xb3: {  	[dreg:$0x0] =	wrdreg $0x60  }
0xb4: {  	[dreg:$0x2] =	wrdreg s16  }
0xb5: {  	[dreg:$0x3] =	wrdreg s24  }
0xb6: {  	[dreg:$0x4] =	wrdreg $0xA0000  }
0xb7: {  	[dreg:$0x5] =	wrdreg $0xA  }
0xb8: {  	_ =	task.clear_ibuf [dreg:s7], $0x6FFFF;
	_ =	strace $0x90000046  }
0xb9: {  	s29 =	simm.s32 $0xA;
	_ =	strace $0x80000048  }
0xba: {  	_ =	swait.ge [sflag:s29], $0x1  }
0xbb: {  	[sflag:s29] =	ssyncadd.s32 $0xFFFFFFFF  }
0xbc: {  	_ =	strace $0x90000048  }
0xbd: {  	_ =	sfence  }
0xbe: {  	s30 =	sld [smem:$0x0];
	_ =	sdelay $0x2  }
0xbf: {  	s31 =	sshll.u32 s1, $0xD;
	s1 =	sshrl.u32 s1, $0x2  }
0xc0: {  	s3 =	sand.u32 $0x4000, s31;
	s1 =	sadd.s32 s1, s30  }
0xc1: {  	s0 =	sor.u32 s3, s0;
	s1 =	sshll.u32 s1, $0x11  }
0xc2: {  	s0 =	sor.u32 s1, s0  }
0xc3: {  	s0 =	sadd.s32 $0x8F2B, s0  }
0xc4: {  	[sflag:s0] =	ssyncadd.remote.s32 $0x1  }
0xc5: {  	_ =	sfence.sel $0xFFFF  }
0xc6: {  	[dreg:$0x0] =	wrdreg $0xFFFFFFFF;
	(pc) =	sbr.abs _section_cstart, $3  }
0xc7: {  	[dreg:$0x1] =	wrdreg $0xFFFFFFFF  }
0xc8: {  	_ =	task.clear_ibuf [dreg:s7], $0x2FFFF;
	_ =	strace $0x9FFFFFFF  }
0xc9: {  	(tm) =	ssettm $0x7FFFFFFF  }
tec
execute0_lowered:
.L_overlay_start_1:
0x0: {  	(tag) =	ssettag $0x1  }
0x1: {  	s1 =	rddreg [dreg:$0x0]  }
0x2: {  	s0 =	rddreg [dreg:$0x1]  }
0x3: {  	s2 =	rddreg [dreg:$0x2];
	s3 =	srdreg.scid;
	s4 =	simm.s32 $0x0  }
0x4: {  	s22 =	stileid.u32;
	s17 =	simm.s32 $0x3;
	s19 =	simm.s32 $0x80  }
0x5: {  	s20 =	simm.s32 $0x2000;
	s21 =	simm.s32 $0x6000;
	s28 =	simm.s32 $0x0  }
0x6: {  	s7 =	sand.u32 $0x1, s3;
	[smem:$0x7FF] =	sst s4;
	s9 =	smul.u32 $0x13C00, s22  }
0x7: {  	s5 =	sadd.s32 $0xE000, s0;
	s6 =	sadd.s32 $0x4000, s0;
	s11 =	smul.u32 $0x4F000, s22  }
0x8: {  	s29 =	sshll.u32 s22, $0x6;
	s8 =	smul.u32 $0x13C000, s7;
	s23 =	sshll.u32 s7, $0x4  }
0x9: {  	_ =	strace $0x80000047;
	s10 =	ssub.s32 $0x2, s7;
	s24 =	sor.u32 s22, s23  }
0xa: {  	s25 =	sshrl.u32 s10, $0x1;
	s26 =	sshrl.u32 s11, $0x2;
	s8 =	sadd.s32 s9, s8  }
0xb: {  	s7 =	smul.u32 $0x2800, s24;
	s15 =	ssub.s32 s10, s25;
	s16 =	sadd.s32 s26, s2  }
0xc: {  	s9 =	sor.u32 $0x1C03, s29;
	s24 =	simm.s32 $0x1;
	s25 =	simm.s32 $0x4  }
.Ltmp0:
0xd: {  	s26 =	simm.s32 $0x2;
	s8 =	sshrl.u32 s8, $0x3;
	(pc) =	sbr.rel .LBB2_1-.Ltmp0, $4  }
0xe: {  	s15 =	smax.u32 s15, $0x1;
	s0 =	sadd.s32 s8, s0;
	s30 =	sshrl.u32 s7, $0x3  }
0xf: {  	s16 =	sshrl.u32 s16, $0x3;
	s31 =	sadd.s32 $0x18000, s0;
	s13 =	sadd.s32 $0x100, s30  }
0x10: {  	s10 =	sadd.s32 s5, s30;
	s11 =	sadd.s32 s6, s30;
	s14 =	sadd.s32 $0x67000, s0  }
0x11: {  	[dreg:$0x4] =	wrdreg s31;
	s12 =	sadd.s32 s5, s13;
	s13 =	sadd.s32 s6, s13  }
.LBB2_4:
0x12: {  	s28 =	sadd.s32 $0x1, s28  }
0x13: {  	p0 =	sne.s32 s28, s15  }
.Ltmp1:
0x14: {  	[bflag:$0x0] =	sbarrier.arrive $0xFFFF;
	(pc) =	sbr.rel @!p0 .LBB2_5-.Ltmp1, $4  }
0x15: {  	[hbm:s14], [sflag:s9] =	dma.local [spmem:s16], $0x2780  }
0x16: {  	_ =	swait.ge [sflag:s17], $0x2780  }
0x17: {  	[sflag:s17] =	ssyncset.done $0x0  }
0x18: {  	[sflag:s17] =	ssyncadd.s32 $0xFFFFD880  }
.LBB2_1:
0x19: {  	s0 =	rddreg [dreg:$0x4]  }
0x1a: {  	[spmem:s16], [sflag:s9] =	dma.local [hbm:s0], $0x2780  }
0x1b: {  	_ =	swait.ge [sflag:s17], $0x2780  }
0x1c: {  	[sflag:s17] =	ssyncset.done $0x0  }
0x1d: {  	[sflag:s17] =	ssyncadd.s32 $0xFFFFD880  }
0x1e: {  	[bflag:$0x0] =	sbarrier.arrive $0xFFFF  }
0x1f: {  	[tilespmem:s4], [sflag:$0x3] =	stream.linear.gather [hbm4b:s10+s4], $0x800, $0x38;
	[tilespmem:$0x1DC00] =	vst v63  }
0x20: {  	_ =	swait.ge [sflag:s17], $0x800  }
0x21: {  	[sflag:s17] =	ssyncset.done $0x0  }
0x22: {  	s22 =	simm.s32 $0x1000;
	[sflag:s17] =	ssyncadd.s32 $0xFFFFF800  }
0x23: {  	[tilespmem:s22], [sflag:$0x3] =	stream.linear.gather [hbm4b:s11+s4], $0x800, $0x38;
	[tilespmem:$0x1DC00] =	vst v63  }
0x24: {  	_ =	swait.ge [sflag:s17], $0x800  }
0x25: {  	[sflag:s17] =	ssyncset.done $0x0  }
0x26: {  	[sflag:s17] =	ssyncadd.s32 $0xFFFFF800  }
0x27: {  	[tilespmem:s20], [sflag:$0x1] =	stream.indirect.gather [hbm4b:s1+s19], $0x80, s4, s19, $0xb8;
	[tilespmem:$0x1DC00] =	vst v63  }
0x28: {  	_ = 	snop  }
0x29: {  	[tilespmem:s21], [sflag:$0x2] =	stream.indirect.gather [hbm4b:s1+s19], $0x80, s19, s19, $0xb8;
	[tilespmem:$0x1DC00] =	vst v63  }
0x2a: {  	s23 =	simm.s32 $0x800  }
0x2b: {  	[tilespmem:s23], [sflag:$0x3] =	stream.linear.gather [hbm4b:s12+s4], $0x800, $0x38;
	[tilespmem:$0x1DC00] =	vst v63  }
0x2c: {  	_ =	swait.ge [sflag:s17], $0x800  }
0x2d: {  	[sflag:s17] =	ssyncset.done $0x0  }
0x2e: {  	s30 =	simm.s32 $0x1800;
	[sflag:s17] =	ssyncadd.s32 $0xFFFFF800  }
0x2f: {  	[tilespmem:s30], [sflag:$0x3] =	stream.linear.gather [hbm4b:s13+s4], $0x800, $0x38;
	[tilespmem:$0x1DC00] =	vst v63  }
0x30: {  	_ =	swait.ge [sflag:s17], $0x800  }
0x31: {  	s29 =	simm.s32 $0x0;
	[sflag:s17] =	ssyncset.done $0x0  }
0x32: {  	s31 =	simm.s32 $0x0;
	s0 =	simm.s32 $0x0;
	[sflag:s17] =	ssyncadd.s32 $0xFFFFF800  }
.LBB2_2:
0x33: {  	s30 =	sshrl.u32 s31, $0x3  }
0x34: {  	s3 =	sand.u32 $0xE, s29;
	_ =	swait.ge [sflag:s24], $0x4000;
	p0 =	seq.s32 s31, $0x27  }
0x35: {  	s18 =	sshll.u32 s30, $0xB;
	s23 =	sshll.u32 s3, $0x7;
	[sflag:s24] =	ssyncset.done $0x0  }
0x36: {  	s8 =	simm.s32 @!p0 $0x2000;
	p1 =	sne.s32 @!p0 s3, $0x2;
	s22 =	sand.u32 $0x800, s18  }
0x37: {  	s3 =	sadd.s32 @!p0 $0xFFFFFFFF, s30;
	p2 =	por p1, p0;
	s22 =	sor.u32 s23, s22  }
0x38: {  	[sflag:s24] =	ssyncadd.s32 $0xFFFFC000;
	p2 =	sgt.u32 @!p2 s3, $0x2;
	s22 =	sor.u32 $0x1000, s22  }
0x39: {  	[spmem:s2] =	stream.indirect.scatter.add.f32 [tilespmem:s20], [sflag:$0x4], $0x80, s22, s19, $0xb8;
	[tilespmem:$0x1DC00] =	vst v63  }
0x3a: {  	s23 =	simm.s32 @!p0 $0x80;
	p1 =	por @!p0 p2, p1;
	_ =	swait.ge [sflag:s25], $0x4000  }
0x3b: {  	s22 =	sadd.s32 @!p0 $0x100, s0;
	p1 =	por p1, p0;
	[sflag:s25] =	ssyncset.done $0x0  }
0x3c: {  	s22 =	sand.u32 @!p0 $0xF00, s22;
	s3 =	sadd.s32 @!p1 $0x800, s18;
	[sflag:s25] =	ssyncadd.s32 $0xFFFFC000  }
0x3d: {  	[tilespmem:s8], [sflag:$0x1] =	stream.indirect.gather @!p0 [hbm4b:s1+s23], $0x80, s22, s23, $0xb8;
	[tilespmem:$0x1DC00] =	vst v63  }
0x3e: {  	s8 =	sadd.s32 @!p1 s7, s3  }
0x3f: {  	s8 =	sshrl.u32 @!p1 s8, $0x3  }
0x40: {  	s3 =	sand.u32 @!p1 $0x800, s3;
	s22 =	simm.s32 @!p1 $0x0;
	s18 =	sadd.s32 @!p1 s5, s8  }
0x41: {  	[tilespmem:s3], [sflag:$0x4] =	stream.linear.gather @!p1 [hbm4b:s18+s22], $0x800, $0x38;
	[tilespmem:$0x1DC00] =	vst v63  }
0x42: {  	s18 =	simm.s32 @!p1 $0x4  }
0x43: {  	_ =	swait.ge @!p1 [sflag:s18], $0x800  }
0x44: {  	[sflag:s18] =	ssyncset.done @!p1 $0x0  }
0x45: {  	s8 =	sadd.s32 @!p1 s6, s8;
	s3 =	sor.u32 @!p1 $0x1000, s3;
	[sflag:s18] =	ssyncadd.s32 @!p1 $0xFFFFF800  }
0x46: {  	[tilespmem:s3], [sflag:$0x4] =	stream.linear.gather @!p1 [hbm4b:s8+s22], $0x800, $0x38;
	[tilespmem:$0x1DC00] =	vst v63  }
0x47: {  	_ =	swait.ge @!p1 [sflag:s18], $0x800  }
0x48: {  	[sflag:s18] =	ssyncset.done @!p1 $0x0  }
0x49: {  	s30 =	smov.u32 s0;
	[sflag:s18] =	ssyncadd.s32 @!p1 $0xFFFFF800  }
0x4a: {  	s30 =	simm.s32 @p0 $0x2700;
	_ =	swait.ge [sflag:s26], $0x4000  }
0x4b: {  	s23 =	sand.u32 $0xF00, s30;
	[sflag:s26] =	ssyncset.done $0x0  }
.Ltmp2:
0x4c: {  	s3 =	sor.u32 $0x1080, s23;
	[sflag:s26] =	ssyncadd.s32 $0xFFFFC000;
	(pc) =	sbr.rel @p0 .LBB2_4-.Ltmp2, $4  }
0x4d: {  	[spmem:s2] =	stream.indirect.scatter.add.f32 [tilespmem:s21], [sflag:$0x4], $0x80, s3, s19, $0xb8;
	[tilespmem:$0x1DC00] =	vst v63  }
0x4e: {  	_ =	swait.ge [sflag:s25], $0x4000  }
0x4f: {  	[sflag:s25] =	ssyncset.done $0x0  }
0x50: {  	[sflag:s25] =	ssyncadd.s32 $0xFFFFC000  }
.Ltmp3:
0x51: {  	(pc) =	sbr.rel .LBB2_2-.Ltmp3, $4  }
0x52: {  	_ = 	snop  }
0x53: {  	s3 =	sadd.s32 $0x180, s30;
	s31 =	sadd.s32 $0x1, s31  }
0x54: {  	s0 =	sadd.s32 $0x100, s0;
	s29 =	sadd.s32 $0x2, s29;
	s3 =	sand.u32 $0xF80, s3  }
0x55: {  	[tilespmem:s21], [sflag:$0x2] =	stream.indirect.gather [hbm4b:s1+s19], $0x80, s3, s19, $0xb8;
	[tilespmem:$0x1DC00] =	vst v63  }
.LBB2_5:
0x56: {  	_ =	sfence.sel $0x180000  }
0x57: {  	[bflag:$0x0] =	sbarrier.arrive $0xFFFF  }
0x58: {  	_ =	strace $0x90000047  }
0x59: {  	s0 =	stileid.u32;
	[bflag:$0x2] =	sbarrier.arrive $0xFFFF  }
0x5a: {  	p0 =	sne.s32 s0, $0x0;
	s0 =	rddreg [dreg:$0x3]  }
0x5b: {  	s0 =	sadd.s32 @!p0 $0x100000, s0  }
0x5c: {  	[sflag:s0] =	ssyncadd.tile.s32 @!p0 $0x1;
	_ =	shalt  }
.Lfunc_end2:
_tile_overlayer_lowered:
.L_overlay_start_2:
0x5d: {  	(tag) =	ssettag $0x2  }
0x5e: {  	s0 =	rddreg [dreg:$0x0];
	s2 =	stileid.u32  }
0x5f: {  	s1 =	rddreg [dreg:$0x1];
	p0 =	sne.s32 s2, $0x0  }
0x60: {  	s3 =	rddreg [dreg:$0x2];
	[bflag:$0x3] =	sbarrier.arrive $0xFFFF;
	s2 =	simm.s32 @!p0 $0x1C03  }
0x61: {  	[timem:s3], [sflag:s2] =	dma.local @!p0 [hbm:s0], s1  }
0x62: {  	s0 =	simm.s32 @!p0 $0x3  }
0x63: {  	_ =	swait.ge @!p0 [sflag:s0], s1  }
0x64: {  	s1 =	ssub.s32 @!p0 $0x0, s1;
	[sflag:s0] =	ssyncset.done @!p0 $0x0  }
0x65: {  	[sflag:s0] =	ssyncadd.s32 @!p0 s1  }
0x66: {  	[bflag:$0x3] =	sbarrier.arrive $0xFFFF  }
0x67: {  	_ =	shalt  }

// kernel: kernel.17.cloned.1.call-start
scs
__scs_entry_jumppad:
0x0: {  	(pc) =	sbr.rel $0x88, $3  }
0x1: {  	(tag) =	ssettag $0x0;
	lr =	simm.s32 $0x1  }
0x2: {  	[smem:$0x3F97] =	sst lr;
	_ =	strace $0xD0000000  }
0x3: {  	_ = 	snop  }
0x4: {  	_ = 	snop  }
0x5: {  	_ = 	snop  }
0x6: {  	_ = 	snop  }
0x7: {  	_ = 	snop  }
__scs_overlays_trampoline_lowered:
0x8: {  	[smem:$0x3FA6] =	sst s0  }
0x9: {  	[smem:$0x3FA7] =	sst s1  }
0xa: {  	[smem:$0x3FA8] =	sst s2  }
0xb: {  	[smem:$0x3FA9] =	sst s3  }
0xc: {  	[smem:$0x3FAA] =	sst s4  }
0xd: {  	[smem:$0x3FAB] =	sst s5  }
0xe: {  	[smem:$0x3FAC] =	sst s6  }
0xf: {  	[smem:$0x3FAD] =	sst s7  }
0x10: {  	[smem:$0x3FAE] =	sst s8  }
0x11: {  	[smem:$0x3FAF] =	sst s9;
	s0 =	simm.s32 @!p0 $0x0  }
0x12: {  	s1 =	sld [smem:$0x3F95];
	s0 =	simm.s32 @p0 $0x1  }
0x13: {  	[smem:$0x3FB0] =	sst s0;
	s0 =	simm.s32 @!p1 $0x0  }
0x14: {  	s2 =	sld [smem:$0x3F94];
	s0 =	simm.s32 @p1 $0x1  }
0x15: {  	[smem:$0x3FB1] =	sst s0;
	s0 =	simm.s32 @!p2 $0x0  }
0x16: {  	s3 =	sld [smem:$0x3FDB];
	s0 =	simm.s32 @p2 $0x1  }
0x17: {  	s4 =	simm.s32 $0x1BF5;
	[smem:$0x3FB3] =	sst s0  }
0x18: {  	s0 =	sld [smem:$0x3F96];
	_ =	swait.ge [sflag:s4], $0x0  }
0x19: {  	s7 =	sld [smem:$0x3F97]  }
0x1a: {  	s8 =	sadd.s32 $0xFFFFE003, lr  }
0x1b: {  	s9 =	sadd.s32 $0xFFFFFEF7, lr;
	s5 =	simm.s32 $0xFFFFFFFF;
	p2 =	slt.u32 s8, $0xFFFFF086  }
0x1c: {  	p1 =	slt.u32 s9, $0xF7A;
	s5 =	simm.s32 @!p2 $0x0  }
0x1d: {  	s5 =	simm.s32 @p1 $0x1;
	p0 =	seq.s32 s7, s2  }
0x1e: {  	s7 =	smul.u32 @!p0 $0xF7A, s2;
	p2 =	seq.s32 @!p0 s5, $0x0  }
0x1f: {  	s9 =	smul.u32 $0xF7A, s1;
	s8 =	simm.s32 @!p0 $0x1BF5;
	p2 =	por !p2, p0  }
0x20: {  	[sflag:s8] =	ssyncset.s32 @!p0 $0xFFFFF086;
	s6 =	sadd.s32 @!p0 s3, s7;
	s7 =	simm.s32 @!p0 $0x108  }
0x21: {  	s3 =	sadd.s32 s3, s9;
	s6 =	sadd.s32 @!p0 $0x88, s6;
	s7 =	simm.s32 @p2 $0x1082  }
0x22: {  	[simem:s7], [sflag:s8] =	dma.local @!p0 [hbm:s6], $0xF7A  }
0x23: {  	s9 =	sor.u32 $0xD0000000, s2;
	s6 =	simm.s32 $0x108;
	_ =	swait.ge @!p0 [sflag:s8], $0x0  }
0x24: {  	s3 =	sadd.s32 $0x88, s3;
	s6 =	simm.s32 @!p1 $0x1082;
	[sflag:s4] =	ssyncset.s32 $0xFFFFF086  }
0x25: {  	[simem:s6], [sflag:s4] =	dma.local [hbm:s3], $0xF7A  }
0x26: {  	[smem:$0x3F97] =	sst s1;
	(tag) =	ssettag s2;
	_ =	strace s9  }
0x27: {  	s1 =	sld [smem:$0x3FA7]  }
0x28: {  	s2 =	sld [smem:$0x3FA8]  }
0x29: {  	s4 =	sld [smem:$0x3FAA]  }
0x2a: {  	p0 =	seq.s32 s5, $0x0;
	s5 =	sld [smem:$0x3FAB]  }
0x2b: {  	s6 =	sld [smem:$0x3FAC]  }
0x2c: {  	s7 =	sld [smem:$0x3FAD]  }
0x2d: {  	s3 =	simm.s32 $0x108;
	s8 =	sld [smem:$0x3FAE]  }
0x2e: {  	s3 =	simm.s32 @!p0 $0x1082;
	s9 =	sld [smem:$0x3FAF]  }
0x2f: {  	lr =	sadd.s32 s0, s3;
	s0 =	sld [smem:$0x3FA6]  }
0x30: {  	s3 =	sld [smem:$0x3FA9]  }
0x31: {  	[smem:$0x3FB2] =	sst s10  }
0x32: {  	s10 =	sld [smem:$0x3FB0];
	_ =	sdelay $0x3  }
0x33: {  	p0 =	seq.s32 s10, $0x1;
	s10 =	sld [smem:$0x3FB2];
	_ =	sdelay $0x3  }
0x34: {  	[smem:$0x3FB2] =	sst s10  }
0x35: {  	s10 =	sld [smem:$0x3FB1];
	_ =	sdelay $0x3  }
0x36: {  	p1 =	seq.s32 s10, $0x1;
	s10 =	sld [smem:$0x3FB2];
	_ =	sdelay $0x3  }
0x37: {  	[smem:$0x3FB2] =	sst s10  }
0x38: {  	s10 =	sld [smem:$0x3FB3]  }
0x39: {  	_ = 	snop;
	(pc) =	sbr.ind lr, $3  }
0x3a: {  	_ = 	snop  }
0x3b: {  	_ = 	snop  }
0x3c: {  	p2 =	seq.s32 s10, $0x1;
	s10 =	sld [smem:$0x3FB2]  }
0x3d: {  	_ =	shalt  }
0x3e: {  	_ =	shalt  }
0x3f: {  	_ =	shalt  }
0x40: {  	_ =	shalt  }
0x41: {  	_ =	shalt  }
0x42: {  	_ =	shalt  }
0x43: {  	_ =	shalt  }
0x44: {  	_ =	shalt  }
0x45: {  	_ =	shalt  }
0x46: {  	_ =	shalt  }
0x47: {  	_ =	shalt  }
0x48: {  	_ =	shalt  }
0x49: {  	_ =	shalt  }
0x4a: {  	_ =	shalt  }
0x4b: {  	_ =	shalt  }
0x4c: {  	_ =	shalt  }
0x4d: {  	_ =	shalt  }
0x4e: {  	_ =	shalt  }
0x4f: {  	_ =	shalt  }
0x50: {  	_ =	shalt  }
0x51: {  	_ =	shalt  }
0x52: {  	_ =	shalt  }
0x53: {  	_ =	shalt  }
0x54: {  	_ =	shalt  }
0x55: {  	_ =	shalt  }
0x56: {  	_ =	shalt  }
0x57: {  	_ =	shalt  }
0x58: {  	_ =	shalt  }
0x59: {  	_ =	shalt  }
0x5a: {  	_ =	shalt  }
0x5b: {  	_ =	shalt  }
0x5c: {  	_ =	shalt  }
0x5d: {  	_ =	shalt  }
0x5e: {  	_ =	shalt  }
0x5f: {  	_ =	shalt  }
0x60: {  	_ =	shalt  }
0x61: {  	_ =	shalt  }
0x62: {  	_ =	shalt  }
0x63: {  	_ =	shalt  }
0x64: {  	_ =	shalt  }
0x65: {  	_ =	shalt  }
0x66: {  	_ =	shalt  }
0x67: {  	_ =	shalt  }
0x68: {  	_ =	shalt  }
0x69: {  	_ =	shalt  }
0x6a: {  	_ =	shalt  }
0x6b: {  	_ =	shalt  }
0x6c: {  	_ =	shalt  }
0x6d: {  	_ =	shalt  }
0x6e: {  	_ =	shalt  }
0x6f: {  	_ =	shalt  }
0x70: {  	_ =	shalt  }
0x71: {  	_ =	shalt  }
0x72: {  	_ =	shalt  }
0x73: {  	_ =	shalt  }
0x74: {  	_ =	shalt  }
0x75: {  	_ =	shalt  }
0x76: {  	_ =	shalt  }
0x77: {  	_ =	shalt  }
0x78: {  	_ =	shalt  }
0x79: {  	_ =	shalt  }
0x7a: {  	_ =	shalt  }
0x7b: {  	_ =	shalt  }
0x7c: {  	_ =	shalt  }
0x7d: {  	_ =	shalt  }
0x7e: {  	_ =	shalt  }
0x7f: {  	_ =	shalt  }
0x80: {  	_ =	shalt  }
0x81: {  	_ =	shalt  }
0x82: {  	_ =	shalt  }
0x83: {  	_ =	shalt  }
0x84: {  	_ =	shalt  }
0x85: {  	_ =	shalt  }
0x86: {  	_ =	shalt  }
0x87: {  	_ =	shalt  }
.Lfunc_end0:
.L_simem_size_0:
called_computation.2_lowered:
.L_overlay_start_0:
0x88: {  	s2 =	sld [smem:$0x3FD9]  }
0x89: {  	s3 =	sld [smem:$0x3FFE];
	_ =	sdelay $0x1  }
0x8a: {  	s1 =	srdreg.scid  }
0x8b: {  	s0 =	sand.u32 $0x1, s1  }
0x8c: {  	s14 =	sshll.u32 s0, $0xA;
	s2 =	sadd.s32 s3, s2  }
0x8d: {  	s2 =	sadd.s32 s2, s14  }
0x8e: {  	[smem:$0x3FBE] =	sst s2  }
0x8f: {  	_ = 	snop  }
0x90: {  	s2 =	sld [smem:$0x3FD0];
	_ =	sdelay $0x2  }
0x91: {  	s15 =	simm.s32 $0xB;
	s4 =	simm.s32 $0x10  }
0x92: {  	[smem:s4], [sflag:s15] =	dma.local [hbm:s2], $0x1  }
0x93: {  	_ =	swait.eq [sflag:s15], $0x1  }
0x94: {  	[sflag:s15] =	ssyncset.done $0x0  }
0x95: {  	[sflag:s15] =	ssyncadd.s32 $0xFFFFFFFF  }
0x96: {  	s16 =	sld [smem:$0x11];
	(tm) =	ssettm $0x1  }
0x97: {  	s17 =	sld [smem:$0x3FFB];
	_ =	sdelay $0x3  }
0x98: {  	_ =	strace s17  }
0x99: {  	s3 =	sld [smem:$0x3FFC];
	_ =	sdelay $0x3  }
0x9a: {  	_ =	strace s3  }
0x9b: {  	s3 =	sld [smem:$0x3FFD];
	_ =	sdelay $0x3  }
0x9c: {  	_ =	strace s3  }
0x9d: {  	_ =	strace $0x8FFFFFFF  }
0x9e: {  	s18 =	sld [smem:$0x3FDB];
	_ =	sdelay $0x1  }
0x9f: {  	s19 =	simm.s32 $_scs_section_size  }
0xa0: {  	s5 =	simm.s32 $_size__tile_overlayer_lowered;
	s6 =	simm.s32 $_tile_overlayer_lowered  }
0xa1: {  	s22 =	simm.s32 $0x1BFF;
	s21 =	sshll.u32 s6, $0x1;
	s3 =	sadd.s32 s19, s18  }
0xa2: {  	s7 =	simm.s32 $0x0;
	s20 =	sshll.u32 s5, $0x1;
	s5 =	sadd.s32 s21, s3  }
0xa3: {  	[timem:s7], [sflag:s22] =	dma.local [hbm:s5], s20  }
0xa4: {  	_ =	swait.ge [sflag:s22], s20  }
0xa5: {  	s4 =	ssub.s32 $0x0, s20;
	[sflag:s22] =	ssyncset.done $0x0  }
0xa6: {  	[sflag:s22] =	ssyncadd.s32 s4;
	_ =	sdelay $0x1  }
0xa7: {  	s23 =	simm.s32 $0x1B8B  }
0xa8: {  	_ =	swait.ge [sflag:s23], $0x1  }
0xa9: {  	[sflag:s23] =	ssyncset.done $0x0  }
0xaa: {  	s25 =	simm.s32 $0x1B8E;
	s24 =	sld [smem:$0x3FFE];
	[sflag:s23] =	ssyncadd.s32 $0xFFFFFFFF  }
0xab: {  	s26 =	simm.s32 $execute0_lowered;
	[smem:$0x3FD2] =	sst s25  }
0xac: {  	s5 =	sshll.u32 s26, $0x1;
	_ =	strace $0x8000004C;
	[dreg:$0x1] =	wrdreg $0xFFFFFFFF  }
0xad: {  	s28 =	simm.s32 $_size_execute0_lowered;
	s3 =	sadd.s32 s3, s5;
	[dreg:$0x0] =	wrdreg $0x0  }
0xae: {  	s5 =	sshll.u32 s28, $0x1;
	[dreg:$0x2] =	wrdreg s3  }
0xaf: {  	[dreg:$0x3] =	wrdreg s5  }
0xb0: {  	[dreg:$0x4] =	wrdreg $0xC0  }
0xb1: {  	_ =	task [dreg:s7], $0x5FFFF  }
0xb2: {  	[dreg:$0x1] =	wrdreg $0xFFFFFFFF  }
0xb3: {  	[dreg:$0x0] =	wrdreg $0x60  }
0xb4: {  	[dreg:$0x2] =	wrdreg s16  }
0xb5: {  	[dreg:$0x3] =	wrdreg s24  }
0xb6: {  	[dreg:$0x4] =	wrdreg $0xA0000  }
0xb7: {  	[dreg:$0x5] =	wrdreg $0x9  }
0xb8: {  	_ =	task.clear_ibuf [dreg:s7], $0x6FFFF;
	_ =	strace $0x9000004C  }
0xb9: {  	s29 =	simm.s32 $0x9;
	_ =	strace $0x8000004E  }
0xba: {  	_ =	swait.ge [sflag:s29], $0x1  }
0xbb: {  	[sflag:s29] =	ssyncadd.s32 $0xFFFFFFFF  }
0xbc: {  	_ =	strace $0x9000004E  }
0xbd: {  	_ =	sfence  }
0xbe: {  	s30 =	sld [smem:$0x0];
	_ =	sdelay $0x2  }
0xbf: {  	s31 =	sshll.u32 s1, $0xD;
	s1 =	sshrl.u32 s1, $0x2  }
0xc0: {  	s3 =	sand.u32 $0x4000, s31;
	s1 =	sadd.s32 s1, s30  }
0xc1: {  	s0 =	sor.u32 s3, s0;
	s1 =	sshll.u32 s1, $0x11  }
0xc2: {  	s0 =	sor.u32 s1, s0  }
0xc3: {  	s0 =	sadd.s32 $0x8F2B, s0  }
0xc4: {  	[sflag:s0] =	ssyncadd.remote.s32 $0x1  }
0xc5: {  	_ =	sfence.sel $0xFFFF  }
0xc6: {  	[dreg:$0x0] =	wrdreg $0xFFFFFFFF;
	(pc) =	sbr.abs _section_cstart, $3  }
0xc7: {  	[dreg:$0x1] =	wrdreg $0xFFFFFFFF  }
0xc8: {  	_ =	task.clear_ibuf [dreg:s7], $0x2FFFF;
	_ =	strace $0x9FFFFFFF  }
0xc9: {  	(tm) =	ssettm $0x7FFFFFFF  }
tec
execute0_lowered:
.L_overlay_start_1:
0x0: {  	(tag) =	ssettag $0x1  }
0x1: {  	s1 =	rddreg [dreg:$0x0]  }
0x2: {  	s0 =	rddreg [dreg:$0x1]  }
0x3: {  	s2 =	rddreg [dreg:$0x2];
	s3 =	srdreg.scid;
	s4 =	simm.s32 $0x0  }
0x4: {  	s22 =	stileid.u32;
	s17 =	simm.s32 $0x3;
	s19 =	simm.s32 $0x80  }
0x5: {  	s20 =	simm.s32 $0x2000;
	s21 =	simm.s32 $0x6000;
	s28 =	simm.s32 $0x0  }
0x6: {  	s7 =	sand.u32 $0x1, s3;
	[smem:$0x7FF] =	sst s4;
	s9 =	smul.u32 $0x13C00, s22  }
0x7: {  	s5 =	sadd.s32 $0xE000, s0;
	s6 =	sadd.s32 $0x4000, s0;
	s11 =	smul.u32 $0x4F000, s22  }
0x8: {  	s29 =	sshll.u32 s22, $0x6;
	s8 =	smul.u32 $0x13C000, s7;
	s23 =	sshll.u32 s7, $0x4  }
0x9: {  	_ =	strace $0x8000004D;
	s10 =	ssub.s32 $0x2, s7;
	s24 =	sor.u32 s22, s23  }
0xa: {  	s25 =	sshrl.u32 s10, $0x1;
	s26 =	sshrl.u32 s11, $0x2;
	s8 =	sadd.s32 s9, s8  }
0xb: {  	s7 =	smul.u32 $0x2800, s24;
	s15 =	ssub.s32 s10, s25;
	s16 =	sadd.s32 s26, s2  }
0xc: {  	s9 =	sor.u32 $0x1C03, s29;
	s24 =	simm.s32 $0x1;
	s25 =	simm.s32 $0x4  }
.Ltmp0:
0xd: {  	s26 =	simm.s32 $0x2;
	s8 =	sshrl.u32 s8, $0x3;
	(pc) =	sbr.rel .LBB2_1-.Ltmp0, $4  }
0xe: {  	s15 =	smax.u32 s15, $0x1;
	s0 =	sadd.s32 s8, s0;
	s30 =	sshrl.u32 s7, $0x3  }
0xf: {  	s16 =	sshrl.u32 s16, $0x3;
	s31 =	sadd.s32 $0x18000, s0;
	s13 =	sadd.s32 $0x100, s30  }
0x10: {  	s10 =	sadd.s32 s5, s30;
	s11 =	sadd.s32 s6, s30;
	s14 =	sadd.s32 $0x67000, s0  }
0x11: {  	[dreg:$0x4] =	wrdreg s31;
	s12 =	sadd.s32 s5, s13;
	s13 =	sadd.s32 s6, s13  }
.LBB2_4:
0x12: {  	s28 =	sadd.s32 $0x1, s28  }
0x13: {  	p0 =	sne.s32 s28, s15  }
.Ltmp1:
0x14: {  	[bflag:$0x0] =	sbarrier.arrive $0xFFFF;
	(pc) =	sbr.rel @!p0 .LBB2_5-.Ltmp1, $4  }
0x15: {  	[hbm:s14], [sflag:s9] =	dma.local [spmem:s16], $0x2780  }
0x16: {  	_ =	swait.ge [sflag:s17], $0x2780  }
0x17: {  	[sflag:s17] =	ssyncset.done $0x0  }
0x18: {  	[sflag:s17] =	ssyncadd.s32 $0xFFFFD880  }
.LBB2_1:
0x19: {  	s0 =	rddreg [dreg:$0x4]  }
0x1a: {  	[spmem:s16], [sflag:s9] =	dma.local [hbm:s0], $0x2780  }
0x1b: {  	_ =	swait.ge [sflag:s17], $0x2780  }
0x1c: {  	[sflag:s17] =	ssyncset.done $0x0  }
0x1d: {  	[sflag:s17] =	ssyncadd.s32 $0xFFFFD880  }
0x1e: {  	[bflag:$0x0] =	sbarrier.arrive $0xFFFF  }
0x1f: {  	[tilespmem:s4], [sflag:$0x3] =	stream.linear.gather [hbm4b:s10+s4], $0x800, $0x38;
	[tilespmem:$0x1DC00] =	vst v63  }
0x20: {  	_ =	swait.ge [sflag:s17], $0x800  }
0x21: {  	[sflag:s17] =	ssyncset.done $0x0  }
0x22: {  	s22 =	simm.s32 $0x1000;
	[sflag:s17] =	ssyncadd.s32 $0xFFFFF800  }
0x23: {  	[tilespmem:s22], [sflag:$0x3] =	stream.linear.gather [hbm4b:s11+s4], $0x800, $0x38;
	[tilespmem:$0x1DC00] =	vst v63  }
0x24: {  	_ =	swait.ge [sflag:s17], $0x800  }
0x25: {  	[sflag:s17] =	ssyncset.done $0x0  }
0x26: {  	[sflag:s17] =	ssyncadd.s32 $0xFFFFF800  }
0x27: {  	[tilespmem:s20], [sflag:$0x1] =	stream.indirect.gather [hbm4b:s1+s19], $0x80, s4, s19, $0xb8;
	[tilespmem:$0x1DC00] =	vst v63  }
0x28: {  	_ = 	snop  }
0x29: {  	[tilespmem:s21], [sflag:$0x2] =	stream.indirect.gather [hbm4b:s1+s19], $0x80, s19, s19, $0xb8;
	[tilespmem:$0x1DC00] =	vst v63  }
0x2a: {  	s23 =	simm.s32 $0x800  }
0x2b: {  	[tilespmem:s23], [sflag:$0x3] =	stream.linear.gather [hbm4b:s12+s4], $0x800, $0x38;
	[tilespmem:$0x1DC00] =	vst v63  }
0x2c: {  	_ =	swait.ge [sflag:s17], $0x800  }
0x2d: {  	[sflag:s17] =	ssyncset.done $0x0  }
0x2e: {  	s30 =	simm.s32 $0x1800;
	[sflag:s17] =	ssyncadd.s32 $0xFFFFF800  }
0x2f: {  	[tilespmem:s30], [sflag:$0x3] =	stream.linear.gather [hbm4b:s13+s4], $0x800, $0x38;
	[tilespmem:$0x1DC00] =	vst v63  }
0x30: {  	_ =	swait.ge [sflag:s17], $0x800  }
0x31: {  	s29 =	simm.s32 $0x0;
	[sflag:s17] =	ssyncset.done $0x0  }
0x32: {  	s31 =	simm.s32 $0x0;
	s0 =	simm.s32 $0x0;
	[sflag:s17] =	ssyncadd.s32 $0xFFFFF800  }
.LBB2_2:
0x33: {  	s30 =	sshrl.u32 s31, $0x3  }
0x34: {  	s3 =	sand.u32 $0xE, s29;
	_ =	swait.ge [sflag:s24], $0x4000;
	p0 =	seq.s32 s31, $0x27  }
0x35: {  	s18 =	sshll.u32 s30, $0xB;
	s23 =	sshll.u32 s3, $0x7;
	[sflag:s24] =	ssyncset.done $0x0  }
0x36: {  	s8 =	simm.s32 @!p0 $0x2000;
	p1 =	sne.s32 @!p0 s3, $0x2;
	s22 =	sand.u32 $0x800, s18  }
0x37: {  	s3 =	sadd.s32 @!p0 $0xFFFFFFFF, s30;
	p2 =	por p1, p0;
	s22 =	sor.u32 s23, s22  }
0x38: {  	[sflag:s24] =	ssyncadd.s32 $0xFFFFC000;
	p2 =	sgt.u32 @!p2 s3, $0x2;
	s22 =	sor.u32 $0x1000, s22  }
0x39: {  	[spmem:s2] =	stream.indirect.scatter.add.f32 [tilespmem:s20], [sflag:$0x4], $0x80, s22, s19, $0xb8;
	[tilespmem:$0x1DC00] =	vst v63  }
0x3a: {  	s23 =	simm.s32 @!p0 $0x80;
	p1 =	por @!p0 p2, p1;
	_ =	swait.ge [sflag:s25], $0x4000  }
0x3b: {  	s22 =	sadd.s32 @!p0 $0x100, s0;
	p1 =	por p1, p0;
	[sflag:s25] =	ssyncset.done $0x0  }
0x3c: {  	s22 =	sand.u32 @!p0 $0xF00, s22;
	s3 =	sadd.s32 @!p1 $0x800, s18;
	[sflag:s25] =	ssyncadd.s32 $0xFFFFC000  }
0x3d: {  	[tilespmem:s8], [sflag:$0x1] =	stream.indirect.gather @!p0 [hbm4b:s1+s23], $0x80, s22, s23, $0xb8;
	[tilespmem:$0x1DC00] =	vst v63  }
0x3e: {  	s8 =	sadd.s32 @!p1 s7, s3  }
0x3f: {  	s8 =	sshrl.u32 @!p1 s8, $0x3  }
0x40: {  	s3 =	sand.u32 @!p1 $0x800, s3;
	s22 =	simm.s32 @!p1 $0x0;
	s18 =	sadd.s32 @!p1 s5, s8  }
0x41: {  	[tilespmem:s3], [sflag:$0x4] =	stream.linear.gather @!p1 [hbm4b:s18+s22], $0x800, $0x38;
	[tilespmem:$0x1DC00] =	vst v63  }
0x42: {  	s18 =	simm.s32 @!p1 $0x4  }
0x43: {  	_ =	swait.ge @!p1 [sflag:s18], $0x800  }
0x44: {  	[sflag:s18] =	ssyncset.done @!p1 $0x0  }
0x45: {  	s8 =	sadd.s32 @!p1 s6, s8;
	s3 =	sor.u32 @!p1 $0x1000, s3;
	[sflag:s18] =	ssyncadd.s32 @!p1 $0xFFFFF800  }
0x46: {  	[tilespmem:s3], [sflag:$0x4] =	stream.linear.gather @!p1 [hbm4b:s8+s22], $0x800, $0x38;
	[tilespmem:$0x1DC00] =	vst v63  }
0x47: {  	_ =	swait.ge @!p1 [sflag:s18], $0x800  }
0x48: {  	[sflag:s18] =	ssyncset.done @!p1 $0x0  }
0x49: {  	s30 =	smov.u32 s0;
	[sflag:s18] =	ssyncadd.s32 @!p1 $0xFFFFF800  }
0x4a: {  	s30 =	simm.s32 @p0 $0x2700;
	_ =	swait.ge [sflag:s26], $0x4000  }
0x4b: {  	s23 =	sand.u32 $0xF00, s30;
	[sflag:s26] =	ssyncset.done $0x0  }
.Ltmp2:
0x4c: {  	s3 =	sor.u32 $0x1080, s23;
	[sflag:s26] =	ssyncadd.s32 $0xFFFFC000;
	(pc) =	sbr.rel @p0 .LBB2_4-.Ltmp2, $4  }
0x4d: {  	[spmem:s2] =	stream.indirect.scatter.add.f32 [tilespmem:s21], [sflag:$0x4], $0x80, s3, s19, $0xb8;
	[tilespmem:$0x1DC00] =	vst v63  }
0x4e: {  	_ =	swait.ge [sflag:s25], $0x4000  }
0x4f: {  	[sflag:s25] =	ssyncset.done $0x0  }
0x50: {  	[sflag:s25] =	ssyncadd.s32 $0xFFFFC000  }
.Ltmp3:
0x51: {  	(pc) =	sbr.rel .LBB2_2-.Ltmp3, $4  }
0x52: {  	_ = 	snop  }
0x53: {  	s3 =	sadd.s32 $0x180, s30;
	s31 =	sadd.s32 $0x1, s31  }
0x54: {  	s0 =	sadd.s32 $0x100, s0;
	s29 =	sadd.s32 $0x2, s29;
	s3 =	sand.u32 $0xF80, s3  }
0x55: {  	[tilespmem:s21], [sflag:$0x2] =	stream.indirect.gather [hbm4b:s1+s19], $0x80, s3, s19, $0xb8;
	[tilespmem:$0x1DC00] =	vst v63  }
.LBB2_5:
0x56: {  	_ =	sfence.sel $0x180000  }
0x57: {  	[bflag:$0x0] =	sbarrier.arrive $0xFFFF  }
0x58: {  	_ =	strace $0x9000004D  }
0x59: {  	s0 =	stileid.u32;
	[bflag:$0x2] =	sbarrier.arrive $0xFFFF  }
0x5a: {  	p0 =	sne.s32 s0, $0x0;
	s0 =	rddreg [dreg:$0x3]  }
0x5b: {  	s0 =	sadd.s32 @!p0 $0x100000, s0  }
0x5c: {  	[sflag:s0] =	ssyncadd.tile.s32 @!p0 $0x1;
	_ =	shalt  }
.Lfunc_end2:
_tile_overlayer_lowered:
.L_overlay_start_2:
0x5d: {  	(tag) =	ssettag $0x2  }
0x5e: {  	s0 =	rddreg [dreg:$0x0];
	s2 =	stileid.u32  }
0x5f: {  	s1 =	rddreg [dreg:$0x1];
	p0 =	sne.s32 s2, $0x0  }
0x60: {  	s3 =	rddreg [dreg:$0x2];
	[bflag:$0x3] =	sbarrier.arrive $0xFFFF;
	s2 =	simm.s32 @!p0 $0x1C03  }
0x61: {  	[timem:s3], [sflag:s2] =	dma.local @!p0 [hbm:s0], s1  }
0x62: {  	s0 =	simm.s32 @!p0 $0x3  }
0x63: {  	_ =	swait.ge @!p0 [sflag:s0], s1  }
0x64: {  	s1 =	ssub.s32 @!p0 $0x0, s1;
	[sflag:s0] =	ssyncset.done @!p0 $0x0  }
0x65: {  	[sflag:s0] =	ssyncadd.s32 @!p0 s1  }
0x66: {  	[bflag:$0x3] =	sbarrier.arrive $0xFFFF  }
0x67: {  	_ =	shalt  }

// kernel: kernel.20.cloned.1.call-start
scs
__scs_entry_jumppad:
0x0: {  	(pc) =	sbr.rel $0x88, $3  }
0x1: {  	(tag) =	ssettag $0x0;
	lr =	simm.s32 $0x1  }
0x2: {  	[smem:$0x3F97] =	sst lr;
	_ =	strace $0xD0000000  }
0x3: {  	_ = 	snop  }
0x4: {  	_ = 	snop  }
0x5: {  	_ = 	snop  }
0x6: {  	_ = 	snop  }
0x7: {  	_ = 	snop  }
__scs_overlays_trampoline_lowered:
0x8: {  	[smem:$0x3FA6] =	sst s0  }
0x9: {  	[smem:$0x3FA7] =	sst s1  }
0xa: {  	[smem:$0x3FA8] =	sst s2  }
0xb: {  	[smem:$0x3FA9] =	sst s3  }
0xc: {  	[smem:$0x3FAA] =	sst s4  }
0xd: {  	[smem:$0x3FAB] =	sst s5  }
0xe: {  	[smem:$0x3FAC] =	sst s6  }
0xf: {  	[smem:$0x3FAD] =	sst s7  }
0x10: {  	[smem:$0x3FAE] =	sst s8  }
0x11: {  	[smem:$0x3FAF] =	sst s9;
	s0 =	simm.s32 @!p0 $0x0  }
0x12: {  	s1 =	sld [smem:$0x3F95];
	s0 =	simm.s32 @p0 $0x1  }
0x13: {  	[smem:$0x3FB0] =	sst s0;
	s0 =	simm.s32 @!p1 $0x0  }
0x14: {  	s2 =	sld [smem:$0x3F94];
	s0 =	simm.s32 @p1 $0x1  }
0x15: {  	[smem:$0x3FB1] =	sst s0;
	s0 =	simm.s32 @!p2 $0x0  }
0x16: {  	s3 =	sld [smem:$0x3FDB];
	s0 =	simm.s32 @p2 $0x1  }
0x17: {  	s4 =	simm.s32 $0x1BF5;
	[smem:$0x3FB3] =	sst s0  }
0x18: {  	s0 =	sld [smem:$0x3F96];
	_ =	swait.ge [sflag:s4], $0x0  }
0x19: {  	s7 =	sld [smem:$0x3F97]  }
0x1a: {  	s8 =	sadd.s32 $0xFFFFE003, lr  }
0x1b: {  	s9 =	sadd.s32 $0xFFFFFEF7, lr;
	s5 =	simm.s32 $0xFFFFFFFF;
	p2 =	slt.u32 s8, $0xFFFFF086  }
0x1c: {  	p1 =	slt.u32 s9, $0xF7A;
	s5 =	simm.s32 @!p2 $0x0  }
0x1d: {  	s5 =	simm.s32 @p1 $0x1;
	p0 =	seq.s32 s7, s2  }
0x1e: {  	s7 =	smul.u32 @!p0 $0xF7A, s2;
	p2 =	seq.s32 @!p0 s5, $0x0  }
0x1f: {  	s9 =	smul.u32 $0xF7A, s1;
	s8 =	simm.s32 @!p0 $0x1BF5;
	p2 =	por !p2, p0  }
0x20: {  	[sflag:s8] =	ssyncset.s32 @!p0 $0xFFFFF086;
	s6 =	sadd.s32 @!p0 s3, s7;
	s7 =	simm.s32 @!p0 $0x108  }
0x21: {  	s3 =	sadd.s32 s3, s9;
	s6 =	sadd.s32 @!p0 $0x88, s6;
	s7 =	simm.s32 @p2 $0x1082  }
0x22: {  	[simem:s7], [sflag:s8] =	dma.local @!p0 [hbm:s6], $0xF7A  }
0x23: {  	s9 =	sor.u32 $0xD0000000, s2;
	s6 =	simm.s32 $0x108;
	_ =	swait.ge @!p0 [sflag:s8], $0x0  }
0x24: {  	s3 =	sadd.s32 $0x88, s3;
	s6 =	simm.s32 @!p1 $0x1082;
	[sflag:s4] =	ssyncset.s32 $0xFFFFF086  }
0x25: {  	[simem:s6], [sflag:s4] =	dma.local [hbm:s3], $0xF7A  }
0x26: {  	[smem:$0x3F97] =	sst s1;
	(tag) =	ssettag s2;
	_ =	strace s9  }
0x27: {  	s1 =	sld [smem:$0x3FA7]  }
0x28: {  	s2 =	sld [smem:$0x3FA8]  }
0x29: {  	s4 =	sld [smem:$0x3FAA]  }
0x2a: {  	p0 =	seq.s32 s5, $0x0;
	s5 =	sld [smem:$0x3FAB]  }
0x2b: {  	s6 =	sld [smem:$0x3FAC]  }
0x2c: {  	s7 =	sld [smem:$0x3FAD]  }
0x2d: {  	s3 =	simm.s32 $0x108;
	s8 =	sld [smem:$0x3FAE]  }
0x2e: {  	s3 =	simm.s32 @!p0 $0x1082;
	s9 =	sld [smem:$0x3FAF]  }
0x2f: {  	lr =	sadd.s32 s0, s3;
	s0 =	sld [smem:$0x3FA6]  }
0x30: {  	s3 =	sld [smem:$0x3FA9]  }
0x31: {  	[smem:$0x3FB2] =	sst s10  }
0x32: {  	s10 =	sld [smem:$0x3FB0];
	_ =	sdelay $0x3  }
0x33: {  	p0 =	seq.s32 s10, $0x1;
	s10 =	sld [smem:$0x3FB2];
	_ =	sdelay $0x3  }
0x34: {  	[smem:$0x3FB2] =	sst s10  }
0x35: {  	s10 =	sld [smem:$0x3FB1];
	_ =	sdelay $0x3  }
0x36: {  	p1 =	seq.s32 s10, $0x1;
	s10 =	sld [smem:$0x3FB2];
	_ =	sdelay $0x3  }
0x37: {  	[smem:$0x3FB2] =	sst s10  }
0x38: {  	s10 =	sld [smem:$0x3FB3]  }
0x39: {  	_ = 	snop;
	(pc) =	sbr.ind lr, $3  }
0x3a: {  	_ = 	snop  }
0x3b: {  	_ = 	snop  }
0x3c: {  	p2 =	seq.s32 s10, $0x1;
	s10 =	sld [smem:$0x3FB2]  }
0x3d: {  	_ =	shalt  }
0x3e: {  	_ =	shalt  }
0x3f: {  	_ =	shalt  }
0x40: {  	_ =	shalt  }
0x41: {  	_ =	shalt  }
0x42: {  	_ =	shalt  }
0x43: {  	_ =	shalt  }
0x44: {  	_ =	shalt  }
0x45: {  	_ =	shalt  }
0x46: {  	_ =	shalt  }
0x47: {  	_ =	shalt  }
0x48: {  	_ =	shalt  }
0x49: {  	_ =	shalt  }
0x4a: {  	_ =	shalt  }
0x4b: {  	_ =	shalt  }
0x4c: {  	_ =	shalt  }
0x4d: {  	_ =	shalt  }
0x4e: {  	_ =	shalt  }
0x4f: {  	_ =	shalt  }
0x50: {  	_ =	shalt  }
0x51: {  	_ =	shalt  }
0x52: {  	_ =	shalt  }
0x53: {  	_ =	shalt  }
0x54: {  	_ =	shalt  }
0x55: {  	_ =	shalt  }
0x56: {  	_ =	shalt  }
0x57: {  	_ =	shalt  }
0x58: {  	_ =	shalt  }
0x59: {  	_ =	shalt  }
0x5a: {  	_ =	shalt  }
0x5b: {  	_ =	shalt  }
0x5c: {  	_ =	shalt  }
0x5d: {  	_ =	shalt  }
0x5e: {  	_ =	shalt  }
0x5f: {  	_ =	shalt  }
0x60: {  	_ =	shalt  }
0x61: {  	_ =	shalt  }
0x62: {  	_ =	shalt  }
0x63: {  	_ =	shalt  }
0x64: {  	_ =	shalt  }
0x65: {  	_ =	shalt  }
0x66: {  	_ =	shalt  }
0x67: {  	_ =	shalt  }
0x68: {  	_ =	shalt  }
0x69: {  	_ =	shalt  }
0x6a: {  	_ =	shalt  }
0x6b: {  	_ =	shalt  }
0x6c: {  	_ =	shalt  }
0x6d: {  	_ =	shalt  }
0x6e: {  	_ =	shalt  }
0x6f: {  	_ =	shalt  }
0x70: {  	_ =	shalt  }
0x71: {  	_ =	shalt  }
0x72: {  	_ =	shalt  }
0x73: {  	_ =	shalt  }
0x74: {  	_ =	shalt  }
0x75: {  	_ =	shalt  }
0x76: {  	_ =	shalt  }
0x77: {  	_ =	shalt  }
0x78: {  	_ =	shalt  }
0x79: {  	_ =	shalt  }
0x7a: {  	_ =	shalt  }
0x7b: {  	_ =	shalt  }
0x7c: {  	_ =	shalt  }
0x7d: {  	_ =	shalt  }
0x7e: {  	_ =	shalt  }
0x7f: {  	_ =	shalt  }
0x80: {  	_ =	shalt  }
0x81: {  	_ =	shalt  }
0x82: {  	_ =	shalt  }
0x83: {  	_ =	shalt  }
0x84: {  	_ =	shalt  }
0x85: {  	_ =	shalt  }
0x86: {  	_ =	shalt  }
0x87: {  	_ =	shalt  }
.Lfunc_end0:
.L_simem_size_0:
called_computation.3_lowered:
.L_overlay_start_0:
0x88: {  	s2 =	sld [smem:$0x3FD9]  }
0x89: {  	s3 =	sld [smem:$0x3FFE];
	_ =	sdelay $0x1  }
0x8a: {  	s1 =	srdreg.scid  }
0x8b: {  	s0 =	sand.u32 $0x1, s1  }
0x8c: {  	s14 =	sshll.u32 s0, $0xA;
	s2 =	sadd.s32 s3, s2  }
0x8d: {  	s2 =	sadd.s32 s2, s14  }
0x8e: {  	[smem:$0x3FBE] =	sst s2  }
0x8f: {  	_ = 	snop  }
0x90: {  	s2 =	sld [smem:$0x3FD0];
	_ =	sdelay $0x2  }
0x91: {  	s15 =	simm.s32 $0xB;
	s4 =	simm.s32 $0x10  }
0x92: {  	[smem:s4], [sflag:s15] =	dma.local [hbm:s2], $0x1  }
0x93: {  	_ =	swait.eq [sflag:s15], $0x1  }
0x94: {  	[sflag:s15] =	ssyncset.done $0x0  }
0x95: {  	[sflag:s15] =	ssyncadd.s32 $0xFFFFFFFF  }
0x96: {  	s16 =	sld [smem:$0x11];
	(tm) =	ssettm $0x1  }
0x97: {  	s17 =	sld [smem:$0x3FFB];
	_ =	sdelay $0x3  }
0x98: {  	_ =	strace s17  }
0x99: {  	s3 =	sld [smem:$0x3FFC];
	_ =	sdelay $0x3  }
0x9a: {  	_ =	strace s3  }
0x9b: {  	s3 =	sld [smem:$0x3FFD];
	_ =	sdelay $0x3  }
0x9c: {  	_ =	strace s3  }
0x9d: {  	_ =	strace $0x8FFFFFFF  }
0x9e: {  	s18 =	sld [smem:$0x3FDB];
	_ =	sdelay $0x1  }
0x9f: {  	s19 =	simm.s32 $_scs_section_size  }
0xa0: {  	s5 =	simm.s32 $_size__tile_overlayer_lowered;
	s6 =	simm.s32 $_tile_overlayer_lowered  }
0xa1: {  	s22 =	simm.s32 $0x1BFF;
	s21 =	sshll.u32 s6, $0x1;
	s3 =	sadd.s32 s19, s18  }
0xa2: {  	s7 =	simm.s32 $0x0;
	s20 =	sshll.u32 s5, $0x1;
	s5 =	sadd.s32 s21, s3  }
0xa3: {  	[timem:s7], [sflag:s22] =	dma.local [hbm:s5], s20  }
0xa4: {  	_ =	swait.ge [sflag:s22], s20  }
0xa5: {  	s4 =	ssub.s32 $0x0, s20;
	[sflag:s22] =	ssyncset.done $0x0  }
0xa6: {  	[sflag:s22] =	ssyncadd.s32 s4;
	_ =	sdelay $0x1  }
0xa7: {  	s23 =	simm.s32 $0x1B8B  }
0xa8: {  	_ =	swait.ge [sflag:s23], $0x1  }
0xa9: {  	[sflag:s23] =	ssyncset.done $0x0  }
0xaa: {  	s25 =	simm.s32 $0x1B8E;
	s24 =	sld [smem:$0x3FFE];
	[sflag:s23] =	ssyncadd.s32 $0xFFFFFFFF  }
0xab: {  	s26 =	simm.s32 $execute0_lowered;
	[smem:$0x3FD2] =	sst s25  }
0xac: {  	s5 =	sshll.u32 s26, $0x1;
	_ =	strace $0x8000004F;
	[dreg:$0x1] =	wrdreg $0xFFFFFFFF  }
0xad: {  	s28 =	simm.s32 $_size_execute0_lowered;
	s3 =	sadd.s32 s3, s5;
	[dreg:$0x0] =	wrdreg $0x0  }
0xae: {  	s5 =	sshll.u32 s28, $0x1;
	[dreg:$0x2] =	wrdreg s3  }
0xaf: {  	[dreg:$0x3] =	wrdreg s5  }
0xb0: {  	[dreg:$0x4] =	wrdreg $0xC0  }
0xb1: {  	_ =	task [dreg:s7], $0x5FFFF  }
0xb2: {  	[dreg:$0x1] =	wrdreg $0xFFFFFFFF  }
0xb3: {  	[dreg:$0x0] =	wrdreg $0x60  }
0xb4: {  	[dreg:$0x2] =	wrdreg s16  }
0xb5: {  	[dreg:$0x3] =	wrdreg s24  }
0xb6: {  	[dreg:$0x4] =	wrdreg $0xA0000  }
0xb7: {  	[dreg:$0x5] =	wrdreg $0x9  }
0xb8: {  	_ =	task.clear_ibuf [dreg:s7], $0x6FFFF;
	_ =	strace $0x9000004F  }
0xb9: {  	s29 =	simm.s32 $0x9;
	_ =	strace $0x80000051  }
0xba: {  	_ =	swait.ge [sflag:s29], $0x1  }
0xbb: {  	[sflag:s29] =	ssyncadd.s32 $0xFFFFFFFF  }
0xbc: {  	_ =	strace $0x90000051  }
0xbd: {  	_ =	sfence  }
0xbe: {  	s30 =	sld [smem:$0x0];
	_ =	sdelay $0x2  }
0xbf: {  	s31 =	sshll.u32 s1, $0xD;
	s1 =	sshrl.u32 s1, $0x2  }
0xc0: {  	s3 =	sand.u32 $0x4000, s31;
	s1 =	sadd.s32 s1, s30  }
0xc1: {  	s0 =	sor.u32 s3, s0;
	s1 =	sshll.u32 s1, $0x11  }
0xc2: {  	s0 =	sor.u32 s1, s0  }
0xc3: {  	s0 =	sadd.s32 $0x8F2B, s0  }
0xc4: {  	[sflag:s0] =	ssyncadd.remote.s32 $0x1  }
0xc5: {  	_ =	sfence.sel $0xFFFF  }
0xc6: {  	[dreg:$0x0] =	wrdreg $0xFFFFFFFF;
	(pc) =	sbr.abs _section_cstart, $3  }
0xc7: {  	[dreg:$0x1] =	wrdreg $0xFFFFFFFF  }
0xc8: {  	_ =	task.clear_ibuf [dreg:s7], $0x2FFFF;
	_ =	strace $0x9FFFFFFF  }
0xc9: {  	(tm) =	ssettm $0x7FFFFFFF  }
tec
execute0_lowered:
.L_overlay_start_1:
0x0: {  	(tag) =	ssettag $0x1  }
0x1: {  	s1 =	rddreg [dreg:$0x0]  }
0x2: {  	s0 =	rddreg [dreg:$0x1]  }
0x3: {  	s2 =	rddreg [dreg:$0x2];
	s3 =	srdreg.scid;
	s4 =	simm.s32 $0x0  }
0x4: {  	s22 =	stileid.u32;
	s17 =	simm.s32 $0x3;
	s19 =	simm.s32 $0x80  }
0x5: {  	s20 =	simm.s32 $0x2000;
	s21 =	simm.s32 $0x6000;
	s28 =	simm.s32 $0x0  }
0x6: {  	s7 =	sand.u32 $0x1, s3;
	[smem:$0x7FF] =	sst s4;
	s9 =	smul.u32 $0x13C00, s22  }
0x7: {  	s5 =	sadd.s32 $0xE000, s0;
	s6 =	sadd.s32 $0x4000, s0;
	s11 =	smul.u32 $0x4F000, s22  }
0x8: {  	s29 =	sshll.u32 s22, $0x6;
	s8 =	smul.u32 $0x13C000, s7;
	s23 =	sshll.u32 s7, $0x4  }
0x9: {  	_ =	strace $0x80000050;
	s10 =	ssub.s32 $0x2, s7;
	s24 =	sor.u32 s22, s23  }
0xa: {  	s25 =	sshrl.u32 s10, $0x1;
	s26 =	sshrl.u32 s11, $0x2;
	s8 =	sadd.s32 s9, s8  }
0xb: {  	s7 =	smul.u32 $0x2800, s24;
	s15 =	ssub.s32 s10, s25;
	s16 =	sadd.s32 s26, s2  }
0xc: {  	s9 =	sor.u32 $0x1C03, s29;
	s24 =	simm.s32 $0x1;
	s25 =	simm.s32 $0x4  }
.Ltmp0:
0xd: {  	s26 =	simm.s32 $0x2;
	s8 =	sshrl.u32 s8, $0x3;
	(pc) =	sbr.rel .LBB2_1-.Ltmp0, $4  }
0xe: {  	s15 =	smax.u32 s15, $0x1;
	s0 =	sadd.s32 s8, s0;
	s30 =	sshrl.u32 s7, $0x3  }
0xf: {  	s16 =	sshrl.u32 s16, $0x3;
	s31 =	sadd.s32 $0x18000, s0;
	s13 =	sadd.s32 $0x100, s30  }
0x10: {  	s10 =	sadd.s32 s5, s30;
	s11 =	sadd.s32 s6, s30;
	s14 =	sadd.s32 $0x67000, s0  }
0x11: {  	[dreg:$0x4] =	wrdreg s31;
	s12 =	sadd.s32 s5, s13;
	s13 =	sadd.s32 s6, s13  }
.LBB2_4:
0x12: {  	s28 =	sadd.s32 $0x1, s28  }
0x13: {  	p0 =	sne.s32 s28, s15  }
.Ltmp1:
0x14: {  	[bflag:$0x0] =	sbarrier.arrive $0xFFFF;
	(pc) =	sbr.rel @!p0 .LBB2_5-.Ltmp1, $4  }
0x15: {  	[hbm:s14], [sflag:s9] =	dma.local [spmem:s16], $0x2780  }
0x16: {  	_ =	swait.ge [sflag:s17], $0x2780  }
0x17: {  	[sflag:s17] =	ssyncset.done $0x0  }
0x18: {  	[sflag:s17] =	ssyncadd.s32 $0xFFFFD880  }
.LBB2_1:
0x19: {  	s0 =	rddreg [dreg:$0x4]  }
0x1a: {  	[spmem:s16], [sflag:s9] =	dma.local [hbm:s0], $0x2780  }
0x1b: {  	_ =	swait.ge [sflag:s17], $0x2780  }
0x1c: {  	[sflag:s17] =	ssyncset.done $0x0  }
0x1d: {  	[sflag:s17] =	ssyncadd.s32 $0xFFFFD880  }
0x1e: {  	[bflag:$0x0] =	sbarrier.arrive $0xFFFF  }
0x1f: {  	[tilespmem:s4], [sflag:$0x3] =	stream.linear.gather [hbm4b:s10+s4], $0x800, $0x38;
	[tilespmem:$0x1DC00] =	vst v63  }
0x20: {  	_ =	swait.ge [sflag:s17], $0x800  }
0x21: {  	[sflag:s17] =	ssyncset.done $0x0  }
0x22: {  	s22 =	simm.s32 $0x1000;
	[sflag:s17] =	ssyncadd.s32 $0xFFFFF800  }
0x23: {  	[tilespmem:s22], [sflag:$0x3] =	stream.linear.gather [hbm4b:s11+s4], $0x800, $0x38;
	[tilespmem:$0x1DC00] =	vst v63  }
0x24: {  	_ =	swait.ge [sflag:s17], $0x800  }
0x25: {  	[sflag:s17] =	ssyncset.done $0x0  }
0x26: {  	[sflag:s17] =	ssyncadd.s32 $0xFFFFF800  }
0x27: {  	[tilespmem:s20], [sflag:$0x1] =	stream.indirect.gather [hbm4b:s1+s19], $0x80, s4, s19, $0xb8;
	[tilespmem:$0x1DC00] =	vst v63  }
0x28: {  	_ = 	snop  }
0x29: {  	[tilespmem:s21], [sflag:$0x2] =	stream.indirect.gather [hbm4b:s1+s19], $0x80, s19, s19, $0xb8;
	[tilespmem:$0x1DC00] =	vst v63  }
0x2a: {  	s23 =	simm.s32 $0x800  }
0x2b: {  	[tilespmem:s23], [sflag:$0x3] =	stream.linear.gather [hbm4b:s12+s4], $0x800, $0x38;
	[tilespmem:$0x1DC00] =	vst v63  }
0x2c: {  	_ =	swait.ge [sflag:s17], $0x800  }
0x2d: {  	[sflag:s17] =	ssyncset.done $0x0  }
0x2e: {  	s30 =	simm.s32 $0x1800;
	[sflag:s17] =	ssyncadd.s32 $0xFFFFF800  }
0x2f: {  	[tilespmem:s30], [sflag:$0x3] =	stream.linear.gather [hbm4b:s13+s4], $0x800, $0x38;
	[tilespmem:$0x1DC00] =	vst v63  }
0x30: {  	_ =	swait.ge [sflag:s17], $0x800  }
0x31: {  	s29 =	simm.s32 $0x0;
	[sflag:s17] =	ssyncset.done $0x0  }
0x32: {  	s31 =	simm.s32 $0x0;
	s0 =	simm.s32 $0x0;
	[sflag:s17] =	ssyncadd.s32 $0xFFFFF800  }
.LBB2_2:
0x33: {  	s30 =	sshrl.u32 s31, $0x3  }
0x34: {  	s3 =	sand.u32 $0xE, s29;
	_ =	swait.ge [sflag:s24], $0x4000;
	p0 =	seq.s32 s31, $0x27  }
0x35: {  	s18 =	sshll.u32 s30, $0xB;
	s23 =	sshll.u32 s3, $0x7;
	[sflag:s24] =	ssyncset.done $0x0  }
0x36: {  	s8 =	simm.s32 @!p0 $0x2000;
	p1 =	sne.s32 @!p0 s3, $0x2;
	s22 =	sand.u32 $0x800, s18  }
0x37: {  	s3 =	sadd.s32 @!p0 $0xFFFFFFFF, s30;
	p2 =	por p1, p0;
	s22 =	sor.u32 s23, s22  }
0x38: {  	[sflag:s24] =	ssyncadd.s32 $0xFFFFC000;
	p2 =	sgt.u32 @!p2 s3, $0x2;
	s22 =	sor.u32 $0x1000, s22  }
0x39: {  	[spmem:s2] =	stream.indirect.scatter.add.f32 [tilespmem:s20], [sflag:$0x4], $0x80, s22, s19, $0xb8;
	[tilespmem:$0x1DC00] =	vst v63  }
0x3a: {  	s23 =	simm.s32 @!p0 $0x80;
	p1 =	por @!p0 p2, p1;
	_ =	swait.ge [sflag:s25], $0x4000  }
0x3b: {  	s22 =	sadd.s32 @!p0 $0x100, s0;
	p1 =	por p1, p0;
	[sflag:s25] =	ssyncset.done $0x0  }
0x3c: {  	s22 =	sand.u32 @!p0 $0xF00, s22;
	s3 =	sadd.s32 @!p1 $0x800, s18;
	[sflag:s25] =	ssyncadd.s32 $0xFFFFC000  }
0x3d: {  	[tilespmem:s8], [sflag:$0x1] =	stream.indirect.gather @!p0 [hbm4b:s1+s23], $0x80, s22, s23, $0xb8;
	[tilespmem:$0x1DC00] =	vst v63  }
0x3e: {  	s8 =	sadd.s32 @!p1 s7, s3  }
0x3f: {  	s8 =	sshrl.u32 @!p1 s8, $0x3  }
0x40: {  	s3 =	sand.u32 @!p1 $0x800, s3;
	s22 =	simm.s32 @!p1 $0x0;
	s18 =	sadd.s32 @!p1 s5, s8  }
0x41: {  	[tilespmem:s3], [sflag:$0x4] =	stream.linear.gather @!p1 [hbm4b:s18+s22], $0x800, $0x38;
	[tilespmem:$0x1DC00] =	vst v63  }
0x42: {  	s18 =	simm.s32 @!p1 $0x4  }
0x43: {  	_ =	swait.ge @!p1 [sflag:s18], $0x800  }
0x44: {  	[sflag:s18] =	ssyncset.done @!p1 $0x0  }
0x45: {  	s8 =	sadd.s32 @!p1 s6, s8;
	s3 =	sor.u32 @!p1 $0x1000, s3;
	[sflag:s18] =	ssyncadd.s32 @!p1 $0xFFFFF800  }
0x46: {  	[tilespmem:s3], [sflag:$0x4] =	stream.linear.gather @!p1 [hbm4b:s8+s22], $0x800, $0x38;
	[tilespmem:$0x1DC00] =	vst v63  }
0x47: {  	_ =	swait.ge @!p1 [sflag:s18], $0x800  }
0x48: {  	[sflag:s18] =	ssyncset.done @!p1 $0x0  }
0x49: {  	s30 =	smov.u32 s0;
	[sflag:s18] =	ssyncadd.s32 @!p1 $0xFFFFF800  }
0x4a: {  	s30 =	simm.s32 @p0 $0x2700;
	_ =	swait.ge [sflag:s26], $0x4000  }
0x4b: {  	s23 =	sand.u32 $0xF00, s30;
	[sflag:s26] =	ssyncset.done $0x0  }
.Ltmp2:
0x4c: {  	s3 =	sor.u32 $0x1080, s23;
	[sflag:s26] =	ssyncadd.s32 $0xFFFFC000;
	(pc) =	sbr.rel @p0 .LBB2_4-.Ltmp2, $4  }
0x4d: {  	[spmem:s2] =	stream.indirect.scatter.add.f32 [tilespmem:s21], [sflag:$0x4], $0x80, s3, s19, $0xb8;
	[tilespmem:$0x1DC00] =	vst v63  }
0x4e: {  	_ =	swait.ge [sflag:s25], $0x4000  }
0x4f: {  	[sflag:s25] =	ssyncset.done $0x0  }
0x50: {  	[sflag:s25] =	ssyncadd.s32 $0xFFFFC000  }
.Ltmp3:
0x51: {  	(pc) =	sbr.rel .LBB2_2-.Ltmp3, $4  }
0x52: {  	_ = 	snop  }
0x53: {  	s3 =	sadd.s32 $0x180, s30;
	s31 =	sadd.s32 $0x1, s31  }
0x54: {  	s0 =	sadd.s32 $0x100, s0;
	s29 =	sadd.s32 $0x2, s29;
	s3 =	sand.u32 $0xF80, s3  }
0x55: {  	[tilespmem:s21], [sflag:$0x2] =	stream.indirect.gather [hbm4b:s1+s19], $0x80, s3, s19, $0xb8;
	[tilespmem:$0x1DC00] =	vst v63  }
.LBB2_5:
0x56: {  	_ =	sfence.sel $0x180000  }
0x57: {  	[bflag:$0x0] =	sbarrier.arrive $0xFFFF  }
0x58: {  	_ =	strace $0x90000050  }
0x59: {  	s0 =	stileid.u32;
	[bflag:$0x2] =	sbarrier.arrive $0xFFFF  }
0x5a: {  	p0 =	sne.s32 s0, $0x0;
	s0 =	rddreg [dreg:$0x3]  }
0x5b: {  	s0 =	sadd.s32 @!p0 $0x100000, s0  }
0x5c: {  	[sflag:s0] =	ssyncadd.tile.s32 @!p0 $0x1;
	_ =	shalt  }
.Lfunc_end2:
_tile_overlayer_lowered:
.L_overlay_start_2:
0x5d: {  	(tag) =	ssettag $0x2  }
0x5e: {  	s0 =	rddreg [dreg:$0x0];
	s2 =	stileid.u32  }
0x5f: {  	s1 =	rddreg [dreg:$0x1];
	p0 =	sne.s32 s2, $0x0  }
0x60: {  	s3 =	rddreg [dreg:$0x2];
	[bflag:$0x3] =	sbarrier.arrive $0xFFFF;
	s2 =	simm.s32 @!p0 $0x1C03  }
0x61: {  	[timem:s3], [sflag:s2] =	dma.local @!p0 [hbm:s0], s1  }
0x62: {  	s0 =	simm.s32 @!p0 $0x3  }
0x63: {  	_ =	swait.ge @!p0 [sflag:s0], s1  }
0x64: {  	s1 =	ssub.s32 @!p0 $0x0, s1;
	[sflag:s0] =	ssyncset.done @!p0 $0x0  }
0x65: {  	[sflag:s0] =	ssyncadd.s32 @!p0 s1  }
0x66: {  	[bflag:$0x3] =	sbarrier.arrive $0xFFFF  }
0x67: {  	_ =	shalt  }

</sc_bundles>
